<compile_context>
chip_gen: v7x
topology: tpu7x:2x2x1
jax: 0.10.2.dev20260603
libtpu: 0.0.44.dev20260713+nightly
codegen_flags: <defaults>
</compile_context>

<pallas_src>
import jax
import jax.numpy as jnp
from jax import lax
from jax.experimental import pallas as pl
from jax.experimental.pallas import tpu as pltpu
from jax.experimental.pallas import tpu_sc as plsc

N = 10000
D = 128
NC = 2
NS = 16
NW = NC * NS
NPAD = 10240
STRIPE = NPAD // NS



_HROWS = NPAD // 128
_HSTRIPE = _HROWS // NS


def _deg_body(d1_hbm, zer_hbm, out_hbm, di_v, h1_v, h2_v, idx_v, acc_s):
    c = lax.axis_index("c")
    s = lax.axis_index("s")
    w = c * NS + s
    ew = di_v.shape[0]
    pltpu.sync_copy(d1_hbm.at[pl.ds(w * ew, ew)], di_v)

    zv = jnp.zeros((16,), jnp.float32)

    def zfill(i, _):
        h1_v[pl.ds(i * 16, 16)] = zv
        return 0

    lax.fori_loop(0, NPAD // 16, zfill, 0)

    def ifill(k, _):
        idx_v[pl.ds(k * 16, 16)] = lax.iota(jnp.int32, 16) + k * 16
        return 0

    lax.fori_loop(0, _HROWS // 16, ifill, 0)

    @pl.when(s < _HROWS // 8)
    def _():
        pltpu.sync_copy(zer_hbm.at[pl.ds(0, 8)],
                        acc_s.at[pl.ds(s * 8, 8)])

    ones = jnp.full((16,), 1.0, jnp.float32)

    def hadd(i, _):
        dv = di_v[pl.ds(i * 16, 16)]
        plsc.addupdate_scatter(h1_v, [dv], ones)
        return 0

    lax.fori_loop(0, ew // 16, hadd, 0)

    def rsh(i, _):
        r = i // 8
        k = i - r * 8
        h2_v[r, pl.ds(k * 16, 16)] = h1_v[pl.ds(i * 16, 16)]
        return 0

    lax.fori_loop(0, NPAD // 16, rsh, 0)
    plsc.subcore_barrier()
    pltpu.sync_copy(h2_v, acc_s.at[idx_v], add=True)
    plsc.subcore_barrier()

    @pl.when(s < _HROWS // 8)
    def _():
        pltpu.sync_copy(acc_s.at[pl.ds(s * 8, 8)],
                        out_hbm.at[c].at[pl.ds(s * 8, 8)])


def _sc_degree(d1, zer):
    ew = d1.shape[0] // NW
    mesh = plsc.VectorSubcoreMesh(core_axis_name="c", subcore_axis_name="s")
    f = pl.kernel(
        _deg_body,
        out_type=jax.ShapeDtypeStruct((NC, _HROWS, 128), jnp.float32),
        mesh=mesh,
        scratch_types=[
            pltpu.VMEM((ew,), jnp.int32),
            pltpu.VMEM((NPAD,), jnp.float32),
            pltpu.VMEM((_HROWS, 128), jnp.float32),
            pltpu.VMEM((_HROWS,), jnp.int32),
            pltpu.VMEM_SHARED((_HROWS, 128), jnp.float32),
        ],
        compiler_params=pltpu.CompilerParams(needs_layout_passes=False),
    )
    return f(d1, zer)


def _agg_body(h_hbm, si_hbm, di_hbm, out0_hbm, out1_hbm,
              si_v, di_v, rows_v, rb2_v, zb_v, acc_s, sem, sem2):
    c = lax.axis_index("c")
    s = lax.axis_index("s")
    w = c * NS + s
    nchunks = si_hbm.shape[1]
    nstage = si_v.shape[0]

    pltpu.async_copy(si_hbm.at[w].at[pl.ds(0, nstage)], si_v, sem)
    pltpu.async_copy(di_hbm.at[w].at[pl.ds(0, nstage)], di_v, sem2)

    zv = jnp.zeros((16,), jnp.float32)
    zrows = zb_v.shape[0]

    def zfill(i, _):
        r = i // 8
        k = i - r * 8
        zb_v[r, pl.ds(k * 16, 16)] = zv
        return 0

    lax.fori_loop(0, zrows * 8, zfill, 0)
    for k in range(STRIPE // zrows):
        pltpu.sync_copy(zb_v,
                        acc_s.at[pl.ds(s * STRIPE + k * zrows, zrows)])

    pltpu.make_async_copy(si_hbm.at[w].at[pl.ds(0, nstage)], si_v, sem).wait()
    pltpu.make_async_copy(di_hbm.at[w].at[pl.ds(0, nstage)], di_v, sem2).wait()
    plsc.subcore_barrier()

    for p in range(nchunks // nstage):
        if p > 0:
            pltpu.sync_copy(si_hbm.at[w].at[pl.ds(p * nstage, nstage)], si_v)
            pltpu.sync_copy(di_hbm.at[w].at[pl.ds(p * nstage, nstage)], di_v)
        pltpu.sync_copy(h_hbm.at[si_v.at[0]], rows_v)
        pltpu.async_copy(rows_v, acc_s.at[di_v.at[0]], sem, add=True)

        def body(k, _):
            j1 = 2 * k + 1
            j2 = j1 + 1
            pltpu.sync_copy(h_hbm.at[si_v.at[j1]], rb2_v)
            pltpu.async_copy(rb2_v, acc_s.at[di_v.at[j1]], sem2, add=True)
            pltpu.make_async_copy(rows_v, acc_s.at[di_v.at[j1 - 1]],
                                  sem).wait()

            @pl.when(j2 < nstage)
            def _():
                pltpu.sync_copy(h_hbm.at[si_v.at[j2]], rows_v)
                pltpu.async_copy(rows_v, acc_s.at[di_v.at[j2]], sem, add=True)

            pltpu.make_async_copy(rb2_v, acc_s.at[di_v.at[j1]], sem2).wait()
            return 0

        lax.fori_loop(0, nstage // 2, body, 0)

    plsc.subcore_barrier()

    @pl.when(c == 0)
    def _():
        pltpu.sync_copy(acc_s.at[pl.ds(s * STRIPE, STRIPE)],
                        out0_hbm.at[pl.ds(s * STRIPE, STRIPE)])

    @pl.when(c != 0)
    def _():
        pltpu.sync_copy(acc_s.at[pl.ds(s * STRIPE, STRIPE)],
                        out1_hbm.at[pl.ds(s * STRIPE, STRIPE)])


def _sc_aggregate(h, si3, di3):
    nchunks = si3.shape[1]
    cw = si3.shape[2]
    mesh = plsc.VectorSubcoreMesh(core_axis_name="c", subcore_axis_name="s")
    f = pl.kernel(
        _agg_body,
        out_type=[jax.ShapeDtypeStruct((NPAD, D), jnp.float32),
                  jax.ShapeDtypeStruct((NPAD, D), jnp.float32)],
        mesh=mesh,
        scratch_types=[
            pltpu.VMEM((nchunks // 2, cw), jnp.int32),
            pltpu.VMEM((nchunks // 2, cw), jnp.int32),
            pltpu.VMEM((cw, D), jnp.float32),
            pltpu.VMEM((cw, D), jnp.float32),
            pltpu.VMEM((40, D), jnp.float32),
            pltpu.VMEM_SHARED((NPAD, D), jnp.float32),
            pltpu.SemaphoreType.DMA,
            pltpu.SemaphoreType.DMA,
        ],
    )
    return f(h, si3, di3)



_BLK = 1024
_GRID = NPAD // _BLK


def _mm1_body(d0_ref, d1_ref, x_ref, w_ref, o_ref, dis_ref):
    deg = 1.0 + d0_ref[...] + d1_ref[...]
    dis = lax.rsqrt(deg)
    dis_ref[...] = dis
    o_ref[...] = jnp.dot(x_ref[...], w_ref[...],
                         preferred_element_type=jnp.float32) * dis


def _tc_first(d0, d1, x, w):
    return pl.pallas_call(
        _mm1_body,
        grid=(_GRID,),
        in_specs=[
            pl.BlockSpec((_BLK, 1), lambda i: (i, 0)),
            pl.BlockSpec((_BLK, 1), lambda i: (i, 0)),
            pl.BlockSpec((_BLK, D), lambda i: (i, 0)),
            pl.BlockSpec((D, D), lambda i: (0, 0)),
        ],
        out_specs=[
            pl.BlockSpec((_BLK, D), lambda i: (i, 0)),
            pl.BlockSpec((_BLK, 1), lambda i: (i, 0)),
        ],
        out_shape=[
            jax.ShapeDtypeStruct((NPAD, D), jnp.float32),
            jax.ShapeDtypeStruct((NPAD, 1), jnp.float32),
        ],
    )(d0, d1, x, w)


def _layer_body(p0_ref, p1_ref, t_ref, dis_ref, b_ref, w_ref, o_ref):
    dis = dis_ref[...]
    t = (p0_ref[...] + p1_ref[...] + t_ref[...]) * dis + b_ref[...]
    a = jnp.maximum(t, 0.0)
    o_ref[...] = jnp.dot(a, w_ref[...],
                         preferred_element_type=jnp.float32) * dis


def _tc_layer(p, tmp, dis, b, w):
    return pl.pallas_call(
        _layer_body,
        grid=(_GRID,),
        in_specs=[
            pl.BlockSpec((_BLK, D), lambda i: (i, 0)),
            pl.BlockSpec((_BLK, D), lambda i: (i, 0)),
            pl.BlockSpec((_BLK, D), lambda i: (i, 0)),
            pl.BlockSpec((_BLK, 1), lambda i: (i, 0)),
            pl.BlockSpec((1, D), lambda i: (0, 0)),
            pl.BlockSpec((D, D), lambda i: (0, 0)),
        ],
        out_specs=pl.BlockSpec((_BLK, D), lambda i: (i, 0)),
        out_shape=jax.ShapeDtypeStruct((NPAD, D), jnp.float32),
    )(p[0], p[1], tmp, dis, b, w)


def _final_body(p0_ref, p1_ref, t_ref, dis_ref, b_ref, o_ref):
    t = (p0_ref[...] + p1_ref[...] + t_ref[...]) * dis_ref[...] + b_ref[...]
    m = jnp.max(t, axis=1, keepdims=True)
    e = jnp.exp(t - m)
    ssum = jnp.sum(e, axis=1, keepdims=True)
    o_ref[...] = t - m - jnp.log(ssum)


def _tc_final(p, tmp, dis, b):
    blk = 1000
    return pl.pallas_call(
        _final_body,
        grid=(N // blk,),
        in_specs=[
            pl.BlockSpec((blk, D), lambda i: (i, 0)),
            pl.BlockSpec((blk, D), lambda i: (i, 0)),
            pl.BlockSpec((blk, D), lambda i: (i, 0)),
            pl.BlockSpec((blk, 1), lambda i: (i, 0)),
            pl.BlockSpec((1, D), lambda i: (0, 0)),
        ],
        out_specs=pl.BlockSpec((blk, D), lambda i: (i, 0)),
        out_shape=jax.ShapeDtypeStruct((N, D), jnp.float32),
    )(p[0], p[1], tmp, dis, b)




@jax.jit
def kernel(x, edge_index, W1, b1, W2, b2, W3, b3):
    E = edge_index.shape[1]
    nchunks = 80
    cw = E // (NW * nchunks)

    src = edge_index[0].astype(jnp.int32)
    dst = edge_index[1].astype(jnp.int32)
    si3 = src.reshape(NW, nchunks, cw)
    di3 = dst.reshape(NW, nchunks, cw)

    x_p = jnp.pad(x, ((0, NPAD - N), (0, 0)))
    zer = jnp.zeros((STRIPE, D), jnp.float32)
    b1r = b1.reshape(1, D)
    b2r = b2.reshape(1, D)
    b3r = b3.reshape(1, D)

    degp = _sc_degree(dst, zer)
    tmp1, dis = _tc_first(degp[0].reshape(NPAD, 1), degp[1].reshape(NPAD, 1),
                          x_p, W1)
    p1 = _sc_aggregate(tmp1, si3, di3)
    tmp2 = _tc_layer(p1, tmp1, dis, b1r, W2)
    p2 = _sc_aggregate(tmp2, si3, di3)
    tmp3 = _tc_layer(p2, tmp2, dis, b2r, W3)
    p3 = _sc_aggregate(tmp3, si3, di3)
    return _tc_final(p3, tmp3, dis, b3r)

# --- scband reference (transcript-rebuilt; emitter-appended) ---
"""Pipeline reference for scband-simple-gcn-10453950399195 (READ-ONLY COPY).

The authoritative reference and input builder live on the scoring server;
editing this copy changes nothing except your own understanding.
"""

import jax, jax.numpy as jnp
import numpy as np

N = 10000
E = 320000
D = 128

def gcn_conv(x, src, dst, W, b):
    n = x.shape[0]
    loop = jnp.arange(n, dtype=src.dtype)
    s = jnp.concatenate([src, loop])
    d = jnp.concatenate([dst, loop])
    deg = jnp.zeros((n,), dtype=x.dtype).at[d].add(1.0)
    dis = jnp.where(deg > 0, 1.0 / jnp.sqrt(deg), 0.0)
    norm = dis[s] * dis[d]
    h = x @ W
    msg = h[s] * norm[:, None]
    out = jnp.zeros((n, W.shape[1]), dtype=x.dtype).at[d].add(msg)
    return out + b

def setup_inputs(seed: int = 0):
    key = jax.random.key(seed)
    ks = jax.random.split(key, 8)
    sc = 1.0 / np.sqrt(D)
    inp = {}
    inp["x"] = jax.random.normal(ks[0], (N, D), dtype=jnp.float32)
    inp["edge_index"] = jax.random.randint(ks[1], (2, E), 0, N, dtype=jnp.int32)
    inp["W1"] = jax.random.uniform(ks[2], (D, D), jnp.float32, -sc, sc)
    inp["b1"] = jnp.zeros((D,), jnp.float32)
    inp["W2"] = jax.random.uniform(ks[3], (D, D), jnp.float32, -sc, sc)
    inp["b2"] = jnp.zeros((D,), jnp.float32)
    inp["W3"] = jax.random.uniform(ks[4], (D, D), jnp.float32, -sc, sc)
    inp["b3"] = jnp.zeros((D,), jnp.float32)
    return inp

def reference(x, edge_index, W1, b1, W2, b2, W3, b3):
    src = edge_index[0]
    dst = edge_index[1]
    h = gcn_conv(x, src, dst, W1, b1)
    h = jax.nn.relu(h)
    # dropout p=0.5 is identity in eval mode (training=False)
    h = gcn_conv(h, src, dst, W2, b2)
    h = jax.nn.relu(h)
    h = gcn_conv(h, src, dst, W3, b3)
    return jax.nn.log_softmax(h, axis=1)

if __name__ == "__main__":
    import jax
    _d = setup_inputs()
    print(jax.jit(kernel)(*tuple(_d.values())))

</pallas_src>

<mosaic_0001>
#map = affine_map<(d0, d1) -> (0, 0)>
#map1 = affine_map<(d0, d1) -> (0, 0, 0)>
module attributes {stable_mosaic.version = 14 : i64} {
  func.func @_agg_body(%arg0: i32, %arg1: i32, %arg2: memref<10240x128xf32, #tpu.memory_space<hbm>>, %arg3: memref<32x80x125xi32, #tpu.memory_space<hbm>>, %arg4: memref<32x80x125xi32, #tpu.memory_space<hbm>>, %arg5: memref<10240x128xf32, #tpu.memory_space<hbm>>, %arg6: memref<10240x128xf32, #tpu.memory_space<hbm>>, %arg7: memref<40x125xi32, #tpu.memory_space<vmem>>, %arg8: memref<40x125xi32, #tpu.memory_space<vmem>>, %arg9: memref<125x128xf32, #tpu.memory_space<vmem>>, %arg10: memref<125x128xf32, #tpu.memory_space<vmem>>, %arg11: memref<40x128xf32, #tpu.memory_space<vmem>>, %arg12: memref<10240x128xf32, #tpu.memory_space<vmem_shared>>, %arg13: memref<!tpu.dma_semaphore, #tpu.memory_space<semaphore_mem>>, %arg14: memref<!tpu.dma_semaphore, #tpu.memory_space<semaphore_mem>>) attributes {dimension_semantics = [#tpu.dimension_semantics<core_parallel>, #tpu.dimension_semantics<subcore_parallel>], iteration_bounds = array<i64: 2, 16>, scalar_prefetch = 0 : i64, scratch_operands = 8 : i64, tpu.core_type = #tpu.core_type<sc_vector_subcore>, window_params = [{transform_indices = #map}, {transform_indices = #map1}, {transform_indices = #map1}, {transform_indices = #map}, {transform_indices = #map}]} {
    %mul3A = arith.constant 16 : i32
    %mul3A_0 = arith.muli %arg0, %mul3A : i32
    %add3A = arith.addi %mul3A_0, %arg1 : i32
    %dma_start3A = arith.constant 0 : i32
    %dma_start3A_1 = arith.constant 0 : i32
    %dma_start3A_2 = tpu.memref_slice %arg3[%add3A, %dma_start3A, %dma_start3A_1] : memref<32x80x125xi32, #tpu.memory_space<hbm>> -> memref<1x80x125xi32, #tpu.memory_space<hbm>>
    %dma_start3A_3 = tpu.memref_squeeze %dma_start3A_2 : memref<1x80x125xi32, #tpu.memory_space<hbm>> -> memref<80x125xi32, #tpu.memory_space<hbm>>
    %dma_start3A_4 = arith.constant 0 : i32
    %dma_start3A_5 = arith.constant 0 : i32
    %dma_start3A_6 = tpu.memref_slice %dma_start3A_3[%dma_start3A_4, %dma_start3A_5] : memref<80x125xi32, #tpu.memory_space<hbm>> -> memref<40x125xi32, #tpu.memory_space<hbm>>
    %dma_start3A_7 = arith.constant 0 : i32
    %dma_start3A_8 = arith.constant 0 : i32
    %dma_start3A_9 = tpu.memref_slice %arg3[%add3A, %dma_start3A_7, %dma_start3A_8] : memref<32x80x125xi32, #tpu.memory_space<hbm>> -> memref<1x80x125xi32, #tpu.memory_space<hbm>>
    %dma_start3A_10 = tpu.memref_squeeze %dma_start3A_9 : memref<1x80x125xi32, #tpu.memory_space<hbm>> -> memref<80x125xi32, #tpu.memory_space<hbm>>
    %dma_start3A_11 = arith.constant 0 : i32
    %dma_start3A_12 = arith.constant 0 : i32
    %dma_start3A_13 = tpu.memref_slice %dma_start3A_10[%dma_start3A_11, %dma_start3A_12] : memref<80x125xi32, #tpu.memory_space<hbm>> -> memref<40x125xi32, #tpu.memory_space<hbm>>
    tpu.enqueue_dma source(%dma_start3A_13 : memref<40x125xi32, #tpu.memory_space<hbm>>) target(%arg7 : memref<40x125xi32, #tpu.memory_space<vmem>>) target_semaphore(%arg13 : memref<!tpu.dma_semaphore, #tpu.memory_space<semaphore_mem>>)
    %dma_start3A_14 = arith.constant 0 : i32
    %dma_start3A_15 = arith.constant 0 : i32
    %dma_start3A_16 = tpu.memref_slice %arg4[%add3A, %dma_start3A_14, %dma_start3A_15] : memref<32x80x125xi32, #tpu.memory_space<hbm>> -> memref<1x80x125xi32, #tpu.memory_space<hbm>>
    %dma_start3A_17 = tpu.memref_squeeze %dma_start3A_16 : memref<1x80x125xi32, #tpu.memory_space<hbm>> -> memref<80x125xi32, #tpu.memory_space<hbm>>
    %dma_start3A_18 = arith.constant 0 : i32
    %dma_start3A_19 = arith.constant 0 : i32
    %dma_start3A_20 = tpu.memref_slice %dma_start3A_17[%dma_start3A_18, %dma_start3A_19] : memref<80x125xi32, #tpu.memory_space<hbm>> -> memref<40x125xi32, #tpu.memory_space<hbm>>
    %dma_start3A_21 = arith.constant 0 : i32
    %dma_start3A_22 = arith.constant 0 : i32
    %dma_start3A_23 = tpu.memref_slice %arg4[%add3A, %dma_start3A_21, %dma_start3A_22] : memref<32x80x125xi32, #tpu.memory_space<hbm>> -> memref<1x80x125xi32, #tpu.memory_space<hbm>>
    %dma_start3A_24 = tpu.memref_squeeze %dma_start3A_23 : memref<1x80x125xi32, #tpu.memory_space<hbm>> -> memref<80x125xi32, #tpu.memory_space<hbm>>
    %dma_start3A_25 = arith.constant 0 : i32
    %dma_start3A_26 = arith.constant 0 : i32
    %dma_start3A_27 = tpu.memref_slice %dma_start3A_24[%dma_start3A_25, %dma_start3A_26] : memref<80x125xi32, #tpu.memory_space<hbm>> -> memref<40x125xi32, #tpu.memory_space<hbm>>
    tpu.enqueue_dma source(%dma_start3A_27 : memref<40x125xi32, #tpu.memory_space<hbm>>) target(%arg8 : memref<40x125xi32, #tpu.memory_space<vmem>>) target_semaphore(%arg14 : memref<!tpu.dma_semaphore, #tpu.memory_space<semaphore_mem>>)
    %broadcast_in_dim3A = arith.constant 0.000000e+00 : f32
    %broadcast_in_dim3A_28 = vector.broadcast %broadcast_in_dim3A : f32 to vector<16xf32>
    %scan3A = arith.constant 0 : i32
    %scan3A_29 = arith.constant 0 : i32
    %scan3A_30 = arith.constant 320 : i32
    %scan3A_31 = arith.addi %scan3A_29, %scan3A_30 : i32
    %scan3A_32 = arith.constant 1 : i32
    %scan3A_33 = scf.for %scan3A_162 = %scan3A_29 to %scan3A_31 step %scan3A_32 iter_args(%scan3A_163 = %scan3A) -> (i32)  : i32 {
      %jit3A = arith.constant 8 : i32
      %div3A = arith.divsi %scan3A_162, %jit3A : i32
      %sign3A = arith.constant 0 : i32
      %sign3A_164 = arith.cmpi sgt, %scan3A_162, %sign3A : i32
      %sign3A_165 = arith.extui %sign3A_164 : i1 to i32
      %sign3A_166 = arith.constant 0 : i32
      %sign3A_167 = arith.cmpi slt, %scan3A_162, %sign3A_166 : i32
      %sign3A_168 = arith.extui %sign3A_167 : i1 to i32
      %sign3A_169 = arith.subi %sign3A_165, %sign3A_168 : i32
      %sign3A_170 = arith.constant 0 : i32
      %sign3A_171 = arith.cmpi sgt, %jit3A, %sign3A_170 : i32
      %sign3A_172 = arith.extui %sign3A_171 : i1 to i32
      %sign3A_173 = arith.constant 0 : i32
      %sign3A_174 = arith.cmpi slt, %jit3A, %sign3A_173 : i32
      %sign3A_175 = arith.extui %sign3A_174 : i1 to i32
      %sign3A_176 = arith.subi %sign3A_172, %sign3A_175 : i32
      %ne3A_177 = arith.cmpi ne, %sign3A_169, %sign3A_176 : i32
      %rem3A = arith.remsi %scan3A_162, %jit3A : i32
      %ne3A_178 = arith.constant 0 : i32
      %ne3A_179 = arith.cmpi ne, %rem3A, %ne3A_178 : i32
      %and3A = arith.andi %ne3A_177, %ne3A_179 : i1
      %sub3A = arith.constant 1 : i32
      %sub3A_180 = arith.subi %div3A, %sub3A : i32
      %select_n3A = arith.select %and3A, %sub3A_180, %div3A : i32
      %mul3A_181 = arith.constant 8 : i32
      %mul3A_182 = arith.muli %select_n3A, %mul3A_181 : i32
      %sub3A_183 = arith.subi %scan3A_162, %mul3A_182 : i32
      %mul3A_184 = arith.constant 16 : i32
      %mul3A_185 = arith.muli %sub3A_183, %mul3A_184 : i32
      %swap3A = arith.index_cast %select_n3A : i32 to index
      %swap3A_186 = arith.index_cast %mul3A_185 : i32 to index
      %swap3A_187 = tpu.vector_load %arg11[%swap3A, %swap3A_186] {strides = array<i32>} : memref<40x128xf32, #tpu.memory_space<vmem>>, vector<1x16xf32>,
      %swap3A_188 = vector.shape_cast %swap3A_187 : vector<1x16xf32> to vector<16xf32>
      %swap3A_189 = vector.shape_cast %broadcast_in_dim3A_28 : vector<16xf32> to vector<1x16xf32>
      tpu.vector_store %arg11[%swap3A, %swap3A_186], %swap3A_189 {strides = array<i32>} : memref<40x128xf32, #tpu.memory_space<vmem>>, vector<1x16xf32>,
      %scan3A_190 = arith.constant 0 : i32
      scf.yield %scan3A_190 : i32
    }
    %scan3A_34 = arith.constant 320 : i32
    %mul3A_35 = arith.constant 640 : i32
    %mul3A_36 = arith.muli %arg1, %mul3A_35 : i32
    %add3A_37 = arith.constant 0 : i32
    %add3A_38 = arith.addi %mul3A_36, %add3A_37 : i32
    "tpu.region"() ({
      %run_scoped3A_162 = tpu.sem_alloc : memref<!tpu.dma_semaphore, #tpu.memory_space<semaphore_mem>>
      %dma_start3A_163 = arith.constant 0 : i32
      %dma_start3A_164 = tpu.memref_slice %arg12[%add3A_38, %dma_start3A_163] : memref<10240x128xf32, #tpu.memory_space<vmem_shared>> -> memref<40x128xf32, #tpu.memory_space<vmem_shared>>
      %dma_start3A_165 = arith.constant 0 : i32
      %dma_start3A_166 = tpu.memref_slice %arg12[%add3A_38, %dma_start3A_165] : memref<10240x128xf32, #tpu.memory_space<vmem_shared>> -> memref<40x128xf32, #tpu.memory_space<vmem_shared>>
      tpu.enqueue_dma source(%arg11 : memref<40x128xf32, #tpu.memory_space<vmem>>) target(%dma_start3A_166 : memref<40x128xf32, #tpu.memory_space<vmem_shared>>) target_semaphore(%run_scoped3A_162 : memref<!tpu.dma_semaphore, #tpu.memory_space<semaphore_mem>>)
      %dma_wait3A_167 = arith.constant 0 : i32
      %dma_wait3A_168 = tpu.memref_slice %arg12[%add3A_38, %dma_wait3A_167] : memref<10240x128xf32, #tpu.memory_space<vmem_shared>> -> memref<40x128xf32, #tpu.memory_space<vmem_shared>>
      %dma_wait3A_169 = arith.constant 0 : i32
      %dma_wait3A_170 = tpu.memref_slice %arg12[%add3A_38, %dma_wait3A_169] : memref<10240x128xf32, #tpu.memory_space<vmem_shared>> -> memref<40x128xf32, #tpu.memory_space<vmem_shared>>
      tpu.wait_dma2 semaphore(%run_scoped3A_162 : memref<!tpu.dma_semaphore, #tpu.memory_space<semaphore_mem>>) src(%arg11 : memref<40x128xf32, #tpu.memory_space<vmem>>) dst(%dma_wait3A_170 : memref<40x128xf32, #tpu.memory_space<vmem_shared>>)
      tpu.yield
    }) : () -> ()
    %mul3A_39 = arith.constant 640 : i32
    %mul3A_40 = arith.muli %arg1, %mul3A_39 : i32
    %add3A_41 = arith.constant 40 : i32
    %add3A_42 = arith.addi %mul3A_40, %add3A_41 : i32
    "tpu.region"() ({
      %run_scoped3A_162 = tpu.sem_alloc : memref<!tpu.dma_semaphore, #tpu.memory_space<semaphore_mem>>
      %dma_start3A_163 = arith.constant 0 : i32
      %dma_start3A_164 = tpu.memref_slice %arg12[%add3A_42, %dma_start3A_163] : memref<10240x128xf32, #tpu.memory_space<vmem_shared>> -> memref<40x128xf32, #tpu.memory_space<vmem_shared>>
      %dma_start3A_165 = arith.constant 0 : i32
      %dma_start3A_166 = tpu.memref_slice %arg12[%add3A_42, %dma_start3A_165] : memref<10240x128xf32, #tpu.memory_space<vmem_shared>> -> memref<40x128xf32, #tpu.memory_space<vmem_shared>>
      tpu.enqueue_dma source(%arg11 : memref<40x128xf32, #tpu.memory_space<vmem>>) target(%dma_start3A_166 : memref<40x128xf32, #tpu.memory_space<vmem_shared>>) target_semaphore(%run_scoped3A_162 : memref<!tpu.dma_semaphore, #tpu.memory_space<semaphore_mem>>)
      %dma_wait3A_167 = arith.constant 0 : i32
      %dma_wait3A_168 = tpu.memref_slice %arg12[%add3A_42, %dma_wait3A_167] : memref<10240x128xf32, #tpu.memory_space<vmem_shared>> -> memref<40x128xf32, #tpu.memory_space<vmem_shared>>
      %dma_wait3A_169 = arith.constant 0 : i32
      %dma_wait3A_170 = tpu.memref_slice %arg12[%add3A_42, %dma_wait3A_169] : memref<10240x128xf32, #tpu.memory_space<vmem_shared>> -> memref<40x128xf32, #tpu.memory_space<vmem_shared>>
      tpu.wait_dma2 semaphore(%run_scoped3A_162 : memref<!tpu.dma_semaphore, #tpu.memory_space<semaphore_mem>>) src(%arg11 : memref<40x128xf32, #tpu.memory_space<vmem>>) dst(%dma_wait3A_170 : memref<40x128xf32, #tpu.memory_space<vmem_shared>>)
      tpu.yield
    }) : () -> ()
    %mul3A_43 = arith.constant 640 : i32
    %mul3A_44 = arith.muli %arg1, %mul3A_43 : i32
    %add3A_45 = arith.constant 80 : i32
    %add3A_46 = arith.addi %mul3A_44, %add3A_45 : i32
    "tpu.region"() ({
      %run_scoped3A_162 = tpu.sem_alloc : memref<!tpu.dma_semaphore, #tpu.memory_space<semaphore_mem>>
      %dma_start3A_163 = arith.constant 0 : i32
      %dma_start3A_164 = tpu.memref_slice %arg12[%add3A_46, %dma_start3A_163] : memref<10240x128xf32, #tpu.memory_space<vmem_shared>> -> memref<40x128xf32, #tpu.memory_space<vmem_shared>>
      %dma_start3A_165 = arith.constant 0 : i32
      %dma_start3A_166 = tpu.memref_slice %arg12[%add3A_46, %dma_start3A_165] : memref<10240x128xf32, #tpu.memory_space<vmem_shared>> -> memref<40x128xf32, #tpu.memory_space<vmem_shared>>
      tpu.enqueue_dma source(%arg11 : memref<40x128xf32, #tpu.memory_space<vmem>>) target(%dma_start3A_166 : memref<40x128xf32, #tpu.memory_space<vmem_shared>>) target_semaphore(%run_scoped3A_162 : memref<!tpu.dma_semaphore, #tpu.memory_space<semaphore_mem>>)
      %dma_wait3A_167 = arith.constant 0 : i32
      %dma_wait3A_168 = tpu.memref_slice %arg12[%add3A_46, %dma_wait3A_167] : memref<10240x128xf32, #tpu.memory_space<vmem_shared>> -> memref<40x128xf32, #tpu.memory_space<vmem_shared>>
      %dma_wait3A_169 = arith.constant 0 : i32
      %dma_wait3A_170 = tpu.memref_slice %arg12[%add3A_46, %dma_wait3A_169] : memref<10240x128xf32, #tpu.memory_space<vmem_shared>> -> memref<40x128xf32, #tpu.memory_space<vmem_shared>>
      tpu.wait_dma2 semaphore(%run_scoped3A_162 : memref<!tpu.dma_semaphore, #tpu.memory_space<semaphore_mem>>) src(%arg11 : memref<40x128xf32, #tpu.memory_space<vmem>>) dst(%dma_wait3A_170 : memref<40x128xf32, #tpu.memory_space<vmem_shared>>)
      tpu.yield
    }) : () -> ()
    %mul3A_47 = arith.constant 640 : i32
    %mul3A_48 = arith.muli %arg1, %mul3A_47 : i32
    %add3A_49 = arith.constant 120 : i32
    %add3A_50 = arith.addi %mul3A_48, %add3A_49 : i32
    "tpu.region"() ({
      %run_scoped3A_162 = tpu.sem_alloc : memref<!tpu.dma_semaphore, #tpu.memory_space<semaphore_mem>>
      %dma_start3A_163 = arith.constant 0 : i32
      %dma_start3A_164 = tpu.memref_slice %arg12[%add3A_50, %dma_start3A_163] : memref<10240x128xf32, #tpu.memory_space<vmem_shared>> -> memref<40x128xf32, #tpu.memory_space<vmem_shared>>
      %dma_start3A_165 = arith.constant 0 : i32
      %dma_start3A_166 = tpu.memref_slice %arg12[%add3A_50, %dma_start3A_165] : memref<10240x128xf32, #tpu.memory_space<vmem_shared>> -> memref<40x128xf32, #tpu.memory_space<vmem_shared>>
      tpu.enqueue_dma source(%arg11 : memref<40x128xf32, #tpu.memory_space<vmem>>) target(%dma_start3A_166 : memref<40x128xf32, #tpu.memory_space<vmem_shared>>) target_semaphore(%run_scoped3A_162 : memref<!tpu.dma_semaphore, #tpu.memory_space<semaphore_mem>>)
      %dma_wait3A_167 = arith.constant 0 : i32
      %dma_wait3A_168 = tpu.memref_slice %arg12[%add3A_50, %dma_wait3A_167] : memref<10240x128xf32, #tpu.memory_space<vmem_shared>> -> memref<40x128xf32, #tpu.memory_space<vmem_shared>>
      %dma_wait3A_169 = arith.constant 0 : i32
      %dma_wait3A_170 = tpu.memref_slice %arg12[%add3A_50, %dma_wait3A_169] : memref<10240x128xf32, #tpu.memory_space<vmem_shared>> -> memref<40x128xf32, #tpu.memory_space<vmem_shared>>
      tpu.wait_dma2 semaphore(%run_scoped3A_162 : memref<!tpu.dma_semaphore, #tpu.memory_space<semaphore_mem>>) src(%arg11 : memref<40x128xf32, #tpu.memory_space<vmem>>) dst(%dma_wait3A_170 : memref<40x128xf32, #tpu.memory_space<vmem_shared>>)
      tpu.yield
    }) : () -> ()
    %mul3A_51 = arith.constant 640 : i32
    %mul3A_52 = arith.muli %arg1, %mul3A_51 : i32
    %add3A_53 = arith.constant 160 : i32
    %add3A_54 = arith.addi %mul3A_52, %add3A_53 : i32
    "tpu.region"() ({
      %run_scoped3A_162 = tpu.sem_alloc : memref<!tpu.dma_semaphore, #tpu.memory_space<semaphore_mem>>
      %dma_start3A_163 = arith.constant 0 : i32
      %dma_start3A_164 = tpu.memref_slice %arg12[%add3A_54, %dma_start3A_163] : memref<10240x128xf32, #tpu.memory_space<vmem_shared>> -> memref<40x128xf32, #tpu.memory_space<vmem_shared>>
      %dma_start3A_165 = arith.constant 0 : i32
      %dma_start3A_166 = tpu.memref_slice %arg12[%add3A_54, %dma_start3A_165] : memref<10240x128xf32, #tpu.memory_space<vmem_shared>> -> memref<40x128xf32, #tpu.memory_space<vmem_shared>>
      tpu.enqueue_dma source(%arg11 : memref<40x128xf32, #tpu.memory_space<vmem>>) target(%dma_start3A_166 : memref<40x128xf32, #tpu.memory_space<vmem_shared>>) target_semaphore(%run_scoped3A_162 : memref<!tpu.dma_semaphore, #tpu.memory_space<semaphore_mem>>)
      %dma_wait3A_167 = arith.constant 0 : i32
      %dma_wait3A_168 = tpu.memref_slice %arg12[%add3A_54, %dma_wait3A_167] : memref<10240x128xf32, #tpu.memory_space<vmem_shared>> -> memref<40x128xf32, #tpu.memory_space<vmem_shared>>
      %dma_wait3A_169 = arith.constant 0 : i32
      %dma_wait3A_170 = tpu.memref_slice %arg12[%add3A_54, %dma_wait3A_169] : memref<10240x128xf32, #tpu.memory_space<vmem_shared>> -> memref<40x128xf32, #tpu.memory_space<vmem_shared>>
      tpu.wait_dma2 semaphore(%run_scoped3A_162 : memref<!tpu.dma_semaphore, #tpu.memory_space<semaphore_mem>>) src(%arg11 : memref<40x128xf32, #tpu.memory_space<vmem>>) dst(%dma_wait3A_170 : memref<40x128xf32, #tpu.memory_space<vmem_shared>>)
      tpu.yield
    }) : () -> ()
    %mul3A_55 = arith.constant 640 : i32
    %mul3A_56 = arith.muli %arg1, %mul3A_55 : i32
    %add3A_57 = arith.constant 200 : i32
    %add3A_58 = arith.addi %mul3A_56, %add3A_57 : i32
    "tpu.region"() ({
      %run_scoped3A_162 = tpu.sem_alloc : memref<!tpu.dma_semaphore, #tpu.memory_space<semaphore_mem>>
      %dma_start3A_163 = arith.constant 0 : i32
      %dma_start3A_164 = tpu.memref_slice %arg12[%add3A_58, %dma_start3A_163] : memref<10240x128xf32, #tpu.memory_space<vmem_shared>> -> memref<40x128xf32, #tpu.memory_space<vmem_shared>>
      %dma_start3A_165 = arith.constant 0 : i32
      %dma_start3A_166 = tpu.memref_slice %arg12[%add3A_58, %dma_start3A_165] : memref<10240x128xf32, #tpu.memory_space<vmem_shared>> -> memref<40x128xf32, #tpu.memory_space<vmem_shared>>
      tpu.enqueue_dma source(%arg11 : memref<40x128xf32, #tpu.memory_space<vmem>>) target(%dma_start3A_166 : memref<40x128xf32, #tpu.memory_space<vmem_shared>>) target_semaphore(%run_scoped3A_162 : memref<!tpu.dma_semaphore, #tpu.memory_space<semaphore_mem>>)
      %dma_wait3A_167 = arith.constant 0 : i32
      %dma_wait3A_168 = tpu.memref_slice %arg12[%add3A_58, %dma_wait3A_167] : memref<10240x128xf32, #tpu.memory_space<vmem_shared>> -> memref<40x128xf32, #tpu.memory_space<vmem_shared>>
      %dma_wait3A_169 = arith.constant 0 : i32
      %dma_wait3A_170 = tpu.memref_slice %arg12[%add3A_58, %dma_wait3A_169] : memref<10240x128xf32, #tpu.memory_space<vmem_shared>> -> memref<40x128xf32, #tpu.memory_space<vmem_shared>>
      tpu.wait_dma2 semaphore(%run_scoped3A_162 : memref<!tpu.dma_semaphore, #tpu.memory_space<semaphore_mem>>) src(%arg11 : memref<40x128xf32, #tpu.memory_space<vmem>>) dst(%dma_wait3A_170 : memref<40x128xf32, #tpu.memory_space<vmem_shared>>)
      tpu.yield
    }) : () -> ()
    %mul3A_59 = arith.constant 640 : i32
    %mul3A_60 = arith.muli %arg1, %mul3A_59 : i32
    %add3A_61 = arith.constant 240 : i32
    %add3A_62 = arith.addi %mul3A_60, %add3A_61 : i32
    "tpu.region"() ({
      %run_scoped3A_162 = tpu.sem_alloc : memref<!tpu.dma_semaphore, #tpu.memory_space<semaphore_mem>>
      %dma_start3A_163 = arith.constant 0 : i32
      %dma_start3A_164 = tpu.memref_slice %arg12[%add3A_62, %dma_start3A_163] : memref<10240x128xf32, #tpu.memory_space<vmem_shared>> -> memref<40x128xf32, #tpu.memory_space<vmem_shared>>
      %dma_start3A_165 = arith.constant 0 : i32
      %dma_start3A_166 = tpu.memref_slice %arg12[%add3A_62, %dma_start3A_165] : memref<10240x128xf32, #tpu.memory_space<vmem_shared>> -> memref<40x128xf32, #tpu.memory_space<vmem_shared>>
      tpu.enqueue_dma source(%arg11 : memref<40x128xf32, #tpu.memory_space<vmem>>) target(%dma_start3A_166 : memref<40x128xf32, #tpu.memory_space<vmem_shared>>) target_semaphore(%run_scoped3A_162 : memref<!tpu.dma_semaphore, #tpu.memory_space<semaphore_mem>>)
      %dma_wait3A_167 = arith.constant 0 : i32
      %dma_wait3A_168 = tpu.memref_slice %arg12[%add3A_62, %dma_wait3A_167] : memref<10240x128xf32, #tpu.memory_space<vmem_shared>> -> memref<40x128xf32, #tpu.memory_space<vmem_shared>>
      %dma_wait3A_169 = arith.constant 0 : i32
      %dma_wait3A_170 = tpu.memref_slice %arg12[%add3A_62, %dma_wait3A_169] : memref<10240x128xf32, #tpu.memory_space<vmem_shared>> -> memref<40x128xf32, #tpu.memory_space<vmem_shared>>
      tpu.wait_dma2 semaphore(%run_scoped3A_162 : memref<!tpu.dma_semaphore, #tpu.memory_space<semaphore_mem>>) src(%arg11 : memref<40x128xf32, #tpu.memory_space<vmem>>) dst(%dma_wait3A_170 : memref<40x128xf32, #tpu.memory_space<vmem_shared>>)
      tpu.yield
    }) : () -> ()
    %mul3A_63 = arith.constant 640 : i32
    %mul3A_64 = arith.muli %arg1, %mul3A_63 : i32
    %add3A_65 = arith.constant 280 : i32
    %add3A_66 = arith.addi %mul3A_64, %add3A_65 : i32
    "tpu.region"() ({
      %run_scoped3A_162 = tpu.sem_alloc : memref<!tpu.dma_semaphore, #tpu.memory_space<semaphore_mem>>
      %dma_start3A_163 = arith.constant 0 : i32
      %dma_start3A_164 = tpu.memref_slice %arg12[%add3A_66, %dma_start3A_163] : memref<10240x128xf32, #tpu.memory_space<vmem_shared>> -> memref<40x128xf32, #tpu.memory_space<vmem_shared>>
      %dma_start3A_165 = arith.constant 0 : i32
      %dma_start3A_166 = tpu.memref_slice %arg12[%add3A_66, %dma_start3A_165] : memref<10240x128xf32, #tpu.memory_space<vmem_shared>> -> memref<40x128xf32, #tpu.memory_space<vmem_shared>>
      tpu.enqueue_dma source(%arg11 : memref<40x128xf32, #tpu.memory_space<vmem>>) target(%dma_start3A_166 : memref<40x128xf32, #tpu.memory_space<vmem_shared>>) target_semaphore(%run_scoped3A_162 : memref<!tpu.dma_semaphore, #tpu.memory_space<semaphore_mem>>)
      %dma_wait3A_167 = arith.constant 0 : i32
      %dma_wait3A_168 = tpu.memref_slice %arg12[%add3A_66, %dma_wait3A_167] : memref<10240x128xf32, #tpu.memory_space<vmem_shared>> -> memref<40x128xf32, #tpu.memory_space<vmem_shared>>
      %dma_wait3A_169 = arith.constant 0 : i32
      %dma_wait3A_170 = tpu.memref_slice %arg12[%add3A_66, %dma_wait3A_169] : memref<10240x128xf32, #tpu.memory_space<vmem_shared>> -> memref<40x128xf32, #tpu.memory_space<vmem_shared>>
      tpu.wait_dma2 semaphore(%run_scoped3A_162 : memref<!tpu.dma_semaphore, #tpu.memory_space<semaphore_mem>>) src(%arg11 : memref<40x128xf32, #tpu.memory_space<vmem>>) dst(%dma_wait3A_170 : memref<40x128xf32, #tpu.memory_space<vmem_shared>>)
      tpu.yield
    }) : () -> ()
    %mul3A_67 = arith.constant 640 : i32
    %mul3A_68 = arith.muli %arg1, %mul3A_67 : i32
    %add3A_69 = arith.constant 320 : i32
    %add3A_70 = arith.addi %mul3A_68, %add3A_69 : i32
    "tpu.region"() ({
      %run_scoped3A_162 = tpu.sem_alloc : memref<!tpu.dma_semaphore, #tpu.memory_space<semaphore_mem>>
      %dma_start3A_163 = arith.constant 0 : i32
      %dma_start3A_164 = tpu.memref_slice %arg12[%add3A_70, %dma_start3A_163] : memref<10240x128xf32, #tpu.memory_space<vmem_shared>> -> memref<40x128xf32, #tpu.memory_space<vmem_shared>>
      %dma_start3A_165 = arith.constant 0 : i32
      %dma_start3A_166 = tpu.memref_slice %arg12[%add3A_70, %dma_start3A_165] : memref<10240x128xf32, #tpu.memory_space<vmem_shared>> -> memref<40x128xf32, #tpu.memory_space<vmem_shared>>
      tpu.enqueue_dma source(%arg11 : memref<40x128xf32, #tpu.memory_space<vmem>>) target(%dma_start3A_166 : memref<40x128xf32, #tpu.memory_space<vmem_shared>>) target_semaphore(%run_scoped3A_162 : memref<!tpu.dma_semaphore, #tpu.memory_space<semaphore_mem>>)
      %dma_wait3A_167 = arith.constant 0 : i32
      %dma_wait3A_168 = tpu.memref_slice %arg12[%add3A_70, %dma_wait3A_167] : memref<10240x128xf32, #tpu.memory_space<vmem_shared>> -> memref<40x128xf32, #tpu.memory_space<vmem_shared>>
      %dma_wait3A_169 = arith.constant 0 : i32
      %dma_wait3A_170 = tpu.memref_slice %arg12[%add3A_70, %dma_wait3A_169] : memref<10240x128xf32, #tpu.memory_space<vmem_shared>> -> memref<40x128xf32, #tpu.memory_space<vmem_shared>>
      tpu.wait_dma2 semaphore(%run_scoped3A_162 : memref<!tpu.dma_semaphore, #tpu.memory_space<semaphore_mem>>) src(%arg11 : memref<40x128xf32, #tpu.memory_space<vmem>>) dst(%dma_wait3A_170 : memref<40x128xf32, #tpu.memory_space<vmem_shared>>)
      tpu.yield
    }) : () -> ()
    %mul3A_71 = arith.constant 640 : i32
    %mul3A_72 = arith.muli %arg1, %mul3A_71 : i32
    %add3A_73 = arith.constant 360 : i32
    %add3A_74 = arith.addi %mul3A_72, %add3A_73 : i32
    "tpu.region"() ({
      %run_scoped3A_162 = tpu.sem_alloc : memref<!tpu.dma_semaphore, #tpu.memory_space<semaphore_mem>>
      %dma_start3A_163 = arith.constant 0 : i32
      %dma_start3A_164 = tpu.memref_slice %arg12[%add3A_74, %dma_start3A_163] : memref<10240x128xf32, #tpu.memory_space<vmem_shared>> -> memref<40x128xf32, #tpu.memory_space<vmem_shared>>
      %dma_start3A_165 = arith.constant 0 : i32
      %dma_start3A_166 = tpu.memref_slice %arg12[%add3A_74, %dma_start3A_165] : memref<10240x128xf32, #tpu.memory_space<vmem_shared>> -> memref<40x128xf32, #tpu.memory_space<vmem_shared>>
      tpu.enqueue_dma source(%arg11 : memref<40x128xf32, #tpu.memory_space<vmem>>) target(%dma_start3A_166 : memref<40x128xf32, #tpu.memory_space<vmem_shared>>) target_semaphore(%run_scoped3A_162 : memref<!tpu.dma_semaphore, #tpu.memory_space<semaphore_mem>>)
      %dma_wait3A_167 = arith.constant 0 : i32
      %dma_wait3A_168 = tpu.memref_slice %arg12[%add3A_74, %dma_wait3A_167] : memref<10240x128xf32, #tpu.memory_space<vmem_shared>> -> memref<40x128xf32, #tpu.memory_space<vmem_shared>>
      %dma_wait3A_169 = arith.constant 0 : i32
      %dma_wait3A_170 = tpu.memref_slice %arg12[%add3A_74, %dma_wait3A_169] : memref<10240x128xf32, #tpu.memory_space<vmem_shared>> -> memref<40x128xf32, #tpu.memory_space<vmem_shared>>
      tpu.wait_dma2 semaphore(%run_scoped3A_162 : memref<!tpu.dma_semaphore, #tpu.memory_space<semaphore_mem>>) src(%arg11 : memref<40x128xf32, #tpu.memory_space<vmem>>) dst(%dma_wait3A_170 : memref<40x128xf32, #tpu.memory_space<vmem_shared>>)
      tpu.yield
    }) : () -> ()
    %mul3A_75 = arith.constant 640 : i32
    %mul3A_76 = arith.muli %arg1, %mul3A_75 : i32
    %add3A_77 = arith.constant 400 : i32
    %add3A_78 = arith.addi %mul3A_76, %add3A_77 : i32
    "tpu.region"() ({
      %run_scoped3A_162 = tpu.sem_alloc : memref<!tpu.dma_semaphore, #tpu.memory_space<semaphore_mem>>
      %dma_start3A_163 = arith.constant 0 : i32
      %dma_start3A_164 = tpu.memref_slice %arg12[%add3A_78, %dma_start3A_163] : memref<10240x128xf32, #tpu.memory_space<vmem_shared>> -> memref<40x128xf32, #tpu.memory_space<vmem_shared>>
      %dma_start3A_165 = arith.constant 0 : i32
      %dma_start3A_166 = tpu.memref_slice %arg12[%add3A_78, %dma_start3A_165] : memref<10240x128xf32, #tpu.memory_space<vmem_shared>> -> memref<40x128xf32, #tpu.memory_space<vmem_shared>>
      tpu.enqueue_dma source(%arg11 : memref<40x128xf32, #tpu.memory_space<vmem>>) target(%dma_start3A_166 : memref<40x128xf32, #tpu.memory_space<vmem_shared>>) target_semaphore(%run_scoped3A_162 : memref<!tpu.dma_semaphore, #tpu.memory_space<semaphore_mem>>)
      %dma_wait3A_167 = arith.constant 0 : i32
      %dma_wait3A_168 = tpu.memref_slice %arg12[%add3A_78, %dma_wait3A_167] : memref<10240x128xf32, #tpu.memory_space<vmem_shared>> -> memref<40x128xf32, #tpu.memory_space<vmem_shared>>
      %dma_wait3A_169 = arith.constant 0 : i32
      %dma_wait3A_170 = tpu.memref_slice %arg12[%add3A_78, %dma_wait3A_169] : memref<10240x128xf32, #tpu.memory_space<vmem_shared>> -> memref<40x128xf32, #tpu.memory_space<vmem_shared>>
      tpu.wait_dma2 semaphore(%run_scoped3A_162 : memref<!tpu.dma_semaphore, #tpu.memory_space<semaphore_mem>>) src(%arg11 : memref<40x128xf32, #tpu.memory_space<vmem>>) dst(%dma_wait3A_170 : memref<40x128xf32, #tpu.memory_space<vmem_shared>>)
      tpu.yield
    }) : () -> ()
    %mul3A_79 = arith.constant 640 : i32
    %mul3A_80 = arith.muli %arg1, %mul3A_79 : i32
    %add3A_81 = arith.constant 440 : i32
    %add3A_82 = arith.addi %mul3A_80, %add3A_81 : i32
    "tpu.region"() ({
      %run_scoped3A_162 = tpu.sem_alloc : memref<!tpu.dma_semaphore, #tpu.memory_space<semaphore_mem>>
      %dma_start3A_163 = arith.constant 0 : i32
      %dma_start3A_164 = tpu.memref_slice %arg12[%add3A_82, %dma_start3A_163] : memref<10240x128xf32, #tpu.memory_space<vmem_shared>> -> memref<40x128xf32, #tpu.memory_space<vmem_shared>>
      %dma_start3A_165 = arith.constant 0 : i32
      %dma_start3A_166 = tpu.memref_slice %arg12[%add3A_82, %dma_start3A_165] : memref<10240x128xf32, #tpu.memory_space<vmem_shared>> -> memref<40x128xf32, #tpu.memory_space<vmem_shared>>
      tpu.enqueue_dma source(%arg11 : memref<40x128xf32, #tpu.memory_space<vmem>>) target(%dma_start3A_166 : memref<40x128xf32, #tpu.memory_space<vmem_shared>>) target_semaphore(%run_scoped3A_162 : memref<!tpu.dma_semaphore, #tpu.memory_space<semaphore_mem>>)
      %dma_wait3A_167 = arith.constant 0 : i32
      %dma_wait3A_168 = tpu.memref_slice %arg12[%add3A_82, %dma_wait3A_167] : memref<10240x128xf32, #tpu.memory_space<vmem_shared>> -> memref<40x128xf32, #tpu.memory_space<vmem_shared>>
      %dma_wait3A_169 = arith.constant 0 : i32
      %dma_wait3A_170 = tpu.memref_slice %arg12[%add3A_82, %dma_wait3A_169] : memref<10240x128xf32, #tpu.memory_space<vmem_shared>> -> memref<40x128xf32, #tpu.memory_space<vmem_shared>>
      tpu.wait_dma2 semaphore(%run_scoped3A_162 : memref<!tpu.dma_semaphore, #tpu.memory_space<semaphore_mem>>) src(%arg11 : memref<40x128xf32, #tpu.memory_space<vmem>>) dst(%dma_wait3A_170 : memref<40x128xf32, #tpu.memory_space<vmem_shared>>)
      tpu.yield
    }) : () -> ()
    %mul3A_83 = arith.constant 640 : i32
    %mul3A_84 = arith.muli %arg1, %mul3A_83 : i32
    %add3A_85 = arith.constant 480 : i32
    %add3A_86 = arith.addi %mul3A_84, %add3A_85 : i32
    "tpu.region"() ({
      %run_scoped3A_162 = tpu.sem_alloc : memref<!tpu.dma_semaphore, #tpu.memory_space<semaphore_mem>>
      %dma_start3A_163 = arith.constant 0 : i32
      %dma_start3A_164 = tpu.memref_slice %arg12[%add3A_86, %dma_start3A_163] : memref<10240x128xf32, #tpu.memory_space<vmem_shared>> -> memref<40x128xf32, #tpu.memory_space<vmem_shared>>
      %dma_start3A_165 = arith.constant 0 : i32
      %dma_start3A_166 = tpu.memref_slice %arg12[%add3A_86, %dma_start3A_165] : memref<10240x128xf32, #tpu.memory_space<vmem_shared>> -> memref<40x128xf32, #tpu.memory_space<vmem_shared>>
      tpu.enqueue_dma source(%arg11 : memref<40x128xf32, #tpu.memory_space<vmem>>) target(%dma_start3A_166 : memref<40x128xf32, #tpu.memory_space<vmem_shared>>) target_semaphore(%run_scoped3A_162 : memref<!tpu.dma_semaphore, #tpu.memory_space<semaphore_mem>>)
      %dma_wait3A_167 = arith.constant 0 : i32
      %dma_wait3A_168 = tpu.memref_slice %arg12[%add3A_86, %dma_wait3A_167] : memref<10240x128xf32, #tpu.memory_space<vmem_shared>> -> memref<40x128xf32, #tpu.memory_space<vmem_shared>>
      %dma_wait3A_169 = arith.constant 0 : i32
      %dma_wait3A_170 = tpu.memref_slice %arg12[%add3A_86, %dma_wait3A_169] : memref<10240x128xf32, #tpu.memory_space<vmem_shared>> -> memref<40x128xf32, #tpu.memory_space<vmem_shared>>
      tpu.wait_dma2 semaphore(%run_scoped3A_162 : memref<!tpu.dma_semaphore, #tpu.memory_space<semaphore_mem>>) src(%arg11 : memref<40x128xf32, #tpu.memory_space<vmem>>) dst(%dma_wait3A_170 : memref<40x128xf32, #tpu.memory_space<vmem_shared>>)
      tpu.yield
    }) : () -> ()
    %mul3A_87 = arith.constant 640 : i32
    %mul3A_88 = arith.muli %arg1, %mul3A_87 : i32
    %add3A_89 = arith.constant 520 : i32
    %add3A_90 = arith.addi %mul3A_88, %add3A_89 : i32
    "tpu.region"() ({
      %run_scoped3A_162 = tpu.sem_alloc : memref<!tpu.dma_semaphore, #tpu.memory_space<semaphore_mem>>
      %dma_start3A_163 = arith.constant 0 : i32
      %dma_start3A_164 = tpu.memref_slice %arg12[%add3A_90, %dma_start3A_163] : memref<10240x128xf32, #tpu.memory_space<vmem_shared>> -> memref<40x128xf32, #tpu.memory_space<vmem_shared>>
      %dma_start3A_165 = arith.constant 0 : i32
      %dma_start3A_166 = tpu.memref_slice %arg12[%add3A_90, %dma_start3A_165] : memref<10240x128xf32, #tpu.memory_space<vmem_shared>> -> memref<40x128xf32, #tpu.memory_space<vmem_shared>>
      tpu.enqueue_dma source(%arg11 : memref<40x128xf32, #tpu.memory_space<vmem>>) target(%dma_start3A_166 : memref<40x128xf32, #tpu.memory_space<vmem_shared>>) target_semaphore(%run_scoped3A_162 : memref<!tpu.dma_semaphore, #tpu.memory_space<semaphore_mem>>)
      %dma_wait3A_167 = arith.constant 0 : i32
      %dma_wait3A_168 = tpu.memref_slice %arg12[%add3A_90, %dma_wait3A_167] : memref<10240x128xf32, #tpu.memory_space<vmem_shared>> -> memref<40x128xf32, #tpu.memory_space<vmem_shared>>
      %dma_wait3A_169 = arith.constant 0 : i32
      %dma_wait3A_170 = tpu.memref_slice %arg12[%add3A_90, %dma_wait3A_169] : memref<10240x128xf32, #tpu.memory_space<vmem_shared>> -> memref<40x128xf32, #tpu.memory_space<vmem_shared>>
      tpu.wait_dma2 semaphore(%run_scoped3A_162 : memref<!tpu.dma_semaphore, #tpu.memory_space<semaphore_mem>>) src(%arg11 : memref<40x128xf32, #tpu.memory_space<vmem>>) dst(%dma_wait3A_170 : memref<40x128xf32, #tpu.memory_space<vmem_shared>>)
      tpu.yield
    }) : () -> ()
    %mul3A_91 = arith.constant 640 : i32
    %mul3A_92 = arith.muli %arg1, %mul3A_91 : i32
    %add3A_93 = arith.constant 560 : i32
    %add3A_94 = arith.addi %mul3A_92, %add3A_93 : i32
    "tpu.region"() ({
      %run_scoped3A_162 = tpu.sem_alloc : memref<!tpu.dma_semaphore, #tpu.memory_space<semaphore_mem>>
      %dma_start3A_163 = arith.constant 0 : i32
      %dma_start3A_164 = tpu.memref_slice %arg12[%add3A_94, %dma_start3A_163] : memref<10240x128xf32, #tpu.memory_space<vmem_shared>> -> memref<40x128xf32, #tpu.memory_space<vmem_shared>>
      %dma_start3A_165 = arith.constant 0 : i32
      %dma_start3A_166 = tpu.memref_slice %arg12[%add3A_94, %dma_start3A_165] : memref<10240x128xf32, #tpu.memory_space<vmem_shared>> -> memref<40x128xf32, #tpu.memory_space<vmem_shared>>
      tpu.enqueue_dma source(%arg11 : memref<40x128xf32, #tpu.memory_space<vmem>>) target(%dma_start3A_166 : memref<40x128xf32, #tpu.memory_space<vmem_shared>>) target_semaphore(%run_scoped3A_162 : memref<!tpu.dma_semaphore, #tpu.memory_space<semaphore_mem>>)
      %dma_wait3A_167 = arith.constant 0 : i32
      %dma_wait3A_168 = tpu.memref_slice %arg12[%add3A_94, %dma_wait3A_167] : memref<10240x128xf32, #tpu.memory_space<vmem_shared>> -> memref<40x128xf32, #tpu.memory_space<vmem_shared>>
      %dma_wait3A_169 = arith.constant 0 : i32
      %dma_wait3A_170 = tpu.memref_slice %arg12[%add3A_94, %dma_wait3A_169] : memref<10240x128xf32, #tpu.memory_space<vmem_shared>> -> memref<40x128xf32, #tpu.memory_space<vmem_shared>>
      tpu.wait_dma2 semaphore(%run_scoped3A_162 : memref<!tpu.dma_semaphore, #tpu.memory_space<semaphore_mem>>) src(%arg11 : memref<40x128xf32, #tpu.memory_space<vmem>>) dst(%dma_wait3A_170 : memref<40x128xf32, #tpu.memory_space<vmem_shared>>)
      tpu.yield
    }) : () -> ()
    %mul3A_95 = arith.constant 640 : i32
    %mul3A_96 = arith.muli %arg1, %mul3A_95 : i32
    %add3A_97 = arith.constant 600 : i32
    %add3A_98 = arith.addi %mul3A_96, %add3A_97 : i32
    "tpu.region"() ({
      %run_scoped3A_162 = tpu.sem_alloc : memref<!tpu.dma_semaphore, #tpu.memory_space<semaphore_mem>>
      %dma_start3A_163 = arith.constant 0 : i32
      %dma_start3A_164 = tpu.memref_slice %arg12[%add3A_98, %dma_start3A_163] : memref<10240x128xf32, #tpu.memory_space<vmem_shared>> -> memref<40x128xf32, #tpu.memory_space<vmem_shared>>
      %dma_start3A_165 = arith.constant 0 : i32
      %dma_start3A_166 = tpu.memref_slice %arg12[%add3A_98, %dma_start3A_165] : memref<10240x128xf32, #tpu.memory_space<vmem_shared>> -> memref<40x128xf32, #tpu.memory_space<vmem_shared>>
      tpu.enqueue_dma source(%arg11 : memref<40x128xf32, #tpu.memory_space<vmem>>) target(%dma_start3A_166 : memref<40x128xf32, #tpu.memory_space<vmem_shared>>) target_semaphore(%run_scoped3A_162 : memref<!tpu.dma_semaphore, #tpu.memory_space<semaphore_mem>>)
      %dma_wait3A_167 = arith.constant 0 : i32
      %dma_wait3A_168 = tpu.memref_slice %arg12[%add3A_98, %dma_wait3A_167] : memref<10240x128xf32, #tpu.memory_space<vmem_shared>> -> memref<40x128xf32, #tpu.memory_space<vmem_shared>>
      %dma_wait3A_169 = arith.constant 0 : i32
      %dma_wait3A_170 = tpu.memref_slice %arg12[%add3A_98, %dma_wait3A_169] : memref<10240x128xf32, #tpu.memory_space<vmem_shared>> -> memref<40x128xf32, #tpu.memory_space<vmem_shared>>
      tpu.wait_dma2 semaphore(%run_scoped3A_162 : memref<!tpu.dma_semaphore, #tpu.memory_space<semaphore_mem>>) src(%arg11 : memref<40x128xf32, #tpu.memory_space<vmem>>) dst(%dma_wait3A_170 : memref<40x128xf32, #tpu.memory_space<vmem_shared>>)
      tpu.yield
    }) : () -> ()
    %dma_wait3A = arith.constant 0 : i32
    %dma_wait3A_99 = arith.constant 0 : i32
    %dma_wait3A_100 = tpu.memref_slice %arg3[%add3A, %dma_wait3A, %dma_wait3A_99] : memref<32x80x125xi32, #tpu.memory_space<hbm>> -> memref<1x80x125xi32, #tpu.memory_space<hbm>>
    %dma_wait3A_101 = tpu.memref_squeeze %dma_wait3A_100 : memref<1x80x125xi32, #tpu.memory_space<hbm>> -> memref<80x125xi32, #tpu.memory_space<hbm>>
    %dma_wait3A_102 = arith.constant 0 : i32
    %dma_wait3A_103 = arith.constant 0 : i32
    %dma_wait3A_104 = tpu.memref_slice %dma_wait3A_101[%dma_wait3A_102, %dma_wait3A_103] : memref<80x125xi32, #tpu.memory_space<hbm>> -> memref<40x125xi32, #tpu.memory_space<hbm>>
    %dma_wait3A_105 = arith.constant 0 : i32
    %dma_wait3A_106 = arith.constant 0 : i32
    %dma_wait3A_107 = tpu.memref_slice %arg3[%add3A, %dma_wait3A_105, %dma_wait3A_106] : memref<32x80x125xi32, #tpu.memory_space<hbm>> -> memref<1x80x125xi32, #tpu.memory_space<hbm>>
    %dma_wait3A_108 = tpu.memref_squeeze %dma_wait3A_107 : memref<1x80x125xi32, #tpu.memory_space<hbm>> -> memref<80x125xi32, #tpu.memory_space<hbm>>
    %dma_wait3A_109 = arith.constant 0 : i32
    %dma_wait3A_110 = arith.constant 0 : i32
    %dma_wait3A_111 = tpu.memref_slice %dma_wait3A_108[%dma_wait3A_109, %dma_wait3A_110] : memref<80x125xi32, #tpu.memory_space<hbm>> -> memref<40x125xi32, #tpu.memory_space<hbm>>
    tpu.wait_dma2 semaphore(%arg13 : memref<!tpu.dma_semaphore, #tpu.memory_space<semaphore_mem>>) src(%dma_wait3A_111 : memref<40x125xi32, #tpu.memory_space<hbm>>) dst(%arg7 : memref<40x125xi32, #tpu.memory_space<vmem>>)
    %dma_wait3A_112 = arith.constant 0 : i32
    %dma_wait3A_113 = arith.constant 0 : i32
    %dma_wait3A_114 = tpu.memref_slice %arg4[%add3A, %dma_wait3A_112, %dma_wait3A_113] : memref<32x80x125xi32, #tpu.memory_space<hbm>> -> memref<1x80x125xi32, #tpu.memory_space<hbm>>
    %dma_wait3A_115 = tpu.memref_squeeze %dma_wait3A_114 : memref<1x80x125xi32, #tpu.memory_space<hbm>> -> memref<80x125xi32, #tpu.memory_space<hbm>>
    %dma_wait3A_116 = arith.constant 0 : i32
    %dma_wait3A_117 = arith.constant 0 : i32
    %dma_wait3A_118 = tpu.memref_slice %dma_wait3A_115[%dma_wait3A_116, %dma_wait3A_117] : memref<80x125xi32, #tpu.memory_space<hbm>> -> memref<40x125xi32, #tpu.memory_space<hbm>>
    %dma_wait3A_119 = arith.constant 0 : i32
    %dma_wait3A_120 = arith.constant 0 : i32
    %dma_wait3A_121 = tpu.memref_slice %arg4[%add3A, %dma_wait3A_119, %dma_wait3A_120] : memref<32x80x125xi32, #tpu.memory_space<hbm>> -> memref<1x80x125xi32, #tpu.memory_space<hbm>>
    %dma_wait3A_122 = tpu.memref_squeeze %dma_wait3A_121 : memref<1x80x125xi32, #tpu.memory_space<hbm>> -> memref<80x125xi32, #tpu.memory_space<hbm>>
    %dma_wait3A_123 = arith.constant 0 : i32
    %dma_wait3A_124 = arith.constant 0 : i32
    %dma_wait3A_125 = tpu.memref_slice %dma_wait3A_122[%dma_wait3A_123, %dma_wait3A_124] : memref<80x125xi32, #tpu.memory_space<hbm>> -> memref<40x125xi32, #tpu.memory_space<hbm>>
    tpu.wait_dma2 semaphore(%arg14 : memref<!tpu.dma_semaphore, #tpu.memory_space<semaphore_mem>>) src(%dma_wait3A_125 : memref<40x125xi32, #tpu.memory_space<hbm>>) dst(%arg8 : memref<40x125xi32, #tpu.memory_space<vmem>>)
    %barrier3A = arith.constant 0 : index
    tpu.barrier barrier_id(%barrier3A)
    %run_scoped3A = arith.constant 0 : i32
    "tpu.region"() ({
      %run_scoped3A_162 = tpu.sem_alloc : memref<!tpu.dma_semaphore, #tpu.memory_space<semaphore_mem>>
      %dma_start3A_163 = arith.constant 0 : i32
      %dma_start3A_164 = tpu.memref_slice %arg7[%run_scoped3A, %dma_start3A_163] : memref<40x125xi32, #tpu.memory_space<vmem>> -> memref<1x125xi32, #tpu.memory_space<vmem>>
      %dma_start3A_165 = tpu.memref_squeeze %dma_start3A_164 : memref<1x125xi32, #tpu.memory_space<vmem>> -> memref<125xi32, #tpu.memory_space<vmem>>
      %dma_start3A_166 = arith.constant 0 : i32
      %dma_start3A_167 = arith.constant 0 : i32
      %dma_start3A_168 = tpu.memref_slice %arg2[%dma_start3A_166, %dma_start3A_167] : memref<10240x128xf32, #tpu.memory_space<hbm>> -> memref<10240x128xf32, #tpu.memory_space<hbm>>
      tpu.enqueue_indirect_dma source(%dma_start3A_168 : memref<10240x128xf32, #tpu.memory_space<hbm>>) target(%arg9 : memref<125x128xf32, #tpu.memory_space<vmem>>) offsets(%dma_start3A_165 : memref<125xi32, #tpu.memory_space<vmem>>) semaphore(%run_scoped3A_162 : memref<!tpu.dma_semaphore, #tpu.memory_space<semaphore_mem>>)
      %dma_wait3A_169 = arith.constant 0 : i32
      %dma_wait3A_170 = tpu.memref_slice %arg7[%run_scoped3A, %dma_wait3A_169] : memref<40x125xi32, #tpu.memory_space<vmem>> -> memref<1x125xi32, #tpu.memory_space<vmem>>
      %dma_wait3A_171 = tpu.memref_squeeze %dma_wait3A_170 : memref<1x125xi32, #tpu.memory_space<vmem>> -> memref<125xi32, #tpu.memory_space<vmem>>
      %dma_wait3A_172 = arith.constant 0 : i32
      %dma_wait3A_173 = arith.constant 0 : i32
      %dma_wait3A_174 = tpu.memref_slice %arg2[%dma_wait3A_172, %dma_wait3A_173] : memref<10240x128xf32, #tpu.memory_space<hbm>> -> memref<10240x128xf32, #tpu.memory_space<hbm>>
      tpu.wait_indirect_dma semaphore(%run_scoped3A_162 : memref<!tpu.dma_semaphore, #tpu.memory_space<semaphore_mem>>) src(%dma_wait3A_174 : memref<10240x128xf32, #tpu.memory_space<hbm>>) dst(%arg9 : memref<125x128xf32, #tpu.memory_space<vmem>>)
      tpu.yield
    }) : () -> ()
    %dma_start3A_126 = arith.constant 0 : i32
    %dma_start3A_127 = arith.constant 0 : i32
    %dma_start3A_128 = tpu.memref_slice %arg8[%dma_start3A_126, %dma_start3A_127] : memref<40x125xi32, #tpu.memory_space<vmem>> -> memref<1x125xi32, #tpu.memory_space<vmem>>
    %dma_start3A_129 = tpu.memref_squeeze %dma_start3A_128 : memref<1x125xi32, #tpu.memory_space<vmem>> -> memref<125xi32, #tpu.memory_space<vmem>>
    %dma_start3A_130 = arith.constant 0 : i32
    %dma_start3A_131 = arith.constant 0 : i32
    %dma_start3A_132 = tpu.memref_slice %arg12[%dma_start3A_130, %dma_start3A_131] : memref<10240x128xf32, #tpu.memory_space<vmem_shared>> -> memref<10240x128xf32, #tpu.memory_space<vmem_shared>>
    tpu.enqueue_indirect_dma source(%arg9 : memref<125x128xf32, #tpu.memory_space<vmem>>) target(%dma_start3A_132 : memref<10240x128xf32, #tpu.memory_space<vmem_shared>>) offsets(%dma_start3A_129 : memref<125xi32, #tpu.memory_space<vmem>>) semaphore(%arg13 : memref<!tpu.dma_semaphore, #tpu.memory_space<semaphore_mem>>) {add = true}
    %scan3A_133 = arith.constant 0 : i32
    %scan3A_134 = arith.constant 0 : i32
    %scan3A_135 = arith.constant 20 : i32
    %scan3A_136 = arith.addi %scan3A_134, %scan3A_135 : i32
    %scan3A_137 = arith.constant 1 : i32
    %scan3A_138 = scf.for %scan3A_162 = %scan3A_134 to %scan3A_136 step %scan3A_137 iter_args(%scan3A_163 = %scan3A_133) -> (i32)  : i32 {
      %mul3A_164 = arith.constant 2 : i32
      %mul3A_165 = arith.muli %mul3A_164, %scan3A_162 : i32
      %add3A_166 = arith.constant 1 : i32
      %add3A_167 = arith.addi %mul3A_165, %add3A_166 : i32
      %add3A_168 = arith.constant 1 : i32
      %add3A_169 = arith.addi %add3A_167, %add3A_168 : i32
      "tpu.region"() ({
        %run_scoped3A_194 = tpu.sem_alloc : memref<!tpu.dma_semaphore, #tpu.memory_space<semaphore_mem>>
        %dma_start3A_195 = arith.constant 0 : i32
        %dma_start3A_196 = tpu.memref_slice %arg7[%add3A_167, %dma_start3A_195] : memref<40x125xi32, #tpu.memory_space<vmem>> -> memref<1x125xi32, #tpu.memory_space<vmem>>
        %dma_start3A_197 = tpu.memref_squeeze %dma_start3A_196 : memref<1x125xi32, #tpu.memory_space<vmem>> -> memref<125xi32, #tpu.memory_space<vmem>>
        %dma_start3A_198 = arith.constant 0 : i32
        %dma_start3A_199 = arith.constant 0 : i32
        %dma_start3A_200 = tpu.memref_slice %arg2[%dma_start3A_198, %dma_start3A_199] : memref<10240x128xf32, #tpu.memory_space<hbm>> -> memref<10240x128xf32, #tpu.memory_space<hbm>>
        tpu.enqueue_indirect_dma source(%dma_start3A_200 : memref<10240x128xf32, #tpu.memory_space<hbm>>) target(%arg10 : memref<125x128xf32, #tpu.memory_space<vmem>>) offsets(%dma_start3A_197 : memref<125xi32, #tpu.memory_space<vmem>>) semaphore(%run_scoped3A_194 : memref<!tpu.dma_semaphore, #tpu.memory_space<semaphore_mem>>)
        %dma_wait3A_201 = arith.constant 0 : i32
        %dma_wait3A_202 = tpu.memref_slice %arg7[%add3A_167, %dma_wait3A_201] : memref<40x125xi32, #tpu.memory_space<vmem>> -> memref<1x125xi32, #tpu.memory_space<vmem>>
        %dma_wait3A_203 = tpu.memref_squeeze %dma_wait3A_202 : memref<1x125xi32, #tpu.memory_space<vmem>> -> memref<125xi32, #tpu.memory_space<vmem>>
        %dma_wait3A_204 = arith.constant 0 : i32
        %dma_wait3A_205 = arith.constant 0 : i32
        %dma_wait3A_206 = tpu.memref_slice %arg2[%dma_wait3A_204, %dma_wait3A_205] : memref<10240x128xf32, #tpu.memory_space<hbm>> -> memref<10240x128xf32, #tpu.memory_space<hbm>>
        tpu.wait_indirect_dma semaphore(%run_scoped3A_194 : memref<!tpu.dma_semaphore, #tpu.memory_space<semaphore_mem>>) src(%dma_wait3A_206 : memref<10240x128xf32, #tpu.memory_space<hbm>>) dst(%arg10 : memref<125x128xf32, #tpu.memory_space<vmem>>)
        tpu.yield
      }) : () -> ()
      %dma_start3A_170 = arith.constant 0 : i32
      %dma_start3A_171 = tpu.memref_slice %arg8[%add3A_167, %dma_start3A_170] : memref<40x125xi32, #tpu.memory_space<vmem>> -> memref<1x125xi32, #tpu.memory_space<vmem>>
      %dma_start3A_172 = tpu.memref_squeeze %dma_start3A_171 : memref<1x125xi32, #tpu.memory_space<vmem>> -> memref<125xi32, #tpu.memory_space<vmem>>
      %dma_start3A_173 = arith.constant 0 : i32
      %dma_start3A_174 = arith.constant 0 : i32
      %dma_start3A_175 = tpu.memref_slice %arg12[%dma_start3A_173, %dma_start3A_174] : memref<10240x128xf32, #tpu.memory_space<vmem_shared>> -> memref<10240x128xf32, #tpu.memory_space<vmem_shared>>
      tpu.enqueue_indirect_dma source(%arg10 : memref<125x128xf32, #tpu.memory_space<vmem>>) target(%dma_start3A_175 : memref<10240x128xf32, #tpu.memory_space<vmem_shared>>) offsets(%dma_start3A_172 : memref<125xi32, #tpu.memory_space<vmem>>) semaphore(%arg14 : memref<!tpu.dma_semaphore, #tpu.memory_space<semaphore_mem>>) {add = true}
      %sub3A = arith.constant 1 : i32
      %sub3A_176 = arith.subi %add3A_167, %sub3A : i32
      %dma_wait3A_177 = arith.constant 0 : i32
      %dma_wait3A_178 = tpu.memref_slice %arg8[%sub3A_176, %dma_wait3A_177] : memref<40x125xi32, #tpu.memory_space<vmem>> -> memref<1x125xi32, #tpu.memory_space<vmem>>
      %dma_wait3A_179 = tpu.memref_squeeze %dma_wait3A_178 : memref<1x125xi32, #tpu.memory_space<vmem>> -> memref<125xi32, #tpu.memory_space<vmem>>
      %dma_wait3A_180 = arith.constant 0 : i32
      %dma_wait3A_181 = arith.constant 0 : i32
      %dma_wait3A_182 = tpu.memref_slice %arg12[%dma_wait3A_180, %dma_wait3A_181] : memref<10240x128xf32, #tpu.memory_space<vmem_shared>> -> memref<10240x128xf32, #tpu.memory_space<vmem_shared>>
      tpu.wait_indirect_dma semaphore(%arg13 : memref<!tpu.dma_semaphore, #tpu.memory_space<semaphore_mem>>) src(%arg9 : memref<125x128xf32, #tpu.memory_space<vmem>>) dst(%dma_wait3A_182 : memref<10240x128xf32, #tpu.memory_space<vmem_shared>>)
      %lt3A = arith.constant 40 : i32
      %lt3A_183 = arith.cmpi slt, %add3A_169, %lt3A : i32
      %convert_element_type3A_184 = arith.extui %lt3A_183 : i1 to i32
      %cond3A_185 = arith.constant 0 : i32
      %cond3A_186 = arith.cmpi ne, %convert_element_type3A_184, %cond3A_185 : i32
      scf.if %cond3A_186 {
        "tpu.region"() ({
          %run_scoped3A_200 = tpu.sem_alloc : memref<!tpu.dma_semaphore, #tpu.memory_space<semaphore_mem>>
          %dma_start3A_201 = arith.constant 0 : i32
          %dma_start3A_202 = tpu.memref_slice %arg7[%add3A_169, %dma_start3A_201] : memref<40x125xi32, #tpu.memory_space<vmem>> -> memref<1x125xi32, #tpu.memory_space<vmem>>
          %dma_start3A_203 = tpu.memref_squeeze %dma_start3A_202 : memref<1x125xi32, #tpu.memory_space<vmem>> -> memref<125xi32, #tpu.memory_space<vmem>>
          %dma_start3A_204 = arith.constant 0 : i32
          %dma_start3A_205 = arith.constant 0 : i32
          %dma_start3A_206 = tpu.memref_slice %arg2[%dma_start3A_204, %dma_start3A_205] : memref<10240x128xf32, #tpu.memory_space<hbm>> -> memref<10240x128xf32, #tpu.memory_space<hbm>>
          tpu.enqueue_indirect_dma source(%dma_start3A_206 : memref<10240x128xf32, #tpu.memory_space<hbm>>) target(%arg9 : memref<125x128xf32, #tpu.memory_space<vmem>>) offsets(%dma_start3A_203 : memref<125xi32, #tpu.memory_space<vmem>>) semaphore(%run_scoped3A_200 : memref<!tpu.dma_semaphore, #tpu.memory_space<semaphore_mem>>)
          %dma_wait3A_207 = arith.constant 0 : i32
          %dma_wait3A_208 = tpu.memref_slice %arg7[%add3A_169, %dma_wait3A_207] : memref<40x125xi32, #tpu.memory_space<vmem>> -> memref<1x125xi32, #tpu.memory_space<vmem>>
          %dma_wait3A_209 = tpu.memref_squeeze %dma_wait3A_208 : memref<1x125xi32, #tpu.memory_space<vmem>> -> memref<125xi32, #tpu.memory_space<vmem>>
          %dma_wait3A_210 = arith.constant 0 : i32
          %dma_wait3A_211 = arith.constant 0 : i32
          %dma_wait3A_212 = tpu.memref_slice %arg2[%dma_wait3A_210, %dma_wait3A_211] : memref<10240x128xf32, #tpu.memory_space<hbm>> -> memref<10240x128xf32, #tpu.memory_space<hbm>>
          tpu.wait_indirect_dma semaphore(%run_scoped3A_200 : memref<!tpu.dma_semaphore, #tpu.memory_space<semaphore_mem>>) src(%dma_wait3A_212 : memref<10240x128xf32, #tpu.memory_space<hbm>>) dst(%arg9 : memref<125x128xf32, #tpu.memory_space<vmem>>)
          tpu.yield
        }) : () -> ()
        %dma_start3A_194 = arith.constant 0 : i32
        %dma_start3A_195 = tpu.memref_slice %arg8[%add3A_169, %dma_start3A_194] : memref<40x125xi32, #tpu.memory_space<vmem>> -> memref<1x125xi32, #tpu.memory_space<vmem>>
        %dma_start3A_196 = tpu.memref_squeeze %dma_start3A_195 : memref<1x125xi32, #tpu.memory_space<vmem>> -> memref<125xi32, #tpu.memory_space<vmem>>
        %dma_start3A_197 = arith.constant 0 : i32
        %dma_start3A_198 = arith.constant 0 : i32
        %dma_start3A_199 = tpu.memref_slice %arg12[%dma_start3A_197, %dma_start3A_198] : memref<10240x128xf32, #tpu.memory_space<vmem_shared>> -> memref<10240x128xf32, #tpu.memory_space<vmem_shared>>
        tpu.enqueue_indirect_dma source(%arg9 : memref<125x128xf32, #tpu.memory_space<vmem>>) target(%dma_start3A_199 : memref<10240x128xf32, #tpu.memory_space<vmem_shared>>) offsets(%dma_start3A_196 : memref<125xi32, #tpu.memory_space<vmem>>) semaphore(%arg13 : memref<!tpu.dma_semaphore, #tpu.memory_space<semaphore_mem>>) {add = true}
      } else {
      }
      %dma_wait3A_187 = arith.constant 0 : i32
      %dma_wait3A_188 = tpu.memref_slice %arg8[%add3A_167, %dma_wait3A_187] : memref<40x125xi32, #tpu.memory_space<vmem>> -> memref<1x125xi32, #tpu.memory_space<vmem>>
      %dma_wait3A_189 = tpu.memref_squeeze %dma_wait3A_188 : memref<1x125xi32, #tpu.memory_space<vmem>> -> memref<125xi32, #tpu.memory_space<vmem>>
      %dma_wait3A_190 = arith.constant 0 : i32
      %dma_wait3A_191 = arith.constant 0 : i32
      %dma_wait3A_192 = tpu.memref_slice %arg12[%dma_wait3A_190, %dma_wait3A_191] : memref<10240x128xf32, #tpu.memory_space<vmem_shared>> -> memref<10240x128xf32, #tpu.memory_space<vmem_shared>>
      tpu.wait_indirect_dma semaphore(%arg14 : memref<!tpu.dma_semaphore, #tpu.memory_space<semaphore_mem>>) src(%arg10 : memref<125x128xf32, #tpu.memory_space<vmem>>) dst(%dma_wait3A_192 : memref<10240x128xf32, #tpu.memory_space<vmem_shared>>)
      %scan3A_193 = arith.constant 0 : i32
      scf.yield %scan3A_193 : i32
    }
    %scan3A_139 = arith.constant 20 : i32
    "tpu.region"() ({
      %run_scoped3A_162 = tpu.sem_alloc : memref<!tpu.dma_semaphore, #tpu.memory_space<semaphore_mem>>
      %dma_start3A_163 = arith.constant 0 : i32
      %dma_start3A_164 = arith.constant 0 : i32
      %dma_start3A_165 = tpu.memref_slice %arg3[%add3A, %dma_start3A_163, %dma_start3A_164] : memref<32x80x125xi32, #tpu.memory_space<hbm>> -> memref<1x80x125xi32, #tpu.memory_space<hbm>>
      %dma_start3A_166 = tpu.memref_squeeze %dma_start3A_165 : memref<1x80x125xi32, #tpu.memory_space<hbm>> -> memref<80x125xi32, #tpu.memory_space<hbm>>
      %dma_start3A_167 = arith.constant 40 : i32
      %dma_start3A_168 = arith.constant 0 : i32
      %dma_start3A_169 = tpu.memref_slice %dma_start3A_166[%dma_start3A_167, %dma_start3A_168] : memref<80x125xi32, #tpu.memory_space<hbm>> -> memref<40x125xi32, #tpu.memory_space<hbm>>
      %dma_start3A_170 = arith.constant 0 : i32
      %dma_start3A_171 = arith.constant 0 : i32
      %dma_start3A_172 = tpu.memref_slice %arg3[%add3A, %dma_start3A_170, %dma_start3A_171] : memref<32x80x125xi32, #tpu.memory_space<hbm>> -> memref<1x80x125xi32, #tpu.memory_space<hbm>>
      %dma_start3A_173 = tpu.memref_squeeze %dma_start3A_172 : memref<1x80x125xi32, #tpu.memory_space<hbm>> -> memref<80x125xi32, #tpu.memory_space<hbm>>
      %dma_start3A_174 = arith.constant 40 : i32
      %dma_start3A_175 = arith.constant 0 : i32
      %dma_start3A_176 = tpu.memref_slice %dma_start3A_173[%dma_start3A_174, %dma_start3A_175] : memref<80x125xi32, #tpu.memory_space<hbm>> -> memref<40x125xi32, #tpu.memory_space<hbm>>
      tpu.enqueue_dma source(%dma_start3A_176 : memref<40x125xi32, #tpu.memory_space<hbm>>) target(%arg7 : memref<40x125xi32, #tpu.memory_space<vmem>>) target_semaphore(%run_scoped3A_162 : memref<!tpu.dma_semaphore, #tpu.memory_space<semaphore_mem>>)
      %dma_wait3A_177 = arith.constant 0 : i32
      %dma_wait3A_178 = arith.constant 0 : i32
      %dma_wait3A_179 = tpu.memref_slice %arg3[%add3A, %dma_wait3A_177, %dma_wait3A_178] : memref<32x80x125xi32, #tpu.memory_space<hbm>> -> memref<1x80x125xi32, #tpu.memory_space<hbm>>
      %dma_wait3A_180 = tpu.memref_squeeze %dma_wait3A_179 : memref<1x80x125xi32, #tpu.memory_space<hbm>> -> memref<80x125xi32, #tpu.memory_space<hbm>>
      %dma_wait3A_181 = arith.constant 40 : i32
      %dma_wait3A_182 = arith.constant 0 : i32
      %dma_wait3A_183 = tpu.memref_slice %dma_wait3A_180[%dma_wait3A_181, %dma_wait3A_182] : memref<80x125xi32, #tpu.memory_space<hbm>> -> memref<40x125xi32, #tpu.memory_space<hbm>>
      %dma_wait3A_184 = arith.constant 0 : i32
      %dma_wait3A_185 = arith.constant 0 : i32
      %dma_wait3A_186 = tpu.memref_slice %arg3[%add3A, %dma_wait3A_184, %dma_wait3A_185] : memref<32x80x125xi32, #tpu.memory_space<hbm>> -> memref<1x80x125xi32, #tpu.memory_space<hbm>>
      %dma_wait3A_187 = tpu.memref_squeeze %dma_wait3A_186 : memref<1x80x125xi32, #tpu.memory_space<hbm>> -> memref<80x125xi32, #tpu.memory_space<hbm>>
      %dma_wait3A_188 = arith.constant 40 : i32
      %dma_wait3A_189 = arith.constant 0 : i32
      %dma_wait3A_190 = tpu.memref_slice %dma_wait3A_187[%dma_wait3A_188, %dma_wait3A_189] : memref<80x125xi32, #tpu.memory_space<hbm>> -> memref<40x125xi32, #tpu.memory_space<hbm>>
      tpu.wait_dma2 semaphore(%run_scoped3A_162 : memref<!tpu.dma_semaphore, #tpu.memory_space<semaphore_mem>>) src(%dma_wait3A_190 : memref<40x125xi32, #tpu.memory_space<hbm>>) dst(%arg7 : memref<40x125xi32, #tpu.memory_space<vmem>>)
      tpu.yield
    }) : () -> ()
    "tpu.region"() ({
      %run_scoped3A_162 = tpu.sem_alloc : memref<!tpu.dma_semaphore, #tpu.memory_space<semaphore_mem>>
      %dma_start3A_163 = arith.constant 0 : i32
      %dma_start3A_164 = arith.constant 0 : i32
      %dma_start3A_165 = tpu.memref_slice %arg4[%add3A, %dma_start3A_163, %dma_start3A_164] : memref<32x80x125xi32, #tpu.memory_space<hbm>> -> memref<1x80x125xi32, #tpu.memory_space<hbm>>
      %dma_start3A_166 = tpu.memref_squeeze %dma_start3A_165 : memref<1x80x125xi32, #tpu.memory_space<hbm>> -> memref<80x125xi32, #tpu.memory_space<hbm>>
      %dma_start3A_167 = arith.constant 40 : i32
      %dma_start3A_168 = arith.constant 0 : i32
      %dma_start3A_169 = tpu.memref_slice %dma_start3A_166[%dma_start3A_167, %dma_start3A_168] : memref<80x125xi32, #tpu.memory_space<hbm>> -> memref<40x125xi32, #tpu.memory_space<hbm>>
      %dma_start3A_170 = arith.constant 0 : i32
      %dma_start3A_171 = arith.constant 0 : i32
      %dma_start3A_172 = tpu.memref_slice %arg4[%add3A, %dma_start3A_170, %dma_start3A_171] : memref<32x80x125xi32, #tpu.memory_space<hbm>> -> memref<1x80x125xi32, #tpu.memory_space<hbm>>
      %dma_start3A_173 = tpu.memref_squeeze %dma_start3A_172 : memref<1x80x125xi32, #tpu.memory_space<hbm>> -> memref<80x125xi32, #tpu.memory_space<hbm>>
      %dma_start3A_174 = arith.constant 40 : i32
      %dma_start3A_175 = arith.constant 0 : i32
      %dma_start3A_176 = tpu.memref_slice %dma_start3A_173[%dma_start3A_174, %dma_start3A_175] : memref<80x125xi32, #tpu.memory_space<hbm>> -> memref<40x125xi32, #tpu.memory_space<hbm>>
      tpu.enqueue_dma source(%dma_start3A_176 : memref<40x125xi32, #tpu.memory_space<hbm>>) target(%arg8 : memref<40x125xi32, #tpu.memory_space<vmem>>) target_semaphore(%run_scoped3A_162 : memref<!tpu.dma_semaphore, #tpu.memory_space<semaphore_mem>>)
      %dma_wait3A_177 = arith.constant 0 : i32
      %dma_wait3A_178 = arith.constant 0 : i32
      %dma_wait3A_179 = tpu.memref_slice %arg4[%add3A, %dma_wait3A_177, %dma_wait3A_178] : memref<32x80x125xi32, #tpu.memory_space<hbm>> -> memref<1x80x125xi32, #tpu.memory_space<hbm>>
      %dma_wait3A_180 = tpu.memref_squeeze %dma_wait3A_179 : memref<1x80x125xi32, #tpu.memory_space<hbm>> -> memref<80x125xi32, #tpu.memory_space<hbm>>
      %dma_wait3A_181 = arith.constant 40 : i32
      %dma_wait3A_182 = arith.constant 0 : i32
      %dma_wait3A_183 = tpu.memref_slice %dma_wait3A_180[%dma_wait3A_181, %dma_wait3A_182] : memref<80x125xi32, #tpu.memory_space<hbm>> -> memref<40x125xi32, #tpu.memory_space<hbm>>
      %dma_wait3A_184 = arith.constant 0 : i32
      %dma_wait3A_185 = arith.constant 0 : i32
      %dma_wait3A_186 = tpu.memref_slice %arg4[%add3A, %dma_wait3A_184, %dma_wait3A_185] : memref<32x80x125xi32, #tpu.memory_space<hbm>> -> memref<1x80x125xi32, #tpu.memory_space<hbm>>
      %dma_wait3A_187 = tpu.memref_squeeze %dma_wait3A_186 : memref<1x80x125xi32, #tpu.memory_space<hbm>> -> memref<80x125xi32, #tpu.memory_space<hbm>>
      %dma_wait3A_188 = arith.constant 40 : i32
      %dma_wait3A_189 = arith.constant 0 : i32
      %dma_wait3A_190 = tpu.memref_slice %dma_wait3A_187[%dma_wait3A_188, %dma_wait3A_189] : memref<80x125xi32, #tpu.memory_space<hbm>> -> memref<40x125xi32, #tpu.memory_space<hbm>>
      tpu.wait_dma2 semaphore(%run_scoped3A_162 : memref<!tpu.dma_semaphore, #tpu.memory_space<semaphore_mem>>) src(%dma_wait3A_190 : memref<40x125xi32, #tpu.memory_space<hbm>>) dst(%arg8 : memref<40x125xi32, #tpu.memory_space<vmem>>)
      tpu.yield
    }) : () -> ()
    %run_scoped3A_140 = arith.constant 0 : i32
    "tpu.region"() ({
      %run_scoped3A_162 = tpu.sem_alloc : memref<!tpu.dma_semaphore, #tpu.memory_space<semaphore_mem>>
      %dma_start3A_163 = arith.constant 0 : i32
      %dma_start3A_164 = tpu.memref_slice %arg7[%run_scoped3A_140, %dma_start3A_163] : memref<40x125xi32, #tpu.memory_space<vmem>> -> memref<1x125xi32, #tpu.memory_space<vmem>>
      %dma_start3A_165 = tpu.memref_squeeze %dma_start3A_164 : memref<1x125xi32, #tpu.memory_space<vmem>> -> memref<125xi32, #tpu.memory_space<vmem>>
      %dma_start3A_166 = arith.constant 0 : i32
      %dma_start3A_167 = arith.constant 0 : i32
      %dma_start3A_168 = tpu.memref_slice %arg2[%dma_start3A_166, %dma_start3A_167] : memref<10240x128xf32, #tpu.memory_space<hbm>> -> memref<10240x128xf32, #tpu.memory_space<hbm>>
      tpu.enqueue_indirect_dma source(%dma_start3A_168 : memref<10240x128xf32, #tpu.memory_space<hbm>>) target(%arg9 : memref<125x128xf32, #tpu.memory_space<vmem>>) offsets(%dma_start3A_165 : memref<125xi32, #tpu.memory_space<vmem>>) semaphore(%run_scoped3A_162 : memref<!tpu.dma_semaphore, #tpu.memory_space<semaphore_mem>>)
      %dma_wait3A_169 = arith.constant 0 : i32
      %dma_wait3A_170 = tpu.memref_slice %arg7[%run_scoped3A_140, %dma_wait3A_169] : memref<40x125xi32, #tpu.memory_space<vmem>> -> memref<1x125xi32, #tpu.memory_space<vmem>>
      %dma_wait3A_171 = tpu.memref_squeeze %dma_wait3A_170 : memref<1x125xi32, #tpu.memory_space<vmem>> -> memref<125xi32, #tpu.memory_space<vmem>>
      %dma_wait3A_172 = arith.constant 0 : i32
      %dma_wait3A_173 = arith.constant 0 : i32
      %dma_wait3A_174 = tpu.memref_slice %arg2[%dma_wait3A_172, %dma_wait3A_173] : memref<10240x128xf32, #tpu.memory_space<hbm>> -> memref<10240x128xf32, #tpu.memory_space<hbm>>
      tpu.wait_indirect_dma semaphore(%run_scoped3A_162 : memref<!tpu.dma_semaphore, #tpu.memory_space<semaphore_mem>>) src(%dma_wait3A_174 : memref<10240x128xf32, #tpu.memory_space<hbm>>) dst(%arg9 : memref<125x128xf32, #tpu.memory_space<vmem>>)
      tpu.yield
    }) : () -> ()
    %dma_start3A_141 = arith.constant 0 : i32
    %dma_start3A_142 = arith.constant 0 : i32
    %dma_start3A_143 = tpu.memref_slice %arg8[%dma_start3A_141, %dma_start3A_142] : memref<40x125xi32, #tpu.memory_space<vmem>> -> memref<1x125xi32, #tpu.memory_space<vmem>>
    %dma_start3A_144 = tpu.memref_squeeze %dma_start3A_143 : memref<1x125xi32, #tpu.memory_space<vmem>> -> memref<125xi32, #tpu.memory_space<vmem>>
    %dma_start3A_145 = arith.constant 0 : i32
    %dma_start3A_146 = arith.constant 0 : i32
    %dma_start3A_147 = tpu.memref_slice %arg12[%dma_start3A_145, %dma_start3A_146] : memref<10240x128xf32, #tpu.memory_space<vmem_shared>> -> memref<10240x128xf32, #tpu.memory_space<vmem_shared>>
    tpu.enqueue_indirect_dma source(%arg9 : memref<125x128xf32, #tpu.memory_space<vmem>>) target(%dma_start3A_147 : memref<10240x128xf32, #tpu.memory_space<vmem_shared>>) offsets(%dma_start3A_144 : memref<125xi32, #tpu.memory_space<vmem>>) semaphore(%arg13 : memref<!tpu.dma_semaphore, #tpu.memory_space<semaphore_mem>>) {add = true}
    %scan3A_148 = arith.constant 0 : i32
    %scan3A_149 = arith.constant 0 : i32
    %scan3A_150 = arith.constant 20 : i32
    %scan3A_151 = arith.addi %scan3A_149, %scan3A_150 : i32
    %scan3A_152 = arith.constant 1 : i32
    %scan3A_153 = scf.for %scan3A_162 = %scan3A_149 to %scan3A_151 step %scan3A_152 iter_args(%scan3A_163 = %scan3A_148) -> (i32)  : i32 {
      %mul3A_164 = arith.constant 2 : i32
      %mul3A_165 = arith.muli %mul3A_164, %scan3A_162 : i32
      %add3A_166 = arith.constant 1 : i32
      %add3A_167 = arith.addi %mul3A_165, %add3A_166 : i32
      %add3A_168 = arith.constant 1 : i32
      %add3A_169 = arith.addi %add3A_167, %add3A_168 : i32
      "tpu.region"() ({
        %run_scoped3A_194 = tpu.sem_alloc : memref<!tpu.dma_semaphore, #tpu.memory_space<semaphore_mem>>
        %dma_start3A_195 = arith.constant 0 : i32
        %dma_start3A_196 = tpu.memref_slice %arg7[%add3A_167, %dma_start3A_195] : memref<40x125xi32, #tpu.memory_space<vmem>> -> memref<1x125xi32, #tpu.memory_space<vmem>>
        %dma_start3A_197 = tpu.memref_squeeze %dma_start3A_196 : memref<1x125xi32, #tpu.memory_space<vmem>> -> memref<125xi32, #tpu.memory_space<vmem>>
        %dma_start3A_198 = arith.constant 0 : i32
        %dma_start3A_199 = arith.constant 0 : i32
        %dma_start3A_200 = tpu.memref_slice %arg2[%dma_start3A_198, %dma_start3A_199] : memref<10240x128xf32, #tpu.memory_space<hbm>> -> memref<10240x128xf32, #tpu.memory_space<hbm>>
        tpu.enqueue_indirect_dma source(%dma_start3A_200 : memref<10240x128xf32, #tpu.memory_space<hbm>>) target(%arg10 : memref<125x128xf32, #tpu.memory_space<vmem>>) offsets(%dma_start3A_197 : memref<125xi32, #tpu.memory_space<vmem>>) semaphore(%run_scoped3A_194 : memref<!tpu.dma_semaphore, #tpu.memory_space<semaphore_mem>>)
        %dma_wait3A_201 = arith.constant 0 : i32
        %dma_wait3A_202 = tpu.memref_slice %arg7[%add3A_167, %dma_wait3A_201] : memref<40x125xi32, #tpu.memory_space<vmem>> -> memref<1x125xi32, #tpu.memory_space<vmem>>
        %dma_wait3A_203 = tpu.memref_squeeze %dma_wait3A_202 : memref<1x125xi32, #tpu.memory_space<vmem>> -> memref<125xi32, #tpu.memory_space<vmem>>
        %dma_wait3A_204 = arith.constant 0 : i32
        %dma_wait3A_205 = arith.constant 0 : i32
        %dma_wait3A_206 = tpu.memref_slice %arg2[%dma_wait3A_204, %dma_wait3A_205] : memref<10240x128xf32, #tpu.memory_space<hbm>> -> memref<10240x128xf32, #tpu.memory_space<hbm>>
        tpu.wait_indirect_dma semaphore(%run_scoped3A_194 : memref<!tpu.dma_semaphore, #tpu.memory_space<semaphore_mem>>) src(%dma_wait3A_206 : memref<10240x128xf32, #tpu.memory_space<hbm>>) dst(%arg10 : memref<125x128xf32, #tpu.memory_space<vmem>>)
        tpu.yield
      }) : () -> ()
      %dma_start3A_170 = arith.constant 0 : i32
      %dma_start3A_171 = tpu.memref_slice %arg8[%add3A_167, %dma_start3A_170] : memref<40x125xi32, #tpu.memory_space<vmem>> -> memref<1x125xi32, #tpu.memory_space<vmem>>
      %dma_start3A_172 = tpu.memref_squeeze %dma_start3A_171 : memref<1x125xi32, #tpu.memory_space<vmem>> -> memref<125xi32, #tpu.memory_space<vmem>>
      %dma_start3A_173 = arith.constant 0 : i32
      %dma_start3A_174 = arith.constant 0 : i32
      %dma_start3A_175 = tpu.memref_slice %arg12[%dma_start3A_173, %dma_start3A_174] : memref<10240x128xf32, #tpu.memory_space<vmem_shared>> -> memref<10240x128xf32, #tpu.memory_space<vmem_shared>>
      tpu.enqueue_indirect_dma source(%arg10 : memref<125x128xf32, #tpu.memory_space<vmem>>) target(%dma_start3A_175 : memref<10240x128xf32, #tpu.memory_space<vmem_shared>>) offsets(%dma_start3A_172 : memref<125xi32, #tpu.memory_space<vmem>>) semaphore(%arg14 : memref<!tpu.dma_semaphore, #tpu.memory_space<semaphore_mem>>) {add = true}
      %sub3A = arith.constant 1 : i32
      %sub3A_176 = arith.subi %add3A_167, %sub3A : i32
      %dma_wait3A_177 = arith.constant 0 : i32
      %dma_wait3A_178 = tpu.memref_slice %arg8[%sub3A_176, %dma_wait3A_177] : memref<40x125xi32, #tpu.memory_space<vmem>> -> memref<1x125xi32, #tpu.memory_space<vmem>>
      %dma_wait3A_179 = tpu.memref_squeeze %dma_wait3A_178 : memref<1x125xi32, #tpu.memory_space<vmem>> -> memref<125xi32, #tpu.memory_space<vmem>>
      %dma_wait3A_180 = arith.constant 0 : i32
      %dma_wait3A_181 = arith.constant 0 : i32
      %dma_wait3A_182 = tpu.memref_slice %arg12[%dma_wait3A_180, %dma_wait3A_181] : memref<10240x128xf32, #tpu.memory_space<vmem_shared>> -> memref<10240x128xf32, #tpu.memory_space<vmem_shared>>
      tpu.wait_indirect_dma semaphore(%arg13 : memref<!tpu.dma_semaphore, #tpu.memory_space<semaphore_mem>>) src(%arg9 : memref<125x128xf32, #tpu.memory_space<vmem>>) dst(%dma_wait3A_182 : memref<10240x128xf32, #tpu.memory_space<vmem_shared>>)
      %lt3A = arith.constant 40 : i32
      %lt3A_183 = arith.cmpi slt, %add3A_169, %lt3A : i32
      %convert_element_type3A_184 = arith.extui %lt3A_183 : i1 to i32
      %cond3A_185 = arith.constant 0 : i32
      %cond3A_186 = arith.cmpi ne, %convert_element_type3A_184, %cond3A_185 : i32
      scf.if %cond3A_186 {
        "tpu.region"() ({
          %run_scoped3A_200 = tpu.sem_alloc : memref<!tpu.dma_semaphore, #tpu.memory_space<semaphore_mem>>
          %dma_start3A_201 = arith.constant 0 : i32
          %dma_start3A_202 = tpu.memref_slice %arg7[%add3A_169, %dma_start3A_201] : memref<40x125xi32, #tpu.memory_space<vmem>> -> memref<1x125xi32, #tpu.memory_space<vmem>>
          %dma_start3A_203 = tpu.memref_squeeze %dma_start3A_202 : memref<1x125xi32, #tpu.memory_space<vmem>> -> memref<125xi32, #tpu.memory_space<vmem>>
          %dma_start3A_204 = arith.constant 0 : i32
          %dma_start3A_205 = arith.constant 0 : i32
          %dma_start3A_206 = tpu.memref_slice %arg2[%dma_start3A_204, %dma_start3A_205] : memref<10240x128xf32, #tpu.memory_space<hbm>> -> memref<10240x128xf32, #tpu.memory_space<hbm>>
          tpu.enqueue_indirect_dma source(%dma_start3A_206 : memref<10240x128xf32, #tpu.memory_space<hbm>>) target(%arg9 : memref<125x128xf32, #tpu.memory_space<vmem>>) offsets(%dma_start3A_203 : memref<125xi32, #tpu.memory_space<vmem>>) semaphore(%run_scoped3A_200 : memref<!tpu.dma_semaphore, #tpu.memory_space<semaphore_mem>>)
          %dma_wait3A_207 = arith.constant 0 : i32
          %dma_wait3A_208 = tpu.memref_slice %arg7[%add3A_169, %dma_wait3A_207] : memref<40x125xi32, #tpu.memory_space<vmem>> -> memref<1x125xi32, #tpu.memory_space<vmem>>
          %dma_wait3A_209 = tpu.memref_squeeze %dma_wait3A_208 : memref<1x125xi32, #tpu.memory_space<vmem>> -> memref<125xi32, #tpu.memory_space<vmem>>
          %dma_wait3A_210 = arith.constant 0 : i32
          %dma_wait3A_211 = arith.constant 0 : i32
          %dma_wait3A_212 = tpu.memref_slice %arg2[%dma_wait3A_210, %dma_wait3A_211] : memref<10240x128xf32, #tpu.memory_space<hbm>> -> memref<10240x128xf32, #tpu.memory_space<hbm>>
          tpu.wait_indirect_dma semaphore(%run_scoped3A_200 : memref<!tpu.dma_semaphore, #tpu.memory_space<semaphore_mem>>) src(%dma_wait3A_212 : memref<10240x128xf32, #tpu.memory_space<hbm>>) dst(%arg9 : memref<125x128xf32, #tpu.memory_space<vmem>>)
          tpu.yield
        }) : () -> ()
        %dma_start3A_194 = arith.constant 0 : i32
        %dma_start3A_195 = tpu.memref_slice %arg8[%add3A_169, %dma_start3A_194] : memref<40x125xi32, #tpu.memory_space<vmem>> -> memref<1x125xi32, #tpu.memory_space<vmem>>
        %dma_start3A_196 = tpu.memref_squeeze %dma_start3A_195 : memref<1x125xi32, #tpu.memory_space<vmem>> -> memref<125xi32, #tpu.memory_space<vmem>>
        %dma_start3A_197 = arith.constant 0 : i32
        %dma_start3A_198 = arith.constant 0 : i32
        %dma_start3A_199 = tpu.memref_slice %arg12[%dma_start3A_197, %dma_start3A_198] : memref<10240x128xf32, #tpu.memory_space<vmem_shared>> -> memref<10240x128xf32, #tpu.memory_space<vmem_shared>>
        tpu.enqueue_indirect_dma source(%arg9 : memref<125x128xf32, #tpu.memory_space<vmem>>) target(%dma_start3A_199 : memref<10240x128xf32, #tpu.memory_space<vmem_shared>>) offsets(%dma_start3A_196 : memref<125xi32, #tpu.memory_space<vmem>>) semaphore(%arg13 : memref<!tpu.dma_semaphore, #tpu.memory_space<semaphore_mem>>) {add = true}
      } else {
      }
      %dma_wait3A_187 = arith.constant 0 : i32
      %dma_wait3A_188 = tpu.memref_slice %arg8[%add3A_167, %dma_wait3A_187] : memref<40x125xi32, #tpu.memory_space<vmem>> -> memref<1x125xi32, #tpu.memory_space<vmem>>
      %dma_wait3A_189 = tpu.memref_squeeze %dma_wait3A_188 : memref<1x125xi32, #tpu.memory_space<vmem>> -> memref<125xi32, #tpu.memory_space<vmem>>
      %dma_wait3A_190 = arith.constant 0 : i32
      %dma_wait3A_191 = arith.constant 0 : i32
      %dma_wait3A_192 = tpu.memref_slice %arg12[%dma_wait3A_190, %dma_wait3A_191] : memref<10240x128xf32, #tpu.memory_space<vmem_shared>> -> memref<10240x128xf32, #tpu.memory_space<vmem_shared>>
      tpu.wait_indirect_dma semaphore(%arg14 : memref<!tpu.dma_semaphore, #tpu.memory_space<semaphore_mem>>) src(%arg10 : memref<125x128xf32, #tpu.memory_space<vmem>>) dst(%dma_wait3A_192 : memref<10240x128xf32, #tpu.memory_space<vmem_shared>>)
      %scan3A_193 = arith.constant 0 : i32
      scf.yield %scan3A_193 : i32
    }
    %scan3A_154 = arith.constant 20 : i32
    %barrier3A_155 = arith.constant 0 : index
    tpu.barrier barrier_id(%barrier3A_155)
    %eq3A = arith.constant 0 : i32
    %eq3A_156 = arith.cmpi eq, %arg0, %eq3A : i32
    %convert_element_type3A = arith.extui %eq3A_156 : i1 to i32
    %cond3A = arith.constant 0 : i32
    %cond3A_157 = arith.cmpi ne, %convert_element_type3A, %cond3A : i32
    scf.if %cond3A_157 {
      %mul3A_162 = arith.constant 640 : i32
      %mul3A_163 = arith.muli %arg1, %mul3A_162 : i32
      %mul3A_164 = arith.constant 640 : i32
      %mul3A_165 = arith.muli %arg1, %mul3A_164 : i32
      "tpu.region"() ({
        %run_scoped3A_166 = tpu.sem_alloc : memref<!tpu.dma_semaphore, #tpu.memory_space<semaphore_mem>>
        %dma_start3A_167 = arith.constant 0 : i32
        %dma_start3A_168 = tpu.memref_slice %arg5[%mul3A_165, %dma_start3A_167] : memref<10240x128xf32, #tpu.memory_space<hbm>> -> memref<640x128xf32, #tpu.memory_space<hbm>>
        %dma_start3A_169 = arith.constant 0 : i32
        %dma_start3A_170 = tpu.memref_slice %arg12[%mul3A_163, %dma_start3A_169] : memref<10240x128xf32, #tpu.memory_space<vmem_shared>> -> memref<640x128xf32, #tpu.memory_space<vmem_shared>>
        tpu.enqueue_dma source(%dma_start3A_170 : memref<640x128xf32, #tpu.memory_space<vmem_shared>>) target(%dma_start3A_168 : memref<640x128xf32, #tpu.memory_space<hbm>>) target_semaphore(%run_scoped3A_166 : memref<!tpu.dma_semaphore, #tpu.memory_space<semaphore_mem>>)
        %dma_wait3A_171 = arith.constant 0 : i32
        %dma_wait3A_172 = tpu.memref_slice %arg5[%mul3A_165, %dma_wait3A_171] : memref<10240x128xf32, #tpu.memory_space<hbm>> -> memref<640x128xf32, #tpu.memory_space<hbm>>
        %dma_wait3A_173 = arith.constant 0 : i32
        %dma_wait3A_174 = tpu.memref_slice %arg12[%mul3A_163, %dma_wait3A_173] : memref<10240x128xf32, #tpu.memory_space<vmem_shared>> -> memref<640x128xf32, #tpu.memory_space<vmem_shared>>
        tpu.wait_dma2 semaphore(%run_scoped3A_166 : memref<!tpu.dma_semaphore, #tpu.memory_space<semaphore_mem>>) src(%dma_wait3A_174 : memref<640x128xf32, #tpu.memory_space<vmem_shared>>) dst(%dma_wait3A_172 : memref<640x128xf32, #tpu.memory_space<hbm>>)
        tpu.yield
      }) : () -> ()
    } else {
    }
    %ne3A = arith.constant 0 : i32
    %ne3A_158 = arith.cmpi ne, %arg0, %ne3A : i32
    %convert_element_type3A_159 = arith.extui %ne3A_158 : i1 to i32
    %cond3A_160 = arith.constant 0 : i32
    %cond3A_161 = arith.cmpi ne, %convert_element_type3A_159, %cond3A_160 : i32
    scf.if %cond3A_161 {
      %mul3A_162 = arith.constant 640 : i32
      %mul3A_163 = arith.muli %arg1, %mul3A_162 : i32
      %mul3A_164 = arith.constant 640 : i32
      %mul3A_165 = arith.muli %arg1, %mul3A_164 : i32
      "tpu.region"() ({
        %run_scoped3A_166 = tpu.sem_alloc : memref<!tpu.dma_semaphore, #tpu.memory_space<semaphore_mem>>
        %dma_start3A_167 = arith.constant 0 : i32
        %dma_start3A_168 = tpu.memref_slice %arg6[%mul3A_165, %dma_start3A_167] : memref<10240x128xf32, #tpu.memory_space<hbm>> -> memref<640x128xf32, #tpu.memory_space<hbm>>
        %dma_start3A_169 = arith.constant 0 : i32
        %dma_start3A_170 = tpu.memref_slice %arg12[%mul3A_163, %dma_start3A_169] : memref<10240x128xf32, #tpu.memory_space<vmem_shared>> -> memref<640x128xf32, #tpu.memory_space<vmem_shared>>
        tpu.enqueue_dma source(%dma_start3A_170 : memref<640x128xf32, #tpu.memory_space<vmem_shared>>) target(%dma_start3A_168 : memref<640x128xf32, #tpu.memory_space<hbm>>) target_semaphore(%run_scoped3A_166 : memref<!tpu.dma_semaphore, #tpu.memory_space<semaphore_mem>>)
        %dma_wait3A_171 = arith.constant 0 : i32
        %dma_wait3A_172 = tpu.memref_slice %arg6[%mul3A_165, %dma_wait3A_171] : memref<10240x128xf32, #tpu.memory_space<hbm>> -> memref<640x128xf32, #tpu.memory_space<hbm>>
        %dma_wait3A_173 = arith.constant 0 : i32
        %dma_wait3A_174 = tpu.memref_slice %arg12[%mul3A_163, %dma_wait3A_173] : memref<10240x128xf32, #tpu.memory_space<vmem_shared>> -> memref<640x128xf32, #tpu.memory_space<vmem_shared>>
        tpu.wait_dma2 semaphore(%run_scoped3A_166 : memref<!tpu.dma_semaphore, #tpu.memory_space<semaphore_mem>>) src(%dma_wait3A_174 : memref<640x128xf32, #tpu.memory_space<vmem_shared>>) dst(%dma_wait3A_172 : memref<640x128xf32, #tpu.memory_space<hbm>>)
        tpu.yield
      }) : () -> ()
    } else {
    }
    return
  }
}

#map = affine_map<(d0, d1) -> (0)>
#map1 = affine_map<(d0, d1) -> (0, 0)>
#map2 = affine_map<(d0, d1) -> (0, 0, 0)>
module attributes {stable_mosaic.version = 14 : i64} {
  func.func @_deg_body(%arg0: i32, %arg1: i32, %arg2: memref<320000xi32, #tpu.memory_space<hbm>>, %arg3: memref<640x128xf32, #tpu.memory_space<hbm>>, %arg4: memref<2x80x128xf32, #tpu.memory_space<hbm>>, %arg5: memref<10000xi32, #tpu.memory_space<vmem>>, %arg6: memref<10240xf32, #tpu.memory_space<vmem>>, %arg7: memref<80x128xf32, #tpu.memory_space<vmem>>, %arg8: memref<80xi32, #tpu.memory_space<vmem>>, %arg9: memref<80x128xf32, #tpu.memory_space<vmem_shared>>) attributes {dimension_semantics = [#tpu.dimension_semantics<core_parallel>, #tpu.dimension_semantics<subcore_parallel>], iteration_bounds = array<i64: 2, 16>, scalar_prefetch = 0 : i64, scratch_operands = 5 : i64, tpu.core_type = #tpu.core_type<sc_vector_subcore>, window_params = [{transform_indices = #map}, {transform_indices = #map1}, {transform_indices = #map2}]} {
    %mul3A = arith.constant 16 : i32
    %mul3A_0 = arith.muli %arg0, %mul3A : i32
    %add3A = arith.addi %mul3A_0, %arg1 : i32
    %mul3A_1 = arith.constant 10000 : i32
    %mul3A_2 = arith.muli %add3A, %mul3A_1 : i32
    "tpu.region"() ({
      %run_scoped3A = tpu.sem_alloc : memref<!tpu.dma_semaphore, #tpu.memory_space<semaphore_mem>>
      %dma_start3A = tpu.memref_slice %arg2[%mul3A_2] : memref<320000xi32, #tpu.memory_space<hbm>> -> memref<10000xi32, #tpu.memory_space<hbm>>
      %dma_start3A_41 = tpu.memref_slice %arg2[%mul3A_2] : memref<320000xi32, #tpu.memory_space<hbm>> -> memref<10000xi32, #tpu.memory_space<hbm>>
      tpu.enqueue_dma source(%dma_start3A_41 : memref<10000xi32, #tpu.memory_space<hbm>>) target(%arg5 : memref<10000xi32, #tpu.memory_space<vmem>>) target_semaphore(%run_scoped3A : memref<!tpu.dma_semaphore, #tpu.memory_space<semaphore_mem>>)
      %dma_wait3A = tpu.memref_slice %arg2[%mul3A_2] : memref<320000xi32, #tpu.memory_space<hbm>> -> memref<10000xi32, #tpu.memory_space<hbm>>
      %dma_wait3A_42 = tpu.memref_slice %arg2[%mul3A_2] : memref<320000xi32, #tpu.memory_space<hbm>> -> memref<10000xi32, #tpu.memory_space<hbm>>
      tpu.wait_dma2 semaphore(%run_scoped3A : memref<!tpu.dma_semaphore, #tpu.memory_space<semaphore_mem>>) src(%dma_wait3A_42 : memref<10000xi32, #tpu.memory_space<hbm>>) dst(%arg5 : memref<10000xi32, #tpu.memory_space<vmem>>)
      tpu.yield
    }) : () -> ()
    %broadcast_in_dim3A = arith.constant 0.000000e+00 : f32
    %broadcast_in_dim3A_3 = vector.broadcast %broadcast_in_dim3A : f32 to vector<16xf32>
    %scan3A = arith.constant 0 : i32
    %scan3A_4 = arith.constant 0 : i32
    %scan3A_5 = arith.constant 640 : i32
    %scan3A_6 = arith.addi %scan3A_4, %scan3A_5 : i32
    %scan3A_7 = arith.constant 1 : i32
    %scan3A_8 = scf.for %scan3A_41 = %scan3A_4 to %scan3A_6 step %scan3A_7 iter_args(%scan3A_42 = %scan3A) -> (i32)  : i32 {
      %mul3A_43 = arith.constant 16 : i32
      %mul3A_44 = arith.muli %scan3A_41, %mul3A_43 : i32
      %swap3A = arith.index_cast %mul3A_44 : i32 to index
      %swap3A_45 = tpu.vector_load %arg6[%swap3A] {strides = array<i32>} : memref<10240xf32, #tpu.memory_space<vmem>>, vector<16xf32>,
      tpu.vector_store %arg6[%swap3A], %broadcast_in_dim3A_3 {strides = array<i32>} : memref<10240xf32, #tpu.memory_space<vmem>>, vector<16xf32>,
      %scan3A_46 = arith.constant 0 : i32
      scf.yield %scan3A_46 : i32
    }
    %scan3A_9 = arith.constant 640 : i32
    %scan3A_10 = arith.constant 0 : i32
    %scan3A_11 = arith.constant 0 : i32
    %scan3A_12 = arith.constant 5 : i32
    %scan3A_13 = arith.addi %scan3A_11, %scan3A_12 : i32
    %scan3A_14 = arith.constant 1 : i32
    %scan3A_15 = scf.for %scan3A_41 = %scan3A_11 to %scan3A_13 step %scan3A_14 iter_args(%scan3A_42 = %scan3A_10) -> (i32)  : i32 {
      %iota3A = tpu.iota {dimensions = array<i32: 0>} : vector<16xi32>
      %mul3A_43 = arith.constant 16 : i32
      %mul3A_44 = arith.muli %scan3A_41, %mul3A_43 : i32
      %add3A_45 = vector.broadcast %mul3A_44 : i32 to vector<16xi32>
      %add3A_46 = arith.addi %iota3A, %add3A_45 : vector<16xi32>
      %mul3A_47 = arith.constant 16 : i32
      %mul3A_48 = arith.muli %scan3A_41, %mul3A_47 : i32
      %swap3A = arith.index_cast %mul3A_48 : i32 to index
      %swap3A_49 = tpu.vector_load %arg8[%swap3A] {strides = array<i32>} : memref<80xi32, #tpu.memory_space<vmem>>, vector<16xi32>,
      tpu.vector_store %arg8[%swap3A], %add3A_46 {strides = array<i32>} : memref<80xi32, #tpu.memory_space<vmem>>, vector<16xi32>,
      %scan3A_50 = arith.constant 0 : i32
      scf.yield %scan3A_50 : i32
    }
    %scan3A_16 = arith.constant 5 : i32
    %lt3A = arith.constant 10 : i32
    %lt3A_17 = arith.cmpi slt, %arg1, %lt3A : i32
    %convert_element_type3A = arith.extui %lt3A_17 : i1 to i32
    %cond3A = arith.constant 0 : i32
    %cond3A_18 = arith.cmpi ne, %convert_element_type3A, %cond3A : i32
    scf.if %cond3A_18 {
      %mul3A_41 = arith.constant 8 : i32
      %mul3A_42 = arith.muli %arg1, %mul3A_41 : i32
      "tpu.region"() ({
        %run_scoped3A = tpu.sem_alloc : memref<!tpu.dma_semaphore, #tpu.memory_space<semaphore_mem>>
        %dma_start3A = arith.constant 0 : i32
        %dma_start3A_43 = tpu.memref_slice %arg9[%mul3A_42, %dma_start3A] : memref<80x128xf32, #tpu.memory_space<vmem_shared>> -> memref<8x128xf32, #tpu.memory_space<vmem_shared>>
        %dma_start3A_44 = arith.constant 0 : i32
        %dma_start3A_45 = arith.constant 0 : i32
        %dma_start3A_46 = tpu.memref_slice %arg3[%dma_start3A_44, %dma_start3A_45] : memref<640x128xf32, #tpu.memory_space<hbm>> -> memref<8x128xf32, #tpu.memory_space<hbm>>
        tpu.enqueue_dma source(%dma_start3A_46 : memref<8x128xf32, #tpu.memory_space<hbm>>) target(%dma_start3A_43 : memref<8x128xf32, #tpu.memory_space<vmem_shared>>) target_semaphore(%run_scoped3A : memref<!tpu.dma_semaphore, #tpu.memory_space<semaphore_mem>>)
        %dma_wait3A = arith.constant 0 : i32
        %dma_wait3A_47 = tpu.memref_slice %arg9[%mul3A_42, %dma_wait3A] : memref<80x128xf32, #tpu.memory_space<vmem_shared>> -> memref<8x128xf32, #tpu.memory_space<vmem_shared>>
        %dma_wait3A_48 = arith.constant 0 : i32
        %dma_wait3A_49 = arith.constant 0 : i32
        %dma_wait3A_50 = tpu.memref_slice %arg3[%dma_wait3A_48, %dma_wait3A_49] : memref<640x128xf32, #tpu.memory_space<hbm>> -> memref<8x128xf32, #tpu.memory_space<hbm>>
        tpu.wait_dma2 semaphore(%run_scoped3A : memref<!tpu.dma_semaphore, #tpu.memory_space<semaphore_mem>>) src(%dma_wait3A_50 : memref<8x128xf32, #tpu.memory_space<hbm>>) dst(%dma_wait3A_47 : memref<8x128xf32, #tpu.memory_space<vmem_shared>>)
        tpu.yield
      }) : () -> ()
    } else {
    }
    %broadcast_in_dim3A_19 = arith.constant 1.000000e+00 : f32
    %broadcast_in_dim3A_20 = vector.broadcast %broadcast_in_dim3A_19 : f32 to vector<16xf32>
    %scan3A_21 = arith.constant 0 : i32
    %scan3A_22 = arith.constant 0 : i32
    %scan3A_23 = arith.constant 625 : i32
    %scan3A_24 = arith.addi %scan3A_22, %scan3A_23 : i32
    %scan3A_25 = arith.constant 1 : i32
    %scan3A_26 = scf.for %scan3A_41 = %scan3A_22 to %scan3A_24 step %scan3A_25 iter_args(%scan3A_42 = %scan3A_21) -> (i32)  : i32 {
      %mul3A_43 = arith.constant 16 : i32
      %mul3A_44 = arith.muli %scan3A_41, %mul3A_43 : i32
      %get3A = arith.index_cast %mul3A_44 : i32 to index
      %get3A_45 = tpu.vector_load %arg5[%get3A] {strides = array<i32>} : memref<10000xi32, #tpu.memory_space<vmem>>, vector<16xi32>,
      tpu.vector_store_idx %arg6[%get3A_45], %broadcast_in_dim3A_20 {add = true} : memref<10240xf32, #tpu.memory_space<vmem>>[vector<16xi32>], vector<16xf32>,
      %scan3A_46 = arith.constant 0 : i32
      scf.yield %scan3A_46 : i32
    }
    %scan3A_27 = arith.constant 625 : i32
    %scan3A_28 = arith.constant 0 : i32
    %scan3A_29 = arith.constant 0 : i32
    %scan3A_30 = arith.constant 640 : i32
    %scan3A_31 = arith.addi %scan3A_29, %scan3A_30 : i32
    %scan3A_32 = arith.constant 1 : i32
    %scan3A_33 = scf.for %scan3A_41 = %scan3A_29 to %scan3A_31 step %scan3A_32 iter_args(%scan3A_42 = %scan3A_28) -> (i32)  : i32 {
      %jit3A = arith.constant 8 : i32
      %div3A = arith.divsi %scan3A_41, %jit3A : i32
      %sign3A = arith.constant 0 : i32
      %sign3A_43 = arith.cmpi sgt, %scan3A_41, %sign3A : i32
      %sign3A_44 = arith.extui %sign3A_43 : i1 to i32
      %sign3A_45 = arith.constant 0 : i32
      %sign3A_46 = arith.cmpi slt, %scan3A_41, %sign3A_45 : i32
      %sign3A_47 = arith.extui %sign3A_46 : i1 to i32
      %sign3A_48 = arith.subi %sign3A_44, %sign3A_47 : i32
      %sign3A_49 = arith.constant 0 : i32
      %sign3A_50 = arith.cmpi sgt, %jit3A, %sign3A_49 : i32
      %sign3A_51 = arith.extui %sign3A_50 : i1 to i32
      %sign3A_52 = arith.constant 0 : i32
      %sign3A_53 = arith.cmpi slt, %jit3A, %sign3A_52 : i32
      %sign3A_54 = arith.extui %sign3A_53 : i1 to i32
      %sign3A_55 = arith.subi %sign3A_51, %sign3A_54 : i32
      %ne3A = arith.cmpi ne, %sign3A_48, %sign3A_55 : i32
      %rem3A = arith.remsi %scan3A_41, %jit3A : i32
      %ne3A_56 = arith.constant 0 : i32
      %ne3A_57 = arith.cmpi ne, %rem3A, %ne3A_56 : i32
      %and3A = arith.andi %ne3A, %ne3A_57 : i1
      %sub3A = arith.constant 1 : i32
      %sub3A_58 = arith.subi %div3A, %sub3A : i32
      %select_n3A = arith.select %and3A, %sub3A_58, %div3A : i32
      %mul3A_59 = arith.constant 8 : i32
      %mul3A_60 = arith.muli %select_n3A, %mul3A_59 : i32
      %sub3A_61 = arith.subi %scan3A_41, %mul3A_60 : i32
      %mul3A_62 = arith.constant 16 : i32
      %mul3A_63 = arith.muli %scan3A_41, %mul3A_62 : i32
      %get3A = arith.index_cast %mul3A_63 : i32 to index
      %get3A_64 = tpu.vector_load %arg6[%get3A] {strides = array<i32>} : memref<10240xf32, #tpu.memory_space<vmem>>, vector<16xf32>,
      %mul3A_65 = arith.constant 16 : i32
      %mul3A_66 = arith.muli %sub3A_61, %mul3A_65 : i32
      %swap3A = arith.index_cast %select_n3A : i32 to index
      %swap3A_67 = arith.index_cast %mul3A_66 : i32 to index
      %swap3A_68 = tpu.vector_load %arg7[%swap3A, %swap3A_67] {strides = array<i32>} : memref<80x128xf32, #tpu.memory_space<vmem>>, vector<16xf32>,
      tpu.vector_store %arg7[%swap3A, %swap3A_67], %get3A_64 {strides = array<i32>} : memref<80x128xf32, #tpu.memory_space<vmem>>, vector<16xf32>,
      %scan3A_69 = arith.constant 0 : i32
      scf.yield %scan3A_69 : i32
    }
    %scan3A_34 = arith.constant 640 : i32
    %barrier3A = arith.constant 0 : index
    tpu.barrier barrier_id(%barrier3A)
    "tpu.region"() ({
      %run_scoped3A = tpu.sem_alloc : memref<!tpu.dma_semaphore, #tpu.memory_space<semaphore_mem>>
      %dma_start3A = arith.constant 0 : i32
      %dma_start3A_41 = arith.constant 0 : i32
      %dma_start3A_42 = tpu.memref_slice %arg9[%dma_start3A, %dma_start3A_41] : memref<80x128xf32, #tpu.memory_space<vmem_shared>> -> memref<80x128xf32, #tpu.memory_space<vmem_shared>>
      tpu.enqueue_indirect_dma source(%arg7 : memref<80x128xf32, #tpu.memory_space<vmem>>) target(%dma_start3A_42 : memref<80x128xf32, #tpu.memory_space<vmem_shared>>) offsets(%arg8 : memref<80xi32, #tpu.memory_space<vmem>>) semaphore(%run_scoped3A : memref<!tpu.dma_semaphore, #tpu.memory_space<semaphore_mem>>) {add = true}
      %dma_wait3A = arith.constant 0 : i32
      %dma_wait3A_43 = arith.constant 0 : i32
      %dma_wait3A_44 = tpu.memref_slice %arg9[%dma_wait3A, %dma_wait3A_43] : memref<80x128xf32, #tpu.memory_space<vmem_shared>> -> memref<80x128xf32, #tpu.memory_space<vmem_shared>>
      tpu.wait_indirect_dma semaphore(%run_scoped3A : memref<!tpu.dma_semaphore, #tpu.memory_space<semaphore_mem>>) src(%arg7 : memref<80x128xf32, #tpu.memory_space<vmem>>) dst(%dma_wait3A_44 : memref<80x128xf32, #tpu.memory_space<vmem_shared>>)
      tpu.yield
    }) : () -> ()
    %barrier3A_35 = arith.constant 0 : index
    tpu.barrier barrier_id(%barrier3A_35)
    %lt3A_36 = arith.constant 10 : i32
    %lt3A_37 = arith.cmpi slt, %arg1, %lt3A_36 : i32
    %convert_element_type3A_38 = arith.extui %lt3A_37 : i1 to i32
    %cond3A_39 = arith.constant 0 : i32
    %cond3A_40 = arith.cmpi ne, %convert_element_type3A_38, %cond3A_39 : i32
    scf.if %cond3A_40 {
      %mul3A_41 = arith.constant 8 : i32
      %mul3A_42 = arith.muli %arg1, %mul3A_41 : i32
      %mul3A_43 = arith.constant 8 : i32
      %mul3A_44 = arith.muli %arg1, %mul3A_43 : i32
      "tpu.region"() ({
        %run_scoped3A = tpu.sem_alloc : memref<!tpu.dma_semaphore, #tpu.memory_space<semaphore_mem>>
        %dma_start3A = arith.constant 0 : i32
        %dma_start3A_45 = arith.constant 0 : i32
        %dma_start3A_46 = tpu.memref_slice %arg4[%arg0, %dma_start3A, %dma_start3A_45] : memref<2x80x128xf32, #tpu.memory_space<hbm>> -> memref<1x80x128xf32, #tpu.memory_space<hbm>>
        %dma_start3A_47 = tpu.memref_squeeze %dma_start3A_46 : memref<1x80x128xf32, #tpu.memory_space<hbm>> -> memref<80x128xf32, #tpu.memory_space<hbm>>
        %dma_start3A_48 = arith.constant 0 : i32
        %dma_start3A_49 = tpu.memref_slice %dma_start3A_47[%mul3A_44, %dma_start3A_48] : memref<80x128xf32, #tpu.memory_space<hbm>> -> memref<8x128xf32, #tpu.memory_space<hbm>>
        %dma_start3A_50 = arith.constant 0 : i32
        %dma_start3A_51 = tpu.memref_slice %arg9[%mul3A_42, %dma_start3A_50] : memref<80x128xf32, #tpu.memory_space<vmem_shared>> -> memref<8x128xf32, #tpu.memory_space<vmem_shared>>
        tpu.enqueue_dma source(%dma_start3A_51 : memref<8x128xf32, #tpu.memory_space<vmem_shared>>) target(%dma_start3A_49 : memref<8x128xf32, #tpu.memory_space<hbm>>) target_semaphore(%run_scoped3A : memref<!tpu.dma_semaphore, #tpu.memory_space<semaphore_mem>>)
        %dma_wait3A = arith.constant 0 : i32
        %dma_wait3A_52 = arith.constant 0 : i32
        %dma_wait3A_53 = tpu.memref_slice %arg4[%arg0, %dma_wait3A, %dma_wait3A_52] : memref<2x80x128xf32, #tpu.memory_space<hbm>> -> memref<1x80x128xf32, #tpu.memory_space<hbm>>
        %dma_wait3A_54 = tpu.memref_squeeze %dma_wait3A_53 : memref<1x80x128xf32, #tpu.memory_space<hbm>> -> memref<80x128xf32, #tpu.memory_space<hbm>>
        %dma_wait3A_55 = arith.constant 0 : i32
        %dma_wait3A_56 = tpu.memref_slice %dma_wait3A_54[%mul3A_44, %dma_wait3A_55] : memref<80x128xf32, #tpu.memory_space<hbm>> -> memref<8x128xf32, #tpu.memory_space<hbm>>
        %dma_wait3A_57 = arith.constant 0 : i32
        %dma_wait3A_58 = tpu.memref_slice %arg9[%mul3A_42, %dma_wait3A_57] : memref<80x128xf32, #tpu.memory_space<vmem_shared>> -> memref<8x128xf32, #tpu.memory_space<vmem_shared>>
        tpu.wait_dma2 semaphore(%run_scoped3A : memref<!tpu.dma_semaphore, #tpu.memory_space<semaphore_mem>>) src(%dma_wait3A_58 : memref<8x128xf32, #tpu.memory_space<vmem_shared>>) dst(%dma_wait3A_56 : memref<8x128xf32, #tpu.memory_space<hbm>>)
        tpu.yield
      }) : () -> ()
    } else {
    }
    return
  }
}

#map = affine_map<(d0, d1) -> (0, 0)>
#map1 = affine_map<(d0, d1) -> (0, 0, 0)>
module attributes {stable_mosaic.version = 14 : i64} {
  func.func @_agg_body(%arg0: i32, %arg1: i32, %arg2: memref<10240x128xf32, #tpu.memory_space<hbm>>, %arg3: memref<32x80x125xi32, #tpu.memory_space<hbm>>, %arg4: memref<32x80x125xi32, #tpu.memory_space<hbm>>, %arg5: memref<10240x128xf32, #tpu.memory_space<hbm>>, %arg6: memref<10240x128xf32, #tpu.memory_space<hbm>>, %arg7: memref<40x125xi32, #tpu.memory_space<vmem>>, %arg8: memref<40x125xi32, #tpu.memory_space<vmem>>, %arg9: memref<125x128xf32, #tpu.memory_space<vmem>>, %arg10: memref<125x128xf32, #tpu.memory_space<vmem>>, %arg11: memref<40x128xf32, #tpu.memory_space<vmem>>, %arg12: memref<10240x128xf32, #tpu.memory_space<vmem_shared>>, %arg13: memref<!tpu.dma_semaphore, #tpu.memory_space<semaphore_mem>>, %arg14: memref<!tpu.dma_semaphore, #tpu.memory_space<semaphore_mem>>) attributes {dimension_semantics = [#tpu.dimension_semantics<core_parallel>, #tpu.dimension_semantics<subcore_parallel>], iteration_bounds = array<i64: 2, 16>, scalar_prefetch = 0 : i64, scratch_operands = 8 : i64, tpu.core_type = #tpu.core_type<sc_vector_subcore>, window_params = [{transform_indices = #map}, {transform_indices = #map1}, {transform_indices = #map1}, {transform_indices = #map}, {transform_indices = #map}]} {
    %mul3A = arith.constant 16 : i32
    %mul3A_0 = arith.muli %arg0, %mul3A : i32
    %add3A = arith.addi %mul3A_0, %arg1 : i32
    %dma_start3A = arith.constant 0 : i32
    %dma_start3A_1 = arith.constant 0 : i32
    %dma_start3A_2 = tpu.memref_slice %arg3[%add3A, %dma_start3A, %dma_start3A_1] : memref<32x80x125xi32, #tpu.memory_space<hbm>> -> memref<1x80x125xi32, #tpu.memory_space<hbm>>
    %dma_start3A_3 = tpu.memref_squeeze %dma_start3A_2 : memref<1x80x125xi32, #tpu.memory_space<hbm>> -> memref<80x125xi32, #tpu.memory_space<hbm>>
    %dma_start3A_4 = arith.constant 0 : i32
    %dma_start3A_5 = arith.constant 0 : i32
    %dma_start3A_6 = tpu.memref_slice %dma_start3A_3[%dma_start3A_4, %dma_start3A_5] : memref<80x125xi32, #tpu.memory_space<hbm>> -> memref<40x125xi32, #tpu.memory_space<hbm>>
    %dma_start3A_7 = arith.constant 0 : i32
    %dma_start3A_8 = arith.constant 0 : i32
    %dma_start3A_9 = tpu.memref_slice %arg3[%add3A, %dma_start3A_7, %dma_start3A_8] : memref<32x80x125xi32, #tpu.memory_space<hbm>> -> memref<1x80x125xi32, #tpu.memory_space<hbm>>
    %dma_start3A_10 = tpu.memref_squeeze %dma_start3A_9 : memref<1x80x125xi32, #tpu.memory_space<hbm>> -> memref<80x125xi32, #tpu.memory_space<hbm>>
    %dma_start3A_11 = arith.constant 0 : i32
    %dma_start3A_12 = arith.constant 0 : i32
    %dma_start3A_13 = tpu.memref_slice %dma_start3A_10[%dma_start3A_11, %dma_start3A_12] : memref<80x125xi32, #tpu.memory_space<hbm>> -> memref<40x125xi32, #tpu.memory_space<hbm>>
    tpu.enqueue_dma source(%dma_start3A_13 : memref<40x125xi32, #tpu.memory_space<hbm>>) target(%arg7 : memref<40x125xi32, #tpu.memory_space<vmem>>) target_semaphore(%arg13 : memref<!tpu.dma_semaphore, #tpu.memory_space<semaphore_mem>>)
    %dma_start3A_14 = arith.constant 0 : i32
    %dma_start3A_15 = arith.constant 0 : i32
    %dma_start3A_16 = tpu.memref_slice %arg4[%add3A, %dma_start3A_14, %dma_start3A_15] : memref<32x80x125xi32, #tpu.memory_space<hbm>> -> memref<1x80x125xi32, #tpu.memory_space<hbm>>
    %dma_start3A_17 = tpu.memref_squeeze %dma_start3A_16 : memref<1x80x125xi32, #tpu.memory_space<hbm>> -> memref<80x125xi32, #tpu.memory_space<hbm>>
    %dma_start3A_18 = arith.constant 0 : i32
    %dma_start3A_19 = arith.constant 0 : i32
    %dma_start3A_20 = tpu.memref_slice %dma_start3A_17[%dma_start3A_18, %dma_start3A_19] : memref<80x125xi32, #tpu.memory_space<hbm>> -> memref<40x125xi32, #tpu.memory_space<hbm>>
    %dma_start3A_21 = arith.constant 0 : i32
    %dma_start3A_22 = arith.constant 0 : i32
    %dma_start3A_23 = tpu.memref_slice %arg4[%add3A, %dma_start3A_21, %dma_start3A_22] : memref<32x80x125xi32, #tpu.memory_space<hbm>> -> memref<1x80x125xi32, #tpu.memory_space<hbm>>
    %dma_start3A_24 = tpu.memref_squeeze %dma_start3A_23 : memref<1x80x125xi32, #tpu.memory_space<hbm>> -> memref<80x125xi32, #tpu.memory_space<hbm>>
    %dma_start3A_25 = arith.constant 0 : i32
    %dma_start3A_26 = arith.constant 0 : i32
    %dma_start3A_27 = tpu.memref_slice %dma_start3A_24[%dma_start3A_25, %dma_start3A_26] : memref<80x125xi32, #tpu.memory_space<hbm>> -> memref<40x125xi32, #tpu.memory_space<hbm>>
    tpu.enqueue_dma source(%dma_start3A_27 : memref<40x125xi32, #tpu.memory_space<hbm>>) target(%arg8 : memref<40x125xi32, #tpu.memory_space<vmem>>) target_semaphore(%arg14 : memref<!tpu.dma_semaphore, #tpu.memory_space<semaphore_mem>>)
    %broadcast_in_dim3A = arith.constant 0.000000e+00 : f32
    %broadcast_in_dim3A_28 = vector.broadcast %broadcast_in_dim3A : f32 to vector<16xf32>
    %scan3A = arith.constant 0 : i32
    %scan3A_29 = arith.constant 0 : i32
    %scan3A_30 = arith.constant 320 : i32
    %scan3A_31 = arith.addi %scan3A_29, %scan3A_30 : i32
    %scan3A_32 = arith.constant 1 : i32
    %scan3A_33 = scf.for %scan3A_162 = %scan3A_29 to %scan3A_31 step %scan3A_32 iter_args(%scan3A_163 = %scan3A) -> (i32)  : i32 {
      %jit3A = arith.constant 8 : i32
      %div3A = arith.divsi %scan3A_162, %jit3A : i32
      %sign3A = arith.constant 0 : i32
      %sign3A_164 = arith.cmpi sgt, %scan3A_162, %sign3A : i32
      %sign3A_165 = arith.extui %sign3A_164 : i1 to i32
      %sign3A_166 = arith.constant 0 : i32
      %sign3A_167 = arith.cmpi slt, %scan3A_162, %sign3A_166 : i32
      %sign3A_168 = arith.extui %sign3A_167 : i1 to i32
      %sign3A_169 = arith.subi %sign3A_165, %sign3A_168 : i32
      %sign3A_170 = arith.constant 0 : i32
      %sign3A_171 = arith.cmpi sgt, %jit3A, %sign3A_170 : i32
      %sign3A_172 = arith.extui %sign3A_171 : i1 to i32
      %sign3A_173 = arith.constant 0 : i32
      %sign3A_174 = arith.cmpi slt, %jit3A, %sign3A_173 : i32
      %sign3A_175 = arith.extui %sign3A_174 : i1 to i32
      %sign3A_176 = arith.subi %sign3A_172, %sign3A_175 : i32
      %ne3A_177 = arith.cmpi ne, %sign3A_169, %sign3A_176 : i32
      %rem3A = arith.remsi %scan3A_162, %jit3A : i32
      %ne3A_178 = arith.constant 0 : i32
      %ne3A_179 = arith.cmpi ne, %rem3A, %ne3A_178 : i32
      %and3A = arith.andi %ne3A_177, %ne3A_179 : i1
      %sub3A = arith.constant 1 : i32
      %sub3A_180 = arith.subi %div3A, %sub3A : i32
      %select_n3A = arith.select %and3A, %sub3A_180, %div3A : i32
      %mul3A_181 = arith.constant 8 : i32
      %mul3A_182 = arith.muli %select_n3A, %mul3A_181 : i32
      %sub3A_183 = arith.subi %scan3A_162, %mul3A_182 : i32
      %mul3A_184 = arith.constant 16 : i32
      %mul3A_185 = arith.muli %sub3A_183, %mul3A_184 : i32
      %swap3A = arith.index_cast %select_n3A : i32 to index
      %swap3A_186 = arith.index_cast %mul3A_185 : i32 to index
      %swap3A_187 = tpu.vector_load %arg11[%swap3A, %swap3A_186] {strides = array<i32>} : memref<40x128xf32, #tpu.memory_space<vmem>>, vector<1x16xf32>,
      %swap3A_188 = vector.shape_cast %swap3A_187 : vector<1x16xf32> to vector<16xf32>
      %swap3A_189 = vector.shape_cast %broadcast_in_dim3A_28 : vector<16xf32> to vector<1x16xf32>
      tpu.vector_store %arg11[%swap3A, %swap3A_186], %swap3A_189 {strides = array<i32>} : memref<40x128xf32, #tpu.memory_space<vmem>>, vector<1x16xf32>,
      %scan3A_190 = arith.constant 0 : i32
      scf.yield %scan3A_190 : i32
    }
    %scan3A_34 = arith.constant 320 : i32
    %mul3A_35 = arith.constant 640 : i32
    %mul3A_36 = arith.muli %arg1, %mul3A_35 : i32
    %add3A_37 = arith.constant 0 : i32
    %add3A_38 = arith.addi %mul3A_36, %add3A_37 : i32
    "tpu.region"() ({
      %run_scoped3A_162 = tpu.sem_alloc : memref<!tpu.dma_semaphore, #tpu.memory_space<semaphore_mem>>
      %dma_start3A_163 = arith.constant 0 : i32
      %dma_start3A_164 = tpu.memref_slice %arg12[%add3A_38, %dma_start3A_163] : memref<10240x128xf32, #tpu.memory_space<vmem_shared>> -> memref<40x128xf32, #tpu.memory_space<vmem_shared>>
      %dma_start3A_165 = arith.constant 0 : i32
      %dma_start3A_166 = tpu.memref_slice %arg12[%add3A_38, %dma_start3A_165] : memref<10240x128xf32, #tpu.memory_space<vmem_shared>> -> memref<40x128xf32, #tpu.memory_space<vmem_shared>>
      tpu.enqueue_dma source(%arg11 : memref<40x128xf32, #tpu.memory_space<vmem>>) target(%dma_start3A_166 : memref<40x128xf32, #tpu.memory_space<vmem_shared>>) target_semaphore(%run_scoped3A_162 : memref<!tpu.dma_semaphore, #tpu.memory_space<semaphore_mem>>)
      %dma_wait3A_167 = arith.constant 0 : i32
      %dma_wait3A_168 = tpu.memref_slice %arg12[%add3A_38, %dma_wait3A_167] : memref<10240x128xf32, #tpu.memory_space<vmem_shared>> -> memref<40x128xf32, #tpu.memory_space<vmem_shared>>
      %dma_wait3A_169 = arith.constant 0 : i32
      %dma_wait3A_170 = tpu.memref_slice %arg12[%add3A_38, %dma_wait3A_169] : memref<10240x128xf32, #tpu.memory_space<vmem_shared>> -> memref<40x128xf32, #tpu.memory_space<vmem_shared>>
      tpu.wait_dma2 semaphore(%run_scoped3A_162 : memref<!tpu.dma_semaphore, #tpu.memory_space<semaphore_mem>>) src(%arg11 : memref<40x128xf32, #tpu.memory_space<vmem>>) dst(%dma_wait3A_170 : memref<40x128xf32, #tpu.memory_space<vmem_shared>>)
      tpu.yield
    }) : () -> ()
    %mul3A_39 = arith.constant 640 : i32
    %mul3A_40 = arith.muli %arg1, %mul3A_39 : i32
    %add3A_41 = arith.constant 40 : i32
    %add3A_42 = arith.addi %mul3A_40, %add3A_41 : i32
    "tpu.region"() ({
      %run_scoped3A_162 = tpu.sem_alloc : memref<!tpu.dma_semaphore, #tpu.memory_space<semaphore_mem>>
      %dma_start3A_163 = arith.constant 0 : i32
      %dma_start3A_164 = tpu.memref_slice %arg12[%add3A_42, %dma_start3A_163] : memref<10240x128xf32, #tpu.memory_space<vmem_shared>> -> memref<40x128xf32, #tpu.memory_space<vmem_shared>>
      %dma_start3A_165 = arith.constant 0 : i32
      %dma_start3A_166 = tpu.memref_slice %arg12[%add3A_42, %dma_start3A_165] : memref<10240x128xf32, #tpu.memory_space<vmem_shared>> -> memref<40x128xf32, #tpu.memory_space<vmem_shared>>
      tpu.enqueue_dma source(%arg11 : memref<40x128xf32, #tpu.memory_space<vmem>>) target(%dma_start3A_166 : memref<40x128xf32, #tpu.memory_space<vmem_shared>>) target_semaphore(%run_scoped3A_162 : memref<!tpu.dma_semaphore, #tpu.memory_space<semaphore_mem>>)
      %dma_wait3A_167 = arith.constant 0 : i32
      %dma_wait3A_168 = tpu.memref_slice %arg12[%add3A_42, %dma_wait3A_167] : memref<10240x128xf32, #tpu.memory_space<vmem_shared>> -> memref<40x128xf32, #tpu.memory_space<vmem_shared>>
      %dma_wait3A_169 = arith.constant 0 : i32
      %dma_wait3A_170 = tpu.memref_slice %arg12[%add3A_42, %dma_wait3A_169] : memref<10240x128xf32, #tpu.memory_space<vmem_shared>> -> memref<40x128xf32, #tpu.memory_space<vmem_shared>>
      tpu.wait_dma2 semaphore(%run_scoped3A_162 : memref<!tpu.dma_semaphore, #tpu.memory_space<semaphore_mem>>) src(%arg11 : memref<40x128xf32, #tpu.memory_space<vmem>>) dst(%dma_wait3A_170 : memref<40x128xf32, #tpu.memory_space<vmem_shared>>)
      tpu.yield
    }) : () -> ()
    %mul3A_43 = arith.constant 640 : i32
    %mul3A_44 = arith.muli %arg1, %mul3A_43 : i32
    %add3A_45 = arith.constant 80 : i32
    %add3A_46 = arith.addi %mul3A_44, %add3A_45 : i32
    "tpu.region"() ({
      %run_scoped3A_162 = tpu.sem_alloc : memref<!tpu.dma_semaphore, #tpu.memory_space<semaphore_mem>>
      %dma_start3A_163 = arith.constant 0 : i32
      %dma_start3A_164 = tpu.memref_slice %arg12[%add3A_46, %dma_start3A_163] : memref<10240x128xf32, #tpu.memory_space<vmem_shared>> -> memref<40x128xf32, #tpu.memory_space<vmem_shared>>
      %dma_start3A_165 = arith.constant 0 : i32
      %dma_start3A_166 = tpu.memref_slice %arg12[%add3A_46, %dma_start3A_165] : memref<10240x128xf32, #tpu.memory_space<vmem_shared>> -> memref<40x128xf32, #tpu.memory_space<vmem_shared>>
      tpu.enqueue_dma source(%arg11 : memref<40x128xf32, #tpu.memory_space<vmem>>) target(%dma_start3A_166 : memref<40x128xf32, #tpu.memory_space<vmem_shared>>) target_semaphore(%run_scoped3A_162 : memref<!tpu.dma_semaphore, #tpu.memory_space<semaphore_mem>>)
      %dma_wait3A_167 = arith.constant 0 : i32
      %dma_wait3A_168 = tpu.memref_slice %arg12[%add3A_46, %dma_wait3A_167] : memref<10240x128xf32, #tpu.memory_space<vmem_shared>> -> memref<40x128xf32, #tpu.memory_space<vmem_shared>>
      %dma_wait3A_169 = arith.constant 0 : i32
      %dma_wait3A_170 = tpu.memref_slice %arg12[%add3A_46, %dma_wait3A_169] : memref<10240x128xf32, #tpu.memory_space<vmem_shared>> -> memref<40x128xf32, #tpu.memory_space<vmem_shared>>
      tpu.wait_dma2 semaphore(%run_scoped3A_162 : memref<!tpu.dma_semaphore, #tpu.memory_space<semaphore_mem>>) src(%arg11 : memref<40x128xf32, #tpu.memory_space<vmem>>) dst(%dma_wait3A_170 : memref<40x128xf32, #tpu.memory_space<vmem_shared>>)
      tpu.yield
    }) : () -> ()
    %mul3A_47 = arith.constant 640 : i32
    %mul3A_48 = arith.muli %arg1, %mul3A_47 : i32
    %add3A_49 = arith.constant 120 : i32
    %add3A_50 = arith.addi %mul3A_48, %add3A_49 : i32
    "tpu.region"() ({
      %run_scoped3A_162 = tpu.sem_alloc : memref<!tpu.dma_semaphore, #tpu.memory_space<semaphore_mem>>
      %dma_start3A_163 = arith.constant 0 : i32
      %dma_start3A_164 = tpu.memref_slice %arg12[%add3A_50, %dma_start3A_163] : memref<10240x128xf32, #tpu.memory_space<vmem_shared>> -> memref<40x128xf32, #tpu.memory_space<vmem_shared>>
      %dma_start3A_165 = arith.constant 0 : i32
      %dma_start3A_166 = tpu.memref_slice %arg12[%add3A_50, %dma_start3A_165] : memref<10240x128xf32, #tpu.memory_space<vmem_shared>> -> memref<40x128xf32, #tpu.memory_space<vmem_shared>>
      tpu.enqueue_dma source(%arg11 : memref<40x128xf32, #tpu.memory_space<vmem>>) target(%dma_start3A_166 : memref<40x128xf32, #tpu.memory_space<vmem_shared>>) target_semaphore(%run_scoped3A_162 : memref<!tpu.dma_semaphore, #tpu.memory_space<semaphore_mem>>)
      %dma_wait3A_167 = arith.constant 0 : i32
      %dma_wait3A_168 = tpu.memref_slice %arg12[%add3A_50, %dma_wait3A_167] : memref<10240x128xf32, #tpu.memory_space<vmem_shared>> -> memref<40x128xf32, #tpu.memory_space<vmem_shared>>
      %dma_wait3A_169 = arith.constant 0 : i32
      %dma_wait3A_170 = tpu.memref_slice %arg12[%add3A_50, %dma_wait3A_169] : memref<10240x128xf32, #tpu.memory_space<vmem_shared>> -> memref<40x128xf32, #tpu.memory_space<vmem_shared>>
      tpu.wait_dma2 semaphore(%run_scoped3A_162 : memref<!tpu.dma_semaphore, #tpu.memory_space<semaphore_mem>>) src(%arg11 : memref<40x128xf32, #tpu.memory_space<vmem>>) dst(%dma_wait3A_170 : memref<40x128xf32, #tpu.memory_space<vmem_shared>>)
      tpu.yield
    }) : () -> ()
    %mul3A_51 = arith.constant 640 : i32
    %mul3A_52 = arith.muli %arg1, %mul3A_51 : i32
    %add3A_53 = arith.constant 160 : i32
    %add3A_54 = arith.addi %mul3A_52, %add3A_53 : i32
    "tpu.region"() ({
      %run_scoped3A_162 = tpu.sem_alloc : memref<!tpu.dma_semaphore, #tpu.memory_space<semaphore_mem>>
      %dma_start3A_163 = arith.constant 0 : i32
      %dma_start3A_164 = tpu.memref_slice %arg12[%add3A_54, %dma_start3A_163] : memref<10240x128xf32, #tpu.memory_space<vmem_shared>> -> memref<40x128xf32, #tpu.memory_space<vmem_shared>>
      %dma_start3A_165 = arith.constant 0 : i32
      %dma_start3A_166 = tpu.memref_slice %arg12[%add3A_54, %dma_start3A_165] : memref<10240x128xf32, #tpu.memory_space<vmem_shared>> -> memref<40x128xf32, #tpu.memory_space<vmem_shared>>
      tpu.enqueue_dma source(%arg11 : memref<40x128xf32, #tpu.memory_space<vmem>>) target(%dma_start3A_166 : memref<40x128xf32, #tpu.memory_space<vmem_shared>>) target_semaphore(%run_scoped3A_162 : memref<!tpu.dma_semaphore, #tpu.memory_space<semaphore_mem>>)
      %dma_wait3A_167 = arith.constant 0 : i32
      %dma_wait3A_168 = tpu.memref_slice %arg12[%add3A_54, %dma_wait3A_167] : memref<10240x128xf32, #tpu.memory_space<vmem_shared>> -> memref<40x128xf32, #tpu.memory_space<vmem_shared>>
      %dma_wait3A_169 = arith.constant 0 : i32
      %dma_wait3A_170 = tpu.memref_slice %arg12[%add3A_54, %dma_wait3A_169] : memref<10240x128xf32, #tpu.memory_space<vmem_shared>> -> memref<40x128xf32, #tpu.memory_space<vmem_shared>>
      tpu.wait_dma2 semaphore(%run_scoped3A_162 : memref<!tpu.dma_semaphore, #tpu.memory_space<semaphore_mem>>) src(%arg11 : memref<40x128xf32, #tpu.memory_space<vmem>>) dst(%dma_wait3A_170 : memref<40x128xf32, #tpu.memory_space<vmem_shared>>)
      tpu.yield
    }) : () -> ()
    %mul3A_55 = arith.constant 640 : i32
    %mul3A_56 = arith.muli %arg1, %mul3A_55 : i32
    %add3A_57 = arith.constant 200 : i32
    %add3A_58 = arith.addi %mul3A_56, %add3A_57 : i32
    "tpu.region"() ({
      %run_scoped3A_162 = tpu.sem_alloc : memref<!tpu.dma_semaphore, #tpu.memory_space<semaphore_mem>>
      %dma_start3A_163 = arith.constant 0 : i32
      %dma_start3A_164 = tpu.memref_slice %arg12[%add3A_58, %dma_start3A_163] : memref<10240x128xf32, #tpu.memory_space<vmem_shared>> -> memref<40x128xf32, #tpu.memory_space<vmem_shared>>
      %dma_start3A_165 = arith.constant 0 : i32
      %dma_start3A_166 = tpu.memref_slice %arg12[%add3A_58, %dma_start3A_165] : memref<10240x128xf32, #tpu.memory_space<vmem_shared>> -> memref<40x128xf32, #tpu.memory_space<vmem_shared>>
      tpu.enqueue_dma source(%arg11 : memref<40x128xf32, #tpu.memory_space<vmem>>) target(%dma_start3A_166 : memref<40x128xf32, #tpu.memory_space<vmem_shared>>) target_semaphore(%run_scoped3A_162 : memref<!tpu.dma_semaphore, #tpu.memory_space<semaphore_mem>>)
      %dma_wait3A_167 = arith.constant 0 : i32
      %dma_wait3A_168 = tpu.memref_slice %arg12[%add3A_58, %dma_wait3A_167] : memref<10240x128xf32, #tpu.memory_space<vmem_shared>> -> memref<40x128xf32, #tpu.memory_space<vmem_shared>>
      %dma_wait3A_169 = arith.constant 0 : i32
      %dma_wait3A_170 = tpu.memref_slice %arg12[%add3A_58, %dma_wait3A_169] : memref<10240x128xf32, #tpu.memory_space<vmem_shared>> -> memref<40x128xf32, #tpu.memory_space<vmem_shared>>
      tpu.wait_dma2 semaphore(%run_scoped3A_162 : memref<!tpu.dma_semaphore, #tpu.memory_space<semaphore_mem>>) src(%arg11 : memref<40x128xf32, #tpu.memory_space<vmem>>) dst(%dma_wait3A_170 : memref<40x128xf32, #tpu.memory_space<vmem_shared>>)
      tpu.yield
    }) : () -> ()
    %mul3A_59 = arith.constant 640 : i32
    %mul3A_60 = arith.muli %arg1, %mul3A_59 : i32
    %add3A_61 = arith.constant 240 : i32
    %add3A_62 = arith.addi %mul3A_60, %add3A_61 : i32
    "tpu.region"() ({
      %run_scoped3A_162 = tpu.sem_alloc : memref<!tpu.dma_semaphore, #tpu.memory_space<semaphore_mem>>
      %dma_start3A_163 = arith.constant 0 : i32
      %dma_start3A_164 = tpu.memref_slice %arg12[%add3A_62, %dma_start3A_163] : memref<10240x128xf32, #tpu.memory_space<vmem_shared>> -> memref<40x128xf32, #tpu.memory_space<vmem_shared>>
      %dma_start3A_165 = arith.constant 0 : i32
      %dma_start3A_166 = tpu.memref_slice %arg12[%add3A_62, %dma_start3A_165] : memref<10240x128xf32, #tpu.memory_space<vmem_shared>> -> memref<40x128xf32, #tpu.memory_space<vmem_shared>>
      tpu.enqueue_dma source(%arg11 : memref<40x128xf32, #tpu.memory_space<vmem>>) target(%dma_start3A_166 : memref<40x128xf32, #tpu.memory_space<vmem_shared>>) target_semaphore(%run_scoped3A_162 : memref<!tpu.dma_semaphore, #tpu.memory_space<semaphore_mem>>)
      %dma_wait3A_167 = arith.constant 0 : i32
      %dma_wait3A_168 = tpu.memref_slice %arg12[%add3A_62, %dma_wait3A_167] : memref<10240x128xf32, #tpu.memory_space<vmem_shared>> -> memref<40x128xf32, #tpu.memory_space<vmem_shared>>
      %dma_wait3A_169 = arith.constant 0 : i32
      %dma_wait3A_170 = tpu.memref_slice %arg12[%add3A_62, %dma_wait3A_169] : memref<10240x128xf32, #tpu.memory_space<vmem_shared>> -> memref<40x128xf32, #tpu.memory_space<vmem_shared>>
      tpu.wait_dma2 semaphore(%run_scoped3A_162 : memref<!tpu.dma_semaphore, #tpu.memory_space<semaphore_mem>>) src(%arg11 : memref<40x128xf32, #tpu.memory_space<vmem>>) dst(%dma_wait3A_170 : memref<40x128xf32, #tpu.memory_space<vmem_shared>>)
      tpu.yield
    }) : () -> ()
    %mul3A_63 = arith.constant 640 : i32
    %mul3A_64 = arith.muli %arg1, %mul3A_63 : i32
    %add3A_65 = arith.constant 280 : i32
    %add3A_66 = arith.addi %mul3A_64, %add3A_65 : i32
    "tpu.region"() ({
      %run_scoped3A_162 = tpu.sem_alloc : memref<!tpu.dma_semaphore, #tpu.memory_space<semaphore_mem>>
      %dma_start3A_163 = arith.constant 0 : i32
      %dma_start3A_164 = tpu.memref_slice %arg12[%add3A_66, %dma_start3A_163] : memref<10240x128xf32, #tpu.memory_space<vmem_shared>> -> memref<40x128xf32, #tpu.memory_space<vmem_shared>>
      %dma_start3A_165 = arith.constant 0 : i32
      %dma_start3A_166 = tpu.memref_slice %arg12[%add3A_66, %dma_start3A_165] : memref<10240x128xf32, #tpu.memory_space<vmem_shared>> -> memref<40x128xf32, #tpu.memory_space<vmem_shared>>
      tpu.enqueue_dma source(%arg11 : memref<40x128xf32, #tpu.memory_space<vmem>>) target(%dma_start3A_166 : memref<40x128xf32, #tpu.memory_space<vmem_shared>>) target_semaphore(%run_scoped3A_162 : memref<!tpu.dma_semaphore, #tpu.memory_space<semaphore_mem>>)
      %dma_wait3A_167 = arith.constant 0 : i32
      %dma_wait3A_168 = tpu.memref_slice %arg12[%add3A_66, %dma_wait3A_167] : memref<10240x128xf32, #tpu.memory_space<vmem_shared>> -> memref<40x128xf32, #tpu.memory_space<vmem_shared>>
      %dma_wait3A_169 = arith.constant 0 : i32
      %dma_wait3A_170 = tpu.memref_slice %arg12[%add3A_66, %dma_wait3A_169] : memref<10240x128xf32, #tpu.memory_space<vmem_shared>> -> memref<40x128xf32, #tpu.memory_space<vmem_shared>>
      tpu.wait_dma2 semaphore(%run_scoped3A_162 : memref<!tpu.dma_semaphore, #tpu.memory_space<semaphore_mem>>) src(%arg11 : memref<40x128xf32, #tpu.memory_space<vmem>>) dst(%dma_wait3A_170 : memref<40x128xf32, #tpu.memory_space<vmem_shared>>)
      tpu.yield
    }) : () -> ()
    %mul3A_67 = arith.constant 640 : i32
    %mul3A_68 = arith.muli %arg1, %mul3A_67 : i32
    %add3A_69 = arith.constant 320 : i32
    %add3A_70 = arith.addi %mul3A_68, %add3A_69 : i32
    "tpu.region"() ({
      %run_scoped3A_162 = tpu.sem_alloc : memref<!tpu.dma_semaphore, #tpu.memory_space<semaphore_mem>>
      %dma_start3A_163 = arith.constant 0 : i32
      %dma_start3A_164 = tpu.memref_slice %arg12[%add3A_70, %dma_start3A_163] : memref<10240x128xf32, #tpu.memory_space<vmem_shared>> -> memref<40x128xf32, #tpu.memory_space<vmem_shared>>
      %dma_start3A_165 = arith.constant 0 : i32
      %dma_start3A_166 = tpu.memref_slice %arg12[%add3A_70, %dma_start3A_165] : memref<10240x128xf32, #tpu.memory_space<vmem_shared>> -> memref<40x128xf32, #tpu.memory_space<vmem_shared>>
      tpu.enqueue_dma source(%arg11 : memref<40x128xf32, #tpu.memory_space<vmem>>) target(%dma_start3A_166 : memref<40x128xf32, #tpu.memory_space<vmem_shared>>) target_semaphore(%run_scoped3A_162 : memref<!tpu.dma_semaphore, #tpu.memory_space<semaphore_mem>>)
      %dma_wait3A_167 = arith.constant 0 : i32
      %dma_wait3A_168 = tpu.memref_slice %arg12[%add3A_70, %dma_wait3A_167] : memref<10240x128xf32, #tpu.memory_space<vmem_shared>> -> memref<40x128xf32, #tpu.memory_space<vmem_shared>>
      %dma_wait3A_169 = arith.constant 0 : i32
      %dma_wait3A_170 = tpu.memref_slice %arg12[%add3A_70, %dma_wait3A_169] : memref<10240x128xf32, #tpu.memory_space<vmem_shared>> -> memref<40x128xf32, #tpu.memory_space<vmem_shared>>
      tpu.wait_dma2 semaphore(%run_scoped3A_162 : memref<!tpu.dma_semaphore, #tpu.memory_space<semaphore_mem>>) src(%arg11 : memref<40x128xf32, #tpu.memory_space<vmem>>) dst(%dma_wait3A_170 : memref<40x128xf32, #tpu.memory_space<vmem_shared>>)
      tpu.yield
    }) : () -> ()
    %mul3A_71 = arith.constant 640 : i32
    %mul3A_72 = arith.muli %arg1, %mul3A_71 : i32
    %add3A_73 = arith.constant 360 : i32
    %add3A_74 = arith.addi %mul3A_72, %add3A_73 : i32
    "tpu.region"() ({
      %run_scoped3A_162 = tpu.sem_alloc : memref<!tpu.dma_semaphore, #tpu.memory_space<semaphore_mem>>
      %dma_start3A_163 = arith.constant 0 : i32
      %dma_start3A_164 = tpu.memref_slice %arg12[%add3A_74, %dma_start3A_163] : memref<10240x128xf32, #tpu.memory_space<vmem_shared>> -> memref<40x128xf32, #tpu.memory_space<vmem_shared>>
      %dma_start3A_165 = arith.constant 0 : i32
      %dma_start3A_166 = tpu.memref_slice %arg12[%add3A_74, %dma_start3A_165] : memref<10240x128xf32, #tpu.memory_space<vmem_shared>> -> memref<40x128xf32, #tpu.memory_space<vmem_shared>>
      tpu.enqueue_dma source(%arg11 : memref<40x128xf32, #tpu.memory_space<vmem>>) target(%dma_start3A_166 : memref<40x128xf32, #tpu.memory_space<vmem_shared>>) target_semaphore(%run_scoped3A_162 : memref<!tpu.dma_semaphore, #tpu.memory_space<semaphore_mem>>)
      %dma_wait3A_167 = arith.constant 0 : i32
      %dma_wait3A_168 = tpu.memref_slice %arg12[%add3A_74, %dma_wait3A_167] : memref<10240x128xf32, #tpu.memory_space<vmem_shared>> -> memref<40x128xf32, #tpu.memory_space<vmem_shared>>
      %dma_wait3A_169 = arith.constant 0 : i32
      %dma_wait3A_170 = tpu.memref_slice %arg12[%add3A_74, %dma_wait3A_169] : memref<10240x128xf32, #tpu.memory_space<vmem_shared>> -> memref<40x128xf32, #tpu.memory_space<vmem_shared>>
      tpu.wait_dma2 semaphore(%run_scoped3A_162 : memref<!tpu.dma_semaphore, #tpu.memory_space<semaphore_mem>>) src(%arg11 : memref<40x128xf32, #tpu.memory_space<vmem>>) dst(%dma_wait3A_170 : memref<40x128xf32, #tpu.memory_space<vmem_shared>>)
      tpu.yield
    }) : () -> ()
    %mul3A_75 = arith.constant 640 : i32
    %mul3A_76 = arith.muli %arg1, %mul3A_75 : i32
    %add3A_77 = arith.constant 400 : i32
    %add3A_78 = arith.addi %mul3A_76, %add3A_77 : i32
    "tpu.region"() ({
      %run_scoped3A_162 = tpu.sem_alloc : memref<!tpu.dma_semaphore, #tpu.memory_space<semaphore_mem>>
      %dma_start3A_163 = arith.constant 0 : i32
      %dma_start3A_164 = tpu.memref_slice %arg12[%add3A_78, %dma_start3A_163] : memref<10240x128xf32, #tpu.memory_space<vmem_shared>> -> memref<40x128xf32, #tpu.memory_space<vmem_shared>>
      %dma_start3A_165 = arith.constant 0 : i32
      %dma_start3A_166 = tpu.memref_slice %arg12[%add3A_78, %dma_start3A_165] : memref<10240x128xf32, #tpu.memory_space<vmem_shared>> -> memref<40x128xf32, #tpu.memory_space<vmem_shared>>
      tpu.enqueue_dma source(%arg11 : memref<40x128xf32, #tpu.memory_space<vmem>>) target(%dma_start3A_166 : memref<40x128xf32, #tpu.memory_space<vmem_shared>>) target_semaphore(%run_scoped3A_162 : memref<!tpu.dma_semaphore, #tpu.memory_space<semaphore_mem>>)
      %dma_wait3A_167 = arith.constant 0 : i32
      %dma_wait3A_168 = tpu.memref_slice %arg12[%add3A_78, %dma_wait3A_167] : memref<10240x128xf32, #tpu.memory_space<vmem_shared>> -> memref<40x128xf32, #tpu.memory_space<vmem_shared>>
      %dma_wait3A_169 = arith.constant 0 : i32
      %dma_wait3A_170 = tpu.memref_slice %arg12[%add3A_78, %dma_wait3A_169] : memref<10240x128xf32, #tpu.memory_space<vmem_shared>> -> memref<40x128xf32, #tpu.memory_space<vmem_shared>>
      tpu.wait_dma2 semaphore(%run_scoped3A_162 : memref<!tpu.dma_semaphore, #tpu.memory_space<semaphore_mem>>) src(%arg11 : memref<40x128xf32, #tpu.memory_space<vmem>>) dst(%dma_wait3A_170 : memref<40x128xf32, #tpu.memory_space<vmem_shared>>)
      tpu.yield
    }) : () -> ()
    %mul3A_79 = arith.constant 640 : i32
    %mul3A_80 = arith.muli %arg1, %mul3A_79 : i32
    %add3A_81 = arith.constant 440 : i32
    %add3A_82 = arith.addi %mul3A_80, %add3A_81 : i32
    "tpu.region"() ({
      %run_scoped3A_162 = tpu.sem_alloc : memref<!tpu.dma_semaphore, #tpu.memory_space<semaphore_mem>>
      %dma_start3A_163 = arith.constant 0 : i32
      %dma_start3A_164 = tpu.memref_slice %arg12[%add3A_82, %dma_start3A_163] : memref<10240x128xf32, #tpu.memory_space<vmem_shared>> -> memref<40x128xf32, #tpu.memory_space<vmem_shared>>
      %dma_start3A_165 = arith.constant 0 : i32
      %dma_start3A_166 = tpu.memref_slice %arg12[%add3A_82, %dma_start3A_165] : memref<10240x128xf32, #tpu.memory_space<vmem_shared>> -> memref<40x128xf32, #tpu.memory_space<vmem_shared>>
      tpu.enqueue_dma source(%arg11 : memref<40x128xf32, #tpu.memory_space<vmem>>) target(%dma_start3A_166 : memref<40x128xf32, #tpu.memory_space<vmem_shared>>) target_semaphore(%run_scoped3A_162 : memref<!tpu.dma_semaphore, #tpu.memory_space<semaphore_mem>>)
      %dma_wait3A_167 = arith.constant 0 : i32
      %dma_wait3A_168 = tpu.memref_slice %arg12[%add3A_82, %dma_wait3A_167] : memref<10240x128xf32, #tpu.memory_space<vmem_shared>> -> memref<40x128xf32, #tpu.memory_space<vmem_shared>>
      %dma_wait3A_169 = arith.constant 0 : i32
      %dma_wait3A_170 = tpu.memref_slice %arg12[%add3A_82, %dma_wait3A_169] : memref<10240x128xf32, #tpu.memory_space<vmem_shared>> -> memref<40x128xf32, #tpu.memory_space<vmem_shared>>
      tpu.wait_dma2 semaphore(%run_scoped3A_162 : memref<!tpu.dma_semaphore, #tpu.memory_space<semaphore_mem>>) src(%arg11 : memref<40x128xf32, #tpu.memory_space<vmem>>) dst(%dma_wait3A_170 : memref<40x128xf32, #tpu.memory_space<vmem_shared>>)
      tpu.yield
    }) : () -> ()
    %mul3A_83 = arith.constant 640 : i32
    %mul3A_84 = arith.muli %arg1, %mul3A_83 : i32
    %add3A_85 = arith.constant 480 : i32
    %add3A_86 = arith.addi %mul3A_84, %add3A_85 : i32
    "tpu.region"() ({
      %run_scoped3A_162 = tpu.sem_alloc : memref<!tpu.dma_semaphore, #tpu.memory_space<semaphore_mem>>
      %dma_start3A_163 = arith.constant 0 : i32
      %dma_start3A_164 = tpu.memref_slice %arg12[%add3A_86, %dma_start3A_163] : memref<10240x128xf32, #tpu.memory_space<vmem_shared>> -> memref<40x128xf32, #tpu.memory_space<vmem_shared>>
      %dma_start3A_165 = arith.constant 0 : i32
      %dma_start3A_166 = tpu.memref_slice %arg12[%add3A_86, %dma_start3A_165] : memref<10240x128xf32, #tpu.memory_space<vmem_shared>> -> memref<40x128xf32, #tpu.memory_space<vmem_shared>>
      tpu.enqueue_dma source(%arg11 : memref<40x128xf32, #tpu.memory_space<vmem>>) target(%dma_start3A_166 : memref<40x128xf32, #tpu.memory_space<vmem_shared>>) target_semaphore(%run_scoped3A_162 : memref<!tpu.dma_semaphore, #tpu.memory_space<semaphore_mem>>)
      %dma_wait3A_167 = arith.constant 0 : i32
      %dma_wait3A_168 = tpu.memref_slice %arg12[%add3A_86, %dma_wait3A_167] : memref<10240x128xf32, #tpu.memory_space<vmem_shared>> -> memref<40x128xf32, #tpu.memory_space<vmem_shared>>
      %dma_wait3A_169 = arith.constant 0 : i32
      %dma_wait3A_170 = tpu.memref_slice %arg12[%add3A_86, %dma_wait3A_169] : memref<10240x128xf32, #tpu.memory_space<vmem_shared>> -> memref<40x128xf32, #tpu.memory_space<vmem_shared>>
      tpu.wait_dma2 semaphore(%run_scoped3A_162 : memref<!tpu.dma_semaphore, #tpu.memory_space<semaphore_mem>>) src(%arg11 : memref<40x128xf32, #tpu.memory_space<vmem>>) dst(%dma_wait3A_170 : memref<40x128xf32, #tpu.memory_space<vmem_shared>>)
      tpu.yield
    }) : () -> ()
    %mul3A_87 = arith.constant 640 : i32
    %mul3A_88 = arith.muli %arg1, %mul3A_87 : i32
    %add3A_89 = arith.constant 520 : i32
    %add3A_90 = arith.addi %mul3A_88, %add3A_89 : i32
    "tpu.region"() ({
      %run_scoped3A_162 = tpu.sem_alloc : memref<!tpu.dma_semaphore, #tpu.memory_space<semaphore_mem>>
      %dma_start3A_163 = arith.constant 0 : i32
      %dma_start3A_164 = tpu.memref_slice %arg12[%add3A_90, %dma_start3A_163] : memref<10240x128xf32, #tpu.memory_space<vmem_shared>> -> memref<40x128xf32, #tpu.memory_space<vmem_shared>>
      %dma_start3A_165 = arith.constant 0 : i32
      %dma_start3A_166 = tpu.memref_slice %arg12[%add3A_90, %dma_start3A_165] : memref<10240x128xf32, #tpu.memory_space<vmem_shared>> -> memref<40x128xf32, #tpu.memory_space<vmem_shared>>
      tpu.enqueue_dma source(%arg11 : memref<40x128xf32, #tpu.memory_space<vmem>>) target(%dma_start3A_166 : memref<40x128xf32, #tpu.memory_space<vmem_shared>>) target_semaphore(%run_scoped3A_162 : memref<!tpu.dma_semaphore, #tpu.memory_space<semaphore_mem>>)
      %dma_wait3A_167 = arith.constant 0 : i32
      %dma_wait3A_168 = tpu.memref_slice %arg12[%add3A_90, %dma_wait3A_167] : memref<10240x128xf32, #tpu.memory_space<vmem_shared>> -> memref<40x128xf32, #tpu.memory_space<vmem_shared>>
      %dma_wait3A_169 = arith.constant 0 : i32
      %dma_wait3A_170 = tpu.memref_slice %arg12[%add3A_90, %dma_wait3A_169] : memref<10240x128xf32, #tpu.memory_space<vmem_shared>> -> memref<40x128xf32, #tpu.memory_space<vmem_shared>>
      tpu.wait_dma2 semaphore(%run_scoped3A_162 : memref<!tpu.dma_semaphore, #tpu.memory_space<semaphore_mem>>) src(%arg11 : memref<40x128xf32, #tpu.memory_space<vmem>>) dst(%dma_wait3A_170 : memref<40x128xf32, #tpu.memory_space<vmem_shared>>)
      tpu.yield
    }) : () -> ()
    %mul3A_91 = arith.constant 640 : i32
    %mul3A_92 = arith.muli %arg1, %mul3A_91 : i32
    %add3A_93 = arith.constant 560 : i32
    %add3A_94 = arith.addi %mul3A_92, %add3A_93 : i32
    "tpu.region"() ({
      %run_scoped3A_162 = tpu.sem_alloc : memref<!tpu.dma_semaphore, #tpu.memory_space<semaphore_mem>>
      %dma_start3A_163 = arith.constant 0 : i32
      %dma_start3A_164 = tpu.memref_slice %arg12[%add3A_94, %dma_start3A_163] : memref<10240x128xf32, #tpu.memory_space<vmem_shared>> -> memref<40x128xf32, #tpu.memory_space<vmem_shared>>
      %dma_start3A_165 = arith.constant 0 : i32
      %dma_start3A_166 = tpu.memref_slice %arg12[%add3A_94, %dma_start3A_165] : memref<10240x128xf32, #tpu.memory_space<vmem_shared>> -> memref<40x128xf32, #tpu.memory_space<vmem_shared>>
      tpu.enqueue_dma source(%arg11 : memref<40x128xf32, #tpu.memory_space<vmem>>) target(%dma_start3A_166 : memref<40x128xf32, #tpu.memory_space<vmem_shared>>) target_semaphore(%run_scoped3A_162 : memref<!tpu.dma_semaphore, #tpu.memory_space<semaphore_mem>>)
      %dma_wait3A_167 = arith.constant 0 : i32
      %dma_wait3A_168 = tpu.memref_slice %arg12[%add3A_94, %dma_wait3A_167] : memref<10240x128xf32, #tpu.memory_space<vmem_shared>> -> memref<40x128xf32, #tpu.memory_space<vmem_shared>>
      %dma_wait3A_169 = arith.constant 0 : i32
      %dma_wait3A_170 = tpu.memref_slice %arg12[%add3A_94, %dma_wait3A_169] : memref<10240x128xf32, #tpu.memory_space<vmem_shared>> -> memref<40x128xf32, #tpu.memory_space<vmem_shared>>
      tpu.wait_dma2 semaphore(%run_scoped3A_162 : memref<!tpu.dma_semaphore, #tpu.memory_space<semaphore_mem>>) src(%arg11 : memref<40x128xf32, #tpu.memory_space<vmem>>) dst(%dma_wait3A_170 : memref<40x128xf32, #tpu.memory_space<vmem_shared>>)
      tpu.yield
    }) : () -> ()
    %mul3A_95 = arith.constant 640 : i32
    %mul3A_96 = arith.muli %arg1, %mul3A_95 : i32
    %add3A_97 = arith.constant 600 : i32
    %add3A_98 = arith.addi %mul3A_96, %add3A_97 : i32
    "tpu.region"() ({
      %run_scoped3A_162 = tpu.sem_alloc : memref<!tpu.dma_semaphore, #tpu.memory_space<semaphore_mem>>
      %dma_start3A_163 = arith.constant 0 : i32
      %dma_start3A_164 = tpu.memref_slice %arg12[%add3A_98, %dma_start3A_163] : memref<10240x128xf32, #tpu.memory_space<vmem_shared>> -> memref<40x128xf32, #tpu.memory_space<vmem_shared>>
      %dma_start3A_165 = arith.constant 0 : i32
      %dma_start3A_166 = tpu.memref_slice %arg12[%add3A_98, %dma_start3A_165] : memref<10240x128xf32, #tpu.memory_space<vmem_shared>> -> memref<40x128xf32, #tpu.memory_space<vmem_shared>>
      tpu.enqueue_dma source(%arg11 : memref<40x128xf32, #tpu.memory_space<vmem>>) target(%dma_start3A_166 : memref<40x128xf32, #tpu.memory_space<vmem_shared>>) target_semaphore(%run_scoped3A_162 : memref<!tpu.dma_semaphore, #tpu.memory_space<semaphore_mem>>)
      %dma_wait3A_167 = arith.constant 0 : i32
      %dma_wait3A_168 = tpu.memref_slice %arg12[%add3A_98, %dma_wait3A_167] : memref<10240x128xf32, #tpu.memory_space<vmem_shared>> -> memref<40x128xf32, #tpu.memory_space<vmem_shared>>
      %dma_wait3A_169 = arith.constant 0 : i32
      %dma_wait3A_170 = tpu.memref_slice %arg12[%add3A_98, %dma_wait3A_169] : memref<10240x128xf32, #tpu.memory_space<vmem_shared>> -> memref<40x128xf32, #tpu.memory_space<vmem_shared>>
      tpu.wait_dma2 semaphore(%run_scoped3A_162 : memref<!tpu.dma_semaphore, #tpu.memory_space<semaphore_mem>>) src(%arg11 : memref<40x128xf32, #tpu.memory_space<vmem>>) dst(%dma_wait3A_170 : memref<40x128xf32, #tpu.memory_space<vmem_shared>>)
      tpu.yield
    }) : () -> ()
    %dma_wait3A = arith.constant 0 : i32
    %dma_wait3A_99 = arith.constant 0 : i32
    %dma_wait3A_100 = tpu.memref_slice %arg3[%add3A, %dma_wait3A, %dma_wait3A_99] : memref<32x80x125xi32, #tpu.memory_space<hbm>> -> memref<1x80x125xi32, #tpu.memory_space<hbm>>
    %dma_wait3A_101 = tpu.memref_squeeze %dma_wait3A_100 : memref<1x80x125xi32, #tpu.memory_space<hbm>> -> memref<80x125xi32, #tpu.memory_space<hbm>>
    %dma_wait3A_102 = arith.constant 0 : i32
    %dma_wait3A_103 = arith.constant 0 : i32
    %dma_wait3A_104 = tpu.memref_slice %dma_wait3A_101[%dma_wait3A_102, %dma_wait3A_103] : memref<80x125xi32, #tpu.memory_space<hbm>> -> memref<40x125xi32, #tpu.memory_space<hbm>>
    %dma_wait3A_105 = arith.constant 0 : i32
    %dma_wait3A_106 = arith.constant 0 : i32
    %dma_wait3A_107 = tpu.memref_slice %arg3[%add3A, %dma_wait3A_105, %dma_wait3A_106] : memref<32x80x125xi32, #tpu.memory_space<hbm>> -> memref<1x80x125xi32, #tpu.memory_space<hbm>>
    %dma_wait3A_108 = tpu.memref_squeeze %dma_wait3A_107 : memref<1x80x125xi32, #tpu.memory_space<hbm>> -> memref<80x125xi32, #tpu.memory_space<hbm>>
    %dma_wait3A_109 = arith.constant 0 : i32
    %dma_wait3A_110 = arith.constant 0 : i32
    %dma_wait3A_111 = tpu.memref_slice %dma_wait3A_108[%dma_wait3A_109, %dma_wait3A_110] : memref<80x125xi32, #tpu.memory_space<hbm>> -> memref<40x125xi32, #tpu.memory_space<hbm>>
    tpu.wait_dma2 semaphore(%arg13 : memref<!tpu.dma_semaphore, #tpu.memory_space<semaphore_mem>>) src(%dma_wait3A_111 : memref<40x125xi32, #tpu.memory_space<hbm>>) dst(%arg7 : memref<40x125xi32, #tpu.memory_space<vmem>>)
    %dma_wait3A_112 = arith.constant 0 : i32
    %dma_wait3A_113 = arith.constant 0 : i32
    %dma_wait3A_114 = tpu.memref_slice %arg4[%add3A, %dma_wait3A_112, %dma_wait3A_113] : memref<32x80x125xi32, #tpu.memory_space<hbm>> -> memref<1x80x125xi32, #tpu.memory_space<hbm>>
    %dma_wait3A_115 = tpu.memref_squeeze %dma_wait3A_114 : memref<1x80x125xi32, #tpu.memory_space<hbm>> -> memref<80x125xi32, #tpu.memory_space<hbm>>
    %dma_wait3A_116 = arith.constant 0 : i32
    %dma_wait3A_117 = arith.constant 0 : i32
    %dma_wait3A_118 = tpu.memref_slice %dma_wait3A_115[%dma_wait3A_116, %dma_wait3A_117] : memref<80x125xi32, #tpu.memory_space<hbm>> -> memref<40x125xi32, #tpu.memory_space<hbm>>
    %dma_wait3A_119 = arith.constant 0 : i32
    %dma_wait3A_120 = arith.constant 0 : i32
    %dma_wait3A_121 = tpu.memref_slice %arg4[%add3A, %dma_wait3A_119, %dma_wait3A_120] : memref<32x80x125xi32, #tpu.memory_space<hbm>> -> memref<1x80x125xi32, #tpu.memory_space<hbm>>
    %dma_wait3A_122 = tpu.memref_squeeze %dma_wait3A_121 : memref<1x80x125xi32, #tpu.memory_space<hbm>> -> memref<80x125xi32, #tpu.memory_space<hbm>>
    %dma_wait3A_123 = arith.constant 0 : i32
    %dma_wait3A_124 = arith.constant 0 : i32
    %dma_wait3A_125 = tpu.memref_slice %dma_wait3A_122[%dma_wait3A_123, %dma_wait3A_124] : memref<80x125xi32, #tpu.memory_space<hbm>> -> memref<40x125xi32, #tpu.memory_space<hbm>>
    tpu.wait_dma2 semaphore(%arg14 : memref<!tpu.dma_semaphore, #tpu.memory_space<semaphore_mem>>) src(%dma_wait3A_125 : memref<40x125xi32, #tpu.memory_space<hbm>>) dst(%arg8 : memref<40x125xi32, #tpu.memory_space<vmem>>)
    %barrier3A = arith.constant 0 : index
    tpu.barrier barrier_id(%barrier3A)
    %run_scoped3A = arith.constant 0 : i32
    "tpu.region"() ({
      %run_scoped3A_162 = tpu.sem_alloc : memref<!tpu.dma_semaphore, #tpu.memory_space<semaphore_mem>>
      %dma_start3A_163 = arith.constant 0 : i32
      %dma_start3A_164 = tpu.memref_slice %arg7[%run_scoped3A, %dma_start3A_163] : memref<40x125xi32, #tpu.memory_space<vmem>> -> memref<1x125xi32, #tpu.memory_space<vmem>>
      %dma_start3A_165 = tpu.memref_squeeze %dma_start3A_164 : memref<1x125xi32, #tpu.memory_space<vmem>> -> memref<125xi32, #tpu.memory_space<vmem>>
      %dma_start3A_166 = arith.constant 0 : i32
      %dma_start3A_167 = arith.constant 0 : i32
      %dma_start3A_168 = tpu.memref_slice %arg2[%dma_start3A_166, %dma_start3A_167] : memref<10240x128xf32, #tpu.memory_space<hbm>> -> memref<10240x128xf32, #tpu.memory_space<hbm>>
      tpu.enqueue_indirect_dma source(%dma_start3A_168 : memref<10240x128xf32, #tpu.memory_space<hbm>>) target(%arg9 : memref<125x128xf32, #tpu.memory_space<vmem>>) offsets(%dma_start3A_165 : memref<125xi32, #tpu.memory_space<vmem>>) semaphore(%run_scoped3A_162 : memref<!tpu.dma_semaphore, #tpu.memory_space<semaphore_mem>>)
      %dma_wait3A_169 = arith.constant 0 : i32
      %dma_wait3A_170 = tpu.memref_slice %arg7[%run_scoped3A, %dma_wait3A_169] : memref<40x125xi32, #tpu.memory_space<vmem>> -> memref<1x125xi32, #tpu.memory_space<vmem>>
      %dma_wait3A_171 = tpu.memref_squeeze %dma_wait3A_170 : memref<1x125xi32, #tpu.memory_space<vmem>> -> memref<125xi32, #tpu.memory_space<vmem>>
      %dma_wait3A_172 = arith.constant 0 : i32
      %dma_wait3A_173 = arith.constant 0 : i32
      %dma_wait3A_174 = tpu.memref_slice %arg2[%dma_wait3A_172, %dma_wait3A_173] : memref<10240x128xf32, #tpu.memory_space<hbm>> -> memref<10240x128xf32, #tpu.memory_space<hbm>>
      tpu.wait_indirect_dma semaphore(%run_scoped3A_162 : memref<!tpu.dma_semaphore, #tpu.memory_space<semaphore_mem>>) src(%dma_wait3A_174 : memref<10240x128xf32, #tpu.memory_space<hbm>>) dst(%arg9 : memref<125x128xf32, #tpu.memory_space<vmem>>)
      tpu.yield
    }) : () -> ()
    %dma_start3A_126 = arith.constant 0 : i32
    %dma_start3A_127 = arith.constant 0 : i32
    %dma_start3A_128 = tpu.memref_slice %arg8[%dma_start3A_126, %dma_start3A_127] : memref<40x125xi32, #tpu.memory_space<vmem>> -> memref<1x125xi32, #tpu.memory_space<vmem>>
    %dma_start3A_129 = tpu.memref_squeeze %dma_start3A_128 : memref<1x125xi32, #tpu.memory_space<vmem>> -> memref<125xi32, #tpu.memory_space<vmem>>
    %dma_start3A_130 = arith.constant 0 : i32
    %dma_start3A_131 = arith.constant 0 : i32
    %dma_start3A_132 = tpu.memref_slice %arg12[%dma_start3A_130, %dma_start3A_131] : memref<10240x128xf32, #tpu.memory_space<vmem_shared>> -> memref<10240x128xf32, #tpu.memory_space<vmem_shared>>
    tpu.enqueue_indirect_dma source(%arg9 : memref<125x128xf32, #tpu.memory_space<vmem>>) target(%dma_start3A_132 : memref<10240x128xf32, #tpu.memory_space<vmem_shared>>) offsets(%dma_start3A_129 : memref<125xi32, #tpu.memory_space<vmem>>) semaphore(%arg13 : memref<!tpu.dma_semaphore, #tpu.memory_space<semaphore_mem>>) {add = true}
    %scan3A_133 = arith.constant 0 : i32
    %scan3A_134 = arith.constant 0 : i32
    %scan3A_135 = arith.constant 20 : i32
    %scan3A_136 = arith.addi %scan3A_134, %scan3A_135 : i32
    %scan3A_137 = arith.constant 1 : i32
    %scan3A_138 = scf.for %scan3A_162 = %scan3A_134 to %scan3A_136 step %scan3A_137 iter_args(%scan3A_163 = %scan3A_133) -> (i32)  : i32 {
      %mul3A_164 = arith.constant 2 : i32
      %mul3A_165 = arith.muli %mul3A_164, %scan3A_162 : i32
      %add3A_166 = arith.constant 1 : i32
      %add3A_167 = arith.addi %mul3A_165, %add3A_166 : i32
      %add3A_168 = arith.constant 1 : i32
      %add3A_169 = arith.addi %add3A_167, %add3A_168 : i32
      "tpu.region"() ({
        %run_scoped3A_194 = tpu.sem_alloc : memref<!tpu.dma_semaphore, #tpu.memory_space<semaphore_mem>>
        %dma_start3A_195 = arith.constant 0 : i32
        %dma_start3A_196 = tpu.memref_slice %arg7[%add3A_167, %dma_start3A_195] : memref<40x125xi32, #tpu.memory_space<vmem>> -> memref<1x125xi32, #tpu.memory_space<vmem>>
        %dma_start3A_197 = tpu.memref_squeeze %dma_start3A_196 : memref<1x125xi32, #tpu.memory_space<vmem>> -> memref<125xi32, #tpu.memory_space<vmem>>
        %dma_start3A_198 = arith.constant 0 : i32
        %dma_start3A_199 = arith.constant 0 : i32
        %dma_start3A_200 = tpu.memref_slice %arg2[%dma_start3A_198, %dma_start3A_199] : memref<10240x128xf32, #tpu.memory_space<hbm>> -> memref<10240x128xf32, #tpu.memory_space<hbm>>
        tpu.enqueue_indirect_dma source(%dma_start3A_200 : memref<10240x128xf32, #tpu.memory_space<hbm>>) target(%arg10 : memref<125x128xf32, #tpu.memory_space<vmem>>) offsets(%dma_start3A_197 : memref<125xi32, #tpu.memory_space<vmem>>) semaphore(%run_scoped3A_194 : memref<!tpu.dma_semaphore, #tpu.memory_space<semaphore_mem>>)
        %dma_wait3A_201 = arith.constant 0 : i32
        %dma_wait3A_202 = tpu.memref_slice %arg7[%add3A_167, %dma_wait3A_201] : memref<40x125xi32, #tpu.memory_space<vmem>> -> memref<1x125xi32, #tpu.memory_space<vmem>>
        %dma_wait3A_203 = tpu.memref_squeeze %dma_wait3A_202 : memref<1x125xi32, #tpu.memory_space<vmem>> -> memref<125xi32, #tpu.memory_space<vmem>>
        %dma_wait3A_204 = arith.constant 0 : i32
        %dma_wait3A_205 = arith.constant 0 : i32
        %dma_wait3A_206 = tpu.memref_slice %arg2[%dma_wait3A_204, %dma_wait3A_205] : memref<10240x128xf32, #tpu.memory_space<hbm>> -> memref<10240x128xf32, #tpu.memory_space<hbm>>
        tpu.wait_indirect_dma semaphore(%run_scoped3A_194 : memref<!tpu.dma_semaphore, #tpu.memory_space<semaphore_mem>>) src(%dma_wait3A_206 : memref<10240x128xf32, #tpu.memory_space<hbm>>) dst(%arg10 : memref<125x128xf32, #tpu.memory_space<vmem>>)
        tpu.yield
      }) : () -> ()
      %dma_start3A_170 = arith.constant 0 : i32
      %dma_start3A_171 = tpu.memref_slice %arg8[%add3A_167, %dma_start3A_170] : memref<40x125xi32, #tpu.memory_space<vmem>> -> memref<1x125xi32, #tpu.memory_space<vmem>>
      %dma_start3A_172 = tpu.memref_squeeze %dma_start3A_171 : memref<1x125xi32, #tpu.memory_space<vmem>> -> memref<125xi32, #tpu.memory_space<vmem>>
      %dma_start3A_173 = arith.constant 0 : i32
      %dma_start3A_174 = arith.constant 0 : i32
      %dma_start3A_175 = tpu.memref_slice %arg12[%dma_start3A_173, %dma_start3A_174] : memref<10240x128xf32, #tpu.memory_space<vmem_shared>> -> memref<10240x128xf32, #tpu.memory_space<vmem_shared>>
      tpu.enqueue_indirect_dma source(%arg10 : memref<125x128xf32, #tpu.memory_space<vmem>>) target(%dma_start3A_175 : memref<10240x128xf32, #tpu.memory_space<vmem_shared>>) offsets(%dma_start3A_172 : memref<125xi32, #tpu.memory_space<vmem>>) semaphore(%arg14 : memref<!tpu.dma_semaphore, #tpu.memory_space<semaphore_mem>>) {add = true}
      %sub3A = arith.constant 1 : i32
      %sub3A_176 = arith.subi %add3A_167, %sub3A : i32
      %dma_wait3A_177 = arith.constant 0 : i32
      %dma_wait3A_178 = tpu.memref_slice %arg8[%sub3A_176, %dma_wait3A_177] : memref<40x125xi32, #tpu.memory_space<vmem>> -> memref<1x125xi32, #tpu.memory_space<vmem>>
      %dma_wait3A_179 = tpu.memref_squeeze %dma_wait3A_178 : memref<1x125xi32, #tpu.memory_space<vmem>> -> memref<125xi32, #tpu.memory_space<vmem>>
      %dma_wait3A_180 = arith.constant 0 : i32
      %dma_wait3A_181 = arith.constant 0 : i32
      %dma_wait3A_182 = tpu.memref_slice %arg12[%dma_wait3A_180, %dma_wait3A_181] : memref<10240x128xf32, #tpu.memory_space<vmem_shared>> -> memref<10240x128xf32, #tpu.memory_space<vmem_shared>>
      tpu.wait_indirect_dma semaphore(%arg13 : memref<!tpu.dma_semaphore, #tpu.memory_space<semaphore_mem>>) src(%arg9 : memref<125x128xf32, #tpu.memory_space<vmem>>) dst(%dma_wait3A_182 : memref<10240x128xf32, #tpu.memory_space<vmem_shared>>)
      %lt3A = arith.constant 40 : i32
      %lt3A_183 = arith.cmpi slt, %add3A_169, %lt3A : i32
      %convert_element_type3A_184 = arith.extui %lt3A_183 : i1 to i32
      %cond3A_185 = arith.constant 0 : i32
      %cond3A_186 = arith.cmpi ne, %convert_element_type3A_184, %cond3A_185 : i32
      scf.if %cond3A_186 {
        "tpu.region"() ({
          %run_scoped3A_200 = tpu.sem_alloc : memref<!tpu.dma_semaphore, #tpu.memory_space<semaphore_mem>>
          %dma_start3A_201 = arith.constant 0 : i32
          %dma_start3A_202 = tpu.memref_slice %arg7[%add3A_169, %dma_start3A_201] : memref<40x125xi32, #tpu.memory_space<vmem>> -> memref<1x125xi32, #tpu.memory_space<vmem>>
          %dma_start3A_203 = tpu.memref_squeeze %dma_start3A_202 : memref<1x125xi32, #tpu.memory_space<vmem>> -> memref<125xi32, #tpu.memory_space<vmem>>
          %dma_start3A_204 = arith.constant 0 : i32
          %dma_start3A_205 = arith.constant 0 : i32
          %dma_start3A_206 = tpu.memref_slice %arg2[%dma_start3A_204, %dma_start3A_205] : memref<10240x128xf32, #tpu.memory_space<hbm>> -> memref<10240x128xf32, #tpu.memory_space<hbm>>
          tpu.enqueue_indirect_dma source(%dma_start3A_206 : memref<10240x128xf32, #tpu.memory_space<hbm>>) target(%arg9 : memref<125x128xf32, #tpu.memory_space<vmem>>) offsets(%dma_start3A_203 : memref<125xi32, #tpu.memory_space<vmem>>) semaphore(%run_scoped3A_200 : memref<!tpu.dma_semaphore, #tpu.memory_space<semaphore_mem>>)
          %dma_wait3A_207 = arith.constant 0 : i32
          %dma_wait3A_208 = tpu.memref_slice %arg7[%add3A_169, %dma_wait3A_207] : memref<40x125xi32, #tpu.memory_space<vmem>> -> memref<1x125xi32, #tpu.memory_space<vmem>>
          %dma_wait3A_209 = tpu.memref_squeeze %dma_wait3A_208 : memref<1x125xi32, #tpu.memory_space<vmem>> -> memref<125xi32, #tpu.memory_space<vmem>>
          %dma_wait3A_210 = arith.constant 0 : i32
          %dma_wait3A_211 = arith.constant 0 : i32
          %dma_wait3A_212 = tpu.memref_slice %arg2[%dma_wait3A_210, %dma_wait3A_211] : memref<10240x128xf32, #tpu.memory_space<hbm>> -> memref<10240x128xf32, #tpu.memory_space<hbm>>
          tpu.wait_indirect_dma semaphore(%run_scoped3A_200 : memref<!tpu.dma_semaphore, #tpu.memory_space<semaphore_mem>>) src(%dma_wait3A_212 : memref<10240x128xf32, #tpu.memory_space<hbm>>) dst(%arg9 : memref<125x128xf32, #tpu.memory_space<vmem>>)
          tpu.yield
        }) : () -> ()
        %dma_start3A_194 = arith.constant 0 : i32
        %dma_start3A_195 = tpu.memref_slice %arg8[%add3A_169, %dma_start3A_194] : memref<40x125xi32, #tpu.memory_space<vmem>> -> memref<1x125xi32, #tpu.memory_space<vmem>>
        %dma_start3A_196 = tpu.memref_squeeze %dma_start3A_195 : memref<1x125xi32, #tpu.memory_space<vmem>> -> memref<125xi32, #tpu.memory_space<vmem>>
        %dma_start3A_197 = arith.constant 0 : i32
        %dma_start3A_198 = arith.constant 0 : i32
        %dma_start3A_199 = tpu.memref_slice %arg12[%dma_start3A_197, %dma_start3A_198] : memref<10240x128xf32, #tpu.memory_space<vmem_shared>> -> memref<10240x128xf32, #tpu.memory_space<vmem_shared>>
        tpu.enqueue_indirect_dma source(%arg9 : memref<125x128xf32, #tpu.memory_space<vmem>>) target(%dma_start3A_199 : memref<10240x128xf32, #tpu.memory_space<vmem_shared>>) offsets(%dma_start3A_196 : memref<125xi32, #tpu.memory_space<vmem>>) semaphore(%arg13 : memref<!tpu.dma_semaphore, #tpu.memory_space<semaphore_mem>>) {add = true}
      } else {
      }
      %dma_wait3A_187 = arith.constant 0 : i32
      %dma_wait3A_188 = tpu.memref_slice %arg8[%add3A_167, %dma_wait3A_187] : memref<40x125xi32, #tpu.memory_space<vmem>> -> memref<1x125xi32, #tpu.memory_space<vmem>>
      %dma_wait3A_189 = tpu.memref_squeeze %dma_wait3A_188 : memref<1x125xi32, #tpu.memory_space<vmem>> -> memref<125xi32, #tpu.memory_space<vmem>>
      %dma_wait3A_190 = arith.constant 0 : i32
      %dma_wait3A_191 = arith.constant 0 : i32
      %dma_wait3A_192 = tpu.memref_slice %arg12[%dma_wait3A_190, %dma_wait3A_191] : memref<10240x128xf32, #tpu.memory_space<vmem_shared>> -> memref<10240x128xf32, #tpu.memory_space<vmem_shared>>
      tpu.wait_indirect_dma semaphore(%arg14 : memref<!tpu.dma_semaphore, #tpu.memory_space<semaphore_mem>>) src(%arg10 : memref<125x128xf32, #tpu.memory_space<vmem>>) dst(%dma_wait3A_192 : memref<10240x128xf32, #tpu.memory_space<vmem_shared>>)
      %scan3A_193 = arith.constant 0 : i32
      scf.yield %scan3A_193 : i32
    }
    %scan3A_139 = arith.constant 20 : i32
    "tpu.region"() ({
      %run_scoped3A_162 = tpu.sem_alloc : memref<!tpu.dma_semaphore, #tpu.memory_space<semaphore_mem>>
      %dma_start3A_163 = arith.constant 0 : i32
      %dma_start3A_164 = arith.constant 0 : i32
      %dma_start3A_165 = tpu.memref_slice %arg3[%add3A, %dma_start3A_163, %dma_start3A_164] : memref<32x80x125xi32, #tpu.memory_space<hbm>> -> memref<1x80x125xi32, #tpu.memory_space<hbm>>
      %dma_start3A_166 = tpu.memref_squeeze %dma_start3A_165 : memref<1x80x125xi32, #tpu.memory_space<hbm>> -> memref<80x125xi32, #tpu.memory_space<hbm>>
      %dma_start3A_167 = arith.constant 40 : i32
      %dma_start3A_168 = arith.constant 0 : i32
      %dma_start3A_169 = tpu.memref_slice %dma_start3A_166[%dma_start3A_167, %dma_start3A_168] : memref<80x125xi32, #tpu.memory_space<hbm>> -> memref<40x125xi32, #tpu.memory_space<hbm>>
      %dma_start3A_170 = arith.constant 0 : i32
      %dma_start3A_171 = arith.constant 0 : i32
      %dma_start3A_172 = tpu.memref_slice %arg3[%add3A, %dma_start3A_170, %dma_start3A_171] : memref<32x80x125xi32, #tpu.memory_space<hbm>> -> memref<1x80x125xi32, #tpu.memory_space<hbm>>
      %dma_start3A_173 = tpu.memref_squeeze %dma_start3A_172 : memref<1x80x125xi32, #tpu.memory_space<hbm>> -> memref<80x125xi32, #tpu.memory_space<hbm>>
      %dma_start3A_174 = arith.constant 40 : i32
      %dma_start3A_175 = arith.constant 0 : i32
      %dma_start3A_176 = tpu.memref_slice %dma_start3A_173[%dma_start3A_174, %dma_start3A_175] : memref<80x125xi32, #tpu.memory_space<hbm>> -> memref<40x125xi32, #tpu.memory_space<hbm>>
      tpu.enqueue_dma source(%dma_start3A_176 : memref<40x125xi32, #tpu.memory_space<hbm>>) target(%arg7 : memref<40x125xi32, #tpu.memory_space<vmem>>) target_semaphore(%run_scoped3A_162 : memref<!tpu.dma_semaphore, #tpu.memory_space<semaphore_mem>>)
      %dma_wait3A_177 = arith.constant 0 : i32
      %dma_wait3A_178 = arith.constant 0 : i32
      %dma_wait3A_179 = tpu.memref_slice %arg3[%add3A, %dma_wait3A_177, %dma_wait3A_178] : memref<32x80x125xi32, #tpu.memory_space<hbm>> -> memref<1x80x125xi32, #tpu.memory_space<hbm>>
      %dma_wait3A_180 = tpu.memref_squeeze %dma_wait3A_179 : memref<1x80x125xi32, #tpu.memory_space<hbm>> -> memref<80x125xi32, #tpu.memory_space<hbm>>
      %dma_wait3A_181 = arith.constant 40 : i32
      %dma_wait3A_182 = arith.constant 0 : i32
      %dma_wait3A_183 = tpu.memref_slice %dma_wait3A_180[%dma_wait3A_181, %dma_wait3A_182] : memref<80x125xi32, #tpu.memory_space<hbm>> -> memref<40x125xi32, #tpu.memory_space<hbm>>
      %dma_wait3A_184 = arith.constant 0 : i32
      %dma_wait3A_185 = arith.constant 0 : i32
      %dma_wait3A_186 = tpu.memref_slice %arg3[%add3A, %dma_wait3A_184, %dma_wait3A_185] : memref<32x80x125xi32, #tpu.memory_space<hbm>> -> memref<1x80x125xi32, #tpu.memory_space<hbm>>
      %dma_wait3A_187 = tpu.memref_squeeze %dma_wait3A_186 : memref<1x80x125xi32, #tpu.memory_space<hbm>> -> memref<80x125xi32, #tpu.memory_space<hbm>>
      %dma_wait3A_188 = arith.constant 40 : i32
      %dma_wait3A_189 = arith.constant 0 : i32
      %dma_wait3A_190 = tpu.memref_slice %dma_wait3A_187[%dma_wait3A_188, %dma_wait3A_189] : memref<80x125xi32, #tpu.memory_space<hbm>> -> memref<40x125xi32, #tpu.memory_space<hbm>>
      tpu.wait_dma2 semaphore(%run_scoped3A_162 : memref<!tpu.dma_semaphore, #tpu.memory_space<semaphore_mem>>) src(%dma_wait3A_190 : memref<40x125xi32, #tpu.memory_space<hbm>>) dst(%arg7 : memref<40x125xi32, #tpu.memory_space<vmem>>)
      tpu.yield
    }) : () -> ()
    "tpu.region"() ({
      %run_scoped3A_162 = tpu.sem_alloc : memref<!tpu.dma_semaphore, #tpu.memory_space<semaphore_mem>>
      %dma_start3A_163 = arith.constant 0 : i32
      %dma_start3A_164 = arith.constant 0 : i32
      %dma_start3A_165 = tpu.memref_slice %arg4[%add3A, %dma_start3A_163, %dma_start3A_164] : memref<32x80x125xi32, #tpu.memory_space<hbm>> -> memref<1x80x125xi32, #tpu.memory_space<hbm>>
      %dma_start3A_166 = tpu.memref_squeeze %dma_start3A_165 : memref<1x80x125xi32, #tpu.memory_space<hbm>> -> memref<80x125xi32, #tpu.memory_space<hbm>>
      %dma_start3A_167 = arith.constant 40 : i32
      %dma_start3A_168 = arith.constant 0 : i32
      %dma_start3A_169 = tpu.memref_slice %dma_start3A_166[%dma_start3A_167, %dma_start3A_168] : memref<80x125xi32, #tpu.memory_space<hbm>> -> memref<40x125xi32, #tpu.memory_space<hbm>>
      %dma_start3A_170 = arith.constant 0 : i32
      %dma_start3A_171 = arith.constant 0 : i32
      %dma_start3A_172 = tpu.memref_slice %arg4[%add3A, %dma_start3A_170, %dma_start3A_171] : memref<32x80x125xi32, #tpu.memory_space<hbm>> -> memref<1x80x125xi32, #tpu.memory_space<hbm>>
      %dma_start3A_173 = tpu.memref_squeeze %dma_start3A_172 : memref<1x80x125xi32, #tpu.memory_space<hbm>> -> memref<80x125xi32, #tpu.memory_space<hbm>>
      %dma_start3A_174 = arith.constant 40 : i32
      %dma_start3A_175 = arith.constant 0 : i32
      %dma_start3A_176 = tpu.memref_slice %dma_start3A_173[%dma_start3A_174, %dma_start3A_175] : memref<80x125xi32, #tpu.memory_space<hbm>> -> memref<40x125xi32, #tpu.memory_space<hbm>>
      tpu.enqueue_dma source(%dma_start3A_176 : memref<40x125xi32, #tpu.memory_space<hbm>>) target(%arg8 : memref<40x125xi32, #tpu.memory_space<vmem>>) target_semaphore(%run_scoped3A_162 : memref<!tpu.dma_semaphore, #tpu.memory_space<semaphore_mem>>)
      %dma_wait3A_177 = arith.constant 0 : i32
      %dma_wait3A_178 = arith.constant 0 : i32
      %dma_wait3A_179 = tpu.memref_slice %arg4[%add3A, %dma_wait3A_177, %dma_wait3A_178] : memref<32x80x125xi32, #tpu.memory_space<hbm>> -> memref<1x80x125xi32, #tpu.memory_space<hbm>>
      %dma_wait3A_180 = tpu.memref_squeeze %dma_wait3A_179 : memref<1x80x125xi32, #tpu.memory_space<hbm>> -> memref<80x125xi32, #tpu.memory_space<hbm>>
      %dma_wait3A_181 = arith.constant 40 : i32
      %dma_wait3A_182 = arith.constant 0 : i32
      %dma_wait3A_183 = tpu.memref_slice %dma_wait3A_180[%dma_wait3A_181, %dma_wait3A_182] : memref<80x125xi32, #tpu.memory_space<hbm>> -> memref<40x125xi32, #tpu.memory_space<hbm>>
      %dma_wait3A_184 = arith.constant 0 : i32
      %dma_wait3A_185 = arith.constant 0 : i32
      %dma_wait3A_186 = tpu.memref_slice %arg4[%add3A, %dma_wait3A_184, %dma_wait3A_185] : memref<32x80x125xi32, #tpu.memory_space<hbm>> -> memref<1x80x125xi32, #tpu.memory_space<hbm>>
      %dma_wait3A_187 = tpu.memref_squeeze %dma_wait3A_186 : memref<1x80x125xi32, #tpu.memory_space<hbm>> -> memref<80x125xi32, #tpu.memory_space<hbm>>
      %dma_wait3A_188 = arith.constant 40 : i32
      %dma_wait3A_189 = arith.constant 0 : i32
      %dma_wait3A_190 = tpu.memref_slice %dma_wait3A_187[%dma_wait3A_188, %dma_wait3A_189] : memref<80x125xi32, #tpu.memory_space<hbm>> -> memref<40x125xi32, #tpu.memory_space<hbm>>
      tpu.wait_dma2 semaphore(%run_scoped3A_162 : memref<!tpu.dma_semaphore, #tpu.memory_space<semaphore_mem>>) src(%dma_wait3A_190 : memref<40x125xi32, #tpu.memory_space<hbm>>) dst(%arg8 : memref<40x125xi32, #tpu.memory_space<vmem>>)
      tpu.yield
    }) : () -> ()
    %run_scoped3A_140 = arith.constant 0 : i32
    "tpu.region"() ({
      %run_scoped3A_162 = tpu.sem_alloc : memref<!tpu.dma_semaphore, #tpu.memory_space<semaphore_mem>>
      %dma_start3A_163 = arith.constant 0 : i32
      %dma_start3A_164 = tpu.memref_slice %arg7[%run_scoped3A_140, %dma_start3A_163] : memref<40x125xi32, #tpu.memory_space<vmem>> -> memref<1x125xi32, #tpu.memory_space<vmem>>
      %dma_start3A_165 = tpu.memref_squeeze %dma_start3A_164 : memref<1x125xi32, #tpu.memory_space<vmem>> -> memref<125xi32, #tpu.memory_space<vmem>>
      %dma_start3A_166 = arith.constant 0 : i32
      %dma_start3A_167 = arith.constant 0 : i32
      %dma_start3A_168 = tpu.memref_slice %arg2[%dma_start3A_166, %dma_start3A_167] : memref<10240x128xf32, #tpu.memory_space<hbm>> -> memref<10240x128xf32, #tpu.memory_space<hbm>>
      tpu.enqueue_indirect_dma source(%dma_start3A_168 : memref<10240x128xf32, #tpu.memory_space<hbm>>) target(%arg9 : memref<125x128xf32, #tpu.memory_space<vmem>>) offsets(%dma_start3A_165 : memref<125xi32, #tpu.memory_space<vmem>>) semaphore(%run_scoped3A_162 : memref<!tpu.dma_semaphore, #tpu.memory_space<semaphore_mem>>)
      %dma_wait3A_169 = arith.constant 0 : i32
      %dma_wait3A_170 = tpu.memref_slice %arg7[%run_scoped3A_140, %dma_wait3A_169] : memref<40x125xi32, #tpu.memory_space<vmem>> -> memref<1x125xi32, #tpu.memory_space<vmem>>
      %dma_wait3A_171 = tpu.memref_squeeze %dma_wait3A_170 : memref<1x125xi32, #tpu.memory_space<vmem>> -> memref<125xi32, #tpu.memory_space<vmem>>
      %dma_wait3A_172 = arith.constant 0 : i32
      %dma_wait3A_173 = arith.constant 0 : i32
      %dma_wait3A_174 = tpu.memref_slice %arg2[%dma_wait3A_172, %dma_wait3A_173] : memref<10240x128xf32, #tpu.memory_space<hbm>> -> memref<10240x128xf32, #tpu.memory_space<hbm>>
      tpu.wait_indirect_dma semaphore(%run_scoped3A_162 : memref<!tpu.dma_semaphore, #tpu.memory_space<semaphore_mem>>) src(%dma_wait3A_174 : memref<10240x128xf32, #tpu.memory_space<hbm>>) dst(%arg9 : memref<125x128xf32, #tpu.memory_space<vmem>>)
      tpu.yield
    }) : () -> ()
    %dma_start3A_141 = arith.constant 0 : i32
    %dma_start3A_142 = arith.constant 0 : i32
    %dma_start3A_143 = tpu.memref_slice %arg8[%dma_start3A_141, %dma_start3A_142] : memref<40x125xi32, #tpu.memory_space<vmem>> -> memref<1x125xi32, #tpu.memory_space<vmem>>
    %dma_start3A_144 = tpu.memref_squeeze %dma_start3A_143 : memref<1x125xi32, #tpu.memory_space<vmem>> -> memref<125xi32, #tpu.memory_space<vmem>>
    %dma_start3A_145 = arith.constant 0 : i32
    %dma_start3A_146 = arith.constant 0 : i32
    %dma_start3A_147 = tpu.memref_slice %arg12[%dma_start3A_145, %dma_start3A_146] : memref<10240x128xf32, #tpu.memory_space<vmem_shared>> -> memref<10240x128xf32, #tpu.memory_space<vmem_shared>>
    tpu.enqueue_indirect_dma source(%arg9 : memref<125x128xf32, #tpu.memory_space<vmem>>) target(%dma_start3A_147 : memref<10240x128xf32, #tpu.memory_space<vmem_shared>>) offsets(%dma_start3A_144 : memref<125xi32, #tpu.memory_space<vmem>>) semaphore(%arg13 : memref<!tpu.dma_semaphore, #tpu.memory_space<semaphore_mem>>) {add = true}
    %scan3A_148 = arith.constant 0 : i32
    %scan3A_149 = arith.constant 0 : i32
    %scan3A_150 = arith.constant 20 : i32
    %scan3A_151 = arith.addi %scan3A_149, %scan3A_150 : i32
    %scan3A_152 = arith.constant 1 : i32
    %scan3A_153 = scf.for %scan3A_162 = %scan3A_149 to %scan3A_151 step %scan3A_152 iter_args(%scan3A_163 = %scan3A_148) -> (i32)  : i32 {
      %mul3A_164 = arith.constant 2 : i32
      %mul3A_165 = arith.muli %mul3A_164, %scan3A_162 : i32
      %add3A_166 = arith.constant 1 : i32
      %add3A_167 = arith.addi %mul3A_165, %add3A_166 : i32
      %add3A_168 = arith.constant 1 : i32
      %add3A_169 = arith.addi %add3A_167, %add3A_168 : i32
      "tpu.region"() ({
        %run_scoped3A_194 = tpu.sem_alloc : memref<!tpu.dma_semaphore, #tpu.memory_space<semaphore_mem>>
        %dma_start3A_195 = arith.constant 0 : i32
        %dma_start3A_196 = tpu.memref_slice %arg7[%add3A_167, %dma_start3A_195] : memref<40x125xi32, #tpu.memory_space<vmem>> -> memref<1x125xi32, #tpu.memory_space<vmem>>
        %dma_start3A_197 = tpu.memref_squeeze %dma_start3A_196 : memref<1x125xi32, #tpu.memory_space<vmem>> -> memref<125xi32, #tpu.memory_space<vmem>>
        %dma_start3A_198 = arith.constant 0 : i32
        %dma_start3A_199 = arith.constant 0 : i32
        %dma_start3A_200 = tpu.memref_slice %arg2[%dma_start3A_198, %dma_start3A_199] : memref<10240x128xf32, #tpu.memory_space<hbm>> -> memref<10240x128xf32, #tpu.memory_space<hbm>>
        tpu.enqueue_indirect_dma source(%dma_start3A_200 : memref<10240x128xf32, #tpu.memory_space<hbm>>) target(%arg10 : memref<125x128xf32, #tpu.memory_space<vmem>>) offsets(%dma_start3A_197 : memref<125xi32, #tpu.memory_space<vmem>>) semaphore(%run_scoped3A_194 : memref<!tpu.dma_semaphore, #tpu.memory_space<semaphore_mem>>)
        %dma_wait3A_201 = arith.constant 0 : i32
        %dma_wait3A_202 = tpu.memref_slice %arg7[%add3A_167, %dma_wait3A_201] : memref<40x125xi32, #tpu.memory_space<vmem>> -> memref<1x125xi32, #tpu.memory_space<vmem>>
        %dma_wait3A_203 = tpu.memref_squeeze %dma_wait3A_202 : memref<1x125xi32, #tpu.memory_space<vmem>> -> memref<125xi32, #tpu.memory_space<vmem>>
        %dma_wait3A_204 = arith.constant 0 : i32
        %dma_wait3A_205 = arith.constant 0 : i32
        %dma_wait3A_206 = tpu.memref_slice %arg2[%dma_wait3A_204, %dma_wait3A_205] : memref<10240x128xf32, #tpu.memory_space<hbm>> -> memref<10240x128xf32, #tpu.memory_space<hbm>>
        tpu.wait_indirect_dma semaphore(%run_scoped3A_194 : memref<!tpu.dma_semaphore, #tpu.memory_space<semaphore_mem>>) src(%dma_wait3A_206 : memref<10240x128xf32, #tpu.memory_space<hbm>>) dst(%arg10 : memref<125x128xf32, #tpu.memory_space<vmem>>)
        tpu.yield
      }) : () -> ()
      %dma_start3A_170 = arith.constant 0 : i32
      %dma_start3A_171 = tpu.memref_slice %arg8[%add3A_167, %dma_start3A_170] : memref<40x125xi32, #tpu.memory_space<vmem>> -> memref<1x125xi32, #tpu.memory_space<vmem>>
      %dma_start3A_172 = tpu.memref_squeeze %dma_start3A_171 : memref<1x125xi32, #tpu.memory_space<vmem>> -> memref<125xi32, #tpu.memory_space<vmem>>
      %dma_start3A_173 = arith.constant 0 : i32
      %dma_start3A_174 = arith.constant 0 : i32
      %dma_start3A_175 = tpu.memref_slice %arg12[%dma_start3A_173, %dma_start3A_174] : memref<10240x128xf32, #tpu.memory_space<vmem_shared>> -> memref<10240x128xf32, #tpu.memory_space<vmem_shared>>
      tpu.enqueue_indirect_dma source(%arg10 : memref<125x128xf32, #tpu.memory_space<vmem>>) target(%dma_start3A_175 : memref<10240x128xf32, #tpu.memory_space<vmem_shared>>) offsets(%dma_start3A_172 : memref<125xi32, #tpu.memory_space<vmem>>) semaphore(%arg14 : memref<!tpu.dma_semaphore, #tpu.memory_space<semaphore_mem>>) {add = true}
      %sub3A = arith.constant 1 : i32
      %sub3A_176 = arith.subi %add3A_167, %sub3A : i32
      %dma_wait3A_177 = arith.constant 0 : i32
      %dma_wait3A_178 = tpu.memref_slice %arg8[%sub3A_176, %dma_wait3A_177] : memref<40x125xi32, #tpu.memory_space<vmem>> -> memref<1x125xi32, #tpu.memory_space<vmem>>
      %dma_wait3A_179 = tpu.memref_squeeze %dma_wait3A_178 : memref<1x125xi32, #tpu.memory_space<vmem>> -> memref<125xi32, #tpu.memory_space<vmem>>
      %dma_wait3A_180 = arith.constant 0 : i32
      %dma_wait3A_181 = arith.constant 0 : i32
      %dma_wait3A_182 = tpu.memref_slice %arg12[%dma_wait3A_180, %dma_wait3A_181] : memref<10240x128xf32, #tpu.memory_space<vmem_shared>> -> memref<10240x128xf32, #tpu.memory_space<vmem_shared>>
      tpu.wait_indirect_dma semaphore(%arg13 : memref<!tpu.dma_semaphore, #tpu.memory_space<semaphore_mem>>) src(%arg9 : memref<125x128xf32, #tpu.memory_space<vmem>>) dst(%dma_wait3A_182 : memref<10240x128xf32, #tpu.memory_space<vmem_shared>>)
      %lt3A = arith.constant 40 : i32
      %lt3A_183 = arith.cmpi slt, %add3A_169, %lt3A : i32
      %convert_element_type3A_184 = arith.extui %lt3A_183 : i1 to i32
      %cond3A_185 = arith.constant 0 : i32
      %cond3A_186 = arith.cmpi ne, %convert_element_type3A_184, %cond3A_185 : i32
      scf.if %cond3A_186 {
        "tpu.region"() ({
          %run_scoped3A_200 = tpu.sem_alloc : memref<!tpu.dma_semaphore, #tpu.memory_space<semaphore_mem>>
          %dma_start3A_201 = arith.constant 0 : i32
          %dma_start3A_202 = tpu.memref_slice %arg7[%add3A_169, %dma_start3A_201] : memref<40x125xi32, #tpu.memory_space<vmem>> -> memref<1x125xi32, #tpu.memory_space<vmem>>
          %dma_start3A_203 = tpu.memref_squeeze %dma_start3A_202 : memref<1x125xi32, #tpu.memory_space<vmem>> -> memref<125xi32, #tpu.memory_space<vmem>>
          %dma_start3A_204 = arith.constant 0 : i32
          %dma_start3A_205 = arith.constant 0 : i32
          %dma_start3A_206 = tpu.memref_slice %arg2[%dma_start3A_204, %dma_start3A_205] : memref<10240x128xf32, #tpu.memory_space<hbm>> -> memref<10240x128xf32, #tpu.memory_space<hbm>>
          tpu.enqueue_indirect_dma source(%dma_start3A_206 : memref<10240x128xf32, #tpu.memory_space<hbm>>) target(%arg9 : memref<125x128xf32, #tpu.memory_space<vmem>>) offsets(%dma_start3A_203 : memref<125xi32, #tpu.memory_space<vmem>>) semaphore(%run_scoped3A_200 : memref<!tpu.dma_semaphore, #tpu.memory_space<semaphore_mem>>)
          %dma_wait3A_207 = arith.constant 0 : i32
          %dma_wait3A_208 = tpu.memref_slice %arg7[%add3A_169, %dma_wait3A_207] : memref<40x125xi32, #tpu.memory_space<vmem>> -> memref<1x125xi32, #tpu.memory_space<vmem>>
          %dma_wait3A_209 = tpu.memref_squeeze %dma_wait3A_208 : memref<1x125xi32, #tpu.memory_space<vmem>> -> memref<125xi32, #tpu.memory_space<vmem>>
          %dma_wait3A_210 = arith.constant 0 : i32
          %dma_wait3A_211 = arith.constant 0 : i32
          %dma_wait3A_212 = tpu.memref_slice %arg2[%dma_wait3A_210, %dma_wait3A_211] : memref<10240x128xf32, #tpu.memory_space<hbm>> -> memref<10240x128xf32, #tpu.memory_space<hbm>>
          tpu.wait_indirect_dma semaphore(%run_scoped3A_200 : memref<!tpu.dma_semaphore, #tpu.memory_space<semaphore_mem>>) src(%dma_wait3A_212 : memref<10240x128xf32, #tpu.memory_space<hbm>>) dst(%arg9 : memref<125x128xf32, #tpu.memory_space<vmem>>)
          tpu.yield
        }) : () -> ()
        %dma_start3A_194 = arith.constant 0 : i32
        %dma_start3A_195 = tpu.memref_slice %arg8[%add3A_169, %dma_start3A_194] : memref<40x125xi32, #tpu.memory_space<vmem>> -> memref<1x125xi32, #tpu.memory_space<vmem>>
        %dma_start3A_196 = tpu.memref_squeeze %dma_start3A_195 : memref<1x125xi32, #tpu.memory_space<vmem>> -> memref<125xi32, #tpu.memory_space<vmem>>
        %dma_start3A_197 = arith.constant 0 : i32
        %dma_start3A_198 = arith.constant 0 : i32
        %dma_start3A_199 = tpu.memref_slice %arg12[%dma_start3A_197, %dma_start3A_198] : memref<10240x128xf32, #tpu.memory_space<vmem_shared>> -> memref<10240x128xf32, #tpu.memory_space<vmem_shared>>
        tpu.enqueue_indirect_dma source(%arg9 : memref<125x128xf32, #tpu.memory_space<vmem>>) target(%dma_start3A_199 : memref<10240x128xf32, #tpu.memory_space<vmem_shared>>) offsets(%dma_start3A_196 : memref<125xi32, #tpu.memory_space<vmem>>) semaphore(%arg13 : memref<!tpu.dma_semaphore, #tpu.memory_space<semaphore_mem>>) {add = true}
      } else {
      }
      %dma_wait3A_187 = arith.constant 0 : i32
      %dma_wait3A_188 = tpu.memref_slice %arg8[%add3A_167, %dma_wait3A_187] : memref<40x125xi32, #tpu.memory_space<vmem>> -> memref<1x125xi32, #tpu.memory_space<vmem>>
      %dma_wait3A_189 = tpu.memref_squeeze %dma_wait3A_188 : memref<1x125xi32, #tpu.memory_space<vmem>> -> memref<125xi32, #tpu.memory_space<vmem>>
      %dma_wait3A_190 = arith.constant 0 : i32
      %dma_wait3A_191 = arith.constant 0 : i32
      %dma_wait3A_192 = tpu.memref_slice %arg12[%dma_wait3A_190, %dma_wait3A_191] : memref<10240x128xf32, #tpu.memory_space<vmem_shared>> -> memref<10240x128xf32, #tpu.memory_space<vmem_shared>>
      tpu.wait_indirect_dma semaphore(%arg14 : memref<!tpu.dma_semaphore, #tpu.memory_space<semaphore_mem>>) src(%arg10 : memref<125x128xf32, #tpu.memory_space<vmem>>) dst(%dma_wait3A_192 : memref<10240x128xf32, #tpu.memory_space<vmem_shared>>)
      %scan3A_193 = arith.constant 0 : i32
      scf.yield %scan3A_193 : i32
    }
    %scan3A_154 = arith.constant 20 : i32
    %barrier3A_155 = arith.constant 0 : index
    tpu.barrier barrier_id(%barrier3A_155)
    %eq3A = arith.constant 0 : i32
    %eq3A_156 = arith.cmpi eq, %arg0, %eq3A : i32
    %convert_element_type3A = arith.extui %eq3A_156 : i1 to i32
    %cond3A = arith.constant 0 : i32
    %cond3A_157 = arith.cmpi ne, %convert_element_type3A, %cond3A : i32
    scf.if %cond3A_157 {
      %mul3A_162 = arith.constant 640 : i32
      %mul3A_163 = arith.muli %arg1, %mul3A_162 : i32
      %mul3A_164 = arith.constant 640 : i32
      %mul3A_165 = arith.muli %arg1, %mul3A_164 : i32
      "tpu.region"() ({
        %run_scoped3A_166 = tpu.sem_alloc : memref<!tpu.dma_semaphore, #tpu.memory_space<semaphore_mem>>
        %dma_start3A_167 = arith.constant 0 : i32
        %dma_start3A_168 = tpu.memref_slice %arg5[%mul3A_165, %dma_start3A_167] : memref<10240x128xf32, #tpu.memory_space<hbm>> -> memref<640x128xf32, #tpu.memory_space<hbm>>
        %dma_start3A_169 = arith.constant 0 : i32
        %dma_start3A_170 = tpu.memref_slice %arg12[%mul3A_163, %dma_start3A_169] : memref<10240x128xf32, #tpu.memory_space<vmem_shared>> -> memref<640x128xf32, #tpu.memory_space<vmem_shared>>
        tpu.enqueue_dma source(%dma_start3A_170 : memref<640x128xf32, #tpu.memory_space<vmem_shared>>) target(%dma_start3A_168 : memref<640x128xf32, #tpu.memory_space<hbm>>) target_semaphore(%run_scoped3A_166 : memref<!tpu.dma_semaphore, #tpu.memory_space<semaphore_mem>>)
        %dma_wait3A_171 = arith.constant 0 : i32
        %dma_wait3A_172 = tpu.memref_slice %arg5[%mul3A_165, %dma_wait3A_171] : memref<10240x128xf32, #tpu.memory_space<hbm>> -> memref<640x128xf32, #tpu.memory_space<hbm>>
        %dma_wait3A_173 = arith.constant 0 : i32
        %dma_wait3A_174 = tpu.memref_slice %arg12[%mul3A_163, %dma_wait3A_173] : memref<10240x128xf32, #tpu.memory_space<vmem_shared>> -> memref<640x128xf32, #tpu.memory_space<vmem_shared>>
        tpu.wait_dma2 semaphore(%run_scoped3A_166 : memref<!tpu.dma_semaphore, #tpu.memory_space<semaphore_mem>>) src(%dma_wait3A_174 : memref<640x128xf32, #tpu.memory_space<vmem_shared>>) dst(%dma_wait3A_172 : memref<640x128xf32, #tpu.memory_space<hbm>>)
        tpu.yield
      }) : () -> ()
    } else {
    }
    %ne3A = arith.constant 0 : i32
    %ne3A_158 = arith.cmpi ne, %arg0, %ne3A : i32
    %convert_element_type3A_159 = arith.extui %ne3A_158 : i1 to i32
    %cond3A_160 = arith.constant 0 : i32
    %cond3A_161 = arith.cmpi ne, %convert_element_type3A_159, %cond3A_160 : i32
    scf.if %cond3A_161 {
      %mul3A_162 = arith.constant 640 : i32
      %mul3A_163 = arith.muli %arg1, %mul3A_162 : i32
      %mul3A_164 = arith.constant 640 : i32
      %mul3A_165 = arith.muli %arg1, %mul3A_164 : i32
      "tpu.region"() ({
        %run_scoped3A_166 = tpu.sem_alloc : memref<!tpu.dma_semaphore, #tpu.memory_space<semaphore_mem>>
        %dma_start3A_167 = arith.constant 0 : i32
        %dma_start3A_168 = tpu.memref_slice %arg6[%mul3A_165, %dma_start3A_167] : memref<10240x128xf32, #tpu.memory_space<hbm>> -> memref<640x128xf32, #tpu.memory_space<hbm>>
        %dma_start3A_169 = arith.constant 0 : i32
        %dma_start3A_170 = tpu.memref_slice %arg12[%mul3A_163, %dma_start3A_169] : memref<10240x128xf32, #tpu.memory_space<vmem_shared>> -> memref<640x128xf32, #tpu.memory_space<vmem_shared>>
        tpu.enqueue_dma source(%dma_start3A_170 : memref<640x128xf32, #tpu.memory_space<vmem_shared>>) target(%dma_start3A_168 : memref<640x128xf32, #tpu.memory_space<hbm>>) target_semaphore(%run_scoped3A_166 : memref<!tpu.dma_semaphore, #tpu.memory_space<semaphore_mem>>)
        %dma_wait3A_171 = arith.constant 0 : i32
        %dma_wait3A_172 = tpu.memref_slice %arg6[%mul3A_165, %dma_wait3A_171] : memref<10240x128xf32, #tpu.memory_space<hbm>> -> memref<640x128xf32, #tpu.memory_space<hbm>>
        %dma_wait3A_173 = arith.constant 0 : i32
        %dma_wait3A_174 = tpu.memref_slice %arg12[%mul3A_163, %dma_wait3A_173] : memref<10240x128xf32, #tpu.memory_space<vmem_shared>> -> memref<640x128xf32, #tpu.memory_space<vmem_shared>>
        tpu.wait_dma2 semaphore(%run_scoped3A_166 : memref<!tpu.dma_semaphore, #tpu.memory_space<semaphore_mem>>) src(%dma_wait3A_174 : memref<640x128xf32, #tpu.memory_space<vmem_shared>>) dst(%dma_wait3A_172 : memref<640x128xf32, #tpu.memory_space<hbm>>)
        tpu.yield
      }) : () -> ()
    } else {
    }
    return
  }
}

#map = affine_map<(d0, d1) -> (0, 0)>
#map1 = affine_map<(d0, d1) -> (0, 0, 0)>
module attributes {stable_mosaic.version = 14 : i64} {
  func.func @_agg_body(%arg0: i32, %arg1: i32, %arg2: memref<10240x128xf32, #tpu.memory_space<hbm>>, %arg3: memref<32x80x125xi32, #tpu.memory_space<hbm>>, %arg4: memref<32x80x125xi32, #tpu.memory_space<hbm>>, %arg5: memref<10240x128xf32, #tpu.memory_space<hbm>>, %arg6: memref<10240x128xf32, #tpu.memory_space<hbm>>, %arg7: memref<40x125xi32, #tpu.memory_space<vmem>>, %arg8: memref<40x125xi32, #tpu.memory_space<vmem>>, %arg9: memref<125x128xf32, #tpu.memory_space<vmem>>, %arg10: memref<125x128xf32, #tpu.memory_space<vmem>>, %arg11: memref<40x128xf32, #tpu.memory_space<vmem>>, %arg12: memref<10240x128xf32, #tpu.memory_space<vmem_shared>>, %arg13: memref<!tpu.dma_semaphore, #tpu.memory_space<semaphore_mem>>, %arg14: memref<!tpu.dma_semaphore, #tpu.memory_space<semaphore_mem>>) attributes {dimension_semantics = [#tpu.dimension_semantics<core_parallel>, #tpu.dimension_semantics<subcore_parallel>], iteration_bounds = array<i64: 2, 16>, scalar_prefetch = 0 : i64, scratch_operands = 8 : i64, tpu.core_type = #tpu.core_type<sc_vector_subcore>, window_params = [{transform_indices = #map}, {transform_indices = #map1}, {transform_indices = #map1}, {transform_indices = #map}, {transform_indices = #map}]} {
    %mul3A = arith.constant 16 : i32
    %mul3A_0 = arith.muli %arg0, %mul3A : i32
    %add3A = arith.addi %mul3A_0, %arg1 : i32
    %dma_start3A = arith.constant 0 : i32
    %dma_start3A_1 = arith.constant 0 : i32
    %dma_start3A_2 = tpu.memref_slice %arg3[%add3A, %dma_start3A, %dma_start3A_1] : memref<32x80x125xi32, #tpu.memory_space<hbm>> -> memref<1x80x125xi32, #tpu.memory_space<hbm>>
    %dma_start3A_3 = tpu.memref_squeeze %dma_start3A_2 : memref<1x80x125xi32, #tpu.memory_space<hbm>> -> memref<80x125xi32, #tpu.memory_space<hbm>>
    %dma_start3A_4 = arith.constant 0 : i32
    %dma_start3A_5 = arith.constant 0 : i32
    %dma_start3A_6 = tpu.memref_slice %dma_start3A_3[%dma_start3A_4, %dma_start3A_5] : memref<80x125xi32, #tpu.memory_space<hbm>> -> memref<40x125xi32, #tpu.memory_space<hbm>>
    %dma_start3A_7 = arith.constant 0 : i32
    %dma_start3A_8 = arith.constant 0 : i32
    %dma_start3A_9 = tpu.memref_slice %arg3[%add3A, %dma_start3A_7, %dma_start3A_8] : memref<32x80x125xi32, #tpu.memory_space<hbm>> -> memref<1x80x125xi32, #tpu.memory_space<hbm>>
    %dma_start3A_10 = tpu.memref_squeeze %dma_start3A_9 : memref<1x80x125xi32, #tpu.memory_space<hbm>> -> memref<80x125xi32, #tpu.memory_space<hbm>>
    %dma_start3A_11 = arith.constant 0 : i32
    %dma_start3A_12 = arith.constant 0 : i32
    %dma_start3A_13 = tpu.memref_slice %dma_start3A_10[%dma_start3A_11, %dma_start3A_12] : memref<80x125xi32, #tpu.memory_space<hbm>> -> memref<40x125xi32, #tpu.memory_space<hbm>>
    tpu.enqueue_dma source(%dma_start3A_13 : memref<40x125xi32, #tpu.memory_space<hbm>>) target(%arg7 : memref<40x125xi32, #tpu.memory_space<vmem>>) target_semaphore(%arg13 : memref<!tpu.dma_semaphore, #tpu.memory_space<semaphore_mem>>)
    %dma_start3A_14 = arith.constant 0 : i32
    %dma_start3A_15 = arith.constant 0 : i32
    %dma_start3A_16 = tpu.memref_slice %arg4[%add3A, %dma_start3A_14, %dma_start3A_15] : memref<32x80x125xi32, #tpu.memory_space<hbm>> -> memref<1x80x125xi32, #tpu.memory_space<hbm>>
    %dma_start3A_17 = tpu.memref_squeeze %dma_start3A_16 : memref<1x80x125xi32, #tpu.memory_space<hbm>> -> memref<80x125xi32, #tpu.memory_space<hbm>>
    %dma_start3A_18 = arith.constant 0 : i32
    %dma_start3A_19 = arith.constant 0 : i32
    %dma_start3A_20 = tpu.memref_slice %dma_start3A_17[%dma_start3A_18, %dma_start3A_19] : memref<80x125xi32, #tpu.memory_space<hbm>> -> memref<40x125xi32, #tpu.memory_space<hbm>>
    %dma_start3A_21 = arith.constant 0 : i32
    %dma_start3A_22 = arith.constant 0 : i32
    %dma_start3A_23 = tpu.memref_slice %arg4[%add3A, %dma_start3A_21, %dma_start3A_22] : memref<32x80x125xi32, #tpu.memory_space<hbm>> -> memref<1x80x125xi32, #tpu.memory_space<hbm>>
    %dma_start3A_24 = tpu.memref_squeeze %dma_start3A_23 : memref<1x80x125xi32, #tpu.memory_space<hbm>> -> memref<80x125xi32, #tpu.memory_space<hbm>>
    %dma_start3A_25 = arith.constant 0 : i32
    %dma_start3A_26 = arith.constant 0 : i32
    %dma_start3A_27 = tpu.memref_slice %dma_start3A_24[%dma_start3A_25, %dma_start3A_26] : memref<80x125xi32, #tpu.memory_space<hbm>> -> memref<40x125xi32, #tpu.memory_space<hbm>>
    tpu.enqueue_dma source(%dma_start3A_27 : memref<40x125xi32, #tpu.memory_space<hbm>>) target(%arg8 : memref<40x125xi32, #tpu.memory_space<vmem>>) target_semaphore(%arg14 : memref<!tpu.dma_semaphore, #tpu.memory_space<semaphore_mem>>)
    %broadcast_in_dim3A = arith.constant 0.000000e+00 : f32
    %broadcast_in_dim3A_28 = vector.broadcast %broadcast_in_dim3A : f32 to vector<16xf32>
    %scan3A = arith.constant 0 : i32
    %scan3A_29 = arith.constant 0 : i32
    %scan3A_30 = arith.constant 320 : i32
    %scan3A_31 = arith.addi %scan3A_29, %scan3A_30 : i32
    %scan3A_32 = arith.constant 1 : i32
    %scan3A_33 = scf.for %scan3A_162 = %scan3A_29 to %scan3A_31 step %scan3A_32 iter_args(%scan3A_163 = %scan3A) -> (i32)  : i32 {
      %jit3A = arith.constant 8 : i32
      %div3A = arith.divsi %scan3A_162, %jit3A : i32
      %sign3A = arith.constant 0 : i32
      %sign3A_164 = arith.cmpi sgt, %scan3A_162, %sign3A : i32
      %sign3A_165 = arith.extui %sign3A_164 : i1 to i32
      %sign3A_166 = arith.constant 0 : i32
      %sign3A_167 = arith.cmpi slt, %scan3A_162, %sign3A_166 : i32
      %sign3A_168 = arith.extui %sign3A_167 : i1 to i32
      %sign3A_169 = arith.subi %sign3A_165, %sign3A_168 : i32
      %sign3A_170 = arith.constant 0 : i32
      %sign3A_171 = arith.cmpi sgt, %jit3A, %sign3A_170 : i32
      %sign3A_172 = arith.extui %sign3A_171 : i1 to i32
      %sign3A_173 = arith.constant 0 : i32
      %sign3A_174 = arith.cmpi slt, %jit3A, %sign3A_173 : i32
      %sign3A_175 = arith.extui %sign3A_174 : i1 to i32
      %sign3A_176 = arith.subi %sign3A_172, %sign3A_175 : i32
      %ne3A_177 = arith.cmpi ne, %sign3A_169, %sign3A_176 : i32
      %rem3A = arith.remsi %scan3A_162, %jit3A : i32
      %ne3A_178 = arith.constant 0 : i32
      %ne3A_179 = arith.cmpi ne, %rem3A, %ne3A_178 : i32
      %and3A = arith.andi %ne3A_177, %ne3A_179 : i1
      %sub3A = arith.constant 1 : i32
      %sub3A_180 = arith.subi %div3A, %sub3A : i32
      %select_n3A = arith.select %and3A, %sub3A_180, %div3A : i32
      %mul3A_181 = arith.constant 8 : i32
      %mul3A_182 = arith.muli %select_n3A, %mul3A_181 : i32
      %sub3A_183 = arith.subi %scan3A_162, %mul3A_182 : i32
      %mul3A_184 = arith.constant 16 : i32
      %mul3A_185 = arith.muli %sub3A_183, %mul3A_184 : i32
      %swap3A = arith.index_cast %select_n3A : i32 to index
      %swap3A_186 = arith.index_cast %mul3A_185 : i32 to index
      %swap3A_187 = tpu.vector_load %arg11[%swap3A, %swap3A_186] {strides = array<i32>} : memref<40x128xf32, #tpu.memory_space<vmem>>, vector<1x16xf32>,
      %swap3A_188 = vector.shape_cast %swap3A_187 : vector<1x16xf32> to vector<16xf32>
      %swap3A_189 = vector.shape_cast %broadcast_in_dim3A_28 : vector<16xf32> to vector<1x16xf32>
      tpu.vector_store %arg11[%swap3A, %swap3A_186], %swap3A_189 {strides = array<i32>} : memref<40x128xf32, #tpu.memory_space<vmem>>, vector<1x16xf32>,
      %scan3A_190 = arith.constant 0 : i32
      scf.yield %scan3A_190 : i32
    }
    %scan3A_34 = arith.constant 320 : i32
    %mul3A_35 = arith.constant 640 : i32
    %mul3A_36 = arith.muli %arg1, %mul3A_35 : i32
    %add3A_37 = arith.constant 0 : i32
    %add3A_38 = arith.addi %mul3A_36, %add3A_37 : i32
    "tpu.region"() ({
      %run_scoped3A_162 = tpu.sem_alloc : memref<!tpu.dma_semaphore, #tpu.memory_space<semaphore_mem>>
      %dma_start3A_163 = arith.constant 0 : i32
      %dma_start3A_164 = tpu.memref_slice %arg12[%add3A_38, %dma_start3A_163] : memref<10240x128xf32, #tpu.memory_space<vmem_shared>> -> memref<40x128xf32, #tpu.memory_space<vmem_shared>>
      %dma_start3A_165 = arith.constant 0 : i32
      %dma_start3A_166 = tpu.memref_slice %arg12[%add3A_38, %dma_start3A_165] : memref<10240x128xf32, #tpu.memory_space<vmem_shared>> -> memref<40x128xf32, #tpu.memory_space<vmem_shared>>
      tpu.enqueue_dma source(%arg11 : memref<40x128xf32, #tpu.memory_space<vmem>>) target(%dma_start3A_166 : memref<40x128xf32, #tpu.memory_space<vmem_shared>>) target_semaphore(%run_scoped3A_162 : memref<!tpu.dma_semaphore, #tpu.memory_space<semaphore_mem>>)
      %dma_wait3A_167 = arith.constant 0 : i32
      %dma_wait3A_168 = tpu.memref_slice %arg12[%add3A_38, %dma_wait3A_167] : memref<10240x128xf32, #tpu.memory_space<vmem_shared>> -> memref<40x128xf32, #tpu.memory_space<vmem_shared>>
      %dma_wait3A_169 = arith.constant 0 : i32
      %dma_wait3A_170 = tpu.memref_slice %arg12[%add3A_38, %dma_wait3A_169] : memref<10240x128xf32, #tpu.memory_space<vmem_shared>> -> memref<40x128xf32, #tpu.memory_space<vmem_shared>>
      tpu.wait_dma2 semaphore(%run_scoped3A_162 : memref<!tpu.dma_semaphore, #tpu.memory_space<semaphore_mem>>) src(%arg11 : memref<40x128xf32, #tpu.memory_space<vmem>>) dst(%dma_wait3A_170 : memref<40x128xf32, #tpu.memory_space<vmem_shared>>)
      tpu.yield
    }) : () -> ()
    %mul3A_39 = arith.constant 640 : i32
    %mul3A_40 = arith.muli %arg1, %mul3A_39 : i32
    %add3A_41 = arith.constant 40 : i32
    %add3A_42 = arith.addi %mul3A_40, %add3A_41 : i32
    "tpu.region"() ({
      %run_scoped3A_162 = tpu.sem_alloc : memref<!tpu.dma_semaphore, #tpu.memory_space<semaphore_mem>>
      %dma_start3A_163 = arith.constant 0 : i32
      %dma_start3A_164 = tpu.memref_slice %arg12[%add3A_42, %dma_start3A_163] : memref<10240x128xf32, #tpu.memory_space<vmem_shared>> -> memref<40x128xf32, #tpu.memory_space<vmem_shared>>
      %dma_start3A_165 = arith.constant 0 : i32
      %dma_start3A_166 = tpu.memref_slice %arg12[%add3A_42, %dma_start3A_165] : memref<10240x128xf32, #tpu.memory_space<vmem_shared>> -> memref<40x128xf32, #tpu.memory_space<vmem_shared>>
      tpu.enqueue_dma source(%arg11 : memref<40x128xf32, #tpu.memory_space<vmem>>) target(%dma_start3A_166 : memref<40x128xf32, #tpu.memory_space<vmem_shared>>) target_semaphore(%run_scoped3A_162 : memref<!tpu.dma_semaphore, #tpu.memory_space<semaphore_mem>>)
      %dma_wait3A_167 = arith.constant 0 : i32
      %dma_wait3A_168 = tpu.memref_slice %arg12[%add3A_42, %dma_wait3A_167] : memref<10240x128xf32, #tpu.memory_space<vmem_shared>> -> memref<40x128xf32, #tpu.memory_space<vmem_shared>>
      %dma_wait3A_169 = arith.constant 0 : i32
      %dma_wait3A_170 = tpu.memref_slice %arg12[%add3A_42, %dma_wait3A_169] : memref<10240x128xf32, #tpu.memory_space<vmem_shared>> -> memref<40x128xf32, #tpu.memory_space<vmem_shared>>
      tpu.wait_dma2 semaphore(%run_scoped3A_162 : memref<!tpu.dma_semaphore, #tpu.memory_space<semaphore_mem>>) src(%arg11 : memref<40x128xf32, #tpu.memory_space<vmem>>) dst(%dma_wait3A_170 : memref<40x128xf32, #tpu.memory_space<vmem_shared>>)
      tpu.yield
    }) : () -> ()
    %mul3A_43 = arith.constant 640 : i32
    %mul3A_44 = arith.muli %arg1, %mul3A_43 : i32
    %add3A_45 = arith.constant 80 : i32
    %add3A_46 = arith.addi %mul3A_44, %add3A_45 : i32
    "tpu.region"() ({
      %run_scoped3A_162 = tpu.sem_alloc : memref<!tpu.dma_semaphore, #tpu.memory_space<semaphore_mem>>
      %dma_start3A_163 = arith.constant 0 : i32
      %dma_start3A_164 = tpu.memref_slice %arg12[%add3A_46, %dma_start3A_163] : memref<10240x128xf32, #tpu.memory_space<vmem_shared>> -> memref<40x128xf32, #tpu.memory_space<vmem_shared>>
      %dma_start3A_165 = arith.constant 0 : i32
      %dma_start3A_166 = tpu.memref_slice %arg12[%add3A_46, %dma_start3A_165] : memref<10240x128xf32, #tpu.memory_space<vmem_shared>> -> memref<40x128xf32, #tpu.memory_space<vmem_shared>>
      tpu.enqueue_dma source(%arg11 : memref<40x128xf32, #tpu.memory_space<vmem>>) target(%dma_start3A_166 : memref<40x128xf32, #tpu.memory_space<vmem_shared>>) target_semaphore(%run_scoped3A_162 : memref<!tpu.dma_semaphore, #tpu.memory_space<semaphore_mem>>)
      %dma_wait3A_167 = arith.constant 0 : i32
      %dma_wait3A_168 = tpu.memref_slice %arg12[%add3A_46, %dma_wait3A_167] : memref<10240x128xf32, #tpu.memory_space<vmem_shared>> -> memref<40x128xf32, #tpu.memory_space<vmem_shared>>
      %dma_wait3A_169 = arith.constant 0 : i32
      %dma_wait3A_170 = tpu.memref_slice %arg12[%add3A_46, %dma_wait3A_169] : memref<10240x128xf32, #tpu.memory_space<vmem_shared>> -> memref<40x128xf32, #tpu.memory_space<vmem_shared>>
      tpu.wait_dma2 semaphore(%run_scoped3A_162 : memref<!tpu.dma_semaphore, #tpu.memory_space<semaphore_mem>>) src(%arg11 : memref<40x128xf32, #tpu.memory_space<vmem>>) dst(%dma_wait3A_170 : memref<40x128xf32, #tpu.memory_space<vmem_shared>>)
      tpu.yield
    }) : () -> ()
    %mul3A_47 = arith.constant 640 : i32
    %mul3A_48 = arith.muli %arg1, %mul3A_47 : i32
    %add3A_49 = arith.constant 120 : i32
    %add3A_50 = arith.addi %mul3A_48, %add3A_49 : i32
    "tpu.region"() ({
      %run_scoped3A_162 = tpu.sem_alloc : memref<!tpu.dma_semaphore, #tpu.memory_space<semaphore_mem>>
      %dma_start3A_163 = arith.constant 0 : i32
      %dma_start3A_164 = tpu.memref_slice %arg12[%add3A_50, %dma_start3A_163] : memref<10240x128xf32, #tpu.memory_space<vmem_shared>> -> memref<40x128xf32, #tpu.memory_space<vmem_shared>>
      %dma_start3A_165 = arith.constant 0 : i32
      %dma_start3A_166 = tpu.memref_slice %arg12[%add3A_50, %dma_start3A_165] : memref<10240x128xf32, #tpu.memory_space<vmem_shared>> -> memref<40x128xf32, #tpu.memory_space<vmem_shared>>
      tpu.enqueue_dma source(%arg11 : memref<40x128xf32, #tpu.memory_space<vmem>>) target(%dma_start3A_166 : memref<40x128xf32, #tpu.memory_space<vmem_shared>>) target_semaphore(%run_scoped3A_162 : memref<!tpu.dma_semaphore, #tpu.memory_space<semaphore_mem>>)
      %dma_wait3A_167 = arith.constant 0 : i32
      %dma_wait3A_168 = tpu.memref_slice %arg12[%add3A_50, %dma_wait3A_167] : memref<10240x128xf32, #tpu.memory_space<vmem_shared>> -> memref<40x128xf32, #tpu.memory_space<vmem_shared>>
      %dma_wait3A_169 = arith.constant 0 : i32
      %dma_wait3A_170 = tpu.memref_slice %arg12[%add3A_50, %dma_wait3A_169] : memref<10240x128xf32, #tpu.memory_space<vmem_shared>> -> memref<40x128xf32, #tpu.memory_space<vmem_shared>>
      tpu.wait_dma2 semaphore(%run_scoped3A_162 : memref<!tpu.dma_semaphore, #tpu.memory_space<semaphore_mem>>) src(%arg11 : memref<40x128xf32, #tpu.memory_space<vmem>>) dst(%dma_wait3A_170 : memref<40x128xf32, #tpu.memory_space<vmem_shared>>)
      tpu.yield
    }) : () -> ()
    %mul3A_51 = arith.constant 640 : i32
    %mul3A_52 = arith.muli %arg1, %mul3A_51 : i32
    %add3A_53 = arith.constant 160 : i32
    %add3A_54 = arith.addi %mul3A_52, %add3A_53 : i32
    "tpu.region"() ({
      %run_scoped3A_162 = tpu.sem_alloc : memref<!tpu.dma_semaphore, #tpu.memory_space<semaphore_mem>>
      %dma_start3A_163 = arith.constant 0 : i32
      %dma_start3A_164 = tpu.memref_slice %arg12[%add3A_54, %dma_start3A_163] : memref<10240x128xf32, #tpu.memory_space<vmem_shared>> -> memref<40x128xf32, #tpu.memory_space<vmem_shared>>
      %dma_start3A_165 = arith.constant 0 : i32
      %dma_start3A_166 = tpu.memref_slice %arg12[%add3A_54, %dma_start3A_165] : memref<10240x128xf32, #tpu.memory_space<vmem_shared>> -> memref<40x128xf32, #tpu.memory_space<vmem_shared>>
      tpu.enqueue_dma source(%arg11 : memref<40x128xf32, #tpu.memory_space<vmem>>) target(%dma_start3A_166 : memref<40x128xf32, #tpu.memory_space<vmem_shared>>) target_semaphore(%run_scoped3A_162 : memref<!tpu.dma_semaphore, #tpu.memory_space<semaphore_mem>>)
      %dma_wait3A_167 = arith.constant 0 : i32
      %dma_wait3A_168 = tpu.memref_slice %arg12[%add3A_54, %dma_wait3A_167] : memref<10240x128xf32, #tpu.memory_space<vmem_shared>> -> memref<40x128xf32, #tpu.memory_space<vmem_shared>>
      %dma_wait3A_169 = arith.constant 0 : i32
      %dma_wait3A_170 = tpu.memref_slice %arg12[%add3A_54, %dma_wait3A_169] : memref<10240x128xf32, #tpu.memory_space<vmem_shared>> -> memref<40x128xf32, #tpu.memory_space<vmem_shared>>
      tpu.wait_dma2 semaphore(%run_scoped3A_162 : memref<!tpu.dma_semaphore, #tpu.memory_space<semaphore_mem>>) src(%arg11 : memref<40x128xf32, #tpu.memory_space<vmem>>) dst(%dma_wait3A_170 : memref<40x128xf32, #tpu.memory_space<vmem_shared>>)
      tpu.yield
    }) : () -> ()
    %mul3A_55 = arith.constant 640 : i32
    %mul3A_56 = arith.muli %arg1, %mul3A_55 : i32
    %add3A_57 = arith.constant 200 : i32
    %add3A_58 = arith.addi %mul3A_56, %add3A_57 : i32
    "tpu.region"() ({
      %run_scoped3A_162 = tpu.sem_alloc : memref<!tpu.dma_semaphore, #tpu.memory_space<semaphore_mem>>
      %dma_start3A_163 = arith.constant 0 : i32
      %dma_start3A_164 = tpu.memref_slice %arg12[%add3A_58, %dma_start3A_163] : memref<10240x128xf32, #tpu.memory_space<vmem_shared>> -> memref<40x128xf32, #tpu.memory_space<vmem_shared>>
      %dma_start3A_165 = arith.constant 0 : i32
      %dma_start3A_166 = tpu.memref_slice %arg12[%add3A_58, %dma_start3A_165] : memref<10240x128xf32, #tpu.memory_space<vmem_shared>> -> memref<40x128xf32, #tpu.memory_space<vmem_shared>>
      tpu.enqueue_dma source(%arg11 : memref<40x128xf32, #tpu.memory_space<vmem>>) target(%dma_start3A_166 : memref<40x128xf32, #tpu.memory_space<vmem_shared>>) target_semaphore(%run_scoped3A_162 : memref<!tpu.dma_semaphore, #tpu.memory_space<semaphore_mem>>)
      %dma_wait3A_167 = arith.constant 0 : i32
      %dma_wait3A_168 = tpu.memref_slice %arg12[%add3A_58, %dma_wait3A_167] : memref<10240x128xf32, #tpu.memory_space<vmem_shared>> -> memref<40x128xf32, #tpu.memory_space<vmem_shared>>
      %dma_wait3A_169 = arith.constant 0 : i32
      %dma_wait3A_170 = tpu.memref_slice %arg12[%add3A_58, %dma_wait3A_169] : memref<10240x128xf32, #tpu.memory_space<vmem_shared>> -> memref<40x128xf32, #tpu.memory_space<vmem_shared>>
      tpu.wait_dma2 semaphore(%run_scoped3A_162 : memref<!tpu.dma_semaphore, #tpu.memory_space<semaphore_mem>>) src(%arg11 : memref<40x128xf32, #tpu.memory_space<vmem>>) dst(%dma_wait3A_170 : memref<40x128xf32, #tpu.memory_space<vmem_shared>>)
      tpu.yield
    }) : () -> ()
    %mul3A_59 = arith.constant 640 : i32
    %mul3A_60 = arith.muli %arg1, %mul3A_59 : i32
    %add3A_61 = arith.constant 240 : i32
    %add3A_62 = arith.addi %mul3A_60, %add3A_61 : i32
    "tpu.region"() ({
      %run_scoped3A_162 = tpu.sem_alloc : memref<!tpu.dma_semaphore, #tpu.memory_space<semaphore_mem>>
      %dma_start3A_163 = arith.constant 0 : i32
      %dma_start3A_164 = tpu.memref_slice %arg12[%add3A_62, %dma_start3A_163] : memref<10240x128xf32, #tpu.memory_space<vmem_shared>> -> memref<40x128xf32, #tpu.memory_space<vmem_shared>>
      %dma_start3A_165 = arith.constant 0 : i32
      %dma_start3A_166 = tpu.memref_slice %arg12[%add3A_62, %dma_start3A_165] : memref<10240x128xf32, #tpu.memory_space<vmem_shared>> -> memref<40x128xf32, #tpu.memory_space<vmem_shared>>
      tpu.enqueue_dma source(%arg11 : memref<40x128xf32, #tpu.memory_space<vmem>>) target(%dma_start3A_166 : memref<40x128xf32, #tpu.memory_space<vmem_shared>>) target_semaphore(%run_scoped3A_162 : memref<!tpu.dma_semaphore, #tpu.memory_space<semaphore_mem>>)
      %dma_wait3A_167 = arith.constant 0 : i32
      %dma_wait3A_168 = tpu.memref_slice %arg12[%add3A_62, %dma_wait3A_167] : memref<10240x128xf32, #tpu.memory_space<vmem_shared>> -> memref<40x128xf32, #tpu.memory_space<vmem_shared>>
      %dma_wait3A_169 = arith.constant 0 : i32
      %dma_wait3A_170 = tpu.memref_slice %arg12[%add3A_62, %dma_wait3A_169] : memref<10240x128xf32, #tpu.memory_space<vmem_shared>> -> memref<40x128xf32, #tpu.memory_space<vmem_shared>>
      tpu.wait_dma2 semaphore(%run_scoped3A_162 : memref<!tpu.dma_semaphore, #tpu.memory_space<semaphore_mem>>) src(%arg11 : memref<40x128xf32, #tpu.memory_space<vmem>>) dst(%dma_wait3A_170 : memref<40x128xf32, #tpu.memory_space<vmem_shared>>)
      tpu.yield
    }) : () -> ()
    %mul3A_63 = arith.constant 640 : i32
    %mul3A_64 = arith.muli %arg1, %mul3A_63 : i32
    %add3A_65 = arith.constant 280 : i32
    %add3A_66 = arith.addi %mul3A_64, %add3A_65 : i32
    "tpu.region"() ({
      %run_scoped3A_162 = tpu.sem_alloc : memref<!tpu.dma_semaphore, #tpu.memory_space<semaphore_mem>>
      %dma_start3A_163 = arith.constant 0 : i32
      %dma_start3A_164 = tpu.memref_slice %arg12[%add3A_66, %dma_start3A_163] : memref<10240x128xf32, #tpu.memory_space<vmem_shared>> -> memref<40x128xf32, #tpu.memory_space<vmem_shared>>
      %dma_start3A_165 = arith.constant 0 : i32
      %dma_start3A_166 = tpu.memref_slice %arg12[%add3A_66, %dma_start3A_165] : memref<10240x128xf32, #tpu.memory_space<vmem_shared>> -> memref<40x128xf32, #tpu.memory_space<vmem_shared>>
      tpu.enqueue_dma source(%arg11 : memref<40x128xf32, #tpu.memory_space<vmem>>) target(%dma_start3A_166 : memref<40x128xf32, #tpu.memory_space<vmem_shared>>) target_semaphore(%run_scoped3A_162 : memref<!tpu.dma_semaphore, #tpu.memory_space<semaphore_mem>>)
      %dma_wait3A_167 = arith.constant 0 : i32
      %dma_wait3A_168 = tpu.memref_slice %arg12[%add3A_66, %dma_wait3A_167] : memref<10240x128xf32, #tpu.memory_space<vmem_shared>> -> memref<40x128xf32, #tpu.memory_space<vmem_shared>>
      %dma_wait3A_169 = arith.constant 0 : i32
      %dma_wait3A_170 = tpu.memref_slice %arg12[%add3A_66, %dma_wait3A_169] : memref<10240x128xf32, #tpu.memory_space<vmem_shared>> -> memref<40x128xf32, #tpu.memory_space<vmem_shared>>
      tpu.wait_dma2 semaphore(%run_scoped3A_162 : memref<!tpu.dma_semaphore, #tpu.memory_space<semaphore_mem>>) src(%arg11 : memref<40x128xf32, #tpu.memory_space<vmem>>) dst(%dma_wait3A_170 : memref<40x128xf32, #tpu.memory_space<vmem_shared>>)
      tpu.yield
    }) : () -> ()
    %mul3A_67 = arith.constant 640 : i32
    %mul3A_68 = arith.muli %arg1, %mul3A_67 : i32
    %add3A_69 = arith.constant 320 : i32
    %add3A_70 = arith.addi %mul3A_68, %add3A_69 : i32
    "tpu.region"() ({
      %run_scoped3A_162 = tpu.sem_alloc : memref<!tpu.dma_semaphore, #tpu.memory_space<semaphore_mem>>
      %dma_start3A_163 = arith.constant 0 : i32
      %dma_start3A_164 = tpu.memref_slice %arg12[%add3A_70, %dma_start3A_163] : memref<10240x128xf32, #tpu.memory_space<vmem_shared>> -> memref<40x128xf32, #tpu.memory_space<vmem_shared>>
      %dma_start3A_165 = arith.constant 0 : i32
      %dma_start3A_166 = tpu.memref_slice %arg12[%add3A_70, %dma_start3A_165] : memref<10240x128xf32, #tpu.memory_space<vmem_shared>> -> memref<40x128xf32, #tpu.memory_space<vmem_shared>>
      tpu.enqueue_dma source(%arg11 : memref<40x128xf32, #tpu.memory_space<vmem>>) target(%dma_start3A_166 : memref<40x128xf32, #tpu.memory_space<vmem_shared>>) target_semaphore(%run_scoped3A_162 : memref<!tpu.dma_semaphore, #tpu.memory_space<semaphore_mem>>)
      %dma_wait3A_167 = arith.constant 0 : i32
      %dma_wait3A_168 = tpu.memref_slice %arg12[%add3A_70, %dma_wait3A_167] : memref<10240x128xf32, #tpu.memory_space<vmem_shared>> -> memref<40x128xf32, #tpu.memory_space<vmem_shared>>
      %dma_wait3A_169 = arith.constant 0 : i32
      %dma_wait3A_170 = tpu.memref_slice %arg12[%add3A_70, %dma_wait3A_169] : memref<10240x128xf32, #tpu.memory_space<vmem_shared>> -> memref<40x128xf32, #tpu.memory_space<vmem_shared>>
      tpu.wait_dma2 semaphore(%run_scoped3A_162 : memref<!tpu.dma_semaphore, #tpu.memory_space<semaphore_mem>>) src(%arg11 : memref<40x128xf32, #tpu.memory_space<vmem>>) dst(%dma_wait3A_170 : memref<40x128xf32, #tpu.memory_space<vmem_shared>>)
      tpu.yield
    }) : () -> ()
    %mul3A_71 = arith.constant 640 : i32
    %mul3A_72 = arith.muli %arg1, %mul3A_71 : i32
    %add3A_73 = arith.constant 360 : i32
    %add3A_74 = arith.addi %mul3A_72, %add3A_73 : i32
    "tpu.region"() ({
      %run_scoped3A_162 = tpu.sem_alloc : memref<!tpu.dma_semaphore, #tpu.memory_space<semaphore_mem>>
      %dma_start3A_163 = arith.constant 0 : i32
      %dma_start3A_164 = tpu.memref_slice %arg12[%add3A_74, %dma_start3A_163] : memref<10240x128xf32, #tpu.memory_space<vmem_shared>> -> memref<40x128xf32, #tpu.memory_space<vmem_shared>>
      %dma_start3A_165 = arith.constant 0 : i32
      %dma_start3A_166 = tpu.memref_slice %arg12[%add3A_74, %dma_start3A_165] : memref<10240x128xf32, #tpu.memory_space<vmem_shared>> -> memref<40x128xf32, #tpu.memory_space<vmem_shared>>
      tpu.enqueue_dma source(%arg11 : memref<40x128xf32, #tpu.memory_space<vmem>>) target(%dma_start3A_166 : memref<40x128xf32, #tpu.memory_space<vmem_shared>>) target_semaphore(%run_scoped3A_162 : memref<!tpu.dma_semaphore, #tpu.memory_space<semaphore_mem>>)
      %dma_wait3A_167 = arith.constant 0 : i32
      %dma_wait3A_168 = tpu.memref_slice %arg12[%add3A_74, %dma_wait3A_167] : memref<10240x128xf32, #tpu.memory_space<vmem_shared>> -> memref<40x128xf32, #tpu.memory_space<vmem_shared>>
      %dma_wait3A_169 = arith.constant 0 : i32
      %dma_wait3A_170 = tpu.memref_slice %arg12[%add3A_74, %dma_wait3A_169] : memref<10240x128xf32, #tpu.memory_space<vmem_shared>> -> memref<40x128xf32, #tpu.memory_space<vmem_shared>>
      tpu.wait_dma2 semaphore(%run_scoped3A_162 : memref<!tpu.dma_semaphore, #tpu.memory_space<semaphore_mem>>) src(%arg11 : memref<40x128xf32, #tpu.memory_space<vmem>>) dst(%dma_wait3A_170 : memref<40x128xf32, #tpu.memory_space<vmem_shared>>)
      tpu.yield
    }) : () -> ()
    %mul3A_75 = arith.constant 640 : i32
    %mul3A_76 = arith.muli %arg1, %mul3A_75 : i32
    %add3A_77 = arith.constant 400 : i32
    %add3A_78 = arith.addi %mul3A_76, %add3A_77 : i32
    "tpu.region"() ({
      %run_scoped3A_162 = tpu.sem_alloc : memref<!tpu.dma_semaphore, #tpu.memory_space<semaphore_mem>>
      %dma_start3A_163 = arith.constant 0 : i32
      %dma_start3A_164 = tpu.memref_slice %arg12[%add3A_78, %dma_start3A_163] : memref<10240x128xf32, #tpu.memory_space<vmem_shared>> -> memref<40x128xf32, #tpu.memory_space<vmem_shared>>
      %dma_start3A_165 = arith.constant 0 : i32
      %dma_start3A_166 = tpu.memref_slice %arg12[%add3A_78, %dma_start3A_165] : memref<10240x128xf32, #tpu.memory_space<vmem_shared>> -> memref<40x128xf32, #tpu.memory_space<vmem_shared>>
      tpu.enqueue_dma source(%arg11 : memref<40x128xf32, #tpu.memory_space<vmem>>) target(%dma_start3A_166 : memref<40x128xf32, #tpu.memory_space<vmem_shared>>) target_semaphore(%run_scoped3A_162 : memref<!tpu.dma_semaphore, #tpu.memory_space<semaphore_mem>>)
      %dma_wait3A_167 = arith.constant 0 : i32
      %dma_wait3A_168 = tpu.memref_slice %arg12[%add3A_78, %dma_wait3A_167] : memref<10240x128xf32, #tpu.memory_space<vmem_shared>> -> memref<40x128xf32, #tpu.memory_space<vmem_shared>>
      %dma_wait3A_169 = arith.constant 0 : i32
      %dma_wait3A_170 = tpu.memref_slice %arg12[%add3A_78, %dma_wait3A_169] : memref<10240x128xf32, #tpu.memory_space<vmem_shared>> -> memref<40x128xf32, #tpu.memory_space<vmem_shared>>
      tpu.wait_dma2 semaphore(%run_scoped3A_162 : memref<!tpu.dma_semaphore, #tpu.memory_space<semaphore_mem>>) src(%arg11 : memref<40x128xf32, #tpu.memory_space<vmem>>) dst(%dma_wait3A_170 : memref<40x128xf32, #tpu.memory_space<vmem_shared>>)
      tpu.yield
    }) : () -> ()
    %mul3A_79 = arith.constant 640 : i32
    %mul3A_80 = arith.muli %arg1, %mul3A_79 : i32
    %add3A_81 = arith.constant 440 : i32
    %add3A_82 = arith.addi %mul3A_80, %add3A_81 : i32
    "tpu.region"() ({
      %run_scoped3A_162 = tpu.sem_alloc : memref<!tpu.dma_semaphore, #tpu.memory_space<semaphore_mem>>
      %dma_start3A_163 = arith.constant 0 : i32
      %dma_start3A_164 = tpu.memref_slice %arg12[%add3A_82, %dma_start3A_163] : memref<10240x128xf32, #tpu.memory_space<vmem_shared>> -> memref<40x128xf32, #tpu.memory_space<vmem_shared>>
      %dma_start3A_165 = arith.constant 0 : i32
      %dma_start3A_166 = tpu.memref_slice %arg12[%add3A_82, %dma_start3A_165] : memref<10240x128xf32, #tpu.memory_space<vmem_shared>> -> memref<40x128xf32, #tpu.memory_space<vmem_shared>>
      tpu.enqueue_dma source(%arg11 : memref<40x128xf32, #tpu.memory_space<vmem>>) target(%dma_start3A_166 : memref<40x128xf32, #tpu.memory_space<vmem_shared>>) target_semaphore(%run_scoped3A_162 : memref<!tpu.dma_semaphore, #tpu.memory_space<semaphore_mem>>)
      %dma_wait3A_167 = arith.constant 0 : i32
      %dma_wait3A_168 = tpu.memref_slice %arg12[%add3A_82, %dma_wait3A_167] : memref<10240x128xf32, #tpu.memory_space<vmem_shared>> -> memref<40x128xf32, #tpu.memory_space<vmem_shared>>
      %dma_wait3A_169 = arith.constant 0 : i32
      %dma_wait3A_170 = tpu.memref_slice %arg12[%add3A_82, %dma_wait3A_169] : memref<10240x128xf32, #tpu.memory_space<vmem_shared>> -> memref<40x128xf32, #tpu.memory_space<vmem_shared>>
      tpu.wait_dma2 semaphore(%run_scoped3A_162 : memref<!tpu.dma_semaphore, #tpu.memory_space<semaphore_mem>>) src(%arg11 : memref<40x128xf32, #tpu.memory_space<vmem>>) dst(%dma_wait3A_170 : memref<40x128xf32, #tpu.memory_space<vmem_shared>>)
      tpu.yield
    }) : () -> ()
    %mul3A_83 = arith.constant 640 : i32
    %mul3A_84 = arith.muli %arg1, %mul3A_83 : i32
    %add3A_85 = arith.constant 480 : i32
    %add3A_86 = arith.addi %mul3A_84, %add3A_85 : i32
    "tpu.region"() ({
      %run_scoped3A_162 = tpu.sem_alloc : memref<!tpu.dma_semaphore, #tpu.memory_space<semaphore_mem>>
      %dma_start3A_163 = arith.constant 0 : i32
      %dma_start3A_164 = tpu.memref_slice %arg12[%add3A_86, %dma_start3A_163] : memref<10240x128xf32, #tpu.memory_space<vmem_shared>> -> memref<40x128xf32, #tpu.memory_space<vmem_shared>>
      %dma_start3A_165 = arith.constant 0 : i32
      %dma_start3A_166 = tpu.memref_slice %arg12[%add3A_86, %dma_start3A_165] : memref<10240x128xf32, #tpu.memory_space<vmem_shared>> -> memref<40x128xf32, #tpu.memory_space<vmem_shared>>
      tpu.enqueue_dma source(%arg11 : memref<40x128xf32, #tpu.memory_space<vmem>>) target(%dma_start3A_166 : memref<40x128xf32, #tpu.memory_space<vmem_shared>>) target_semaphore(%run_scoped3A_162 : memref<!tpu.dma_semaphore, #tpu.memory_space<semaphore_mem>>)
      %dma_wait3A_167 = arith.constant 0 : i32
      %dma_wait3A_168 = tpu.memref_slice %arg12[%add3A_86, %dma_wait3A_167] : memref<10240x128xf32, #tpu.memory_space<vmem_shared>> -> memref<40x128xf32, #tpu.memory_space<vmem_shared>>
      %dma_wait3A_169 = arith.constant 0 : i32
      %dma_wait3A_170 = tpu.memref_slice %arg12[%add3A_86, %dma_wait3A_169] : memref<10240x128xf32, #tpu.memory_space<vmem_shared>> -> memref<40x128xf32, #tpu.memory_space<vmem_shared>>
      tpu.wait_dma2 semaphore(%run_scoped3A_162 : memref<!tpu.dma_semaphore, #tpu.memory_space<semaphore_mem>>) src(%arg11 : memref<40x128xf32, #tpu.memory_space<vmem>>) dst(%dma_wait3A_170 : memref<40x128xf32, #tpu.memory_space<vmem_shared>>)
      tpu.yield
    }) : () -> ()
    %mul3A_87 = arith.constant 640 : i32
    %mul3A_88 = arith.muli %arg1, %mul3A_87 : i32
    %add3A_89 = arith.constant 520 : i32
    %add3A_90 = arith.addi %mul3A_88, %add3A_89 : i32
    "tpu.region"() ({
      %run_scoped3A_162 = tpu.sem_alloc : memref<!tpu.dma_semaphore, #tpu.memory_space<semaphore_mem>>
      %dma_start3A_163 = arith.constant 0 : i32
      %dma_start3A_164 = tpu.memref_slice %arg12[%add3A_90, %dma_start3A_163] : memref<10240x128xf32, #tpu.memory_space<vmem_shared>> -> memref<40x128xf32, #tpu.memory_space<vmem_shared>>
      %dma_start3A_165 = arith.constant 0 : i32
      %dma_start3A_166 = tpu.memref_slice %arg12[%add3A_90, %dma_start3A_165] : memref<10240x128xf32, #tpu.memory_space<vmem_shared>> -> memref<40x128xf32, #tpu.memory_space<vmem_shared>>
      tpu.enqueue_dma source(%arg11 : memref<40x128xf32, #tpu.memory_space<vmem>>) target(%dma_start3A_166 : memref<40x128xf32, #tpu.memory_space<vmem_shared>>) target_semaphore(%run_scoped3A_162 : memref<!tpu.dma_semaphore, #tpu.memory_space<semaphore_mem>>)
      %dma_wait3A_167 = arith.constant 0 : i32
      %dma_wait3A_168 = tpu.memref_slice %arg12[%add3A_90, %dma_wait3A_167] : memref<10240x128xf32, #tpu.memory_space<vmem_shared>> -> memref<40x128xf32, #tpu.memory_space<vmem_shared>>
      %dma_wait3A_169 = arith.constant 0 : i32
      %dma_wait3A_170 = tpu.memref_slice %arg12[%add3A_90, %dma_wait3A_169] : memref<10240x128xf32, #tpu.memory_space<vmem_shared>> -> memref<40x128xf32, #tpu.memory_space<vmem_shared>>
      tpu.wait_dma2 semaphore(%run_scoped3A_162 : memref<!tpu.dma_semaphore, #tpu.memory_space<semaphore_mem>>) src(%arg11 : memref<40x128xf32, #tpu.memory_space<vmem>>) dst(%dma_wait3A_170 : memref<40x128xf32, #tpu.memory_space<vmem_shared>>)
      tpu.yield
    }) : () -> ()
    %mul3A_91 = arith.constant 640 : i32
    %mul3A_92 = arith.muli %arg1, %mul3A_91 : i32
    %add3A_93 = arith.constant 560 : i32
    %add3A_94 = arith.addi %mul3A_92, %add3A_93 : i32
    "tpu.region"() ({
      %run_scoped3A_162 = tpu.sem_alloc : memref<!tpu.dma_semaphore, #tpu.memory_space<semaphore_mem>>
      %dma_start3A_163 = arith.constant 0 : i32
      %dma_start3A_164 = tpu.memref_slice %arg12[%add3A_94, %dma_start3A_163] : memref<10240x128xf32, #tpu.memory_space<vmem_shared>> -> memref<40x128xf32, #tpu.memory_space<vmem_shared>>
      %dma_start3A_165 = arith.constant 0 : i32
      %dma_start3A_166 = tpu.memref_slice %arg12[%add3A_94, %dma_start3A_165] : memref<10240x128xf32, #tpu.memory_space<vmem_shared>> -> memref<40x128xf32, #tpu.memory_space<vmem_shared>>
      tpu.enqueue_dma source(%arg11 : memref<40x128xf32, #tpu.memory_space<vmem>>) target(%dma_start3A_166 : memref<40x128xf32, #tpu.memory_space<vmem_shared>>) target_semaphore(%run_scoped3A_162 : memref<!tpu.dma_semaphore, #tpu.memory_space<semaphore_mem>>)
      %dma_wait3A_167 = arith.constant 0 : i32
      %dma_wait3A_168 = tpu.memref_slice %arg12[%add3A_94, %dma_wait3A_167] : memref<10240x128xf32, #tpu.memory_space<vmem_shared>> -> memref<40x128xf32, #tpu.memory_space<vmem_shared>>
      %dma_wait3A_169 = arith.constant 0 : i32
      %dma_wait3A_170 = tpu.memref_slice %arg12[%add3A_94, %dma_wait3A_169] : memref<10240x128xf32, #tpu.memory_space<vmem_shared>> -> memref<40x128xf32, #tpu.memory_space<vmem_shared>>
      tpu.wait_dma2 semaphore(%run_scoped3A_162 : memref<!tpu.dma_semaphore, #tpu.memory_space<semaphore_mem>>) src(%arg11 : memref<40x128xf32, #tpu.memory_space<vmem>>) dst(%dma_wait3A_170 : memref<40x128xf32, #tpu.memory_space<vmem_shared>>)
      tpu.yield
    }) : () -> ()
    %mul3A_95 = arith.constant 640 : i32
    %mul3A_96 = arith.muli %arg1, %mul3A_95 : i32
    %add3A_97 = arith.constant 600 : i32
    %add3A_98 = arith.addi %mul3A_96, %add3A_97 : i32
    "tpu.region"() ({
      %run_scoped3A_162 = tpu.sem_alloc : memref<!tpu.dma_semaphore, #tpu.memory_space<semaphore_mem>>
      %dma_start3A_163 = arith.constant 0 : i32
      %dma_start3A_164 = tpu.memref_slice %arg12[%add3A_98, %dma_start3A_163] : memref<10240x128xf32, #tpu.memory_space<vmem_shared>> -> memref<40x128xf32, #tpu.memory_space<vmem_shared>>
      %dma_start3A_165 = arith.constant 0 : i32
      %dma_start3A_166 = tpu.memref_slice %arg12[%add3A_98, %dma_start3A_165] : memref<10240x128xf32, #tpu.memory_space<vmem_shared>> -> memref<40x128xf32, #tpu.memory_space<vmem_shared>>
      tpu.enqueue_dma source(%arg11 : memref<40x128xf32, #tpu.memory_space<vmem>>) target(%dma_start3A_166 : memref<40x128xf32, #tpu.memory_space<vmem_shared>>) target_semaphore(%run_scoped3A_162 : memref<!tpu.dma_semaphore, #tpu.memory_space<semaphore_mem>>)
      %dma_wait3A_167 = arith.constant 0 : i32
      %dma_wait3A_168 = tpu.memref_slice %arg12[%add3A_98, %dma_wait3A_167] : memref<10240x128xf32, #tpu.memory_space<vmem_shared>> -> memref<40x128xf32, #tpu.memory_space<vmem_shared>>
      %dma_wait3A_169 = arith.constant 0 : i32
      %dma_wait3A_170 = tpu.memref_slice %arg12[%add3A_98, %dma_wait3A_169] : memref<10240x128xf32, #tpu.memory_space<vmem_shared>> -> memref<40x128xf32, #tpu.memory_space<vmem_shared>>
      tpu.wait_dma2 semaphore(%run_scoped3A_162 : memref<!tpu.dma_semaphore, #tpu.memory_space<semaphore_mem>>) src(%arg11 : memref<40x128xf32, #tpu.memory_space<vmem>>) dst(%dma_wait3A_170 : memref<40x128xf32, #tpu.memory_space<vmem_shared>>)
      tpu.yield
    }) : () -> ()
    %dma_wait3A = arith.constant 0 : i32
    %dma_wait3A_99 = arith.constant 0 : i32
    %dma_wait3A_100 = tpu.memref_slice %arg3[%add3A, %dma_wait3A, %dma_wait3A_99] : memref<32x80x125xi32, #tpu.memory_space<hbm>> -> memref<1x80x125xi32, #tpu.memory_space<hbm>>
    %dma_wait3A_101 = tpu.memref_squeeze %dma_wait3A_100 : memref<1x80x125xi32, #tpu.memory_space<hbm>> -> memref<80x125xi32, #tpu.memory_space<hbm>>
    %dma_wait3A_102 = arith.constant 0 : i32
    %dma_wait3A_103 = arith.constant 0 : i32
    %dma_wait3A_104 = tpu.memref_slice %dma_wait3A_101[%dma_wait3A_102, %dma_wait3A_103] : memref<80x125xi32, #tpu.memory_space<hbm>> -> memref<40x125xi32, #tpu.memory_space<hbm>>
    %dma_wait3A_105 = arith.constant 0 : i32
    %dma_wait3A_106 = arith.constant 0 : i32
    %dma_wait3A_107 = tpu.memref_slice %arg3[%add3A, %dma_wait3A_105, %dma_wait3A_106] : memref<32x80x125xi32, #tpu.memory_space<hbm>> -> memref<1x80x125xi32, #tpu.memory_space<hbm>>
    %dma_wait3A_108 = tpu.memref_squeeze %dma_wait3A_107 : memref<1x80x125xi32, #tpu.memory_space<hbm>> -> memref<80x125xi32, #tpu.memory_space<hbm>>
    %dma_wait3A_109 = arith.constant 0 : i32
    %dma_wait3A_110 = arith.constant 0 : i32
    %dma_wait3A_111 = tpu.memref_slice %dma_wait3A_108[%dma_wait3A_109, %dma_wait3A_110] : memref<80x125xi32, #tpu.memory_space<hbm>> -> memref<40x125xi32, #tpu.memory_space<hbm>>
    tpu.wait_dma2 semaphore(%arg13 : memref<!tpu.dma_semaphore, #tpu.memory_space<semaphore_mem>>) src(%dma_wait3A_111 : memref<40x125xi32, #tpu.memory_space<hbm>>) dst(%arg7 : memref<40x125xi32, #tpu.memory_space<vmem>>)
    %dma_wait3A_112 = arith.constant 0 : i32
    %dma_wait3A_113 = arith.constant 0 : i32
    %dma_wait3A_114 = tpu.memref_slice %arg4[%add3A, %dma_wait3A_112, %dma_wait3A_113] : memref<32x80x125xi32, #tpu.memory_space<hbm>> -> memref<1x80x125xi32, #tpu.memory_space<hbm>>
    %dma_wait3A_115 = tpu.memref_squeeze %dma_wait3A_114 : memref<1x80x125xi32, #tpu.memory_space<hbm>> -> memref<80x125xi32, #tpu.memory_space<hbm>>
    %dma_wait3A_116 = arith.constant 0 : i32
    %dma_wait3A_117 = arith.constant 0 : i32
    %dma_wait3A_118 = tpu.memref_slice %dma_wait3A_115[%dma_wait3A_116, %dma_wait3A_117] : memref<80x125xi32, #tpu.memory_space<hbm>> -> memref<40x125xi32, #tpu.memory_space<hbm>>
    %dma_wait3A_119 = arith.constant 0 : i32
    %dma_wait3A_120 = arith.constant 0 : i32
    %dma_wait3A_121 = tpu.memref_slice %arg4[%add3A, %dma_wait3A_119, %dma_wait3A_120] : memref<32x80x125xi32, #tpu.memory_space<hbm>> -> memref<1x80x125xi32, #tpu.memory_space<hbm>>
    %dma_wait3A_122 = tpu.memref_squeeze %dma_wait3A_121 : memref<1x80x125xi32, #tpu.memory_space<hbm>> -> memref<80x125xi32, #tpu.memory_space<hbm>>
    %dma_wait3A_123 = arith.constant 0 : i32
    %dma_wait3A_124 = arith.constant 0 : i32
    %dma_wait3A_125 = tpu.memref_slice %dma_wait3A_122[%dma_wait3A_123, %dma_wait3A_124] : memref<80x125xi32, #tpu.memory_space<hbm>> -> memref<40x125xi32, #tpu.memory_space<hbm>>
    tpu.wait_dma2 semaphore(%arg14 : memref<!tpu.dma_semaphore, #tpu.memory_space<semaphore_mem>>) src(%dma_wait3A_125 : memref<40x125xi32, #tpu.memory_space<hbm>>) dst(%arg8 : memref<40x125xi32, #tpu.memory_space<vmem>>)
    %barrier3A = arith.constant 0 : index
    tpu.barrier barrier_id(%barrier3A)
    %run_scoped3A = arith.constant 0 : i32
    "tpu.region"() ({
      %run_scoped3A_162 = tpu.sem_alloc : memref<!tpu.dma_semaphore, #tpu.memory_space<semaphore_mem>>
      %dma_start3A_163 = arith.constant 0 : i32
      %dma_start3A_164 = tpu.memref_slice %arg7[%run_scoped3A, %dma_start3A_163] : memref<40x125xi32, #tpu.memory_space<vmem>> -> memref<1x125xi32, #tpu.memory_space<vmem>>
      %dma_start3A_165 = tpu.memref_squeeze %dma_start3A_164 : memref<1x125xi32, #tpu.memory_space<vmem>> -> memref<125xi32, #tpu.memory_space<vmem>>
      %dma_start3A_166 = arith.constant 0 : i32
      %dma_start3A_167 = arith.constant 0 : i32
      %dma_start3A_168 = tpu.memref_slice %arg2[%dma_start3A_166, %dma_start3A_167] : memref<10240x128xf32, #tpu.memory_space<hbm>> -> memref<10240x128xf32, #tpu.memory_space<hbm>>
      tpu.enqueue_indirect_dma source(%dma_start3A_168 : memref<10240x128xf32, #tpu.memory_space<hbm>>) target(%arg9 : memref<125x128xf32, #tpu.memory_space<vmem>>) offsets(%dma_start3A_165 : memref<125xi32, #tpu.memory_space<vmem>>) semaphore(%run_scoped3A_162 : memref<!tpu.dma_semaphore, #tpu.memory_space<semaphore_mem>>)
      %dma_wait3A_169 = arith.constant 0 : i32
      %dma_wait3A_170 = tpu.memref_slice %arg7[%run_scoped3A, %dma_wait3A_169] : memref<40x125xi32, #tpu.memory_space<vmem>> -> memref<1x125xi32, #tpu.memory_space<vmem>>
      %dma_wait3A_171 = tpu.memref_squeeze %dma_wait3A_170 : memref<1x125xi32, #tpu.memory_space<vmem>> -> memref<125xi32, #tpu.memory_space<vmem>>
      %dma_wait3A_172 = arith.constant 0 : i32
      %dma_wait3A_173 = arith.constant 0 : i32
      %dma_wait3A_174 = tpu.memref_slice %arg2[%dma_wait3A_172, %dma_wait3A_173] : memref<10240x128xf32, #tpu.memory_space<hbm>> -> memref<10240x128xf32, #tpu.memory_space<hbm>>
      tpu.wait_indirect_dma semaphore(%run_scoped3A_162 : memref<!tpu.dma_semaphore, #tpu.memory_space<semaphore_mem>>) src(%dma_wait3A_174 : memref<10240x128xf32, #tpu.memory_space<hbm>>) dst(%arg9 : memref<125x128xf32, #tpu.memory_space<vmem>>)
      tpu.yield
    }) : () -> ()
    %dma_start3A_126 = arith.constant 0 : i32
    %dma_start3A_127 = arith.constant 0 : i32
    %dma_start3A_128 = tpu.memref_slice %arg8[%dma_start3A_126, %dma_start3A_127] : memref<40x125xi32, #tpu.memory_space<vmem>> -> memref<1x125xi32, #tpu.memory_space<vmem>>
    %dma_start3A_129 = tpu.memref_squeeze %dma_start3A_128 : memref<1x125xi32, #tpu.memory_space<vmem>> -> memref<125xi32, #tpu.memory_space<vmem>>
    %dma_start3A_130 = arith.constant 0 : i32
    %dma_start3A_131 = arith.constant 0 : i32
    %dma_start3A_132 = tpu.memref_slice %arg12[%dma_start3A_130, %dma_start3A_131] : memref<10240x128xf32, #tpu.memory_space<vmem_shared>> -> memref<10240x128xf32, #tpu.memory_space<vmem_shared>>
    tpu.enqueue_indirect_dma source(%arg9 : memref<125x128xf32, #tpu.memory_space<vmem>>) target(%dma_start3A_132 : memref<10240x128xf32, #tpu.memory_space<vmem_shared>>) offsets(%dma_start3A_129 : memref<125xi32, #tpu.memory_space<vmem>>) semaphore(%arg13 : memref<!tpu.dma_semaphore, #tpu.memory_space<semaphore_mem>>) {add = true}
    %scan3A_133 = arith.constant 0 : i32
    %scan3A_134 = arith.constant 0 : i32
    %scan3A_135 = arith.constant 20 : i32
    %scan3A_136 = arith.addi %scan3A_134, %scan3A_135 : i32
    %scan3A_137 = arith.constant 1 : i32
    %scan3A_138 = scf.for %scan3A_162 = %scan3A_134 to %scan3A_136 step %scan3A_137 iter_args(%scan3A_163 = %scan3A_133) -> (i32)  : i32 {
      %mul3A_164 = arith.constant 2 : i32
      %mul3A_165 = arith.muli %mul3A_164, %scan3A_162 : i32
      %add3A_166 = arith.constant 1 : i32
      %add3A_167 = arith.addi %mul3A_165, %add3A_166 : i32
      %add3A_168 = arith.constant 1 : i32
      %add3A_169 = arith.addi %add3A_167, %add3A_168 : i32
      "tpu.region"() ({
        %run_scoped3A_194 = tpu.sem_alloc : memref<!tpu.dma_semaphore, #tpu.memory_space<semaphore_mem>>
        %dma_start3A_195 = arith.constant 0 : i32
        %dma_start3A_196 = tpu.memref_slice %arg7[%add3A_167, %dma_start3A_195] : memref<40x125xi32, #tpu.memory_space<vmem>> -> memref<1x125xi32, #tpu.memory_space<vmem>>
        %dma_start3A_197 = tpu.memref_squeeze %dma_start3A_196 : memref<1x125xi32, #tpu.memory_space<vmem>> -> memref<125xi32, #tpu.memory_space<vmem>>
        %dma_start3A_198 = arith.constant 0 : i32
        %dma_start3A_199 = arith.constant 0 : i32
        %dma_start3A_200 = tpu.memref_slice %arg2[%dma_start3A_198, %dma_start3A_199] : memref<10240x128xf32, #tpu.memory_space<hbm>> -> memref<10240x128xf32, #tpu.memory_space<hbm>>
        tpu.enqueue_indirect_dma source(%dma_start3A_200 : memref<10240x128xf32, #tpu.memory_space<hbm>>) target(%arg10 : memref<125x128xf32, #tpu.memory_space<vmem>>) offsets(%dma_start3A_197 : memref<125xi32, #tpu.memory_space<vmem>>) semaphore(%run_scoped3A_194 : memref<!tpu.dma_semaphore, #tpu.memory_space<semaphore_mem>>)
        %dma_wait3A_201 = arith.constant 0 : i32
        %dma_wait3A_202 = tpu.memref_slice %arg7[%add3A_167, %dma_wait3A_201] : memref<40x125xi32, #tpu.memory_space<vmem>> -> memref<1x125xi32, #tpu.memory_space<vmem>>
        %dma_wait3A_203 = tpu.memref_squeeze %dma_wait3A_202 : memref<1x125xi32, #tpu.memory_space<vmem>> -> memref<125xi32, #tpu.memory_space<vmem>>
        %dma_wait3A_204 = arith.constant 0 : i32
        %dma_wait3A_205 = arith.constant 0 : i32
        %dma_wait3A_206 = tpu.memref_slice %arg2[%dma_wait3A_204, %dma_wait3A_205] : memref<10240x128xf32, #tpu.memory_space<hbm>> -> memref<10240x128xf32, #tpu.memory_space<hbm>>
        tpu.wait_indirect_dma semaphore(%run_scoped3A_194 : memref<!tpu.dma_semaphore, #tpu.memory_space<semaphore_mem>>) src(%dma_wait3A_206 : memref<10240x128xf32, #tpu.memory_space<hbm>>) dst(%arg10 : memref<125x128xf32, #tpu.memory_space<vmem>>)
        tpu.yield
      }) : () -> ()
      %dma_start3A_170 = arith.constant 0 : i32
      %dma_start3A_171 = tpu.memref_slice %arg8[%add3A_167, %dma_start3A_170] : memref<40x125xi32, #tpu.memory_space<vmem>> -> memref<1x125xi32, #tpu.memory_space<vmem>>
      %dma_start3A_172 = tpu.memref_squeeze %dma_start3A_171 : memref<1x125xi32, #tpu.memory_space<vmem>> -> memref<125xi32, #tpu.memory_space<vmem>>
      %dma_start3A_173 = arith.constant 0 : i32
      %dma_start3A_174 = arith.constant 0 : i32
      %dma_start3A_175 = tpu.memref_slice %arg12[%dma_start3A_173, %dma_start3A_174] : memref<10240x128xf32, #tpu.memory_space<vmem_shared>> -> memref<10240x128xf32, #tpu.memory_space<vmem_shared>>
      tpu.enqueue_indirect_dma source(%arg10 : memref<125x128xf32, #tpu.memory_space<vmem>>) target(%dma_start3A_175 : memref<10240x128xf32, #tpu.memory_space<vmem_shared>>) offsets(%dma_start3A_172 : memref<125xi32, #tpu.memory_space<vmem>>) semaphore(%arg14 : memref<!tpu.dma_semaphore, #tpu.memory_space<semaphore_mem>>) {add = true}
      %sub3A = arith.constant 1 : i32
      %sub3A_176 = arith.subi %add3A_167, %sub3A : i32
      %dma_wait3A_177 = arith.constant 0 : i32
      %dma_wait3A_178 = tpu.memref_slice %arg8[%sub3A_176, %dma_wait3A_177] : memref<40x125xi32, #tpu.memory_space<vmem>> -> memref<1x125xi32, #tpu.memory_space<vmem>>
      %dma_wait3A_179 = tpu.memref_squeeze %dma_wait3A_178 : memref<1x125xi32, #tpu.memory_space<vmem>> -> memref<125xi32, #tpu.memory_space<vmem>>
      %dma_wait3A_180 = arith.constant 0 : i32
      %dma_wait3A_181 = arith.constant 0 : i32
      %dma_wait3A_182 = tpu.memref_slice %arg12[%dma_wait3A_180, %dma_wait3A_181] : memref<10240x128xf32, #tpu.memory_space<vmem_shared>> -> memref<10240x128xf32, #tpu.memory_space<vmem_shared>>
      tpu.wait_indirect_dma semaphore(%arg13 : memref<!tpu.dma_semaphore, #tpu.memory_space<semaphore_mem>>) src(%arg9 : memref<125x128xf32, #tpu.memory_space<vmem>>) dst(%dma_wait3A_182 : memref<10240x128xf32, #tpu.memory_space<vmem_shared>>)
      %lt3A = arith.constant 40 : i32
      %lt3A_183 = arith.cmpi slt, %add3A_169, %lt3A : i32
      %convert_element_type3A_184 = arith.extui %lt3A_183 : i1 to i32
      %cond3A_185 = arith.constant 0 : i32
      %cond3A_186 = arith.cmpi ne, %convert_element_type3A_184, %cond3A_185 : i32
      scf.if %cond3A_186 {
        "tpu.region"() ({
          %run_scoped3A_200 = tpu.sem_alloc : memref<!tpu.dma_semaphore, #tpu.memory_space<semaphore_mem>>
          %dma_start3A_201 = arith.constant 0 : i32
          %dma_start3A_202 = tpu.memref_slice %arg7[%add3A_169, %dma_start3A_201] : memref<40x125xi32, #tpu.memory_space<vmem>> -> memref<1x125xi32, #tpu.memory_space<vmem>>
          %dma_start3A_203 = tpu.memref_squeeze %dma_start3A_202 : memref<1x125xi32, #tpu.memory_space<vmem>> -> memref<125xi32, #tpu.memory_space<vmem>>
          %dma_start3A_204 = arith.constant 0 : i32
          %dma_start3A_205 = arith.constant 0 : i32
          %dma_start3A_206 = tpu.memref_slice %arg2[%dma_start3A_204, %dma_start3A_205] : memref<10240x128xf32, #tpu.memory_space<hbm>> -> memref<10240x128xf32, #tpu.memory_space<hbm>>
          tpu.enqueue_indirect_dma source(%dma_start3A_206 : memref<10240x128xf32, #tpu.memory_space<hbm>>) target(%arg9 : memref<125x128xf32, #tpu.memory_space<vmem>>) offsets(%dma_start3A_203 : memref<125xi32, #tpu.memory_space<vmem>>) semaphore(%run_scoped3A_200 : memref<!tpu.dma_semaphore, #tpu.memory_space<semaphore_mem>>)
          %dma_wait3A_207 = arith.constant 0 : i32
          %dma_wait3A_208 = tpu.memref_slice %arg7[%add3A_169, %dma_wait3A_207] : memref<40x125xi32, #tpu.memory_space<vmem>> -> memref<1x125xi32, #tpu.memory_space<vmem>>
          %dma_wait3A_209 = tpu.memref_squeeze %dma_wait3A_208 : memref<1x125xi32, #tpu.memory_space<vmem>> -> memref<125xi32, #tpu.memory_space<vmem>>
          %dma_wait3A_210 = arith.constant 0 : i32
          %dma_wait3A_211 = arith.constant 0 : i32
          %dma_wait3A_212 = tpu.memref_slice %arg2[%dma_wait3A_210, %dma_wait3A_211] : memref<10240x128xf32, #tpu.memory_space<hbm>> -> memref<10240x128xf32, #tpu.memory_space<hbm>>
          tpu.wait_indirect_dma semaphore(%run_scoped3A_200 : memref<!tpu.dma_semaphore, #tpu.memory_space<semaphore_mem>>) src(%dma_wait3A_212 : memref<10240x128xf32, #tpu.memory_space<hbm>>) dst(%arg9 : memref<125x128xf32, #tpu.memory_space<vmem>>)
          tpu.yield
        }) : () -> ()
        %dma_start3A_194 = arith.constant 0 : i32
        %dma_start3A_195 = tpu.memref_slice %arg8[%add3A_169, %dma_start3A_194] : memref<40x125xi32, #tpu.memory_space<vmem>> -> memref<1x125xi32, #tpu.memory_space<vmem>>
        %dma_start3A_196 = tpu.memref_squeeze %dma_start3A_195 : memref<1x125xi32, #tpu.memory_space<vmem>> -> memref<125xi32, #tpu.memory_space<vmem>>
        %dma_start3A_197 = arith.constant 0 : i32
        %dma_start3A_198 = arith.constant 0 : i32
        %dma_start3A_199 = tpu.memref_slice %arg12[%dma_start3A_197, %dma_start3A_198] : memref<10240x128xf32, #tpu.memory_space<vmem_shared>> -> memref<10240x128xf32, #tpu.memory_space<vmem_shared>>
        tpu.enqueue_indirect_dma source(%arg9 : memref<125x128xf32, #tpu.memory_space<vmem>>) target(%dma_start3A_199 : memref<10240x128xf32, #tpu.memory_space<vmem_shared>>) offsets(%dma_start3A_196 : memref<125xi32, #tpu.memory_space<vmem>>) semaphore(%arg13 : memref<!tpu.dma_semaphore, #tpu.memory_space<semaphore_mem>>) {add = true}
      } else {
      }
      %dma_wait3A_187 = arith.constant 0 : i32
      %dma_wait3A_188 = tpu.memref_slice %arg8[%add3A_167, %dma_wait3A_187] : memref<40x125xi32, #tpu.memory_space<vmem>> -> memref<1x125xi32, #tpu.memory_space<vmem>>
      %dma_wait3A_189 = tpu.memref_squeeze %dma_wait3A_188 : memref<1x125xi32, #tpu.memory_space<vmem>> -> memref<125xi32, #tpu.memory_space<vmem>>
      %dma_wait3A_190 = arith.constant 0 : i32
      %dma_wait3A_191 = arith.constant 0 : i32
      %dma_wait3A_192 = tpu.memref_slice %arg12[%dma_wait3A_190, %dma_wait3A_191] : memref<10240x128xf32, #tpu.memory_space<vmem_shared>> -> memref<10240x128xf32, #tpu.memory_space<vmem_shared>>
      tpu.wait_indirect_dma semaphore(%arg14 : memref<!tpu.dma_semaphore, #tpu.memory_space<semaphore_mem>>) src(%arg10 : memref<125x128xf32, #tpu.memory_space<vmem>>) dst(%dma_wait3A_192 : memref<10240x128xf32, #tpu.memory_space<vmem_shared>>)
      %scan3A_193 = arith.constant 0 : i32
      scf.yield %scan3A_193 : i32
    }
    %scan3A_139 = arith.constant 20 : i32
    "tpu.region"() ({
      %run_scoped3A_162 = tpu.sem_alloc : memref<!tpu.dma_semaphore, #tpu.memory_space<semaphore_mem>>
      %dma_start3A_163 = arith.constant 0 : i32
      %dma_start3A_164 = arith.constant 0 : i32
      %dma_start3A_165 = tpu.memref_slice %arg3[%add3A, %dma_start3A_163, %dma_start3A_164] : memref<32x80x125xi32, #tpu.memory_space<hbm>> -> memref<1x80x125xi32, #tpu.memory_space<hbm>>
      %dma_start3A_166 = tpu.memref_squeeze %dma_start3A_165 : memref<1x80x125xi32, #tpu.memory_space<hbm>> -> memref<80x125xi32, #tpu.memory_space<hbm>>
      %dma_start3A_167 = arith.constant 40 : i32
      %dma_start3A_168 = arith.constant 0 : i32
      %dma_start3A_169 = tpu.memref_slice %dma_start3A_166[%dma_start3A_167, %dma_start3A_168] : memref<80x125xi32, #tpu.memory_space<hbm>> -> memref<40x125xi32, #tpu.memory_space<hbm>>
      %dma_start3A_170 = arith.constant 0 : i32
      %dma_start3A_171 = arith.constant 0 : i32
      %dma_start3A_172 = tpu.memref_slice %arg3[%add3A, %dma_start3A_170, %dma_start3A_171] : memref<32x80x125xi32, #tpu.memory_space<hbm>> -> memref<1x80x125xi32, #tpu.memory_space<hbm>>
      %dma_start3A_173 = tpu.memref_squeeze %dma_start3A_172 : memref<1x80x125xi32, #tpu.memory_space<hbm>> -> memref<80x125xi32, #tpu.memory_space<hbm>>
      %dma_start3A_174 = arith.constant 40 : i32
      %dma_start3A_175 = arith.constant 0 : i32
      %dma_start3A_176 = tpu.memref_slice %dma_start3A_173[%dma_start3A_174, %dma_start3A_175] : memref<80x125xi32, #tpu.memory_space<hbm>> -> memref<40x125xi32, #tpu.memory_space<hbm>>
      tpu.enqueue_dma source(%dma_start3A_176 : memref<40x125xi32, #tpu.memory_space<hbm>>) target(%arg7 : memref<40x125xi32, #tpu.memory_space<vmem>>) target_semaphore(%run_scoped3A_162 : memref<!tpu.dma_semaphore, #tpu.memory_space<semaphore_mem>>)
      %dma_wait3A_177 = arith.constant 0 : i32
      %dma_wait3A_178 = arith.constant 0 : i32
      %dma_wait3A_179 = tpu.memref_slice %arg3[%add3A, %dma_wait3A_177, %dma_wait3A_178] : memref<32x80x125xi32, #tpu.memory_space<hbm>> -> memref<1x80x125xi32, #tpu.memory_space<hbm>>
      %dma_wait3A_180 = tpu.memref_squeeze %dma_wait3A_179 : memref<1x80x125xi32, #tpu.memory_space<hbm>> -> memref<80x125xi32, #tpu.memory_space<hbm>>
      %dma_wait3A_181 = arith.constant 40 : i32
      %dma_wait3A_182 = arith.constant 0 : i32
      %dma_wait3A_183 = tpu.memref_slice %dma_wait3A_180[%dma_wait3A_181, %dma_wait3A_182] : memref<80x125xi32, #tpu.memory_space<hbm>> -> memref<40x125xi32, #tpu.memory_space<hbm>>
      %dma_wait3A_184 = arith.constant 0 : i32
      %dma_wait3A_185 = arith.constant 0 : i32
      %dma_wait3A_186 = tpu.memref_slice %arg3[%add3A, %dma_wait3A_184, %dma_wait3A_185] : memref<32x80x125xi32, #tpu.memory_space<hbm>> -> memref<1x80x125xi32, #tpu.memory_space<hbm>>
      %dma_wait3A_187 = tpu.memref_squeeze %dma_wait3A_186 : memref<1x80x125xi32, #tpu.memory_space<hbm>> -> memref<80x125xi32, #tpu.memory_space<hbm>>
      %dma_wait3A_188 = arith.constant 40 : i32
      %dma_wait3A_189 = arith.constant 0 : i32
      %dma_wait3A_190 = tpu.memref_slice %dma_wait3A_187[%dma_wait3A_188, %dma_wait3A_189] : memref<80x125xi32, #tpu.memory_space<hbm>> -> memref<40x125xi32, #tpu.memory_space<hbm>>
      tpu.wait_dma2 semaphore(%run_scoped3A_162 : memref<!tpu.dma_semaphore, #tpu.memory_space<semaphore_mem>>) src(%dma_wait3A_190 : memref<40x125xi32, #tpu.memory_space<hbm>>) dst(%arg7 : memref<40x125xi32, #tpu.memory_space<vmem>>)
      tpu.yield
    }) : () -> ()
    "tpu.region"() ({
      %run_scoped3A_162 = tpu.sem_alloc : memref<!tpu.dma_semaphore, #tpu.memory_space<semaphore_mem>>
      %dma_start3A_163 = arith.constant 0 : i32
      %dma_start3A_164 = arith.constant 0 : i32
      %dma_start3A_165 = tpu.memref_slice %arg4[%add3A, %dma_start3A_163, %dma_start3A_164] : memref<32x80x125xi32, #tpu.memory_space<hbm>> -> memref<1x80x125xi32, #tpu.memory_space<hbm>>
      %dma_start3A_166 = tpu.memref_squeeze %dma_start3A_165 : memref<1x80x125xi32, #tpu.memory_space<hbm>> -> memref<80x125xi32, #tpu.memory_space<hbm>>
      %dma_start3A_167 = arith.constant 40 : i32
      %dma_start3A_168 = arith.constant 0 : i32
      %dma_start3A_169 = tpu.memref_slice %dma_start3A_166[%dma_start3A_167, %dma_start3A_168] : memref<80x125xi32, #tpu.memory_space<hbm>> -> memref<40x125xi32, #tpu.memory_space<hbm>>
      %dma_start3A_170 = arith.constant 0 : i32
      %dma_start3A_171 = arith.constant 0 : i32
      %dma_start3A_172 = tpu.memref_slice %arg4[%add3A, %dma_start3A_170, %dma_start3A_171] : memref<32x80x125xi32, #tpu.memory_space<hbm>> -> memref<1x80x125xi32, #tpu.memory_space<hbm>>
      %dma_start3A_173 = tpu.memref_squeeze %dma_start3A_172 : memref<1x80x125xi32, #tpu.memory_space<hbm>> -> memref<80x125xi32, #tpu.memory_space<hbm>>
      %dma_start3A_174 = arith.constant 40 : i32
      %dma_start3A_175 = arith.constant 0 : i32
      %dma_start3A_176 = tpu.memref_slice %dma_start3A_173[%dma_start3A_174, %dma_start3A_175] : memref<80x125xi32, #tpu.memory_space<hbm>> -> memref<40x125xi32, #tpu.memory_space<hbm>>
      tpu.enqueue_dma source(%dma_start3A_176 : memref<40x125xi32, #tpu.memory_space<hbm>>) target(%arg8 : memref<40x125xi32, #tpu.memory_space<vmem>>) target_semaphore(%run_scoped3A_162 : memref<!tpu.dma_semaphore, #tpu.memory_space<semaphore_mem>>)
      %dma_wait3A_177 = arith.constant 0 : i32
      %dma_wait3A_178 = arith.constant 0 : i32
      %dma_wait3A_179 = tpu.memref_slice %arg4[%add3A, %dma_wait3A_177, %dma_wait3A_178] : memref<32x80x125xi32, #tpu.memory_space<hbm>> -> memref<1x80x125xi32, #tpu.memory_space<hbm>>
      %dma_wait3A_180 = tpu.memref_squeeze %dma_wait3A_179 : memref<1x80x125xi32, #tpu.memory_space<hbm>> -> memref<80x125xi32, #tpu.memory_space<hbm>>
      %dma_wait3A_181 = arith.constant 40 : i32
      %dma_wait3A_182 = arith.constant 0 : i32
      %dma_wait3A_183 = tpu.memref_slice %dma_wait3A_180[%dma_wait3A_181, %dma_wait3A_182] : memref<80x125xi32, #tpu.memory_space<hbm>> -> memref<40x125xi32, #tpu.memory_space<hbm>>
      %dma_wait3A_184 = arith.constant 0 : i32
      %dma_wait3A_185 = arith.constant 0 : i32
      %dma_wait3A_186 = tpu.memref_slice %arg4[%add3A, %dma_wait3A_184, %dma_wait3A_185] : memref<32x80x125xi32, #tpu.memory_space<hbm>> -> memref<1x80x125xi32, #tpu.memory_space<hbm>>
      %dma_wait3A_187 = tpu.memref_squeeze %dma_wait3A_186 : memref<1x80x125xi32, #tpu.memory_space<hbm>> -> memref<80x125xi32, #tpu.memory_space<hbm>>
      %dma_wait3A_188 = arith.constant 40 : i32
      %dma_wait3A_189 = arith.constant 0 : i32
      %dma_wait3A_190 = tpu.memref_slice %dma_wait3A_187[%dma_wait3A_188, %dma_wait3A_189] : memref<80x125xi32, #tpu.memory_space<hbm>> -> memref<40x125xi32, #tpu.memory_space<hbm>>
      tpu.wait_dma2 semaphore(%run_scoped3A_162 : memref<!tpu.dma_semaphore, #tpu.memory_space<semaphore_mem>>) src(%dma_wait3A_190 : memref<40x125xi32, #tpu.memory_space<hbm>>) dst(%arg8 : memref<40x125xi32, #tpu.memory_space<vmem>>)
      tpu.yield
    }) : () -> ()
    %run_scoped3A_140 = arith.constant 0 : i32
    "tpu.region"() ({
      %run_scoped3A_162 = tpu.sem_alloc : memref<!tpu.dma_semaphore, #tpu.memory_space<semaphore_mem>>
      %dma_start3A_163 = arith.constant 0 : i32
      %dma_start3A_164 = tpu.memref_slice %arg7[%run_scoped3A_140, %dma_start3A_163] : memref<40x125xi32, #tpu.memory_space<vmem>> -> memref<1x125xi32, #tpu.memory_space<vmem>>
      %dma_start3A_165 = tpu.memref_squeeze %dma_start3A_164 : memref<1x125xi32, #tpu.memory_space<vmem>> -> memref<125xi32, #tpu.memory_space<vmem>>
      %dma_start3A_166 = arith.constant 0 : i32
      %dma_start3A_167 = arith.constant 0 : i32
      %dma_start3A_168 = tpu.memref_slice %arg2[%dma_start3A_166, %dma_start3A_167] : memref<10240x128xf32, #tpu.memory_space<hbm>> -> memref<10240x128xf32, #tpu.memory_space<hbm>>
      tpu.enqueue_indirect_dma source(%dma_start3A_168 : memref<10240x128xf32, #tpu.memory_space<hbm>>) target(%arg9 : memref<125x128xf32, #tpu.memory_space<vmem>>) offsets(%dma_start3A_165 : memref<125xi32, #tpu.memory_space<vmem>>) semaphore(%run_scoped3A_162 : memref<!tpu.dma_semaphore, #tpu.memory_space<semaphore_mem>>)
      %dma_wait3A_169 = arith.constant 0 : i32
      %dma_wait3A_170 = tpu.memref_slice %arg7[%run_scoped3A_140, %dma_wait3A_169] : memref<40x125xi32, #tpu.memory_space<vmem>> -> memref<1x125xi32, #tpu.memory_space<vmem>>
      %dma_wait3A_171 = tpu.memref_squeeze %dma_wait3A_170 : memref<1x125xi32, #tpu.memory_space<vmem>> -> memref<125xi32, #tpu.memory_space<vmem>>
      %dma_wait3A_172 = arith.constant 0 : i32
      %dma_wait3A_173 = arith.constant 0 : i32
      %dma_wait3A_174 = tpu.memref_slice %arg2[%dma_wait3A_172, %dma_wait3A_173] : memref<10240x128xf32, #tpu.memory_space<hbm>> -> memref<10240x128xf32, #tpu.memory_space<hbm>>
      tpu.wait_indirect_dma semaphore(%run_scoped3A_162 : memref<!tpu.dma_semaphore, #tpu.memory_space<semaphore_mem>>) src(%dma_wait3A_174 : memref<10240x128xf32, #tpu.memory_space<hbm>>) dst(%arg9 : memref<125x128xf32, #tpu.memory_space<vmem>>)
      tpu.yield
    }) : () -> ()
    %dma_start3A_141 = arith.constant 0 : i32
    %dma_start3A_142 = arith.constant 0 : i32
    %dma_start3A_143 = tpu.memref_slice %arg8[%dma_start3A_141, %dma_start3A_142] : memref<40x125xi32, #tpu.memory_space<vmem>> -> memref<1x125xi32, #tpu.memory_space<vmem>>
    %dma_start3A_144 = tpu.memref_squeeze %dma_start3A_143 : memref<1x125xi32, #tpu.memory_space<vmem>> -> memref<125xi32, #tpu.memory_space<vmem>>
    %dma_start3A_145 = arith.constant 0 : i32
    %dma_start3A_146 = arith.constant 0 : i32
    %dma_start3A_147 = tpu.memref_slice %arg12[%dma_start3A_145, %dma_start3A_146] : memref<10240x128xf32, #tpu.memory_space<vmem_shared>> -> memref<10240x128xf32, #tpu.memory_space<vmem_shared>>
    tpu.enqueue_indirect_dma source(%arg9 : memref<125x128xf32, #tpu.memory_space<vmem>>) target(%dma_start3A_147 : memref<10240x128xf32, #tpu.memory_space<vmem_shared>>) offsets(%dma_start3A_144 : memref<125xi32, #tpu.memory_space<vmem>>) semaphore(%arg13 : memref<!tpu.dma_semaphore, #tpu.memory_space<semaphore_mem>>) {add = true}
    %scan3A_148 = arith.constant 0 : i32
    %scan3A_149 = arith.constant 0 : i32
    %scan3A_150 = arith.constant 20 : i32
    %scan3A_151 = arith.addi %scan3A_149, %scan3A_150 : i32
    %scan3A_152 = arith.constant 1 : i32
    %scan3A_153 = scf.for %scan3A_162 = %scan3A_149 to %scan3A_151 step %scan3A_152 iter_args(%scan3A_163 = %scan3A_148) -> (i32)  : i32 {
      %mul3A_164 = arith.constant 2 : i32
      %mul3A_165 = arith.muli %mul3A_164, %scan3A_162 : i32
      %add3A_166 = arith.constant 1 : i32
      %add3A_167 = arith.addi %mul3A_165, %add3A_166 : i32
      %add3A_168 = arith.constant 1 : i32
      %add3A_169 = arith.addi %add3A_167, %add3A_168 : i32
      "tpu.region"() ({
        %run_scoped3A_194 = tpu.sem_alloc : memref<!tpu.dma_semaphore, #tpu.memory_space<semaphore_mem>>
        %dma_start3A_195 = arith.constant 0 : i32
        %dma_start3A_196 = tpu.memref_slice %arg7[%add3A_167, %dma_start3A_195] : memref<40x125xi32, #tpu.memory_space<vmem>> -> memref<1x125xi32, #tpu.memory_space<vmem>>
        %dma_start3A_197 = tpu.memref_squeeze %dma_start3A_196 : memref<1x125xi32, #tpu.memory_space<vmem>> -> memref<125xi32, #tpu.memory_space<vmem>>
        %dma_start3A_198 = arith.constant 0 : i32
        %dma_start3A_199 = arith.constant 0 : i32
        %dma_start3A_200 = tpu.memref_slice %arg2[%dma_start3A_198, %dma_start3A_199] : memref<10240x128xf32, #tpu.memory_space<hbm>> -> memref<10240x128xf32, #tpu.memory_space<hbm>>
        tpu.enqueue_indirect_dma source(%dma_start3A_200 : memref<10240x128xf32, #tpu.memory_space<hbm>>) target(%arg10 : memref<125x128xf32, #tpu.memory_space<vmem>>) offsets(%dma_start3A_197 : memref<125xi32, #tpu.memory_space<vmem>>) semaphore(%run_scoped3A_194 : memref<!tpu.dma_semaphore, #tpu.memory_space<semaphore_mem>>)
        %dma_wait3A_201 = arith.constant 0 : i32
        %dma_wait3A_202 = tpu.memref_slice %arg7[%add3A_167, %dma_wait3A_201] : memref<40x125xi32, #tpu.memory_space<vmem>> -> memref<1x125xi32, #tpu.memory_space<vmem>>
        %dma_wait3A_203 = tpu.memref_squeeze %dma_wait3A_202 : memref<1x125xi32, #tpu.memory_space<vmem>> -> memref<125xi32, #tpu.memory_space<vmem>>
        %dma_wait3A_204 = arith.constant 0 : i32
        %dma_wait3A_205 = arith.constant 0 : i32
        %dma_wait3A_206 = tpu.memref_slice %arg2[%dma_wait3A_204, %dma_wait3A_205] : memref<10240x128xf32, #tpu.memory_space<hbm>> -> memref<10240x128xf32, #tpu.memory_space<hbm>>
        tpu.wait_indirect_dma semaphore(%run_scoped3A_194 : memref<!tpu.dma_semaphore, #tpu.memory_space<semaphore_mem>>) src(%dma_wait3A_206 : memref<10240x128xf32, #tpu.memory_space<hbm>>) dst(%arg10 : memref<125x128xf32, #tpu.memory_space<vmem>>)
        tpu.yield
      }) : () -> ()
      %dma_start3A_170 = arith.constant 0 : i32
      %dma_start3A_171 = tpu.memref_slice %arg8[%add3A_167, %dma_start3A_170] : memref<40x125xi32, #tpu.memory_space<vmem>> -> memref<1x125xi32, #tpu.memory_space<vmem>>
      %dma_start3A_172 = tpu.memref_squeeze %dma_start3A_171 : memref<1x125xi32, #tpu.memory_space<vmem>> -> memref<125xi32, #tpu.memory_space<vmem>>
      %dma_start3A_173 = arith.constant 0 : i32
      %dma_start3A_174 = arith.constant 0 : i32
      %dma_start3A_175 = tpu.memref_slice %arg12[%dma_start3A_173, %dma_start3A_174] : memref<10240x128xf32, #tpu.memory_space<vmem_shared>> -> memref<10240x128xf32, #tpu.memory_space<vmem_shared>>
      tpu.enqueue_indirect_dma source(%arg10 : memref<125x128xf32, #tpu.memory_space<vmem>>) target(%dma_start3A_175 : memref<10240x128xf32, #tpu.memory_space<vmem_shared>>) offsets(%dma_start3A_172 : memref<125xi32, #tpu.memory_space<vmem>>) semaphore(%arg14 : memref<!tpu.dma_semaphore, #tpu.memory_space<semaphore_mem>>) {add = true}
      %sub3A = arith.constant 1 : i32
      %sub3A_176 = arith.subi %add3A_167, %sub3A : i32
      %dma_wait3A_177 = arith.constant 0 : i32
      %dma_wait3A_178 = tpu.memref_slice %arg8[%sub3A_176, %dma_wait3A_177] : memref<40x125xi32, #tpu.memory_space<vmem>> -> memref<1x125xi32, #tpu.memory_space<vmem>>
      %dma_wait3A_179 = tpu.memref_squeeze %dma_wait3A_178 : memref<1x125xi32, #tpu.memory_space<vmem>> -> memref<125xi32, #tpu.memory_space<vmem>>
      %dma_wait3A_180 = arith.constant 0 : i32
      %dma_wait3A_181 = arith.constant 0 : i32
      %dma_wait3A_182 = tpu.memref_slice %arg12[%dma_wait3A_180, %dma_wait3A_181] : memref<10240x128xf32, #tpu.memory_space<vmem_shared>> -> memref<10240x128xf32, #tpu.memory_space<vmem_shared>>
      tpu.wait_indirect_dma semaphore(%arg13 : memref<!tpu.dma_semaphore, #tpu.memory_space<semaphore_mem>>) src(%arg9 : memref<125x128xf32, #tpu.memory_space<vmem>>) dst(%dma_wait3A_182 : memref<10240x128xf32, #tpu.memory_space<vmem_shared>>)
      %lt3A = arith.constant 40 : i32
      %lt3A_183 = arith.cmpi slt, %add3A_169, %lt3A : i32
      %convert_element_type3A_184 = arith.extui %lt3A_183 : i1 to i32
      %cond3A_185 = arith.constant 0 : i32
      %cond3A_186 = arith.cmpi ne, %convert_element_type3A_184, %cond3A_185 : i32
      scf.if %cond3A_186 {
        "tpu.region"() ({
          %run_scoped3A_200 = tpu.sem_alloc : memref<!tpu.dma_semaphore, #tpu.memory_space<semaphore_mem>>
          %dma_start3A_201 = arith.constant 0 : i32
          %dma_start3A_202 = tpu.memref_slice %arg7[%add3A_169, %dma_start3A_201] : memref<40x125xi32, #tpu.memory_space<vmem>> -> memref<1x125xi32, #tpu.memory_space<vmem>>
          %dma_start3A_203 = tpu.memref_squeeze %dma_start3A_202 : memref<1x125xi32, #tpu.memory_space<vmem>> -> memref<125xi32, #tpu.memory_space<vmem>>
          %dma_start3A_204 = arith.constant 0 : i32
          %dma_start3A_205 = arith.constant 0 : i32
          %dma_start3A_206 = tpu.memref_slice %arg2[%dma_start3A_204, %dma_start3A_205] : memref<10240x128xf32, #tpu.memory_space<hbm>> -> memref<10240x128xf32, #tpu.memory_space<hbm>>
          tpu.enqueue_indirect_dma source(%dma_start3A_206 : memref<10240x128xf32, #tpu.memory_space<hbm>>) target(%arg9 : memref<125x128xf32, #tpu.memory_space<vmem>>) offsets(%dma_start3A_203 : memref<125xi32, #tpu.memory_space<vmem>>) semaphore(%run_scoped3A_200 : memref<!tpu.dma_semaphore, #tpu.memory_space<semaphore_mem>>)
          %dma_wait3A_207 = arith.constant 0 : i32
          %dma_wait3A_208 = tpu.memref_slice %arg7[%add3A_169, %dma_wait3A_207] : memref<40x125xi32, #tpu.memory_space<vmem>> -> memref<1x125xi32, #tpu.memory_space<vmem>>
          %dma_wait3A_209 = tpu.memref_squeeze %dma_wait3A_208 : memref<1x125xi32, #tpu.memory_space<vmem>> -> memref<125xi32, #tpu.memory_space<vmem>>
          %dma_wait3A_210 = arith.constant 0 : i32
          %dma_wait3A_211 = arith.constant 0 : i32
          %dma_wait3A_212 = tpu.memref_slice %arg2[%dma_wait3A_210, %dma_wait3A_211] : memref<10240x128xf32, #tpu.memory_space<hbm>> -> memref<10240x128xf32, #tpu.memory_space<hbm>>
          tpu.wait_indirect_dma semaphore(%run_scoped3A_200 : memref<!tpu.dma_semaphore, #tpu.memory_space<semaphore_mem>>) src(%dma_wait3A_212 : memref<10240x128xf32, #tpu.memory_space<hbm>>) dst(%arg9 : memref<125x128xf32, #tpu.memory_space<vmem>>)
          tpu.yield
        }) : () -> ()
        %dma_start3A_194 = arith.constant 0 : i32
        %dma_start3A_195 = tpu.memref_slice %arg8[%add3A_169, %dma_start3A_194] : memref<40x125xi32, #tpu.memory_space<vmem>> -> memref<1x125xi32, #tpu.memory_space<vmem>>
        %dma_start3A_196 = tpu.memref_squeeze %dma_start3A_195 : memref<1x125xi32, #tpu.memory_space<vmem>> -> memref<125xi32, #tpu.memory_space<vmem>>
        %dma_start3A_197 = arith.constant 0 : i32
        %dma_start3A_198 = arith.constant 0 : i32
        %dma_start3A_199 = tpu.memref_slice %arg12[%dma_start3A_197, %dma_start3A_198] : memref<10240x128xf32, #tpu.memory_space<vmem_shared>> -> memref<10240x128xf32, #tpu.memory_space<vmem_shared>>
        tpu.enqueue_indirect_dma source(%arg9 : memref<125x128xf32, #tpu.memory_space<vmem>>) target(%dma_start3A_199 : memref<10240x128xf32, #tpu.memory_space<vmem_shared>>) offsets(%dma_start3A_196 : memref<125xi32, #tpu.memory_space<vmem>>) semaphore(%arg13 : memref<!tpu.dma_semaphore, #tpu.memory_space<semaphore_mem>>) {add = true}
      } else {
      }
      %dma_wait3A_187 = arith.constant 0 : i32
      %dma_wait3A_188 = tpu.memref_slice %arg8[%add3A_167, %dma_wait3A_187] : memref<40x125xi32, #tpu.memory_space<vmem>> -> memref<1x125xi32, #tpu.memory_space<vmem>>
      %dma_wait3A_189 = tpu.memref_squeeze %dma_wait3A_188 : memref<1x125xi32, #tpu.memory_space<vmem>> -> memref<125xi32, #tpu.memory_space<vmem>>
      %dma_wait3A_190 = arith.constant 0 : i32
      %dma_wait3A_191 = arith.constant 0 : i32
      %dma_wait3A_192 = tpu.memref_slice %arg12[%dma_wait3A_190, %dma_wait3A_191] : memref<10240x128xf32, #tpu.memory_space<vmem_shared>> -> memref<10240x128xf32, #tpu.memory_space<vmem_shared>>
      tpu.wait_indirect_dma semaphore(%arg14 : memref<!tpu.dma_semaphore, #tpu.memory_space<semaphore_mem>>) src(%arg10 : memref<125x128xf32, #tpu.memory_space<vmem>>) dst(%dma_wait3A_192 : memref<10240x128xf32, #tpu.memory_space<vmem_shared>>)
      %scan3A_193 = arith.constant 0 : i32
      scf.yield %scan3A_193 : i32
    }
    %scan3A_154 = arith.constant 20 : i32
    %barrier3A_155 = arith.constant 0 : index
    tpu.barrier barrier_id(%barrier3A_155)
    %eq3A = arith.constant 0 : i32
    %eq3A_156 = arith.cmpi eq, %arg0, %eq3A : i32
    %convert_element_type3A = arith.extui %eq3A_156 : i1 to i32
    %cond3A = arith.constant 0 : i32
    %cond3A_157 = arith.cmpi ne, %convert_element_type3A, %cond3A : i32
    scf.if %cond3A_157 {
      %mul3A_162 = arith.constant 640 : i32
      %mul3A_163 = arith.muli %arg1, %mul3A_162 : i32
      %mul3A_164 = arith.constant 640 : i32
      %mul3A_165 = arith.muli %arg1, %mul3A_164 : i32
      "tpu.region"() ({
        %run_scoped3A_166 = tpu.sem_alloc : memref<!tpu.dma_semaphore, #tpu.memory_space<semaphore_mem>>
        %dma_start3A_167 = arith.constant 0 : i32
        %dma_start3A_168 = tpu.memref_slice %arg5[%mul3A_165, %dma_start3A_167] : memref<10240x128xf32, #tpu.memory_space<hbm>> -> memref<640x128xf32, #tpu.memory_space<hbm>>
        %dma_start3A_169 = arith.constant 0 : i32
        %dma_start3A_170 = tpu.memref_slice %arg12[%mul3A_163, %dma_start3A_169] : memref<10240x128xf32, #tpu.memory_space<vmem_shared>> -> memref<640x128xf32, #tpu.memory_space<vmem_shared>>
        tpu.enqueue_dma source(%dma_start3A_170 : memref<640x128xf32, #tpu.memory_space<vmem_shared>>) target(%dma_start3A_168 : memref<640x128xf32, #tpu.memory_space<hbm>>) target_semaphore(%run_scoped3A_166 : memref<!tpu.dma_semaphore, #tpu.memory_space<semaphore_mem>>)
        %dma_wait3A_171 = arith.constant 0 : i32
        %dma_wait3A_172 = tpu.memref_slice %arg5[%mul3A_165, %dma_wait3A_171] : memref<10240x128xf32, #tpu.memory_space<hbm>> -> memref<640x128xf32, #tpu.memory_space<hbm>>
        %dma_wait3A_173 = arith.constant 0 : i32
        %dma_wait3A_174 = tpu.memref_slice %arg12[%mul3A_163, %dma_wait3A_173] : memref<10240x128xf32, #tpu.memory_space<vmem_shared>> -> memref<640x128xf32, #tpu.memory_space<vmem_shared>>
        tpu.wait_dma2 semaphore(%run_scoped3A_166 : memref<!tpu.dma_semaphore, #tpu.memory_space<semaphore_mem>>) src(%dma_wait3A_174 : memref<640x128xf32, #tpu.memory_space<vmem_shared>>) dst(%dma_wait3A_172 : memref<640x128xf32, #tpu.memory_space<hbm>>)
        tpu.yield
      }) : () -> ()
    } else {
    }
    %ne3A = arith.constant 0 : i32
    %ne3A_158 = arith.cmpi ne, %arg0, %ne3A : i32
    %convert_element_type3A_159 = arith.extui %ne3A_158 : i1 to i32
    %cond3A_160 = arith.constant 0 : i32
    %cond3A_161 = arith.cmpi ne, %convert_element_type3A_159, %cond3A_160 : i32
    scf.if %cond3A_161 {
      %mul3A_162 = arith.constant 640 : i32
      %mul3A_163 = arith.muli %arg1, %mul3A_162 : i32
      %mul3A_164 = arith.constant 640 : i32
      %mul3A_165 = arith.muli %arg1, %mul3A_164 : i32
      "tpu.region"() ({
        %run_scoped3A_166 = tpu.sem_alloc : memref<!tpu.dma_semaphore, #tpu.memory_space<semaphore_mem>>
        %dma_start3A_167 = arith.constant 0 : i32
        %dma_start3A_168 = tpu.memref_slice %arg6[%mul3A_165, %dma_start3A_167] : memref<10240x128xf32, #tpu.memory_space<hbm>> -> memref<640x128xf32, #tpu.memory_space<hbm>>
        %dma_start3A_169 = arith.constant 0 : i32
        %dma_start3A_170 = tpu.memref_slice %arg12[%mul3A_163, %dma_start3A_169] : memref<10240x128xf32, #tpu.memory_space<vmem_shared>> -> memref<640x128xf32, #tpu.memory_space<vmem_shared>>
        tpu.enqueue_dma source(%dma_start3A_170 : memref<640x128xf32, #tpu.memory_space<vmem_shared>>) target(%dma_start3A_168 : memref<640x128xf32, #tpu.memory_space<hbm>>) target_semaphore(%run_scoped3A_166 : memref<!tpu.dma_semaphore, #tpu.memory_space<semaphore_mem>>)
        %dma_wait3A_171 = arith.constant 0 : i32
        %dma_wait3A_172 = tpu.memref_slice %arg6[%mul3A_165, %dma_wait3A_171] : memref<10240x128xf32, #tpu.memory_space<hbm>> -> memref<640x128xf32, #tpu.memory_space<hbm>>
        %dma_wait3A_173 = arith.constant 0 : i32
        %dma_wait3A_174 = tpu.memref_slice %arg12[%mul3A_163, %dma_wait3A_173] : memref<10240x128xf32, #tpu.memory_space<vmem_shared>> -> memref<640x128xf32, #tpu.memory_space<vmem_shared>>
        tpu.wait_dma2 semaphore(%run_scoped3A_166 : memref<!tpu.dma_semaphore, #tpu.memory_space<semaphore_mem>>) src(%dma_wait3A_174 : memref<640x128xf32, #tpu.memory_space<vmem_shared>>) dst(%dma_wait3A_172 : memref<640x128xf32, #tpu.memory_space<hbm>>)
        tpu.yield
      }) : () -> ()
    } else {
    }
    return
  }
}

module attributes {stable_mosaic.version = 14 : i64} {
  func.func @_mm1_body(%arg0: i32, %arg1: memref<1024x1xf32, #tpu.memory_space<vmem>>, %arg2: memref<1024x1xf32, #tpu.memory_space<vmem>>, %arg3: memref<1024x128xf32, #tpu.memory_space<vmem>>, %arg4: memref<128x128xf32, #tpu.memory_space<vmem>>, %arg5: memref<1024x128xf32, #tpu.memory_space<vmem>>, %arg6: memref<1024x1xf32, #tpu.memory_space<vmem>>) attributes {dimension_semantics = [#tpu.dimension_semantics<arbitrary>], iteration_bounds = array<i64: 10>, scalar_prefetch = 0 : i64, scratch_operands = 0 : i64, tpu.core_type = #tpu.core_type<tc>, window_params = [{transform_indices = @transform_0, window_bounds = array<i64: 1024, 1>}, {transform_indices = @transform_1, window_bounds = array<i64: 1024, 1>}, {transform_indices = @transform_2, window_bounds = array<i64: 1024, 128>}, {pipeline_mode = #tpu.pipeline_mode<synchronous>, transform_indices = @transform_3, window_bounds = array<i64: 128, 128>}, {transform_indices = @transform_4, window_bounds = array<i64: 1024, 128>}, {transform_indices = @transform_5, window_bounds = array<i64: 1024, 1>}]} {
    %get3A = arith.constant 0 : index
    %get3A_0 = arith.constant 0 : index
    %get3A_1 = vector.load %arg1[%get3A, %get3A_0] : memref<1024x1xf32, #tpu.memory_space<vmem>>, vector<1024x1xf32>
    %add3A = arith.constant 1.000000e+00 : f32
    %add3A_2 = vector.broadcast %add3A : f32 to vector<1024x1xf32>
    %add3A_3 = arith.addf %add3A_2, %get3A_1 : vector<1024x1xf32>
    %get3A_4 = arith.constant 0 : index
    %get3A_5 = arith.constant 0 : index
    %get3A_6 = vector.load %arg2[%get3A_4, %get3A_5] : memref<1024x1xf32, #tpu.memory_space<vmem>>, vector<1024x1xf32>
    %add3A_7 = arith.addf %add3A_3, %get3A_6 : vector<1024x1xf32>
    %rsqrt3A = math.rsqrt %add3A_7 : vector<1024x1xf32>
    %swap3A = arith.constant 0 : index
    %swap3A_8 = arith.constant 0 : index
    %swap3A_9 = vector.load %arg6[%swap3A, %swap3A_8] : memref<1024x1xf32, #tpu.memory_space<vmem>>, vector<1024x1xf32>
    tpu.vector_store %arg6[%swap3A, %swap3A_8], %rsqrt3A {strides = array<i32>} : memref<1024x1xf32, #tpu.memory_space<vmem>>, vector<1024x1xf32>,
    %get3A_10 = arith.constant 0 : index
    %get3A_11 = arith.constant 0 : index
    %get3A_12 = vector.load %arg3[%get3A_10, %get3A_11] : memref<1024x128xf32, #tpu.memory_space<vmem>>, vector<1024x128xf32>
    %get3A_13 = arith.constant 0 : index
    %get3A_14 = arith.constant 0 : index
    %get3A_15 = vector.load %arg4[%get3A_13, %get3A_14] : memref<128x128xf32, #tpu.memory_space<vmem>>, vector<128x128xf32>
    %dot_general3A = arith.constant dense<0.000000e+00> : vector<1024x128xf32>
    %dot_general3A_16 = tpu.matmul %get3A_12, %get3A_15, %dot_general3A {dimension_numbers = #tpu.dot_dimension_numbers<[1], [0], [0], [1], [0, 0, 1, 1], [], []>, transpose_lhs_hint = false} : vector<1024x128xf32>, vector<128x128xf32>, vector<1024x128xf32> -> vector<1024x128xf32>
    %mul3A = vector.broadcast %rsqrt3A : vector<1024x1xf32> to vector<1024x128xf32>
    %mul3A_17 = arith.mulf %dot_general3A_16, %mul3A : vector<1024x128xf32>
    %swap3A_18 = arith.constant 0 : index
    %swap3A_19 = arith.constant 0 : index
    %swap3A_20 = vector.load %arg5[%swap3A_18, %swap3A_19] : memref<1024x128xf32, #tpu.memory_space<vmem>>, vector<1024x128xf32>
    tpu.vector_store %arg5[%swap3A_18, %swap3A_19], %mul3A_17 {strides = array<i32>} : memref<1024x128xf32, #tpu.memory_space<vmem>>, vector<1024x128xf32>,
    return
  }
  func.func @transform_0(%arg0: i32) -> (i32, i32) {
    %c0_i32 = arith.constant 0 : i32
    %c0_i32_0 = arith.constant 0 : i32
    return %arg0, %c0_i32 : i32, i32
  }
  func.func @transform_1(%arg0: i32) -> (i32, i32) {
    %c0_i32 = arith.constant 0 : i32
    %c0_i32_0 = arith.constant 0 : i32
    return %arg0, %c0_i32 : i32, i32
  }
  func.func @transform_2(%arg0: i32) -> (i32, i32) {
    %c0_i32 = arith.constant 0 : i32
    %c0_i32_0 = arith.constant 0 : i32
    return %arg0, %c0_i32 : i32, i32
  }
  func.func @transform_3(%arg0: i32) -> (i32, i32) {
    %c0_i32 = arith.constant 0 : i32
    %c0_i32_0 = arith.constant 0 : i32
    %c0_i32_1 = arith.constant 0 : i32
    return %c0_i32, %c0_i32_0 : i32, i32
  }
  func.func @transform_4(%arg0: i32) -> (i32, i32) {
    %c0_i32 = arith.constant 0 : i32
    %c0_i32_0 = arith.constant 0 : i32
    return %arg0, %c0_i32 : i32, i32
  }
  func.func @transform_5(%arg0: i32) -> (i32, i32) {
    %c0_i32 = arith.constant 0 : i32
    %c0_i32_0 = arith.constant 0 : i32
    return %arg0, %c0_i32 : i32, i32
  }
}

module attributes {stable_mosaic.version = 14 : i64} {
  func.func @_layer_body(%arg0: i32, %arg1: memref<1024x128xf32, #tpu.memory_space<vmem>>, %arg2: memref<1024x128xf32, #tpu.memory_space<vmem>>, %arg3: memref<1024x128xf32, #tpu.memory_space<vmem>>, %arg4: memref<1024x1xf32, #tpu.memory_space<vmem>>, %arg5: memref<1x128xf32, #tpu.memory_space<vmem>>, %arg6: memref<128x128xf32, #tpu.memory_space<vmem>>, %arg7: memref<1024x128xf32, #tpu.memory_space<vmem>>) attributes {dimension_semantics = [#tpu.dimension_semantics<arbitrary>], iteration_bounds = array<i64: 10>, scalar_prefetch = 0 : i64, scratch_operands = 0 : i64, tpu.core_type = #tpu.core_type<tc>, window_params = [{transform_indices = @transform_0, window_bounds = array<i64: 1024, 128>}, {transform_indices = @transform_1, window_bounds = array<i64: 1024, 128>}, {transform_indices = @transform_2, window_bounds = array<i64: 1024, 128>}, {transform_indices = @transform_3, window_bounds = array<i64: 1024, 1>}, {pipeline_mode = #tpu.pipeline_mode<synchronous>, transform_indices = @transform_4, window_bounds = array<i64: 1, 128>}, {pipeline_mode = #tpu.pipeline_mode<synchronous>, transform_indices = @transform_5, window_bounds = array<i64: 128, 128>}, {transform_indices = @transform_6, window_bounds = array<i64: 1024, 128>}]} {
    %get3A = arith.constant 0 : index
    %get3A_0 = arith.constant 0 : index
    %get3A_1 = vector.load %arg4[%get3A, %get3A_0] : memref<1024x1xf32, #tpu.memory_space<vmem>>, vector<1024x1xf32>
    %get3A_2 = arith.constant 0 : index
    %get3A_3 = arith.constant 0 : index
    %get3A_4 = vector.load %arg1[%get3A_2, %get3A_3] : memref<1024x128xf32, #tpu.memory_space<vmem>>, vector<1024x128xf32>
    %get3A_5 = arith.constant 0 : index
    %get3A_6 = arith.constant 0 : index
    %get3A_7 = vector.load %arg2[%get3A_5, %get3A_6] : memref<1024x128xf32, #tpu.memory_space<vmem>>, vector<1024x128xf32>
    %add3A = arith.addf %get3A_4, %get3A_7 : vector<1024x128xf32>
    %get3A_8 = arith.constant 0 : index
    %get3A_9 = arith.constant 0 : index
    %get3A_10 = vector.load %arg3[%get3A_8, %get3A_9] : memref<1024x128xf32, #tpu.memory_space<vmem>>, vector<1024x128xf32>
    %add3A_11 = arith.addf %add3A, %get3A_10 : vector<1024x128xf32>
    %mul3A = vector.broadcast %get3A_1 : vector<1024x1xf32> to vector<1024x128xf32>
    %mul3A_12 = arith.mulf %add3A_11, %mul3A : vector<1024x128xf32>
    %get3A_13 = arith.constant 0 : index
    %get3A_14 = arith.constant 0 : index
    %get3A_15 = vector.load %arg5[%get3A_13, %get3A_14] : memref<1x128xf32, #tpu.memory_space<vmem>>, vector<1x128xf32>
    %add3A_16 = vector.broadcast %get3A_15 : vector<1x128xf32> to vector<1024x128xf32>
    %add3A_17 = arith.addf %mul3A_12, %add3A_16 : vector<1024x128xf32>
    %max3A = arith.constant 0.000000e+00 : f32
    %max3A_18 = vector.broadcast %max3A : f32 to vector<1024x128xf32>
    %max3A_19 = arith.maximumf %add3A_17, %max3A_18 : vector<1024x128xf32>
    %get3A_20 = arith.constant 0 : index
    %get3A_21 = arith.constant 0 : index
    %get3A_22 = vector.load %arg6[%get3A_20, %get3A_21] : memref<128x128xf32, #tpu.memory_space<vmem>>, vector<128x128xf32>
    %dot_general3A = arith.constant dense<0.000000e+00> : vector<1024x128xf32>
    %dot_general3A_23 = tpu.matmul %max3A_19, %get3A_22, %dot_general3A {dimension_numbers = #tpu.dot_dimension_numbers<[1], [0], [0], [1], [0, 0, 1, 1], [], []>, transpose_lhs_hint = false} : vector<1024x128xf32>, vector<128x128xf32>, vector<1024x128xf32> -> vector<1024x128xf32>
    %mul3A_24 = vector.broadcast %get3A_1 : vector<1024x1xf32> to vector<1024x128xf32>
    %mul3A_25 = arith.mulf %dot_general3A_23, %mul3A_24 : vector<1024x128xf32>
    %swap3A = arith.constant 0 : index
    %swap3A_26 = arith.constant 0 : index
    %swap3A_27 = vector.load %arg7[%swap3A, %swap3A_26] : memref<1024x128xf32, #tpu.memory_space<vmem>>, vector<1024x128xf32>
    tpu.vector_store %arg7[%swap3A, %swap3A_26], %mul3A_25 {strides = array<i32>} : memref<1024x128xf32, #tpu.memory_space<vmem>>, vector<1024x128xf32>,
    return
  }
  func.func @transform_0(%arg0: i32) -> (i32, i32) {
    %c0_i32 = arith.constant 0 : i32
    %c0_i32_0 = arith.constant 0 : i32
    return %arg0, %c0_i32 : i32, i32
  }
  func.func @transform_1(%arg0: i32) -> (i32, i32) {
    %c0_i32 = arith.constant 0 : i32
    %c0_i32_0 = arith.constant 0 : i32
    return %arg0, %c0_i32 : i32, i32
  }
  func.func @transform_2(%arg0: i32) -> (i32, i32) {
    %c0_i32 = arith.constant 0 : i32
    %c0_i32_0 = arith.constant 0 : i32
    return %arg0, %c0_i32 : i32, i32
  }
  func.func @transform_3(%arg0: i32) -> (i32, i32) {
    %c0_i32 = arith.constant 0 : i32
    %c0_i32_0 = arith.constant 0 : i32
    return %arg0, %c0_i32 : i32, i32
  }
  func.func @transform_4(%arg0: i32) -> (i32, i32) {
    %c0_i32 = arith.constant 0 : i32
    %c0_i32_0 = arith.constant 0 : i32
    %c0_i32_1 = arith.constant 0 : i32
    return %c0_i32, %c0_i32_0 : i32, i32
  }
  func.func @transform_5(%arg0: i32) -> (i32, i32) {
    %c0_i32 = arith.constant 0 : i32
    %c0_i32_0 = arith.constant 0 : i32
    %c0_i32_1 = arith.constant 0 : i32
    return %c0_i32, %c0_i32_0 : i32, i32
  }
  func.func @transform_6(%arg0: i32) -> (i32, i32) {
    %c0_i32 = arith.constant 0 : i32
    %c0_i32_0 = arith.constant 0 : i32
    return %arg0, %c0_i32 : i32, i32
  }
}

module attributes {stable_mosaic.version = 14 : i64} {
  func.func @_final_body(%arg0: i32, %arg1: memref<1000x128xf32, #tpu.memory_space<vmem>>, %arg2: memref<1000x128xf32, #tpu.memory_space<vmem>>, %arg3: memref<1000x128xf32, #tpu.memory_space<vmem>>, %arg4: memref<1000x1xf32, #tpu.memory_space<vmem>>, %arg5: memref<1x128xf32, #tpu.memory_space<vmem>>, %arg6: memref<1000x128xf32, #tpu.memory_space<vmem>>) attributes {dimension_semantics = [#tpu.dimension_semantics<arbitrary>], iteration_bounds = array<i64: 10>, scalar_prefetch = 0 : i64, scratch_operands = 0 : i64, tpu.core_type = #tpu.core_type<tc>, window_params = [{transform_indices = @transform_0, window_bounds = array<i64: 1000, 128>}, {transform_indices = @transform_1, window_bounds = array<i64: 1000, 128>}, {transform_indices = @transform_2, window_bounds = array<i64: 1000, 128>}, {transform_indices = @transform_3, window_bounds = array<i64: 1000, 1>}, {pipeline_mode = #tpu.pipeline_mode<synchronous>, transform_indices = @transform_4, window_bounds = array<i64: 1, 128>}, {transform_indices = @transform_5, window_bounds = array<i64: 1000, 128>}]} {
    %get3A = arith.constant 0 : index
    %get3A_0 = arith.constant 0 : index
    %get3A_1 = vector.load %arg1[%get3A, %get3A_0] : memref<1000x128xf32, #tpu.memory_space<vmem>>, vector<1000x128xf32>
    %get3A_2 = arith.constant 0 : index
    %get3A_3 = arith.constant 0 : index
    %get3A_4 = vector.load %arg2[%get3A_2, %get3A_3] : memref<1000x128xf32, #tpu.memory_space<vmem>>, vector<1000x128xf32>
    %add3A = arith.addf %get3A_1, %get3A_4 : vector<1000x128xf32>
    %get3A_5 = arith.constant 0 : index
    %get3A_6 = arith.constant 0 : index
    %get3A_7 = vector.load %arg3[%get3A_5, %get3A_6] : memref<1000x128xf32, #tpu.memory_space<vmem>>, vector<1000x128xf32>
    %add3A_8 = arith.addf %add3A, %get3A_7 : vector<1000x128xf32>
    %get3A_9 = arith.constant 0 : index
    %get3A_10 = arith.constant 0 : index
    %get3A_11 = vector.load %arg4[%get3A_9, %get3A_10] : memref<1000x1xf32, #tpu.memory_space<vmem>>, vector<1000x1xf32>
    %mul3A = vector.broadcast %get3A_11 : vector<1000x1xf32> to vector<1000x128xf32>
    %mul3A_12 = arith.mulf %add3A_8, %mul3A : vector<1000x128xf32>
    %get3A_13 = arith.constant 0 : index
    %get3A_14 = arith.constant 0 : index
    %get3A_15 = vector.load %arg5[%get3A_13, %get3A_14] : memref<1x128xf32, #tpu.memory_space<vmem>>, vector<1x128xf32>
    %add3A_16 = vector.broadcast %get3A_15 : vector<1x128xf32> to vector<1000x128xf32>
    %add3A_17 = arith.addf %mul3A_12, %add3A_16 : vector<1000x128xf32>
    %reduce_max3A = arith.constant dense<0xFF800000> : vector<1000xf32>
    %reduce_max3A_18 = vector.multi_reduction <maximumf>, %add3A_17, %reduce_max3A [1] : vector<1000x128xf32> to vector<1000xf32>
    %broadcast_in_dim3A = vector.shape_cast %reduce_max3A_18 : vector<1000xf32> to vector<1000x1xf32>
    %sub3A = vector.broadcast %broadcast_in_dim3A : vector<1000x1xf32> to vector<1000x128xf32>
    %sub3A_19 = arith.subf %add3A_17, %sub3A : vector<1000x128xf32>
    %exp3A = math.exp %sub3A_19 : vector<1000x128xf32>
    %reduce_sum3A = arith.constant dense<0.000000e+00> : vector<1000xf32>
    %reduce_sum3A_20 = vector.multi_reduction <add>, %exp3A, %reduce_sum3A [1] : vector<1000x128xf32> to vector<1000xf32>
    %broadcast_in_dim3A_21 = vector.shape_cast %reduce_sum3A_20 : vector<1000xf32> to vector<1000x1xf32>
    %sub3A_22 = vector.broadcast %broadcast_in_dim3A : vector<1000x1xf32> to vector<1000x128xf32>
    %sub3A_23 = arith.subf %add3A_17, %sub3A_22 : vector<1000x128xf32>
    %log3A = math.log %broadcast_in_dim3A_21 : vector<1000x1xf32>
    %sub3A_24 = vector.broadcast %log3A : vector<1000x1xf32> to vector<1000x128xf32>
    %sub3A_25 = arith.subf %sub3A_23, %sub3A_24 : vector<1000x128xf32>
    %swap3A = arith.constant 0 : index
    %swap3A_26 = arith.constant 0 : index
    %swap3A_27 = vector.load %arg6[%swap3A, %swap3A_26] : memref<1000x128xf32, #tpu.memory_space<vmem>>, vector<1000x128xf32>
    tpu.vector_store %arg6[%swap3A, %swap3A_26], %sub3A_25 {strides = array<i32>} : memref<1000x128xf32, #tpu.memory_space<vmem>>, vector<1000x128xf32>,
    return
  }
  func.func @transform_0(%arg0: i32) -> (i32, i32) {
    %c0_i32 = arith.constant 0 : i32
    %c0_i32_0 = arith.constant 0 : i32
    return %arg0, %c0_i32 : i32, i32
  }
  func.func @transform_1(%arg0: i32) -> (i32, i32) {
    %c0_i32 = arith.constant 0 : i32
    %c0_i32_0 = arith.constant 0 : i32
    return %arg0, %c0_i32 : i32, i32
  }
  func.func @transform_2(%arg0: i32) -> (i32, i32) {
    %c0_i32 = arith.constant 0 : i32
    %c0_i32_0 = arith.constant 0 : i32
    return %arg0, %c0_i32 : i32, i32
  }
  func.func @transform_3(%arg0: i32) -> (i32, i32) {
    %c0_i32 = arith.constant 0 : i32
    %c0_i32_0 = arith.constant 0 : i32
    return %arg0, %c0_i32 : i32, i32
  }
  func.func @transform_4(%arg0: i32) -> (i32, i32) {
    %c0_i32 = arith.constant 0 : i32
    %c0_i32_0 = arith.constant 0 : i32
    %c0_i32_1 = arith.constant 0 : i32
    return %c0_i32, %c0_i32_0 : i32, i32
  }
  func.func @transform_5(%arg0: i32) -> (i32, i32) {
    %c0_i32 = arith.constant 0 : i32
    %c0_i32_0 = arith.constant 0 : i32
    return %arg0, %c0_i32 : i32, i32
  }
}

</mosaic_0001>

<sc_bundles>
// kernel: kernel.10.cloned.1.call-start
scs
__scs_entry_jumppad:
0x0: {  	(pc) =	sbr.rel $0x88, $3  }
0x1: {  	(tag) =	ssettag $0x0;
	lr =	simm.s32 $0x1  }
0x2: {  	[smem:$0x3F99] =	sst lr;
	_ =	strace $0xD0000000  }
0x3: {  	_ = 	snop  }
0x4: {  	_ = 	snop  }
0x5: {  	_ = 	snop  }
0x6: {  	_ = 	snop  }
0x7: {  	_ = 	snop  }
__scs_overlays_trampoline_lowered:
0x8: {  	[smem:$0x3FA8] =	sst s0  }
0x9: {  	[smem:$0x3FA9] =	sst s1  }
0xa: {  	[smem:$0x3FAA] =	sst s2  }
0xb: {  	[smem:$0x3FAB] =	sst s3  }
0xc: {  	[smem:$0x3FAC] =	sst s4  }
0xd: {  	[smem:$0x3FAD] =	sst s5  }
0xe: {  	[smem:$0x3FAE] =	sst s6  }
0xf: {  	[smem:$0x3FAF] =	sst s7  }
0x10: {  	[smem:$0x3FB0] =	sst s8  }
0x11: {  	[smem:$0x3FB1] =	sst s9;
	s0 =	simm.s32 @!p0 $0x0  }
0x12: {  	s1 =	sld [smem:$0x3F97];
	s0 =	simm.s32 @p0 $0x1  }
0x13: {  	[smem:$0x3FB2] =	sst s0;
	s0 =	simm.s32 @!p1 $0x0  }
0x14: {  	s2 =	sld [smem:$0x3F96];
	s0 =	simm.s32 @p1 $0x1  }
0x15: {  	[smem:$0x3FB3] =	sst s0;
	s0 =	simm.s32 @!p2 $0x0  }
0x16: {  	s3 =	sld [smem:$0x3FDB];
	s0 =	simm.s32 @p2 $0x1  }
0x17: {  	s4 =	simm.s32 $0x1BF5;
	[smem:$0x3FB5] =	sst s0  }
0x18: {  	s0 =	sld [smem:$0x3F98];
	_ =	swait.ge [sflag:s4], $0x0  }
0x19: {  	s7 =	sld [smem:$0x3F99]  }
0x1a: {  	s8 =	sadd.s32 $0xFFFFE003, lr  }
0x1b: {  	s9 =	sadd.s32 $0xFFFFFEF7, lr;
	s5 =	simm.s32 $0xFFFFFFFF;
	p2 =	slt.u32 s8, $0xFFFFF086  }
0x1c: {  	p1 =	slt.u32 s9, $0xF7A;
	s5 =	simm.s32 @!p2 $0x0  }
0x1d: {  	s5 =	simm.s32 @p1 $0x1;
	p0 =	seq.s32 s7, s2  }
0x1e: {  	s7 =	smul.u32 @!p0 $0xF7A, s2;
	p2 =	seq.s32 @!p0 s5, $0x0  }
0x1f: {  	s9 =	smul.u32 $0xF7A, s1;
	s8 =	simm.s32 @!p0 $0x1BF5;
	p2 =	por !p2, p0  }
0x20: {  	[sflag:s8] =	ssyncset.s32 @!p0 $0xFFFFF086;
	s6 =	sadd.s32 @!p0 s3, s7;
	s7 =	simm.s32 @!p0 $0x108  }
0x21: {  	s3 =	sadd.s32 s3, s9;
	s6 =	sadd.s32 @!p0 $0x88, s6;
	s7 =	simm.s32 @p2 $0x1082  }
0x22: {  	[simem:s7], [sflag:s8] =	dma.local @!p0 [hbm:s6], $0xF7A  }
0x23: {  	s9 =	sor.u32 $0xD0000000, s2;
	s6 =	simm.s32 $0x108;
	_ =	swait.ge @!p0 [sflag:s8], $0x0  }
0x24: {  	s3 =	sadd.s32 $0x88, s3;
	s6 =	simm.s32 @!p1 $0x1082;
	[sflag:s4] =	ssyncset.s32 $0xFFFFF086  }
0x25: {  	[simem:s6], [sflag:s4] =	dma.local [hbm:s3], $0xF7A  }
0x26: {  	[smem:$0x3F99] =	sst s1;
	(tag) =	ssettag s2;
	_ =	strace s9  }
0x27: {  	s1 =	sld [smem:$0x3FA9]  }
0x28: {  	s2 =	sld [smem:$0x3FAA]  }
0x29: {  	s4 =	sld [smem:$0x3FAC]  }
0x2a: {  	p0 =	seq.s32 s5, $0x0;
	s5 =	sld [smem:$0x3FAD]  }
0x2b: {  	s6 =	sld [smem:$0x3FAE]  }
0x2c: {  	s7 =	sld [smem:$0x3FAF]  }
0x2d: {  	s3 =	simm.s32 $0x108;
	s8 =	sld [smem:$0x3FB0]  }
0x2e: {  	s3 =	simm.s32 @!p0 $0x1082;
	s9 =	sld [smem:$0x3FB1]  }
0x2f: {  	lr =	sadd.s32 s0, s3;
	s0 =	sld [smem:$0x3FA8]  }
0x30: {  	s3 =	sld [smem:$0x3FAB]  }
0x31: {  	[smem:$0x3FB4] =	sst s10  }
0x32: {  	s10 =	sld [smem:$0x3FB2];
	_ =	sdelay $0x3  }
0x33: {  	p0 =	seq.s32 s10, $0x1;
	s10 =	sld [smem:$0x3FB4];
	_ =	sdelay $0x3  }
0x34: {  	[smem:$0x3FB4] =	sst s10  }
0x35: {  	s10 =	sld [smem:$0x3FB3];
	_ =	sdelay $0x3  }
0x36: {  	p1 =	seq.s32 s10, $0x1;
	s10 =	sld [smem:$0x3FB4];
	_ =	sdelay $0x3  }
0x37: {  	[smem:$0x3FB4] =	sst s10  }
0x38: {  	s10 =	sld [smem:$0x3FB5]  }
0x39: {  	_ = 	snop;
	(pc) =	sbr.ind lr, $3  }
0x3a: {  	_ = 	snop  }
0x3b: {  	_ = 	snop  }
0x3c: {  	p2 =	seq.s32 s10, $0x1;
	s10 =	sld [smem:$0x3FB4]  }
0x3d: {  	_ =	shalt  }
0x3e: {  	_ =	shalt  }
0x3f: {  	_ =	shalt  }
0x40: {  	_ =	shalt  }
0x41: {  	_ =	shalt  }
0x42: {  	_ =	shalt  }
0x43: {  	_ =	shalt  }
0x44: {  	_ =	shalt  }
0x45: {  	_ =	shalt  }
0x46: {  	_ =	shalt  }
0x47: {  	_ =	shalt  }
0x48: {  	_ =	shalt  }
0x49: {  	_ =	shalt  }
0x4a: {  	_ =	shalt  }
0x4b: {  	_ =	shalt  }
0x4c: {  	_ =	shalt  }
0x4d: {  	_ =	shalt  }
0x4e: {  	_ =	shalt  }
0x4f: {  	_ =	shalt  }
0x50: {  	_ =	shalt  }
0x51: {  	_ =	shalt  }
0x52: {  	_ =	shalt  }
0x53: {  	_ =	shalt  }
0x54: {  	_ =	shalt  }
0x55: {  	_ =	shalt  }
0x56: {  	_ =	shalt  }
0x57: {  	_ =	shalt  }
0x58: {  	_ =	shalt  }
0x59: {  	_ =	shalt  }
0x5a: {  	_ =	shalt  }
0x5b: {  	_ =	shalt  }
0x5c: {  	_ =	shalt  }
0x5d: {  	_ =	shalt  }
0x5e: {  	_ =	shalt  }
0x5f: {  	_ =	shalt  }
0x60: {  	_ =	shalt  }
0x61: {  	_ =	shalt  }
0x62: {  	_ =	shalt  }
0x63: {  	_ =	shalt  }
0x64: {  	_ =	shalt  }
0x65: {  	_ =	shalt  }
0x66: {  	_ =	shalt  }
0x67: {  	_ =	shalt  }
0x68: {  	_ =	shalt  }
0x69: {  	_ =	shalt  }
0x6a: {  	_ =	shalt  }
0x6b: {  	_ =	shalt  }
0x6c: {  	_ =	shalt  }
0x6d: {  	_ =	shalt  }
0x6e: {  	_ =	shalt  }
0x6f: {  	_ =	shalt  }
0x70: {  	_ =	shalt  }
0x71: {  	_ =	shalt  }
0x72: {  	_ =	shalt  }
0x73: {  	_ =	shalt  }
0x74: {  	_ =	shalt  }
0x75: {  	_ =	shalt  }
0x76: {  	_ =	shalt  }
0x77: {  	_ =	shalt  }
0x78: {  	_ =	shalt  }
0x79: {  	_ =	shalt  }
0x7a: {  	_ =	shalt  }
0x7b: {  	_ =	shalt  }
0x7c: {  	_ =	shalt  }
0x7d: {  	_ =	shalt  }
0x7e: {  	_ =	shalt  }
0x7f: {  	_ =	shalt  }
0x80: {  	_ =	shalt  }
0x81: {  	_ =	shalt  }
0x82: {  	_ =	shalt  }
0x83: {  	_ =	shalt  }
0x84: {  	_ =	shalt  }
0x85: {  	_ =	shalt  }
0x86: {  	_ =	shalt  }
0x87: {  	_ =	shalt  }
.Lfunc_end0:
.L_simem_size_0:
called_computation_lowered:
.L_overlay_start_0:
0x88: {  	s2 =	sld [smem:$0x3FD9]  }
0x89: {  	s3 =	sld [smem:$0x3FFE];
	_ =	sdelay $0x1  }
0x8a: {  	s1 =	srdreg.scid  }
0x8b: {  	s0 =	sand.u32 $0x1, s1  }
0x8c: {  	s16 =	sshll.u32 s0, $0xA;
	s2 =	sadd.s32 s3, s2  }
0x8d: {  	s2 =	sadd.s32 s2, s16  }
0x8e: {  	[smem:$0x3FC0] =	sst s2  }
0x8f: {  	_ = 	snop  }
0x90: {  	(tm) =	ssettm $0x1  }
0x91: {  	s17 =	sld [smem:$0x3FFB];
	_ =	sdelay $0x3  }
0x92: {  	_ =	strace s17  }
0x93: {  	s2 =	sld [smem:$0x3FFC];
	_ =	sdelay $0x3  }
0x94: {  	_ =	strace s2  }
0x95: {  	s2 =	sld [smem:$0x3FFD];
	_ =	sdelay $0x3  }
0x96: {  	_ =	strace s2  }
0x97: {  	_ =	strace $0x8FFFFFFF  }
0x98: {  	s18 =	sld [smem:$0x3FDB];
	_ =	sdelay $0x1  }
0x99: {  	s19 =	simm.s32 $_scs_section_size  }
0x9a: {  	s4 =	simm.s32 $_size__tile_overlayer_lowered;
	s5 =	simm.s32 $_tile_overlayer_lowered  }
0x9b: {  	s22 =	simm.s32 $0x1BFF;
	s21 =	sshll.u32 s5, $0x1;
	s2 =	sadd.s32 s19, s18  }
0x9c: {  	s6 =	simm.s32 $0x0;
	s20 =	sshll.u32 s4, $0x1;
	s4 =	sadd.s32 s21, s2  }
0x9d: {  	[timem:s6], [sflag:s22] =	dma.local [hbm:s4], s20  }
0x9e: {  	_ =	swait.ge [sflag:s22], s20  }
0x9f: {  	s3 =	ssub.s32 $0x0, s20;
	[sflag:s22] =	ssyncset.done $0x0  }
0xa0: {  	[sflag:s22] =	ssyncadd.s32 s3;
	_ =	sdelay $0x1  }
0xa1: {  	s23 =	simm.s32 $0x1B8B  }
0xa2: {  	_ =	swait.ge [sflag:s23], $0x1  }
0xa3: {  	[sflag:s23] =	ssyncset.done $0x0  }
0xa4: {  	s25 =	simm.s32 $0x1B8E;
	s24 =	sld [smem:$0x3FFE];
	[sflag:s23] =	ssyncadd.s32 $0xFFFFFFFF  }
0xa5: {  	s26 =	simm.s32 $execute0_lowered;
	[smem:$0x3FD2] =	sst s25  }
0xa6: {  	s4 =	sshll.u32 s26, $0x1;
	_ =	strace $0x80000046;
	[dreg:$0x1] =	wrdreg $0xFFFFFFFF  }
0xa7: {  	s28 =	simm.s32 $_size_execute0_lowered;
	s2 =	sadd.s32 s2, s4;
	[dreg:$0x0] =	wrdreg $0x0  }
0xa8: {  	s4 =	sshll.u32 s28, $0x1;
	[dreg:$0x2] =	wrdreg s2  }
0xa9: {  	[dreg:$0x3] =	wrdreg s4  }
0xaa: {  	[dreg:$0x4] =	wrdreg $0xC0  }
0xab: {  	_ =	task [dreg:s6], $0x5FFFF  }
0xac: {  	[dreg:$0x1] =	wrdreg $0xFFFFFFFF  }
0xad: {  	[dreg:$0x0] =	wrdreg $0x60  }
0xae: {  	[dreg:$0x2] =	wrdreg s24  }
0xaf: {  	[dreg:$0x3] =	wrdreg $0x78000  }
0xb0: {  	[dreg:$0x4] =	wrdreg $0x9  }
0xb1: {  	_ =	task.clear_ibuf [dreg:s6], $0x5FFFF;
	_ =	strace $0x90000046  }
0xb2: {  	s29 =	simm.s32 $0x9;
	_ =	strace $0x80000048  }
0xb3: {  	_ =	swait.ge [sflag:s29], $0x1  }
0xb4: {  	[sflag:s29] =	ssyncadd.s32 $0xFFFFFFFF  }
0xb5: {  	_ =	strace $0x90000048  }
0xb6: {  	_ =	sfence  }
0xb7: {  	s30 =	sld [smem:$0x0];
	_ =	sdelay $0x2  }
0xb8: {  	s31 =	sshll.u32 s1, $0xD;
	s1 =	sshrl.u32 s1, $0x2  }
0xb9: {  	s3 =	sand.u32 $0x4000, s31;
	s1 =	sadd.s32 s1, s30  }
0xba: {  	s0 =	sor.u32 s3, s0;
	s1 =	sshll.u32 s1, $0x11  }
0xbb: {  	s0 =	sor.u32 s1, s0  }
0xbc: {  	s0 =	sadd.s32 $0x8F2B, s0  }
0xbd: {  	[sflag:s0] =	ssyncadd.remote.s32 $0x1  }
0xbe: {  	_ =	sfence.sel $0xFFFF  }
0xbf: {  	[dreg:$0x0] =	wrdreg $0xFFFFFFFF;
	(pc) =	sbr.abs _section_cstart, $3  }
0xc0: {  	[dreg:$0x1] =	wrdreg $0xFFFFFFFF  }
0xc1: {  	_ =	task.clear_ibuf [dreg:s6], $0x2FFFF;
	_ =	strace $0x9FFFFFFF  }
0xc2: {  	(tm) =	ssettm $0x7FFFFFFF  }
0xc3: {  	_ =	shalt  }
tec
execute0_lowered:
.L_overlay_start_1:
0x0: {  	(tag) =	ssettag $0x1  }
0x1: {  	s0 =	srdreg.scid;
	s5 =	rddreg [dreg:$0x0]  }
0x2: {  	s2 =	rddreg [dreg:$0x1];
	s1 =	stileid.u32;
	s3 =	simm.s32 $0x0  }
0x3: {  	s11 =	simm.s32 $0x7780;
	s4 =	sand.u32 $0x1, s0;
	s0 =	rddreg [dreg:$0x2]  }
0x4: {  	s12 =	simm.s32 $0x4F80;
	[smem:$0x7FF] =	sst s3;
	s31 =	sshll.u32 s1, $0xA  }
0x5: {  	p0 =	sgt.u32 s1, $0x9;
	s14 =	sshll.u32 s1, $0x7;
	s6 =	sshll.u32 s4, $0x4  }
0x6: {  	_ =	strace $0x80000047;
	s7 =	smul.u32 $0x500, s4;
	s8 =	ssub.s32 $0x2, s4  }
0x7: {  	s4 =	sadd.s32 $0xE800, s5;
	s10 =	sshll.u32 @!p0 s1, $0x6;
	s6 =	sor.u32 s1, s6  }
0x8: {  	s9 =	sshrl.u32 s8, $0x1;
	s6 =	smul.u32 $0x4E2, s6;
	s7 =	sadd.s32 s7, s5  }
0x9: {  	s8 =	ssub.s32 s8, s9;
	s9 =	sadd.s32 s31, s2;
	s13 =	sadd.s32 $0x11000, s7  }
0xa: {  	v0 =	vlaneseq.u32;
	s7 =	simm.s32 $0x1;
	s9 =	sshrl.u32 @!p0 s9, $0x3;
	s6 =	sadd.s32 s6, s5  }
0xb: {  	v1 =	vimm.f32 $0.0e+00;
	v6 =	vimm.f32 $1.000000000e+00;
	v2 =	vor.u32 $0x10, v0;
	s13 =	sadd.s32 @!p0 s14, s13;
	s14 =	simm.s32 $0x0;
	s5 =	sadd.s32 $0x4A00, s6  }
0xc: {  	v3 =	vor.u32 $0x20, v0;
	v4 =	vor.u32 $0x30, v0;
	v5 =	vor.u32 $0x40, v0;
	s6 =	smax.u32 s8, $0x1;
	s8 =	sor.u32 @!p0 $0x1C01, s10;
	s10 =	simm.s32 $0x50  }
.LBB2_1:
0xd: {  	[tilespmem:s3], [sflag:$0x1] =	stream.linear.gather [hbm4b:s5+s3], $0x2710, $0x38;
	[tilespmem:$0x7A80] =	vst v63  }
0xe: {  	_ =	swait.ge [sflag:s7], $0x2710  }
0xf: {  	[sflag:s7] =	ssyncset.done $0x0  }
0x10: {  	s15 =	simm.s32 $0x40;
	s16 =	simm.s32 $0x0;
	[sflag:s7] =	ssyncadd.s32 $0xFFFFD8F0  }
.LBB2_2:
0x11: {  	p1 =	sne.s32 s15, $0x9FC0;
	[tilespmem:s16+$0x2780] =	vst v1;
	s16 =	smov.u32 s15;
	s15 =	sadd.s32 $0x40, s15  }
.Ltmp0:
0x12: {  	(pc) =	sbr.rel @p1 .LBB2_2-.Ltmp0, $2  }
0x13: {  	_ =	sdelay $0x2  }
0x14: {  	s16 =	sshra.s32 s16, $0x2  }
0x15: {  	[tilespmem:s16+$0x2780] =	vst v1  }
0x16: {  	[tilespmem:$0x7780] =	vst v0  }
0x17: {  	[tilespmem:$0x7790] =	vst v2  }
0x18: {  	[tilespmem:$0x77A0] =	vst v3  }
0x19: {  	[tilespmem:$0x77B0] =	vst v4  }
0x1a: {  	s15 =	simm.s32 @!p0 $0x1;
	[tilespmem:$0x77C0] =	vst v5  }
0x1b: {  	[spmem:s9], [sflag:s8] =	dma.local @!p0 [hbm:s4], $0x80  }
0x1c: {  	_ =	swait.ge @!p0 [sflag:s15], $0x80  }
0x1d: {  	s18 =	simm.s32 $0x0;
	[sflag:s15] =	ssyncset.done @!p0 $0x0  }
0x1e: {  	s16 =	simm.s32 $0x40;
	[sflag:s15] =	ssyncadd.s32 @!p0 $0xFFFFFF80;
	s15 =	simm.s32 $0x0  }
.LBB2_4:
0x1f: {  	p1 =	sne.s32 s16, $0x9C00;
	v7 =	vld [tilespmem:s18+$0x0];
	_ =	sdelay $0x3  }
.Ltmp1:
0x20: {  	(pc) =	sbr.rel @p1 .LBB2_4-.Ltmp1, $3  }
0x21: {  	_ =	sdelay $0x1  }
0x22: {  	s17 =	simm.s32 $0x2780  }
0x23: {  	s18 =	sshra.s32 s16, $0x2;
	s16 =	sadd.s32 $0x40, s16;
	[tilespmem:v7+s17+$0x0] =	vst.idx.add.f32.msk $0xffff, v6  }
0x24: {  	v7 =	vld [tilespmem:s18+$0x0];
	_ =	sdelay $0x7  }
0x25: {  	s16 =	simm.s32 $0x0;
	[tilespmem:v7+s17+$0x0] =	vst.idx.add.f32.msk $0xffff, v6  }
0x26: {  	s31 =	sand.u32 $0xFFFFFF80, s16;
	v7 =	vld [tilespmem:s17+$0x0]  }
0x27: {  	s18 =	ssub.s32 $0x0, s31  }
0x28: {  	s16 =	sand.u32 $0x3FFFFF80, s16;
	s18 =	sand.u32 $0xFFFFFF80, s18  }
0x29: {  	s19 =	sand.u32 $0x70, s15;
	s18 =	sadd.s32 s18, s16  }
0x2a: {  	s16 =	simm.s32 $0x1;
	s18 =	sor.u32 s19, s18;
	s17 =	simm.s32 $0x2790  }
.LBB2_6:
0x2b: {  	s19 =	sshll.u32 s16, $0x4;
	p1 =	sne.s32 s16, $0x27F;
	s16 =	sadd.s32 $0x1, s16;
	[tilespmem:s18+$0x4F80] =	vst v7  }
.Ltmp2:
0x2c: {  	s15 =	sadd.s32 $0x10, s15;
	v7 =	vld [tilespmem:s17+$0x0];
	s18 =	sand.u32 $0xFFFFFF80, s19;
	(pc) =	sbr.rel @p1 .LBB2_6-.Ltmp2, $4  }
0x2d: {  	s18 =	ssub.s32 s15, s18  }
0x2e: {  	s19 =	sand.u32 $0x3FFFFF80, s19;
	s18 =	sand.u32 $0xFFFFFF80, s18  }
0x2f: {  	s20 =	sand.u32 $0x70, s15;
	s18 =	sadd.s32 s18, s19  }
0x30: {  	s17 =	sadd.s32 $0x10, s17;
	s18 =	sor.u32 s20, s18  }
0x31: {  	[tilespmem:s18+$0x4F80] =	vst v7  }
0x32: {  	[bflag:$0x0] =	sbarrier.arrive $0xFFFF  }
0x33: {  	[spmem:s2] =	stream.indirect.scatter.add.f32 [tilespmem:s12], [sflag:$0x1], $0x80, s11, s10, $0xb8;
	[tilespmem:$0x7A80] =	vst v63  }
0x34: {  	_ =	swait.ge [sflag:s7], $0x2800  }
0x35: {  	s14 =	sadd.s32 $0x1, s14;
	[sflag:s7] =	ssyncset.done $0x0  }
0x36: {  	p1 =	sne.s32 s14, s6;
	[sflag:s7] =	ssyncadd.s32 $0xFFFFD800  }
.Ltmp3:
0x37: {  	s15 =	simm.s32 @!p0 $0x1;
	[bflag:$0x0] =	sbarrier.arrive $0xFFFF;
	(pc) =	sbr.rel @p1 .LBB2_1-.Ltmp3, $4  }
0x38: {  	[hbm:s13], [sflag:s8] =	dma.local @!p0 [spmem:s9], $0x80  }
0x39: {  	_ =	swait.ge @!p0 [sflag:s15], $0x80  }
0x3a: {  	[sflag:s15] =	ssyncset.done @!p0 $0x0  }
0x3b: {  	[sflag:s15] =	ssyncadd.s32 @!p0 $0xFFFFFF80  }
0x3c: {  	_ =	sfence.sel $0x180000  }
0x3d: {  	[bflag:$0x0] =	sbarrier.arrive $0xFFFF  }
0x3e: {  	p0 =	sne.s32 s1, $0x0;
	_ =	strace $0x90000047  }
0x3f: {  	s0 =	sadd.s32 @!p0 $0x100000, s0;
	[bflag:$0x2] =	sbarrier.arrive $0xFFFF  }
0x40: {  	[sflag:s0] =	ssyncadd.tile.s32 @!p0 $0x1;
	_ =	shalt  }
.Lfunc_end2:
_tile_overlayer_lowered:
.L_overlay_start_2:
0x41: {  	(tag) =	ssettag $0x2  }
0x42: {  	s0 =	rddreg [dreg:$0x0];
	s2 =	stileid.u32  }
0x43: {  	s1 =	rddreg [dreg:$0x1];
	p0 =	sne.s32 s2, $0x0  }
0x44: {  	s3 =	rddreg [dreg:$0x2];
	[bflag:$0x3] =	sbarrier.arrive $0xFFFF;
	s2 =	simm.s32 @!p0 $0x1C01  }
0x45: {  	[timem:s3], [sflag:s2] =	dma.local @!p0 [hbm:s0], s1  }
0x46: {  	s0 =	simm.s32 @!p0 $0x1  }
0x47: {  	_ =	swait.ge @!p0 [sflag:s0], s1  }
0x48: {  	s1 =	ssub.s32 @!p0 $0x0, s1;
	[sflag:s0] =	ssyncset.done @!p0 $0x0  }
0x49: {  	[sflag:s0] =	ssyncadd.s32 @!p0 s1  }
0x4a: {  	[bflag:$0x3] =	sbarrier.arrive $0xFFFF  }
0x4b: {  	_ =	shalt  }

// kernel: kernel.13.cloned.1.call-start
scs
__scs_entry_jumppad:
0x0: {  	(pc) =	sbr.rel $0x88, $3  }
0x1: {  	(tag) =	ssettag $0x0;
	lr =	simm.s32 $0x1  }
0x2: {  	[smem:$0x3F99] =	sst lr;
	_ =	strace $0xD0000000  }
0x3: {  	_ = 	snop  }
0x4: {  	_ = 	snop  }
0x5: {  	_ = 	snop  }
0x6: {  	_ = 	snop  }
0x7: {  	_ = 	snop  }
__scs_overlays_trampoline_lowered:
0x8: {  	[smem:$0x3FA8] =	sst s0  }
0x9: {  	[smem:$0x3FA9] =	sst s1  }
0xa: {  	[smem:$0x3FAA] =	sst s2  }
0xb: {  	[smem:$0x3FAB] =	sst s3  }
0xc: {  	[smem:$0x3FAC] =	sst s4  }
0xd: {  	[smem:$0x3FAD] =	sst s5  }
0xe: {  	[smem:$0x3FAE] =	sst s6  }
0xf: {  	[smem:$0x3FAF] =	sst s7  }
0x10: {  	[smem:$0x3FB0] =	sst s8  }
0x11: {  	[smem:$0x3FB1] =	sst s9;
	s0 =	simm.s32 @!p0 $0x0  }
0x12: {  	s1 =	sld [smem:$0x3F97];
	s0 =	simm.s32 @p0 $0x1  }
0x13: {  	[smem:$0x3FB2] =	sst s0;
	s0 =	simm.s32 @!p1 $0x0  }
0x14: {  	s2 =	sld [smem:$0x3F96];
	s0 =	simm.s32 @p1 $0x1  }
0x15: {  	[smem:$0x3FB3] =	sst s0;
	s0 =	simm.s32 @!p2 $0x0  }
0x16: {  	s3 =	sld [smem:$0x3FDB];
	s0 =	simm.s32 @p2 $0x1  }
0x17: {  	s4 =	simm.s32 $0x1BF5;
	[smem:$0x3FB5] =	sst s0  }
0x18: {  	s0 =	sld [smem:$0x3F98];
	_ =	swait.ge [sflag:s4], $0x0  }
0x19: {  	s7 =	sld [smem:$0x3F99]  }
0x1a: {  	s8 =	sadd.s32 $0xFFFFE003, lr  }
0x1b: {  	s9 =	sadd.s32 $0xFFFFFEF7, lr;
	s5 =	simm.s32 $0xFFFFFFFF;
	p2 =	slt.u32 s8, $0xFFFFF086  }
0x1c: {  	p1 =	slt.u32 s9, $0xF7A;
	s5 =	simm.s32 @!p2 $0x0  }
0x1d: {  	s5 =	simm.s32 @p1 $0x1;
	p0 =	seq.s32 s7, s2  }
0x1e: {  	s7 =	smul.u32 @!p0 $0xF7A, s2;
	p2 =	seq.s32 @!p0 s5, $0x0  }
0x1f: {  	s9 =	smul.u32 $0xF7A, s1;
	s8 =	simm.s32 @!p0 $0x1BF5;
	p2 =	por !p2, p0  }
0x20: {  	[sflag:s8] =	ssyncset.s32 @!p0 $0xFFFFF086;
	s6 =	sadd.s32 @!p0 s3, s7;
	s7 =	simm.s32 @!p0 $0x108  }
0x21: {  	s3 =	sadd.s32 s3, s9;
	s6 =	sadd.s32 @!p0 $0x88, s6;
	s7 =	simm.s32 @p2 $0x1082  }
0x22: {  	[simem:s7], [sflag:s8] =	dma.local @!p0 [hbm:s6], $0xF7A  }
0x23: {  	s9 =	sor.u32 $0xD0000000, s2;
	s6 =	simm.s32 $0x108;
	_ =	swait.ge @!p0 [sflag:s8], $0x0  }
0x24: {  	s3 =	sadd.s32 $0x88, s3;
	s6 =	simm.s32 @!p1 $0x1082;
	[sflag:s4] =	ssyncset.s32 $0xFFFFF086  }
0x25: {  	[simem:s6], [sflag:s4] =	dma.local [hbm:s3], $0xF7A  }
0x26: {  	[smem:$0x3F99] =	sst s1;
	(tag) =	ssettag s2;
	_ =	strace s9  }
0x27: {  	s1 =	sld [smem:$0x3FA9]  }
0x28: {  	s2 =	sld [smem:$0x3FAA]  }
0x29: {  	s4 =	sld [smem:$0x3FAC]  }
0x2a: {  	p0 =	seq.s32 s5, $0x0;
	s5 =	sld [smem:$0x3FAD]  }
0x2b: {  	s6 =	sld [smem:$0x3FAE]  }
0x2c: {  	s7 =	sld [smem:$0x3FAF]  }
0x2d: {  	s3 =	simm.s32 $0x108;
	s8 =	sld [smem:$0x3FB0]  }
0x2e: {  	s3 =	simm.s32 @!p0 $0x1082;
	s9 =	sld [smem:$0x3FB1]  }
0x2f: {  	lr =	sadd.s32 s0, s3;
	s0 =	sld [smem:$0x3FA8]  }
0x30: {  	s3 =	sld [smem:$0x3FAB]  }
0x31: {  	[smem:$0x3FB4] =	sst s10  }
0x32: {  	s10 =	sld [smem:$0x3FB2];
	_ =	sdelay $0x3  }
0x33: {  	p0 =	seq.s32 s10, $0x1;
	s10 =	sld [smem:$0x3FB4];
	_ =	sdelay $0x3  }
0x34: {  	[smem:$0x3FB4] =	sst s10  }
0x35: {  	s10 =	sld [smem:$0x3FB3];
	_ =	sdelay $0x3  }
0x36: {  	p1 =	seq.s32 s10, $0x1;
	s10 =	sld [smem:$0x3FB4];
	_ =	sdelay $0x3  }
0x37: {  	[smem:$0x3FB4] =	sst s10  }
0x38: {  	s10 =	sld [smem:$0x3FB5]  }
0x39: {  	_ = 	snop;
	(pc) =	sbr.ind lr, $3  }
0x3a: {  	_ = 	snop  }
0x3b: {  	_ = 	snop  }
0x3c: {  	p2 =	seq.s32 s10, $0x1;
	s10 =	sld [smem:$0x3FB4]  }
0x3d: {  	_ =	shalt  }
0x3e: {  	_ =	shalt  }
0x3f: {  	_ =	shalt  }
0x40: {  	_ =	shalt  }
0x41: {  	_ =	shalt  }
0x42: {  	_ =	shalt  }
0x43: {  	_ =	shalt  }
0x44: {  	_ =	shalt  }
0x45: {  	_ =	shalt  }
0x46: {  	_ =	shalt  }
0x47: {  	_ =	shalt  }
0x48: {  	_ =	shalt  }
0x49: {  	_ =	shalt  }
0x4a: {  	_ =	shalt  }
0x4b: {  	_ =	shalt  }
0x4c: {  	_ =	shalt  }
0x4d: {  	_ =	shalt  }
0x4e: {  	_ =	shalt  }
0x4f: {  	_ =	shalt  }
0x50: {  	_ =	shalt  }
0x51: {  	_ =	shalt  }
0x52: {  	_ =	shalt  }
0x53: {  	_ =	shalt  }
0x54: {  	_ =	shalt  }
0x55: {  	_ =	shalt  }
0x56: {  	_ =	shalt  }
0x57: {  	_ =	shalt  }
0x58: {  	_ =	shalt  }
0x59: {  	_ =	shalt  }
0x5a: {  	_ =	shalt  }
0x5b: {  	_ =	shalt  }
0x5c: {  	_ =	shalt  }
0x5d: {  	_ =	shalt  }
0x5e: {  	_ =	shalt  }
0x5f: {  	_ =	shalt  }
0x60: {  	_ =	shalt  }
0x61: {  	_ =	shalt  }
0x62: {  	_ =	shalt  }
0x63: {  	_ =	shalt  }
0x64: {  	_ =	shalt  }
0x65: {  	_ =	shalt  }
0x66: {  	_ =	shalt  }
0x67: {  	_ =	shalt  }
0x68: {  	_ =	shalt  }
0x69: {  	_ =	shalt  }
0x6a: {  	_ =	shalt  }
0x6b: {  	_ =	shalt  }
0x6c: {  	_ =	shalt  }
0x6d: {  	_ =	shalt  }
0x6e: {  	_ =	shalt  }
0x6f: {  	_ =	shalt  }
0x70: {  	_ =	shalt  }
0x71: {  	_ =	shalt  }
0x72: {  	_ =	shalt  }
0x73: {  	_ =	shalt  }
0x74: {  	_ =	shalt  }
0x75: {  	_ =	shalt  }
0x76: {  	_ =	shalt  }
0x77: {  	_ =	shalt  }
0x78: {  	_ =	shalt  }
0x79: {  	_ =	shalt  }
0x7a: {  	_ =	shalt  }
0x7b: {  	_ =	shalt  }
0x7c: {  	_ =	shalt  }
0x7d: {  	_ =	shalt  }
0x7e: {  	_ =	shalt  }
0x7f: {  	_ =	shalt  }
0x80: {  	_ =	shalt  }
0x81: {  	_ =	shalt  }
0x82: {  	_ =	shalt  }
0x83: {  	_ =	shalt  }
0x84: {  	_ =	shalt  }
0x85: {  	_ =	shalt  }
0x86: {  	_ =	shalt  }
0x87: {  	_ =	shalt  }
.Lfunc_end0:
.L_simem_size_0:
called_computation.1_lowered:
.L_overlay_start_0:
0x88: {  	s2 =	sld [smem:$0x3FD9]  }
0x89: {  	s3 =	sld [smem:$0x3FFE];
	_ =	sdelay $0x1  }
0x8a: {  	s1 =	srdreg.scid  }
0x8b: {  	s0 =	sand.u32 $0x1, s1  }
0x8c: {  	s17 =	sshll.u32 s0, $0xA;
	s2 =	sadd.s32 s3, s2  }
0x8d: {  	s2 =	sadd.s32 s2, s17  }
0x8e: {  	[smem:$0x3FC0] =	sst s2  }
0x8f: {  	_ = 	snop  }
0x90: {  	s2 =	sld [smem:$0x3FD0];
	(tm) =	ssettm $0x1  }
0x91: {  	s18 =	sld [smem:$0x3FFB];
	_ =	sdelay $0x3  }
0x92: {  	_ =	strace s18  }
0x93: {  	s3 =	sld [smem:$0x3FFC];
	_ =	sdelay $0x3  }
0x94: {  	_ =	strace s3  }
0x95: {  	s3 =	sld [smem:$0x3FFD];
	_ =	sdelay $0x3  }
0x96: {  	_ =	strace s3  }
0x97: {  	_ =	strace $0x8FFFFFFF  }
0x98: {  	s19 =	sld [smem:$0x3FDB];
	_ =	sdelay $0x1  }
0x99: {  	s4 =	simm.s32 $_scs_section_size  }
0x9a: {  	s5 =	simm.s32 $_size__tile_overlayer_lowered;
	s6 =	simm.s32 $_tile_overlayer_lowered  }
0x9b: {  	s22 =	simm.s32 $0x1BFF;
	s21 =	sshll.u32 s6, $0x1;
	s3 =	sadd.s32 s4, s19  }
0x9c: {  	s7 =	simm.s32 $0x0;
	s20 =	sshll.u32 s5, $0x1;
	s5 =	sadd.s32 s21, s3  }
0x9d: {  	[timem:s7], [sflag:s22] =	dma.local [hbm:s5], s20  }
0x9e: {  	_ =	swait.ge [sflag:s22], s20  }
0x9f: {  	s4 =	ssub.s32 $0x0, s20;
	[sflag:s22] =	ssyncset.done $0x0  }
0xa0: {  	[sflag:s22] =	ssyncadd.s32 s4;
	_ =	sdelay $0x1  }
0xa1: {  	s23 =	simm.s32 $0x1B8B  }
0xa2: {  	_ =	swait.ge [sflag:s23], $0x1  }
0xa3: {  	[sflag:s23] =	ssyncset.done $0x0  }
0xa4: {  	s25 =	simm.s32 $0x1B8E;
	s24 =	sld [smem:$0x3FFE];
	[sflag:s23] =	ssyncadd.s32 $0xFFFFFFFF  }
0xa5: {  	s26 =	simm.s32 $execute0_lowered;
	[smem:$0x3FD2] =	sst s25  }
0xa6: {  	s5 =	sshll.u32 s26, $0x1;
	_ =	strace $0x80000049;
	[dreg:$0x1] =	wrdreg $0xFFFFFFFF  }
0xa7: {  	s28 =	simm.s32 $_size_execute0_lowered;
	s3 =	sadd.s32 s3, s5;
	[dreg:$0x0] =	wrdreg $0x0  }
0xa8: {  	s5 =	sshll.u32 s28, $0x1;
	[dreg:$0x2] =	wrdreg s3  }
0xa9: {  	[dreg:$0x3] =	wrdreg s5  }
0xaa: {  	[dreg:$0x4] =	wrdreg $0xC0  }
0xab: {  	_ =	task [dreg:s7], $0x5FFFF  }
0xac: {  	[dreg:$0x1] =	wrdreg $0xFFFFFFFF  }
0xad: {  	[dreg:$0x0] =	wrdreg $0x60  }
0xae: {  	[dreg:$0x2] =	wrdreg s24  }
0xaf: {  	[dreg:$0x3] =	wrdreg s2  }
0xb0: {  	[dreg:$0x4] =	wrdreg $0xBC000  }
0xb1: {  	[dreg:$0x5] =	wrdreg $0x9  }
0xb2: {  	_ =	task.clear_ibuf [dreg:s7], $0x6FFFF;
	_ =	strace $0x90000049  }
0xb3: {  	s29 =	simm.s32 $0x9;
	_ =	strace $0x8000004B  }
0xb4: {  	_ =	swait.ge [sflag:s29], $0x1  }
0xb5: {  	[sflag:s29] =	ssyncadd.s32 $0xFFFFFFFF  }
0xb6: {  	_ =	strace $0x9000004B  }
0xb7: {  	_ =	sfence  }
0xb8: {  	s30 =	sld [smem:$0x0];
	_ =	sdelay $0x2  }
0xb9: {  	s31 =	sshll.u32 s1, $0xD;
	s1 =	sshrl.u32 s1, $0x2  }
0xba: {  	s3 =	sand.u32 $0x4000, s31;
	s1 =	sadd.s32 s1, s30  }
0xbb: {  	s0 =	sor.u32 s3, s0;
	s1 =	sshll.u32 s1, $0x11  }
0xbc: {  	s0 =	sor.u32 s1, s0  }
0xbd: {  	s0 =	sadd.s32 $0x8F2B, s0  }
0xbe: {  	[sflag:s0] =	ssyncadd.remote.s32 $0x1  }
0xbf: {  	_ =	sfence.sel $0xFFFF  }
0xc0: {  	[dreg:$0x0] =	wrdreg $0xFFFFFFFF;
	(pc) =	sbr.abs _section_cstart, $3  }
0xc1: {  	[dreg:$0x1] =	wrdreg $0xFFFFFFFF  }
0xc2: {  	_ =	task.clear_ibuf [dreg:s7], $0x2FFFF;
	_ =	strace $0x9FFFFFFF  }
0xc3: {  	(tm) =	ssettm $0x7FFFFFFF  }
tec
execute0_lowered:
.L_overlay_start_1:
0x0: {  	(tag) =	ssettag $0x1  }
0x1: {  	s0 =	srdreg.scid;
	s1 =	rddreg [dreg:$0x0]  }
0x2: {  	s5 =	rddreg [dreg:$0x1];
	s11 =	stileid.u32  }
0x3: {  	s2 =	rddreg [dreg:$0x2];
	s28 =	simm.s32 $0x1400;
	s0 =	sand.u32 $0x1, s0  }
0x4: {  	s29 =	simm.s32 $0xA800;
	s7 =	smul.u32 $0x50000, s11;
	s3 =	sshll.u32 s0, $0x4  }
0x5: {  	s30 =	simm.s32 $0x3;
	s26 =	smul.u32 $0x2800, s11;
	s4 =	sor.u32 s11, s3  }
0x6: {  	s31 =	simm.s32 $0x1;
	s8 =	ssub.s32 $0x2, s0;
	s6 =	smul.u32 $0x500, s4  }
0x7: {  	p0 =	seq.s32 s0, $0x0;
	s0 =	simm.s32 $0x6BA00;
	s3 =	simm.s32 $0x0  }
0x8: {  	s7 =	sshrl.u32 s7, $0x2;
	[smem:$0x7FF] =	sst s3;
	s9 =	sadd.s32 s6, s1  }
0x9: {  	s5 =	sadd.s32 s5, s6;
	s6 =	sadd.s32 s7, s2;
	s16 =	sadd.s32 $0x11A00, s9  }
0xa: {  	_ =	strace $0x8000004A;
	s17 =	sadd.s32 $0x1400, s6;
	[dreg:$0x4] =	wrdreg s16  }
0xb: {  	s10 =	sshrl.u32 s8, $0x1;
	s18 =	sadd.s32 $0x2800, s6;
	[dreg:$0x5] =	wrdreg s17  }
0xc: {  	s0 =	simm.s32 @!p0 $0x93A00;
	s19 =	sadd.s32 $0x3C00, s6;
	[dreg:$0x6] =	wrdreg s18  }
0xd: {  	s11 =	simm.s32 $0x0;
	s20 =	sadd.s32 $0x5000, s6;
	[dreg:$0x7] =	wrdreg s19  }
0xe: {  	s4 =	sadd.s32 $0x1BA00, s1;
	s21 =	sadd.s32 $0x6400, s6;
	[dreg:$0x8] =	wrdreg s20  }
0xf: {  	s8 =	ssub.s32 s8, s10;
	s22 =	sadd.s32 $0x7800, s6;
	[dreg:$0x9] =	wrdreg s21  }
0x10: {  	s0 =	sadd.s32 s0, s1;
	s23 =	sadd.s32 $0x8C00, s6;
	[dreg:$0xa] =	wrdreg s22  }
0x11: {  	s10 =	simm.s32 $0x2780;
	s24 =	sadd.s32 $0xA000, s6;
	[dreg:$0xb] =	wrdreg s23  }
0x12: {  	s1 =	simm.s32 $0x2;
	s25 =	sadd.s32 $0xB400, s6;
	[dreg:$0xc] =	wrdreg s24  }
0x13: {  	s7 =	simm.s32 $0x2800;
	[dreg:$0xd] =	wrdreg s25;
	s17 =	sadd.s32 $0xC800, s6  }
0x14: {  	s18 =	sadd.s32 $0xDC00, s6;
	s19 =	sadd.s32 $0xF000, s6;
	s20 =	sadd.s32 $0x10400, s6  }
0x15: {  	s21 =	sadd.s32 $0x11800, s6;
	s22 =	sadd.s32 s0, s26;
	s23 =	sadd.s32 $0x12C00, s6  }
0x16: {  	s24 =	sadd.s32 $0x11C80, s9;
	s25 =	smax.u32 s8, $0x1;
	s26 =	sadd.s32 $0x280, s5  }
0x17: {  	v0 =	vimm.f32 $0.0e+00;
	s0 =	simm.s32 $0x7D;
	s8 =	simm.s32 $0x6800;
	s9 =	simm.s32 $0x1380  }
.LBB2_1:
0x18: {  	[tilespmem:s3], [sflag:$0x1] =	stream.linear.gather [hbm4b:s5+s3], $0x1400, $0x38;
	[tilespmem:$0x1FC00] =	vst v63  }
0x19: {  	s16 =	simm.s32 $0x0  }
0x1a: {  	s12 =	rddreg [dreg:$0x4];
	s13 =	sand.u32 $0xFFFFFF80, s16  }
0x1b: {  	[tilespmem:s28], [sflag:$0x2] =	stream.linear.gather [hbm4b:s12+s3], $0x1400, $0x38;
	[tilespmem:$0x1FC00] =	vst v63  }
0x1c: {  	s13 =	ssub.s32 $0x0, s13  }
0x1d: {  	s12 =	sand.u32 $0x3FFFFF80, s16;
	s13 =	sand.u32 $0xFFFFFF80, s13  }
0x1e: {  	s14 =	sand.u32 $0x70, s3;
	s13 =	sadd.s32 s13, s12  }
0x1f: {  	s12 =	simm.s32 $0x1;
	s14 =	sor.u32 s14, s13;
	s13 =	simm.s32 $0x0  }
.LBB2_2:
0x20: {  	s15 =	sshll.u32 s12, $0x4;
	p0 =	sne.s32 s12, $0x13F;
	s12 =	sadd.s32 $0x1, s12;
	[tilespmem:s14+$0xA800] =	vst v0  }
.Ltmp0:
0x21: {  	s13 =	sadd.s32 $0x10, s13;
	s14 =	sand.u32 $0xFFFFFF80, s15;
	(pc) =	sbr.rel @p0 .LBB2_2-.Ltmp0, $4  }
0x22: {  	s14 =	ssub.s32 s13, s14  }
0x23: {  	s15 =	sand.u32 $0x3FFFFF80, s15;
	s14 =	sand.u32 $0xFFFFFF80, s14  }
0x24: {  	s16 =	sand.u32 $0x70, s13;
	s14 =	sadd.s32 s14, s15  }
0x25: {  	s14 =	sor.u32 s16, s14  }
0x26: {  	[tilespmem:s14+$0xA800] =	vst v0  }
0x27: {  	[spmem:s6] =	stream.linear.scatter [tilespmem:s29], [sflag:$0x3], $0x1400, $0x38;
	[tilespmem:$0x1FC00] =	vst v63  }
0x28: {  	_ =	swait.ge [sflag:s30], $0x1400  }
0x29: {  	[sflag:s30] =	ssyncset.done $0x0  }
0x2a: {  	s12 =	rddreg [dreg:$0x5];
	[sflag:s30] =	ssyncadd.s32 $0xFFFFEC00  }
0x2b: {  	[spmem:s12] =	stream.linear.scatter [tilespmem:s29], [sflag:$0x3], $0x1400, $0x38;
	[tilespmem:$0x1FC00] =	vst v63  }
0x2c: {  	_ =	swait.ge [sflag:s30], $0x1400  }
0x2d: {  	[sflag:s30] =	ssyncset.done $0x0  }
0x2e: {  	s13 =	rddreg [dreg:$0x6];
	[sflag:s30] =	ssyncadd.s32 $0xFFFFEC00  }
0x2f: {  	[spmem:s13] =	stream.linear.scatter [tilespmem:s29], [sflag:$0x3], $0x1400, $0x38;
	[tilespmem:$0x1FC00] =	vst v63  }
0x30: {  	_ =	swait.ge [sflag:s30], $0x1400  }
0x31: {  	[sflag:s30] =	ssyncset.done $0x0  }
0x32: {  	s14 =	rddreg [dreg:$0x7];
	[sflag:s30] =	ssyncadd.s32 $0xFFFFEC00  }
0x33: {  	[spmem:s14] =	stream.linear.scatter [tilespmem:s29], [sflag:$0x3], $0x1400, $0x38;
	[tilespmem:$0x1FC00] =	vst v63  }
0x34: {  	_ =	swait.ge [sflag:s30], $0x1400  }
0x35: {  	[sflag:s30] =	ssyncset.done $0x0  }
0x36: {  	s15 =	rddreg [dreg:$0x8];
	[sflag:s30] =	ssyncadd.s32 $0xFFFFEC00  }
0x37: {  	[spmem:s15] =	stream.linear.scatter [tilespmem:s29], [sflag:$0x3], $0x1400, $0x38;
	[tilespmem:$0x1FC00] =	vst v63  }
0x38: {  	_ =	swait.ge [sflag:s30], $0x1400  }
0x39: {  	[sflag:s30] =	ssyncset.done $0x0  }
0x3a: {  	s16 =	rddreg [dreg:$0x9];
	[sflag:s30] =	ssyncadd.s32 $0xFFFFEC00  }
0x3b: {  	[spmem:s16] =	stream.linear.scatter [tilespmem:s29], [sflag:$0x3], $0x1400, $0x38;
	[tilespmem:$0x1FC00] =	vst v63  }
0x3c: {  	_ =	swait.ge [sflag:s30], $0x1400  }
0x3d: {  	[sflag:s30] =	ssyncset.done $0x0  }
0x3e: {  	s13 =	rddreg [dreg:$0xa];
	[sflag:s30] =	ssyncadd.s32 $0xFFFFEC00  }
0x3f: {  	[spmem:s13] =	stream.linear.scatter [tilespmem:s29], [sflag:$0x3], $0x1400, $0x38;
	[tilespmem:$0x1FC00] =	vst v63  }
0x40: {  	_ =	swait.ge [sflag:s30], $0x1400  }
0x41: {  	[sflag:s30] =	ssyncset.done $0x0  }
0x42: {  	s14 =	rddreg [dreg:$0xb];
	[sflag:s30] =	ssyncadd.s32 $0xFFFFEC00  }
0x43: {  	[spmem:s14] =	stream.linear.scatter [tilespmem:s29], [sflag:$0x3], $0x1400, $0x38;
	[tilespmem:$0x1FC00] =	vst v63  }
0x44: {  	_ =	swait.ge [sflag:s30], $0x1400  }
0x45: {  	[sflag:s30] =	ssyncset.done $0x0  }
0x46: {  	s15 =	rddreg [dreg:$0xc];
	[sflag:s30] =	ssyncadd.s32 $0xFFFFEC00  }
0x47: {  	[spmem:s15] =	stream.linear.scatter [tilespmem:s29], [sflag:$0x3], $0x1400, $0x38;
	[tilespmem:$0x1FC00] =	vst v63  }
0x48: {  	_ =	swait.ge [sflag:s30], $0x1400  }
0x49: {  	[sflag:s30] =	ssyncset.done $0x0  }
0x4a: {  	s16 =	rddreg [dreg:$0xd];
	[sflag:s30] =	ssyncadd.s32 $0xFFFFEC00  }
0x4b: {  	[spmem:s16] =	stream.linear.scatter [tilespmem:s29], [sflag:$0x3], $0x1400, $0x38;
	[tilespmem:$0x1FC00] =	vst v63  }
0x4c: {  	_ =	swait.ge [sflag:s30], $0x1400  }
0x4d: {  	[sflag:s30] =	ssyncset.done $0x0  }
0x4e: {  	[sflag:s30] =	ssyncadd.s32 $0xFFFFEC00  }
0x4f: {  	[spmem:s17] =	stream.linear.scatter [tilespmem:s29], [sflag:$0x3], $0x1400, $0x38;
	[tilespmem:$0x1FC00] =	vst v63  }
0x50: {  	_ =	swait.ge [sflag:s30], $0x1400  }
0x51: {  	[sflag:s30] =	ssyncset.done $0x0  }
0x52: {  	[sflag:s30] =	ssyncadd.s32 $0xFFFFEC00  }
0x53: {  	[spmem:s18] =	stream.linear.scatter [tilespmem:s29], [sflag:$0x3], $0x1400, $0x38;
	[tilespmem:$0x1FC00] =	vst v63  }
0x54: {  	_ =	swait.ge [sflag:s30], $0x1400  }
0x55: {  	[sflag:s30] =	ssyncset.done $0x0  }
0x56: {  	[sflag:s30] =	ssyncadd.s32 $0xFFFFEC00  }
0x57: {  	[spmem:s19] =	stream.linear.scatter [tilespmem:s29], [sflag:$0x3], $0x1400, $0x38;
	[tilespmem:$0x1FC00] =	vst v63  }
0x58: {  	_ =	swait.ge [sflag:s30], $0x1400  }
0x59: {  	[sflag:s30] =	ssyncset.done $0x0  }
0x5a: {  	[sflag:s30] =	ssyncadd.s32 $0xFFFFEC00  }
0x5b: {  	[spmem:s20] =	stream.linear.scatter [tilespmem:s29], [sflag:$0x3], $0x1400, $0x38;
	[tilespmem:$0x1FC00] =	vst v63  }
0x5c: {  	_ =	swait.ge [sflag:s30], $0x1400  }
0x5d: {  	[sflag:s30] =	ssyncset.done $0x0  }
0x5e: {  	[sflag:s30] =	ssyncadd.s32 $0xFFFFEC00  }
0x5f: {  	[spmem:s21] =	stream.linear.scatter [tilespmem:s29], [sflag:$0x3], $0x1400, $0x38;
	[tilespmem:$0x1FC00] =	vst v63  }
0x60: {  	_ =	swait.ge [sflag:s30], $0x1400  }
0x61: {  	[sflag:s30] =	ssyncset.done $0x0  }
0x62: {  	[sflag:s30] =	ssyncadd.s32 $0xFFFFEC00  }
0x63: {  	[spmem:s23] =	stream.linear.scatter [tilespmem:s29], [sflag:$0x3], $0x1400, $0x38;
	[tilespmem:$0x1FC00] =	vst v63  }
0x64: {  	_ =	swait.ge [sflag:s30], $0x1400  }
0x65: {  	[sflag:s30] =	ssyncset.done $0x0  }
0x66: {  	[sflag:s30] =	ssyncadd.s32 $0xFFFFEC00  }
0x67: {  	_ =	swait.ge [sflag:s31], $0x1400  }
0x68: {  	[sflag:s31] =	ssyncset.done $0x0  }
0x69: {  	[sflag:s31] =	ssyncadd.s32 $0xFFFFEC00  }
0x6a: {  	_ =	swait.ge [sflag:s1], $0x1400  }
0x6b: {  	[sflag:s1] =	ssyncset.done $0x0  }
0x6c: {  	[sflag:s1] =	ssyncadd.s32 $0xFFFFEC00  }
0x6d: {  	[bflag:$0x0] =	sbarrier.arrive $0xFFFF  }
0x6e: {  	[tilespmem:s7], [sflag:$0x3] =	stream.indirect.gather [hbm4b:s4+s0], $0x80, s3, s0, $0xb8;
	[tilespmem:$0x1FC00] =	vst v63  }
0x6f: {  	_ =	swait.ge [sflag:s30], $0x3E80  }
0x70: {  	[sflag:s30] =	ssyncset.done $0x0  }
0x71: {  	[sflag:s30] =	ssyncadd.s32 $0xFFFFC180  }
0x72: {  	[spmem:s2] =	stream.indirect.scatter.add.f32 [tilespmem:s7], [sflag:$0x1], $0x80, s28, s0, $0xb8;
	[tilespmem:$0x1FC00] =	vst v63  }
0x73: {  	s13 =	simm.s32 $0x80  }
0x74: {  	[tilespmem:s8], [sflag:$0x3] =	stream.indirect.gather [hbm4b:s4+s0], $0x80, s13, s0, $0xb8;
	[tilespmem:$0x1FC00] =	vst v63  }
0x75: {  	_ =	swait.ge [sflag:s30], $0x3E80  }
0x76: {  	[sflag:s30] =	ssyncset.done $0x0  }
0x77: {  	s14 =	simm.s32 $0x1480;
	[sflag:s30] =	ssyncadd.s32 $0xFFFFC180  }
0x78: {  	[spmem:s2] =	stream.indirect.scatter.add.f32 [tilespmem:s8], [sflag:$0x2], $0x80, s14, s0, $0xb8;
	[tilespmem:$0x1FC00] =	vst v63  }
0x79: {  	_ =	swait.ge [sflag:s31], $0x3E80  }
0x7a: {  	[sflag:s31] =	ssyncset.done $0x0  }
0x7b: {  	s15 =	simm.s32 $0x100;
	[sflag:s31] =	ssyncadd.s32 $0xFFFFC180  }
0x7c: {  	[tilespmem:s7], [sflag:$0x3] =	stream.indirect.gather [hbm4b:s4+s0], $0x80, s15, s0, $0xb8;
	[tilespmem:$0x1FC00] =	vst v63  }
0x7d: {  	_ =	swait.ge [sflag:s30], $0x3E80  }
0x7e: {  	[sflag:s30] =	ssyncset.done $0x0  }
0x7f: {  	s16 =	simm.s32 $0x1500;
	[sflag:s30] =	ssyncadd.s32 $0xFFFFC180  }
0x80: {  	[spmem:s2] =	stream.indirect.scatter.add.f32 [tilespmem:s7], [sflag:$0x1], $0x80, s16, s0, $0xb8;
	[tilespmem:$0x1FC00] =	vst v63  }
0x81: {  	_ =	swait.ge [sflag:s1], $0x3E80  }
0x82: {  	s12 =	simm.s32 $0xFFFFEE00;
	s13 =	simm.s32 $0xFFFFBC00;
	[sflag:s1] =	ssyncset.done $0x0  }
.LBB2_4:
0x83: {  	s14 =	sadd.s32 $0x1380, s12  }
0x84: {  	[sflag:s1] =	ssyncadd.s32 $0xFFFFC180;
	s15 =	smov.u32 s13;
	s16 =	sadd.s32 $0x400, s13  }
0x85: {  	[tilespmem:s8], [sflag:$0x3] =	stream.indirect.gather [hbm4b:s4+s0], $0x80, s14, s0, $0xb8;
	[tilespmem:$0x1FC00] =	vst v63  }
0x86: {  	p0 =	sne.s32 s13, $0xFFFFFC00;
	_ =	swait.ge [sflag:s30], $0x3E80  }
0x87: {  	[sflag:s30] =	ssyncset.done $0x0  }
0x88: {  	s13 =	sadd.s32 $0x2780, s12;
	[sflag:s30] =	ssyncadd.s32 $0xFFFFC180  }
0x89: {  	[spmem:s2] =	stream.indirect.scatter.add.f32 [tilespmem:s8], [sflag:$0x2], $0x80, s13, s0, $0xb8;
	[tilespmem:$0x1FC00] =	vst v63  }
0x8a: {  	_ =	swait.ge [sflag:s31], $0x3E80  }
0x8b: {  	[sflag:s31] =	ssyncset.done $0x0  }
0x8c: {  	s13 =	sadd.s32 $0x1400, s12;
	[sflag:s31] =	ssyncadd.s32 $0xFFFFC180  }
0x8d: {  	[tilespmem:s7], [sflag:$0x3] =	stream.indirect.gather [hbm4b:s4+s0], $0x80, s13, s0, $0xb8;
	[tilespmem:$0x1FC00] =	vst v63  }
0x8e: {  	_ =	swait.ge [sflag:s30], $0x3E80  }
.Ltmp1:
0x8f: {  	[sflag:s30] =	ssyncset.done $0x0;
	(pc) =	sbr.rel @p0 .LBB2_4-.Ltmp1, $4  }
0x90: {  	s12 =	sadd.s32 $0x2800, s12;
	[sflag:s30] =	ssyncadd.s32 $0xFFFFC180  }
0x91: {  	[spmem:s2] =	stream.indirect.scatter.add.f32 [tilespmem:s7], [sflag:$0x1], $0x80, s12, s0, $0xb8;
	[tilespmem:$0x1FC00] =	vst v63  }
0x92: {  	_ =	swait.ge [sflag:s1], $0x3E80  }
0x93: {  	s13 =	smov.u32 s16;
	s12 =	sshra.s32 s15, $0x2;
	[sflag:s1] =	ssyncset.done $0x0  }
0x94: {  	s13 =	sadd.s32 $0x1380, s12;
	[sflag:s1] =	ssyncadd.s32 $0xFFFFC180  }
0x95: {  	[tilespmem:s8], [sflag:$0x3] =	stream.indirect.gather [hbm4b:s4+s0], $0x80, s13, s0, $0xb8;
	[tilespmem:$0x1FC00] =	vst v63  }
0x96: {  	_ =	swait.ge [sflag:s30], $0x3E80  }
0x97: {  	[sflag:s30] =	ssyncset.done $0x0  }
0x98: {  	s14 =	sadd.s32 $0x2780, s12;
	[sflag:s30] =	ssyncadd.s32 $0xFFFFC180  }
0x99: {  	[spmem:s2] =	stream.indirect.scatter.add.f32 [tilespmem:s8], [sflag:$0x2], $0x80, s14, s0, $0xb8;
	[tilespmem:$0x1FC00] =	vst v63  }
0x9a: {  	_ =	swait.ge [sflag:s31], $0x3E80  }
0x9b: {  	[sflag:s31] =	ssyncset.done $0x0  }
0x9c: {  	s15 =	sadd.s32 $0x1400, s12;
	[sflag:s31] =	ssyncadd.s32 $0xFFFFC180  }
0x9d: {  	[tilespmem:s7], [sflag:$0x3] =	stream.indirect.gather [hbm4b:s4+s0], $0x80, s15, s0, $0xb8;
	[tilespmem:$0x1FC00] =	vst v63  }
0x9e: {  	_ =	swait.ge [sflag:s30], $0x3E80  }
0x9f: {  	[sflag:s30] =	ssyncset.done $0x0  }
0xa0: {  	s16 =	sadd.s32 $0x2800, s12;
	[sflag:s30] =	ssyncadd.s32 $0xFFFFC180  }
0xa1: {  	[spmem:s2] =	stream.indirect.scatter.add.f32 [tilespmem:s7], [sflag:$0x1], $0x80, s16, s0, $0xb8;
	[tilespmem:$0x1FC00] =	vst v63  }
0xa2: {  	_ =	swait.ge [sflag:s1], $0x3E80  }
0xa3: {  	[sflag:s1] =	ssyncset.done $0x0  }
0xa4: {  	[sflag:s1] =	ssyncadd.s32 $0xFFFFC180  }
0xa5: {  	[tilespmem:s8], [sflag:$0x3] =	stream.indirect.gather [hbm4b:s4+s0], $0x80, s9, s0, $0xb8;
	[tilespmem:$0x1FC00] =	vst v63  }
0xa6: {  	_ =	swait.ge [sflag:s30], $0x3E80  }
0xa7: {  	[sflag:s30] =	ssyncset.done $0x0  }
0xa8: {  	[sflag:s30] =	ssyncadd.s32 $0xFFFFC180  }
0xa9: {  	[spmem:s2] =	stream.indirect.scatter.add.f32 [tilespmem:s8], [sflag:$0x2], $0x80, s10, s0, $0xb8;
	[tilespmem:$0x1FC00] =	vst v63  }
0xaa: {  	_ =	swait.ge [sflag:s31], $0x3E80  }
0xab: {  	[sflag:s31] =	ssyncset.done $0x0  }
0xac: {  	[sflag:s31] =	ssyncadd.s32 $0xFFFFC180  }
0xad: {  	_ =	swait.ge [sflag:s1], $0x3E80  }
0xae: {  	[sflag:s1] =	ssyncset.done $0x0  }
0xaf: {  	[sflag:s1] =	ssyncadd.s32 $0xFFFFC180  }
0xb0: {  	[tilespmem:s3], [sflag:$0x3] =	stream.linear.gather [hbm4b:s26+s3], $0x1400, $0x38;
	[tilespmem:$0x1FC00] =	vst v63  }
0xb1: {  	_ =	swait.ge [sflag:s30], $0x1400  }
0xb2: {  	[sflag:s30] =	ssyncset.done $0x0  }
0xb3: {  	[sflag:s30] =	ssyncadd.s32 $0xFFFFEC00  }
0xb4: {  	[tilespmem:s28], [sflag:$0x3] =	stream.linear.gather [hbm4b:s24+s3], $0x1400, $0x38;
	[tilespmem:$0x1FC00] =	vst v63  }
0xb5: {  	_ =	swait.ge [sflag:s30], $0x1400  }
0xb6: {  	[sflag:s30] =	ssyncset.done $0x0  }
0xb7: {  	[sflag:s30] =	ssyncadd.s32 $0xFFFFEC00  }
0xb8: {  	[tilespmem:s7], [sflag:$0x3] =	stream.indirect.gather [hbm4b:s4+s0], $0x80, s3, s0, $0xb8;
	[tilespmem:$0x1FC00] =	vst v63  }
0xb9: {  	_ =	swait.ge [sflag:s30], $0x3E80  }
0xba: {  	[sflag:s30] =	ssyncset.done $0x0  }
0xbb: {  	[sflag:s30] =	ssyncadd.s32 $0xFFFFC180  }
0xbc: {  	[spmem:s2] =	stream.indirect.scatter.add.f32 [tilespmem:s7], [sflag:$0x1], $0x80, s28, s0, $0xb8;
	[tilespmem:$0x1FC00] =	vst v63  }
0xbd: {  	s13 =	simm.s32 $0x80  }
0xbe: {  	[tilespmem:s8], [sflag:$0x3] =	stream.indirect.gather [hbm4b:s4+s0], $0x80, s13, s0, $0xb8;
	[tilespmem:$0x1FC00] =	vst v63  }
0xbf: {  	_ =	swait.ge [sflag:s30], $0x3E80  }
0xc0: {  	[sflag:s30] =	ssyncset.done $0x0  }
0xc1: {  	s14 =	simm.s32 $0x1480;
	[sflag:s30] =	ssyncadd.s32 $0xFFFFC180  }
0xc2: {  	[spmem:s2] =	stream.indirect.scatter.add.f32 [tilespmem:s8], [sflag:$0x2], $0x80, s14, s0, $0xb8;
	[tilespmem:$0x1FC00] =	vst v63  }
0xc3: {  	_ =	swait.ge [sflag:s31], $0x3E80  }
0xc4: {  	[sflag:s31] =	ssyncset.done $0x0  }
0xc5: {  	s15 =	simm.s32 $0x100;
	[sflag:s31] =	ssyncadd.s32 $0xFFFFC180  }
0xc6: {  	[tilespmem:s7], [sflag:$0x3] =	stream.indirect.gather [hbm4b:s4+s0], $0x80, s15, s0, $0xb8;
	[tilespmem:$0x1FC00] =	vst v63  }
0xc7: {  	_ =	swait.ge [sflag:s30], $0x3E80  }
0xc8: {  	[sflag:s30] =	ssyncset.done $0x0  }
0xc9: {  	s16 =	simm.s32 $0x1500;
	[sflag:s30] =	ssyncadd.s32 $0xFFFFC180  }
0xca: {  	[spmem:s2] =	stream.indirect.scatter.add.f32 [tilespmem:s7], [sflag:$0x1], $0x80, s16, s0, $0xb8;
	[tilespmem:$0x1FC00] =	vst v63  }
0xcb: {  	_ =	swait.ge [sflag:s1], $0x3E80  }
0xcc: {  	s12 =	simm.s32 $0xFFFFEE00;
	s13 =	simm.s32 $0xFFFFBC00;
	[sflag:s1] =	ssyncset.done $0x0  }
.LBB2_6:
0xcd: {  	s14 =	sadd.s32 $0x1380, s12  }
0xce: {  	[sflag:s1] =	ssyncadd.s32 $0xFFFFC180;
	s15 =	smov.u32 s13;
	s16 =	sadd.s32 $0x400, s13  }
0xcf: {  	[tilespmem:s8], [sflag:$0x3] =	stream.indirect.gather [hbm4b:s4+s0], $0x80, s14, s0, $0xb8;
	[tilespmem:$0x1FC00] =	vst v63  }
0xd0: {  	p0 =	sne.s32 s13, $0xFFFFFC00;
	_ =	swait.ge [sflag:s30], $0x3E80  }
0xd1: {  	[sflag:s30] =	ssyncset.done $0x0  }
0xd2: {  	s13 =	sadd.s32 $0x2780, s12;
	[sflag:s30] =	ssyncadd.s32 $0xFFFFC180  }
0xd3: {  	[spmem:s2] =	stream.indirect.scatter.add.f32 [tilespmem:s8], [sflag:$0x2], $0x80, s13, s0, $0xb8;
	[tilespmem:$0x1FC00] =	vst v63  }
0xd4: {  	_ =	swait.ge [sflag:s31], $0x3E80  }
0xd5: {  	[sflag:s31] =	ssyncset.done $0x0  }
0xd6: {  	s13 =	sadd.s32 $0x1400, s12;
	[sflag:s31] =	ssyncadd.s32 $0xFFFFC180  }
0xd7: {  	[tilespmem:s7], [sflag:$0x3] =	stream.indirect.gather [hbm4b:s4+s0], $0x80, s13, s0, $0xb8;
	[tilespmem:$0x1FC00] =	vst v63  }
0xd8: {  	_ =	swait.ge [sflag:s30], $0x3E80  }
.Ltmp2:
0xd9: {  	[sflag:s30] =	ssyncset.done $0x0;
	(pc) =	sbr.rel @p0 .LBB2_6-.Ltmp2, $4  }
0xda: {  	s12 =	sadd.s32 $0x2800, s12;
	[sflag:s30] =	ssyncadd.s32 $0xFFFFC180  }
0xdb: {  	[spmem:s2] =	stream.indirect.scatter.add.f32 [tilespmem:s7], [sflag:$0x1], $0x80, s12, s0, $0xb8;
	[tilespmem:$0x1FC00] =	vst v63  }
0xdc: {  	_ =	swait.ge [sflag:s1], $0x3E80  }
0xdd: {  	s13 =	smov.u32 s16;
	s12 =	sshra.s32 s15, $0x2;
	[sflag:s1] =	ssyncset.done $0x0  }
0xde: {  	s13 =	sadd.s32 $0x1380, s12;
	[sflag:s1] =	ssyncadd.s32 $0xFFFFC180  }
0xdf: {  	[tilespmem:s8], [sflag:$0x3] =	stream.indirect.gather [hbm4b:s4+s0], $0x80, s13, s0, $0xb8;
	[tilespmem:$0x1FC00] =	vst v63  }
0xe0: {  	_ =	swait.ge [sflag:s30], $0x3E80  }
0xe1: {  	[sflag:s30] =	ssyncset.done $0x0  }
0xe2: {  	s15 =	sadd.s32 $0x2780, s12;
	[sflag:s30] =	ssyncadd.s32 $0xFFFFC180  }
0xe3: {  	[spmem:s2] =	stream.indirect.scatter.add.f32 [tilespmem:s8], [sflag:$0x2], $0x80, s15, s0, $0xb8;
	[tilespmem:$0x1FC00] =	vst v63  }
0xe4: {  	_ =	swait.ge [sflag:s31], $0x3E80  }
0xe5: {  	[sflag:s31] =	ssyncset.done $0x0  }
0xe6: {  	s16 =	sadd.s32 $0x1400, s12;
	[sflag:s31] =	ssyncadd.s32 $0xFFFFC180  }
0xe7: {  	[tilespmem:s7], [sflag:$0x3] =	stream.indirect.gather [hbm4b:s4+s0], $0x80, s16, s0, $0xb8;
	[tilespmem:$0x1FC00] =	vst v63  }
0xe8: {  	_ =	swait.ge [sflag:s30], $0x3E80  }
0xe9: {  	[sflag:s30] =	ssyncset.done $0x0  }
0xea: {  	s14 =	sadd.s32 $0x2800, s12;
	[sflag:s30] =	ssyncadd.s32 $0xFFFFC180  }
0xeb: {  	[spmem:s2] =	stream.indirect.scatter.add.f32 [tilespmem:s7], [sflag:$0x1], $0x80, s14, s0, $0xb8;
	[tilespmem:$0x1FC00] =	vst v63  }
0xec: {  	_ =	swait.ge [sflag:s1], $0x3E80  }
0xed: {  	[sflag:s1] =	ssyncset.done $0x0  }
0xee: {  	[sflag:s1] =	ssyncadd.s32 $0xFFFFC180  }
0xef: {  	[tilespmem:s8], [sflag:$0x3] =	stream.indirect.gather [hbm4b:s4+s0], $0x80, s9, s0, $0xb8;
	[tilespmem:$0x1FC00] =	vst v63  }
0xf0: {  	_ =	swait.ge [sflag:s30], $0x3E80  }
0xf1: {  	[sflag:s30] =	ssyncset.done $0x0  }
0xf2: {  	[sflag:s30] =	ssyncadd.s32 $0xFFFFC180  }
0xf3: {  	[spmem:s2] =	stream.indirect.scatter.add.f32 [tilespmem:s8], [sflag:$0x2], $0x80, s10, s0, $0xb8;
	[tilespmem:$0x1FC00] =	vst v63  }
0xf4: {  	_ =	swait.ge [sflag:s31], $0x3E80  }
0xf5: {  	[sflag:s31] =	ssyncset.done $0x0  }
0xf6: {  	[sflag:s31] =	ssyncadd.s32 $0xFFFFC180  }
0xf7: {  	s15 =	stileid.u32;
	_ =	swait.ge [sflag:s1], $0x3E80  }
0xf8: {  	s11 =	sadd.s32 $0x1, s11;
	s12 =	sshll.u32 s15, $0x6;
	[sflag:s1] =	ssyncset.done $0x0  }
0xf9: {  	p0 =	sne.s32 s11, s25;
	s12 =	sor.u32 $0x1C03, s12;
	[sflag:s1] =	ssyncadd.s32 $0xFFFFC180  }
.Ltmp3:
0xfa: {  	s16 =	sshrl.u32 s6, $0x3;
	[bflag:$0x0] =	sbarrier.arrive $0xFFFF;
	(pc) =	sbr.rel @p0 .LBB2_1-.Ltmp3, $4  }
0xfb: {  	[hbm:s22], [sflag:s12] =	dma.local [spmem:s16], $0x2800  }
0xfc: {  	_ =	swait.ge [sflag:s30], $0x2800  }
0xfd: {  	[sflag:s30] =	ssyncset.done $0x0  }
0xfe: {  	[sflag:s30] =	ssyncadd.s32 $0xFFFFD800  }
0xff: {  	_ =	sfence.sel $0x180000  }
0x100: {  	[bflag:$0x0] =	sbarrier.arrive $0xFFFF  }
0x101: {  	_ =	strace $0x9000004A  }
0x102: {  	s0 =	stileid.u32;
	[bflag:$0x2] =	sbarrier.arrive $0xFFFF  }
0x103: {  	p0 =	sne.s32 s0, $0x0;
	s0 =	rddreg [dreg:$0x3]  }
0x104: {  	s0 =	sadd.s32 @!p0 $0x100000, s0  }
0x105: {  	[sflag:s0] =	ssyncadd.tile.s32 @!p0 $0x1;
	_ =	shalt  }
.Lfunc_end2:
_tile_overlayer_lowered:
.L_overlay_start_2:
0x106: {  	(tag) =	ssettag $0x2  }
0x107: {  	s0 =	rddreg [dreg:$0x0];
	s2 =	stileid.u32  }
0x108: {  	s1 =	rddreg [dreg:$0x1];
	p0 =	sne.s32 s2, $0x0  }
0x109: {  	s3 =	rddreg [dreg:$0x2];
	[bflag:$0x3] =	sbarrier.arrive $0xFFFF;
	s2 =	simm.s32 @!p0 $0x1C03  }
0x10a: {  	[timem:s3], [sflag:s2] =	dma.local @!p0 [hbm:s0], s1  }
0x10b: {  	s0 =	simm.s32 @!p0 $0x3  }
0x10c: {  	_ =	swait.ge @!p0 [sflag:s0], s1  }
0x10d: {  	s1 =	ssub.s32 @!p0 $0x0, s1;
	[sflag:s0] =	ssyncset.done @!p0 $0x0  }
0x10e: {  	[sflag:s0] =	ssyncadd.s32 @!p0 s1  }
0x10f: {  	[bflag:$0x3] =	sbarrier.arrive $0xFFFF  }
0x110: {  	_ =	shalt  }

// kernel: kernel.16.cloned.1.call-start
scs
__scs_entry_jumppad:
0x0: {  	(pc) =	sbr.rel $0x88, $3  }
0x1: {  	(tag) =	ssettag $0x0;
	lr =	simm.s32 $0x1  }
0x2: {  	[smem:$0x3F99] =	sst lr;
	_ =	strace $0xD0000000  }
0x3: {  	_ = 	snop  }
0x4: {  	_ = 	snop  }
0x5: {  	_ = 	snop  }
0x6: {  	_ = 	snop  }
0x7: {  	_ = 	snop  }
__scs_overlays_trampoline_lowered:
0x8: {  	[smem:$0x3FA8] =	sst s0  }
0x9: {  	[smem:$0x3FA9] =	sst s1  }
0xa: {  	[smem:$0x3FAA] =	sst s2  }
0xb: {  	[smem:$0x3FAB] =	sst s3  }
0xc: {  	[smem:$0x3FAC] =	sst s4  }
0xd: {  	[smem:$0x3FAD] =	sst s5  }
0xe: {  	[smem:$0x3FAE] =	sst s6  }
0xf: {  	[smem:$0x3FAF] =	sst s7  }
0x10: {  	[smem:$0x3FB0] =	sst s8  }
0x11: {  	[smem:$0x3FB1] =	sst s9;
	s0 =	simm.s32 @!p0 $0x0  }
0x12: {  	s1 =	sld [smem:$0x3F97];
	s0 =	simm.s32 @p0 $0x1  }
0x13: {  	[smem:$0x3FB2] =	sst s0;
	s0 =	simm.s32 @!p1 $0x0  }
0x14: {  	s2 =	sld [smem:$0x3F96];
	s0 =	simm.s32 @p1 $0x1  }
0x15: {  	[smem:$0x3FB3] =	sst s0;
	s0 =	simm.s32 @!p2 $0x0  }
0x16: {  	s3 =	sld [smem:$0x3FDB];
	s0 =	simm.s32 @p2 $0x1  }
0x17: {  	s4 =	simm.s32 $0x1BF5;
	[smem:$0x3FB5] =	sst s0  }
0x18: {  	s0 =	sld [smem:$0x3F98];
	_ =	swait.ge [sflag:s4], $0x0  }
0x19: {  	s7 =	sld [smem:$0x3F99]  }
0x1a: {  	s8 =	sadd.s32 $0xFFFFE003, lr  }
0x1b: {  	s9 =	sadd.s32 $0xFFFFFEF7, lr;
	s5 =	simm.s32 $0xFFFFFFFF;
	p2 =	slt.u32 s8, $0xFFFFF086  }
0x1c: {  	p1 =	slt.u32 s9, $0xF7A;
	s5 =	simm.s32 @!p2 $0x0  }
0x1d: {  	s5 =	simm.s32 @p1 $0x1;
	p0 =	seq.s32 s7, s2  }
0x1e: {  	s7 =	smul.u32 @!p0 $0xF7A, s2;
	p2 =	seq.s32 @!p0 s5, $0x0  }
0x1f: {  	s9 =	smul.u32 $0xF7A, s1;
	s8 =	simm.s32 @!p0 $0x1BF5;
	p2 =	por !p2, p0  }
0x20: {  	[sflag:s8] =	ssyncset.s32 @!p0 $0xFFFFF086;
	s6 =	sadd.s32 @!p0 s3, s7;
	s7 =	simm.s32 @!p0 $0x108  }
0x21: {  	s3 =	sadd.s32 s3, s9;
	s6 =	sadd.s32 @!p0 $0x88, s6;
	s7 =	simm.s32 @p2 $0x1082  }
0x22: {  	[simem:s7], [sflag:s8] =	dma.local @!p0 [hbm:s6], $0xF7A  }
0x23: {  	s9 =	sor.u32 $0xD0000000, s2;
	s6 =	simm.s32 $0x108;
	_ =	swait.ge @!p0 [sflag:s8], $0x0  }
0x24: {  	s3 =	sadd.s32 $0x88, s3;
	s6 =	simm.s32 @!p1 $0x1082;
	[sflag:s4] =	ssyncset.s32 $0xFFFFF086  }
0x25: {  	[simem:s6], [sflag:s4] =	dma.local [hbm:s3], $0xF7A  }
0x26: {  	[smem:$0x3F99] =	sst s1;
	(tag) =	ssettag s2;
	_ =	strace s9  }
0x27: {  	s1 =	sld [smem:$0x3FA9]  }
0x28: {  	s2 =	sld [smem:$0x3FAA]  }
0x29: {  	s4 =	sld [smem:$0x3FAC]  }
0x2a: {  	p0 =	seq.s32 s5, $0x0;
	s5 =	sld [smem:$0x3FAD]  }
0x2b: {  	s6 =	sld [smem:$0x3FAE]  }
0x2c: {  	s7 =	sld [smem:$0x3FAF]  }
0x2d: {  	s3 =	simm.s32 $0x108;
	s8 =	sld [smem:$0x3FB0]  }
0x2e: {  	s3 =	simm.s32 @!p0 $0x1082;
	s9 =	sld [smem:$0x3FB1]  }
0x2f: {  	lr =	sadd.s32 s0, s3;
	s0 =	sld [smem:$0x3FA8]  }
0x30: {  	s3 =	sld [smem:$0x3FAB]  }
0x31: {  	[smem:$0x3FB4] =	sst s10  }
0x32: {  	s10 =	sld [smem:$0x3FB2];
	_ =	sdelay $0x3  }
0x33: {  	p0 =	seq.s32 s10, $0x1;
	s10 =	sld [smem:$0x3FB4];
	_ =	sdelay $0x3  }
0x34: {  	[smem:$0x3FB4] =	sst s10  }
0x35: {  	s10 =	sld [smem:$0x3FB3];
	_ =	sdelay $0x3  }
0x36: {  	p1 =	seq.s32 s10, $0x1;
	s10 =	sld [smem:$0x3FB4];
	_ =	sdelay $0x3  }
0x37: {  	[smem:$0x3FB4] =	sst s10  }
0x38: {  	s10 =	sld [smem:$0x3FB5]  }
0x39: {  	_ = 	snop;
	(pc) =	sbr.ind lr, $3  }
0x3a: {  	_ = 	snop  }
0x3b: {  	_ = 	snop  }
0x3c: {  	p2 =	seq.s32 s10, $0x1;
	s10 =	sld [smem:$0x3FB4]  }
0x3d: {  	_ =	shalt  }
0x3e: {  	_ =	shalt  }
0x3f: {  	_ =	shalt  }
0x40: {  	_ =	shalt  }
0x41: {  	_ =	shalt  }
0x42: {  	_ =	shalt  }
0x43: {  	_ =	shalt  }
0x44: {  	_ =	shalt  }
0x45: {  	_ =	shalt  }
0x46: {  	_ =	shalt  }
0x47: {  	_ =	shalt  }
0x48: {  	_ =	shalt  }
0x49: {  	_ =	shalt  }
0x4a: {  	_ =	shalt  }
0x4b: {  	_ =	shalt  }
0x4c: {  	_ =	shalt  }
0x4d: {  	_ =	shalt  }
0x4e: {  	_ =	shalt  }
0x4f: {  	_ =	shalt  }
0x50: {  	_ =	shalt  }
0x51: {  	_ =	shalt  }
0x52: {  	_ =	shalt  }
0x53: {  	_ =	shalt  }
0x54: {  	_ =	shalt  }
0x55: {  	_ =	shalt  }
0x56: {  	_ =	shalt  }
0x57: {  	_ =	shalt  }
0x58: {  	_ =	shalt  }
0x59: {  	_ =	shalt  }
0x5a: {  	_ =	shalt  }
0x5b: {  	_ =	shalt  }
0x5c: {  	_ =	shalt  }
0x5d: {  	_ =	shalt  }
0x5e: {  	_ =	shalt  }
0x5f: {  	_ =	shalt  }
0x60: {  	_ =	shalt  }
0x61: {  	_ =	shalt  }
0x62: {  	_ =	shalt  }
0x63: {  	_ =	shalt  }
0x64: {  	_ =	shalt  }
0x65: {  	_ =	shalt  }
0x66: {  	_ =	shalt  }
0x67: {  	_ =	shalt  }
0x68: {  	_ =	shalt  }
0x69: {  	_ =	shalt  }
0x6a: {  	_ =	shalt  }
0x6b: {  	_ =	shalt  }
0x6c: {  	_ =	shalt  }
0x6d: {  	_ =	shalt  }
0x6e: {  	_ =	shalt  }
0x6f: {  	_ =	shalt  }
0x70: {  	_ =	shalt  }
0x71: {  	_ =	shalt  }
0x72: {  	_ =	shalt  }
0x73: {  	_ =	shalt  }
0x74: {  	_ =	shalt  }
0x75: {  	_ =	shalt  }
0x76: {  	_ =	shalt  }
0x77: {  	_ =	shalt  }
0x78: {  	_ =	shalt  }
0x79: {  	_ =	shalt  }
0x7a: {  	_ =	shalt  }
0x7b: {  	_ =	shalt  }
0x7c: {  	_ =	shalt  }
0x7d: {  	_ =	shalt  }
0x7e: {  	_ =	shalt  }
0x7f: {  	_ =	shalt  }
0x80: {  	_ =	shalt  }
0x81: {  	_ =	shalt  }
0x82: {  	_ =	shalt  }
0x83: {  	_ =	shalt  }
0x84: {  	_ =	shalt  }
0x85: {  	_ =	shalt  }
0x86: {  	_ =	shalt  }
0x87: {  	_ =	shalt  }
.Lfunc_end0:
.L_simem_size_0:
called_computation.2_lowered:
.L_overlay_start_0:
0x88: {  	s2 =	sld [smem:$0x3FD9]  }
0x89: {  	s3 =	sld [smem:$0x3FFE];
	_ =	sdelay $0x1  }
0x8a: {  	s1 =	srdreg.scid  }
0x8b: {  	s0 =	sand.u32 $0x1, s1  }
0x8c: {  	s17 =	sshll.u32 s0, $0xA;
	s2 =	sadd.s32 s3, s2  }
0x8d: {  	s2 =	sadd.s32 s2, s17  }
0x8e: {  	[smem:$0x3FC0] =	sst s2  }
0x8f: {  	_ = 	snop  }
0x90: {  	s2 =	sld [smem:$0x3FD0];
	(tm) =	ssettm $0x1  }
0x91: {  	s18 =	sld [smem:$0x3FFB];
	_ =	sdelay $0x3  }
0x92: {  	_ =	strace s18  }
0x93: {  	s3 =	sld [smem:$0x3FFC];
	_ =	sdelay $0x3  }
0x94: {  	_ =	strace s3  }
0x95: {  	s3 =	sld [smem:$0x3FFD];
	_ =	sdelay $0x3  }
0x96: {  	_ =	strace s3  }
0x97: {  	_ =	strace $0x8FFFFFFF  }
0x98: {  	s19 =	sld [smem:$0x3FDB];
	_ =	sdelay $0x1  }
0x99: {  	s4 =	simm.s32 $_scs_section_size  }
0x9a: {  	s5 =	simm.s32 $_size__tile_overlayer_lowered;
	s6 =	simm.s32 $_tile_overlayer_lowered  }
0x9b: {  	s22 =	simm.s32 $0x1BFF;
	s21 =	sshll.u32 s6, $0x1;
	s3 =	sadd.s32 s4, s19  }
0x9c: {  	s7 =	simm.s32 $0x0;
	s20 =	sshll.u32 s5, $0x1;
	s5 =	sadd.s32 s21, s3  }
0x9d: {  	[timem:s7], [sflag:s22] =	dma.local [hbm:s5], s20  }
0x9e: {  	_ =	swait.ge [sflag:s22], s20  }
0x9f: {  	s4 =	ssub.s32 $0x0, s20;
	[sflag:s22] =	ssyncset.done $0x0  }
0xa0: {  	[sflag:s22] =	ssyncadd.s32 s4;
	_ =	sdelay $0x1  }
0xa1: {  	s23 =	simm.s32 $0x1B8B  }
0xa2: {  	_ =	swait.ge [sflag:s23], $0x1  }
0xa3: {  	[sflag:s23] =	ssyncset.done $0x0  }
0xa4: {  	s25 =	simm.s32 $0x1B8E;
	s24 =	sld [smem:$0x3FFE];
	[sflag:s23] =	ssyncadd.s32 $0xFFFFFFFF  }
0xa5: {  	s26 =	simm.s32 $execute0_lowered;
	[smem:$0x3FD2] =	sst s25  }
0xa6: {  	s5 =	sshll.u32 s26, $0x1;
	_ =	strace $0x8000004C;
	[dreg:$0x1] =	wrdreg $0xFFFFFFFF  }
0xa7: {  	s28 =	simm.s32 $_size_execute0_lowered;
	s3 =	sadd.s32 s3, s5;
	[dreg:$0x0] =	wrdreg $0x0  }
0xa8: {  	s5 =	sshll.u32 s28, $0x1;
	[dreg:$0x2] =	wrdreg s3  }
0xa9: {  	[dreg:$0x3] =	wrdreg s5  }
0xaa: {  	[dreg:$0x4] =	wrdreg $0xC0  }
0xab: {  	_ =	task [dreg:s7], $0x5FFFF  }
0xac: {  	[dreg:$0x1] =	wrdreg $0xFFFFFFFF  }
0xad: {  	[dreg:$0x0] =	wrdreg $0x60  }
0xae: {  	[dreg:$0x2] =	wrdreg s24  }
0xaf: {  	[dreg:$0x3] =	wrdreg s2  }
0xb0: {  	[dreg:$0x4] =	wrdreg $0xBC000  }
0xb1: {  	[dreg:$0x5] =	wrdreg $0x9  }
0xb2: {  	_ =	task.clear_ibuf [dreg:s7], $0x6FFFF;
	_ =	strace $0x9000004C  }
0xb3: {  	s29 =	simm.s32 $0x9;
	_ =	strace $0x8000004E  }
0xb4: {  	_ =	swait.ge [sflag:s29], $0x1  }
0xb5: {  	[sflag:s29] =	ssyncadd.s32 $0xFFFFFFFF  }
0xb6: {  	_ =	strace $0x9000004E  }
0xb7: {  	_ =	sfence  }
0xb8: {  	s30 =	sld [smem:$0x0];
	_ =	sdelay $0x2  }
0xb9: {  	s31 =	sshll.u32 s1, $0xD;
	s1 =	sshrl.u32 s1, $0x2  }
0xba: {  	s3 =	sand.u32 $0x4000, s31;
	s1 =	sadd.s32 s1, s30  }
0xbb: {  	s0 =	sor.u32 s3, s0;
	s1 =	sshll.u32 s1, $0x11  }
0xbc: {  	s0 =	sor.u32 s1, s0  }
0xbd: {  	s0 =	sadd.s32 $0x8F2B, s0  }
0xbe: {  	[sflag:s0] =	ssyncadd.remote.s32 $0x1  }
0xbf: {  	_ =	sfence.sel $0xFFFF  }
0xc0: {  	[dreg:$0x0] =	wrdreg $0xFFFFFFFF;
	(pc) =	sbr.abs _section_cstart, $3  }
0xc1: {  	[dreg:$0x1] =	wrdreg $0xFFFFFFFF  }
0xc2: {  	_ =	task.clear_ibuf [dreg:s7], $0x2FFFF;
	_ =	strace $0x9FFFFFFF  }
0xc3: {  	(tm) =	ssettm $0x7FFFFFFF  }
tec
execute0_lowered:
.L_overlay_start_1:
0x0: {  	(tag) =	ssettag $0x1  }
0x1: {  	s0 =	srdreg.scid;
	s1 =	rddreg [dreg:$0x0]  }
0x2: {  	s5 =	rddreg [dreg:$0x1];
	s11 =	stileid.u32  }
0x3: {  	s2 =	rddreg [dreg:$0x2];
	s28 =	simm.s32 $0x1400;
	s0 =	sand.u32 $0x1, s0  }
0x4: {  	s29 =	simm.s32 $0xA800;
	s7 =	smul.u32 $0x50000, s11;
	s3 =	sshll.u32 s0, $0x4  }
0x5: {  	s30 =	simm.s32 $0x3;
	s26 =	smul.u32 $0x2800, s11;
	s4 =	sor.u32 s11, s3  }
0x6: {  	s31 =	simm.s32 $0x1;
	s8 =	ssub.s32 $0x2, s0;
	s6 =	smul.u32 $0x500, s4  }
0x7: {  	p0 =	seq.s32 s0, $0x0;
	s0 =	simm.s32 $0x6BA00;
	s3 =	simm.s32 $0x0  }
0x8: {  	s7 =	sshrl.u32 s7, $0x2;
	[smem:$0x7FF] =	sst s3;
	s9 =	sadd.s32 s6, s1  }
0x9: {  	s5 =	sadd.s32 s5, s6;
	s6 =	sadd.s32 s7, s2;
	s16 =	sadd.s32 $0x11A00, s9  }
0xa: {  	_ =	strace $0x8000004D;
	s17 =	sadd.s32 $0x1400, s6;
	[dreg:$0x4] =	wrdreg s16  }
0xb: {  	s10 =	sshrl.u32 s8, $0x1;
	s18 =	sadd.s32 $0x2800, s6;
	[dreg:$0x5] =	wrdreg s17  }
0xc: {  	s0 =	simm.s32 @!p0 $0x93A00;
	s19 =	sadd.s32 $0x3C00, s6;
	[dreg:$0x6] =	wrdreg s18  }
0xd: {  	s11 =	simm.s32 $0x0;
	s20 =	sadd.s32 $0x5000, s6;
	[dreg:$0x7] =	wrdreg s19  }
0xe: {  	s4 =	sadd.s32 $0x1BA00, s1;
	s21 =	sadd.s32 $0x6400, s6;
	[dreg:$0x8] =	wrdreg s20  }
0xf: {  	s8 =	ssub.s32 s8, s10;
	s22 =	sadd.s32 $0x7800, s6;
	[dreg:$0x9] =	wrdreg s21  }
0x10: {  	s0 =	sadd.s32 s0, s1;
	s23 =	sadd.s32 $0x8C00, s6;
	[dreg:$0xa] =	wrdreg s22  }
0x11: {  	s10 =	simm.s32 $0x2780;
	s24 =	sadd.s32 $0xA000, s6;
	[dreg:$0xb] =	wrdreg s23  }
0x12: {  	s1 =	simm.s32 $0x2;
	s25 =	sadd.s32 $0xB400, s6;
	[dreg:$0xc] =	wrdreg s24  }
0x13: {  	s7 =	simm.s32 $0x2800;
	[dreg:$0xd] =	wrdreg s25;
	s17 =	sadd.s32 $0xC800, s6  }
0x14: {  	s18 =	sadd.s32 $0xDC00, s6;
	s19 =	sadd.s32 $0xF000, s6;
	s20 =	sadd.s32 $0x10400, s6  }
0x15: {  	s21 =	sadd.s32 $0x11800, s6;
	s22 =	sadd.s32 s0, s26;
	s23 =	sadd.s32 $0x12C00, s6  }
0x16: {  	s24 =	sadd.s32 $0x11C80, s9;
	s25 =	smax.u32 s8, $0x1;
	s26 =	sadd.s32 $0x280, s5  }
0x17: {  	v0 =	vimm.f32 $0.0e+00;
	s0 =	simm.s32 $0x7D;
	s8 =	simm.s32 $0x6800;
	s9 =	simm.s32 $0x1380  }
.LBB2_1:
0x18: {  	[tilespmem:s3], [sflag:$0x1] =	stream.linear.gather [hbm4b:s5+s3], $0x1400, $0x38;
	[tilespmem:$0x1FC00] =	vst v63  }
0x19: {  	s16 =	simm.s32 $0x0  }
0x1a: {  	s12 =	rddreg [dreg:$0x4];
	s13 =	sand.u32 $0xFFFFFF80, s16  }
0x1b: {  	[tilespmem:s28], [sflag:$0x2] =	stream.linear.gather [hbm4b:s12+s3], $0x1400, $0x38;
	[tilespmem:$0x1FC00] =	vst v63  }
0x1c: {  	s13 =	ssub.s32 $0x0, s13  }
0x1d: {  	s12 =	sand.u32 $0x3FFFFF80, s16;
	s13 =	sand.u32 $0xFFFFFF80, s13  }
0x1e: {  	s14 =	sand.u32 $0x70, s3;
	s13 =	sadd.s32 s13, s12  }
0x1f: {  	s12 =	simm.s32 $0x1;
	s14 =	sor.u32 s14, s13;
	s13 =	simm.s32 $0x0  }
.LBB2_2:
0x20: {  	s15 =	sshll.u32 s12, $0x4;
	p0 =	sne.s32 s12, $0x13F;
	s12 =	sadd.s32 $0x1, s12;
	[tilespmem:s14+$0xA800] =	vst v0  }
.Ltmp0:
0x21: {  	s13 =	sadd.s32 $0x10, s13;
	s14 =	sand.u32 $0xFFFFFF80, s15;
	(pc) =	sbr.rel @p0 .LBB2_2-.Ltmp0, $4  }
0x22: {  	s14 =	ssub.s32 s13, s14  }
0x23: {  	s15 =	sand.u32 $0x3FFFFF80, s15;
	s14 =	sand.u32 $0xFFFFFF80, s14  }
0x24: {  	s16 =	sand.u32 $0x70, s13;
	s14 =	sadd.s32 s14, s15  }
0x25: {  	s14 =	sor.u32 s16, s14  }
0x26: {  	[tilespmem:s14+$0xA800] =	vst v0  }
0x27: {  	[spmem:s6] =	stream.linear.scatter [tilespmem:s29], [sflag:$0x3], $0x1400, $0x38;
	[tilespmem:$0x1FC00] =	vst v63  }
0x28: {  	_ =	swait.ge [sflag:s30], $0x1400  }
0x29: {  	[sflag:s30] =	ssyncset.done $0x0  }
0x2a: {  	s12 =	rddreg [dreg:$0x5];
	[sflag:s30] =	ssyncadd.s32 $0xFFFFEC00  }
0x2b: {  	[spmem:s12] =	stream.linear.scatter [tilespmem:s29], [sflag:$0x3], $0x1400, $0x38;
	[tilespmem:$0x1FC00] =	vst v63  }
0x2c: {  	_ =	swait.ge [sflag:s30], $0x1400  }
0x2d: {  	[sflag:s30] =	ssyncset.done $0x0  }
0x2e: {  	s13 =	rddreg [dreg:$0x6];
	[sflag:s30] =	ssyncadd.s32 $0xFFFFEC00  }
0x2f: {  	[spmem:s13] =	stream.linear.scatter [tilespmem:s29], [sflag:$0x3], $0x1400, $0x38;
	[tilespmem:$0x1FC00] =	vst v63  }
0x30: {  	_ =	swait.ge [sflag:s30], $0x1400  }
0x31: {  	[sflag:s30] =	ssyncset.done $0x0  }
0x32: {  	s14 =	rddreg [dreg:$0x7];
	[sflag:s30] =	ssyncadd.s32 $0xFFFFEC00  }
0x33: {  	[spmem:s14] =	stream.linear.scatter [tilespmem:s29], [sflag:$0x3], $0x1400, $0x38;
	[tilespmem:$0x1FC00] =	vst v63  }
0x34: {  	_ =	swait.ge [sflag:s30], $0x1400  }
0x35: {  	[sflag:s30] =	ssyncset.done $0x0  }
0x36: {  	s15 =	rddreg [dreg:$0x8];
	[sflag:s30] =	ssyncadd.s32 $0xFFFFEC00  }
0x37: {  	[spmem:s15] =	stream.linear.scatter [tilespmem:s29], [sflag:$0x3], $0x1400, $0x38;
	[tilespmem:$0x1FC00] =	vst v63  }
0x38: {  	_ =	swait.ge [sflag:s30], $0x1400  }
0x39: {  	[sflag:s30] =	ssyncset.done $0x0  }
0x3a: {  	s16 =	rddreg [dreg:$0x9];
	[sflag:s30] =	ssyncadd.s32 $0xFFFFEC00  }
0x3b: {  	[spmem:s16] =	stream.linear.scatter [tilespmem:s29], [sflag:$0x3], $0x1400, $0x38;
	[tilespmem:$0x1FC00] =	vst v63  }
0x3c: {  	_ =	swait.ge [sflag:s30], $0x1400  }
0x3d: {  	[sflag:s30] =	ssyncset.done $0x0  }
0x3e: {  	s13 =	rddreg [dreg:$0xa];
	[sflag:s30] =	ssyncadd.s32 $0xFFFFEC00  }
0x3f: {  	[spmem:s13] =	stream.linear.scatter [tilespmem:s29], [sflag:$0x3], $0x1400, $0x38;
	[tilespmem:$0x1FC00] =	vst v63  }
0x40: {  	_ =	swait.ge [sflag:s30], $0x1400  }
0x41: {  	[sflag:s30] =	ssyncset.done $0x0  }
0x42: {  	s14 =	rddreg [dreg:$0xb];
	[sflag:s30] =	ssyncadd.s32 $0xFFFFEC00  }
0x43: {  	[spmem:s14] =	stream.linear.scatter [tilespmem:s29], [sflag:$0x3], $0x1400, $0x38;
	[tilespmem:$0x1FC00] =	vst v63  }
0x44: {  	_ =	swait.ge [sflag:s30], $0x1400  }
0x45: {  	[sflag:s30] =	ssyncset.done $0x0  }
0x46: {  	s15 =	rddreg [dreg:$0xc];
	[sflag:s30] =	ssyncadd.s32 $0xFFFFEC00  }
0x47: {  	[spmem:s15] =	stream.linear.scatter [tilespmem:s29], [sflag:$0x3], $0x1400, $0x38;
	[tilespmem:$0x1FC00] =	vst v63  }
0x48: {  	_ =	swait.ge [sflag:s30], $0x1400  }
0x49: {  	[sflag:s30] =	ssyncset.done $0x0  }
0x4a: {  	s16 =	rddreg [dreg:$0xd];
	[sflag:s30] =	ssyncadd.s32 $0xFFFFEC00  }
0x4b: {  	[spmem:s16] =	stream.linear.scatter [tilespmem:s29], [sflag:$0x3], $0x1400, $0x38;
	[tilespmem:$0x1FC00] =	vst v63  }
0x4c: {  	_ =	swait.ge [sflag:s30], $0x1400  }
0x4d: {  	[sflag:s30] =	ssyncset.done $0x0  }
0x4e: {  	[sflag:s30] =	ssyncadd.s32 $0xFFFFEC00  }
0x4f: {  	[spmem:s17] =	stream.linear.scatter [tilespmem:s29], [sflag:$0x3], $0x1400, $0x38;
	[tilespmem:$0x1FC00] =	vst v63  }
0x50: {  	_ =	swait.ge [sflag:s30], $0x1400  }
0x51: {  	[sflag:s30] =	ssyncset.done $0x0  }
0x52: {  	[sflag:s30] =	ssyncadd.s32 $0xFFFFEC00  }
0x53: {  	[spmem:s18] =	stream.linear.scatter [tilespmem:s29], [sflag:$0x3], $0x1400, $0x38;
	[tilespmem:$0x1FC00] =	vst v63  }
0x54: {  	_ =	swait.ge [sflag:s30], $0x1400  }
0x55: {  	[sflag:s30] =	ssyncset.done $0x0  }
0x56: {  	[sflag:s30] =	ssyncadd.s32 $0xFFFFEC00  }
0x57: {  	[spmem:s19] =	stream.linear.scatter [tilespmem:s29], [sflag:$0x3], $0x1400, $0x38;
	[tilespmem:$0x1FC00] =	vst v63  }
0x58: {  	_ =	swait.ge [sflag:s30], $0x1400  }
0x59: {  	[sflag:s30] =	ssyncset.done $0x0  }
0x5a: {  	[sflag:s30] =	ssyncadd.s32 $0xFFFFEC00  }
0x5b: {  	[spmem:s20] =	stream.linear.scatter [tilespmem:s29], [sflag:$0x3], $0x1400, $0x38;
	[tilespmem:$0x1FC00] =	vst v63  }
0x5c: {  	_ =	swait.ge [sflag:s30], $0x1400  }
0x5d: {  	[sflag:s30] =	ssyncset.done $0x0  }
0x5e: {  	[sflag:s30] =	ssyncadd.s32 $0xFFFFEC00  }
0x5f: {  	[spmem:s21] =	stream.linear.scatter [tilespmem:s29], [sflag:$0x3], $0x1400, $0x38;
	[tilespmem:$0x1FC00] =	vst v63  }
0x60: {  	_ =	swait.ge [sflag:s30], $0x1400  }
0x61: {  	[sflag:s30] =	ssyncset.done $0x0  }
0x62: {  	[sflag:s30] =	ssyncadd.s32 $0xFFFFEC00  }
0x63: {  	[spmem:s23] =	stream.linear.scatter [tilespmem:s29], [sflag:$0x3], $0x1400, $0x38;
	[tilespmem:$0x1FC00] =	vst v63  }
0x64: {  	_ =	swait.ge [sflag:s30], $0x1400  }
0x65: {  	[sflag:s30] =	ssyncset.done $0x0  }
0x66: {  	[sflag:s30] =	ssyncadd.s32 $0xFFFFEC00  }
0x67: {  	_ =	swait.ge [sflag:s31], $0x1400  }
0x68: {  	[sflag:s31] =	ssyncset.done $0x0  }
0x69: {  	[sflag:s31] =	ssyncadd.s32 $0xFFFFEC00  }
0x6a: {  	_ =	swait.ge [sflag:s1], $0x1400  }
0x6b: {  	[sflag:s1] =	ssyncset.done $0x0  }
0x6c: {  	[sflag:s1] =	ssyncadd.s32 $0xFFFFEC00  }
0x6d: {  	[bflag:$0x0] =	sbarrier.arrive $0xFFFF  }
0x6e: {  	[tilespmem:s7], [sflag:$0x3] =	stream.indirect.gather [hbm4b:s4+s0], $0x80, s3, s0, $0xb8;
	[tilespmem:$0x1FC00] =	vst v63  }
0x6f: {  	_ =	swait.ge [sflag:s30], $0x3E80  }
0x70: {  	[sflag:s30] =	ssyncset.done $0x0  }
0x71: {  	[sflag:s30] =	ssyncadd.s32 $0xFFFFC180  }
0x72: {  	[spmem:s2] =	stream.indirect.scatter.add.f32 [tilespmem:s7], [sflag:$0x1], $0x80, s28, s0, $0xb8;
	[tilespmem:$0x1FC00] =	vst v63  }
0x73: {  	s13 =	simm.s32 $0x80  }
0x74: {  	[tilespmem:s8], [sflag:$0x3] =	stream.indirect.gather [hbm4b:s4+s0], $0x80, s13, s0, $0xb8;
	[tilespmem:$0x1FC00] =	vst v63  }
0x75: {  	_ =	swait.ge [sflag:s30], $0x3E80  }
0x76: {  	[sflag:s30] =	ssyncset.done $0x0  }
0x77: {  	s14 =	simm.s32 $0x1480;
	[sflag:s30] =	ssyncadd.s32 $0xFFFFC180  }
0x78: {  	[spmem:s2] =	stream.indirect.scatter.add.f32 [tilespmem:s8], [sflag:$0x2], $0x80, s14, s0, $0xb8;
	[tilespmem:$0x1FC00] =	vst v63  }
0x79: {  	_ =	swait.ge [sflag:s31], $0x3E80  }
0x7a: {  	[sflag:s31] =	ssyncset.done $0x0  }
0x7b: {  	s15 =	simm.s32 $0x100;
	[sflag:s31] =	ssyncadd.s32 $0xFFFFC180  }
0x7c: {  	[tilespmem:s7], [sflag:$0x3] =	stream.indirect.gather [hbm4b:s4+s0], $0x80, s15, s0, $0xb8;
	[tilespmem:$0x1FC00] =	vst v63  }
0x7d: {  	_ =	swait.ge [sflag:s30], $0x3E80  }
0x7e: {  	[sflag:s30] =	ssyncset.done $0x0  }
0x7f: {  	s16 =	simm.s32 $0x1500;
	[sflag:s30] =	ssyncadd.s32 $0xFFFFC180  }
0x80: {  	[spmem:s2] =	stream.indirect.scatter.add.f32 [tilespmem:s7], [sflag:$0x1], $0x80, s16, s0, $0xb8;
	[tilespmem:$0x1FC00] =	vst v63  }
0x81: {  	_ =	swait.ge [sflag:s1], $0x3E80  }
0x82: {  	s12 =	simm.s32 $0xFFFFEE00;
	s13 =	simm.s32 $0xFFFFBC00;
	[sflag:s1] =	ssyncset.done $0x0  }
.LBB2_4:
0x83: {  	s14 =	sadd.s32 $0x1380, s12  }
0x84: {  	[sflag:s1] =	ssyncadd.s32 $0xFFFFC180;
	s15 =	smov.u32 s13;
	s16 =	sadd.s32 $0x400, s13  }
0x85: {  	[tilespmem:s8], [sflag:$0x3] =	stream.indirect.gather [hbm4b:s4+s0], $0x80, s14, s0, $0xb8;
	[tilespmem:$0x1FC00] =	vst v63  }
0x86: {  	p0 =	sne.s32 s13, $0xFFFFFC00;
	_ =	swait.ge [sflag:s30], $0x3E80  }
0x87: {  	[sflag:s30] =	ssyncset.done $0x0  }
0x88: {  	s13 =	sadd.s32 $0x2780, s12;
	[sflag:s30] =	ssyncadd.s32 $0xFFFFC180  }
0x89: {  	[spmem:s2] =	stream.indirect.scatter.add.f32 [tilespmem:s8], [sflag:$0x2], $0x80, s13, s0, $0xb8;
	[tilespmem:$0x1FC00] =	vst v63  }
0x8a: {  	_ =	swait.ge [sflag:s31], $0x3E80  }
0x8b: {  	[sflag:s31] =	ssyncset.done $0x0  }
0x8c: {  	s13 =	sadd.s32 $0x1400, s12;
	[sflag:s31] =	ssyncadd.s32 $0xFFFFC180  }
0x8d: {  	[tilespmem:s7], [sflag:$0x3] =	stream.indirect.gather [hbm4b:s4+s0], $0x80, s13, s0, $0xb8;
	[tilespmem:$0x1FC00] =	vst v63  }
0x8e: {  	_ =	swait.ge [sflag:s30], $0x3E80  }
.Ltmp1:
0x8f: {  	[sflag:s30] =	ssyncset.done $0x0;
	(pc) =	sbr.rel @p0 .LBB2_4-.Ltmp1, $4  }
0x90: {  	s12 =	sadd.s32 $0x2800, s12;
	[sflag:s30] =	ssyncadd.s32 $0xFFFFC180  }
0x91: {  	[spmem:s2] =	stream.indirect.scatter.add.f32 [tilespmem:s7], [sflag:$0x1], $0x80, s12, s0, $0xb8;
	[tilespmem:$0x1FC00] =	vst v63  }
0x92: {  	_ =	swait.ge [sflag:s1], $0x3E80  }
0x93: {  	s13 =	smov.u32 s16;
	s12 =	sshra.s32 s15, $0x2;
	[sflag:s1] =	ssyncset.done $0x0  }
0x94: {  	s13 =	sadd.s32 $0x1380, s12;
	[sflag:s1] =	ssyncadd.s32 $0xFFFFC180  }
0x95: {  	[tilespmem:s8], [sflag:$0x3] =	stream.indirect.gather [hbm4b:s4+s0], $0x80, s13, s0, $0xb8;
	[tilespmem:$0x1FC00] =	vst v63  }
0x96: {  	_ =	swait.ge [sflag:s30], $0x3E80  }
0x97: {  	[sflag:s30] =	ssyncset.done $0x0  }
0x98: {  	s14 =	sadd.s32 $0x2780, s12;
	[sflag:s30] =	ssyncadd.s32 $0xFFFFC180  }
0x99: {  	[spmem:s2] =	stream.indirect.scatter.add.f32 [tilespmem:s8], [sflag:$0x2], $0x80, s14, s0, $0xb8;
	[tilespmem:$0x1FC00] =	vst v63  }
0x9a: {  	_ =	swait.ge [sflag:s31], $0x3E80  }
0x9b: {  	[sflag:s31] =	ssyncset.done $0x0  }
0x9c: {  	s15 =	sadd.s32 $0x1400, s12;
	[sflag:s31] =	ssyncadd.s32 $0xFFFFC180  }
0x9d: {  	[tilespmem:s7], [sflag:$0x3] =	stream.indirect.gather [hbm4b:s4+s0], $0x80, s15, s0, $0xb8;
	[tilespmem:$0x1FC00] =	vst v63  }
0x9e: {  	_ =	swait.ge [sflag:s30], $0x3E80  }
0x9f: {  	[sflag:s30] =	ssyncset.done $0x0  }
0xa0: {  	s16 =	sadd.s32 $0x2800, s12;
	[sflag:s30] =	ssyncadd.s32 $0xFFFFC180  }
0xa1: {  	[spmem:s2] =	stream.indirect.scatter.add.f32 [tilespmem:s7], [sflag:$0x1], $0x80, s16, s0, $0xb8;
	[tilespmem:$0x1FC00] =	vst v63  }
0xa2: {  	_ =	swait.ge [sflag:s1], $0x3E80  }
0xa3: {  	[sflag:s1] =	ssyncset.done $0x0  }
0xa4: {  	[sflag:s1] =	ssyncadd.s32 $0xFFFFC180  }
0xa5: {  	[tilespmem:s8], [sflag:$0x3] =	stream.indirect.gather [hbm4b:s4+s0], $0x80, s9, s0, $0xb8;
	[tilespmem:$0x1FC00] =	vst v63  }
0xa6: {  	_ =	swait.ge [sflag:s30], $0x3E80  }
0xa7: {  	[sflag:s30] =	ssyncset.done $0x0  }
0xa8: {  	[sflag:s30] =	ssyncadd.s32 $0xFFFFC180  }
0xa9: {  	[spmem:s2] =	stream.indirect.scatter.add.f32 [tilespmem:s8], [sflag:$0x2], $0x80, s10, s0, $0xb8;
	[tilespmem:$0x1FC00] =	vst v63  }
0xaa: {  	_ =	swait.ge [sflag:s31], $0x3E80  }
0xab: {  	[sflag:s31] =	ssyncset.done $0x0  }
0xac: {  	[sflag:s31] =	ssyncadd.s32 $0xFFFFC180  }
0xad: {  	_ =	swait.ge [sflag:s1], $0x3E80  }
0xae: {  	[sflag:s1] =	ssyncset.done $0x0  }
0xaf: {  	[sflag:s1] =	ssyncadd.s32 $0xFFFFC180  }
0xb0: {  	[tilespmem:s3], [sflag:$0x3] =	stream.linear.gather [hbm4b:s26+s3], $0x1400, $0x38;
	[tilespmem:$0x1FC00] =	vst v63  }
0xb1: {  	_ =	swait.ge [sflag:s30], $0x1400  }
0xb2: {  	[sflag:s30] =	ssyncset.done $0x0  }
0xb3: {  	[sflag:s30] =	ssyncadd.s32 $0xFFFFEC00  }
0xb4: {  	[tilespmem:s28], [sflag:$0x3] =	stream.linear.gather [hbm4b:s24+s3], $0x1400, $0x38;
	[tilespmem:$0x1FC00] =	vst v63  }
0xb5: {  	_ =	swait.ge [sflag:s30], $0x1400  }
0xb6: {  	[sflag:s30] =	ssyncset.done $0x0  }
0xb7: {  	[sflag:s30] =	ssyncadd.s32 $0xFFFFEC00  }
0xb8: {  	[tilespmem:s7], [sflag:$0x3] =	stream.indirect.gather [hbm4b:s4+s0], $0x80, s3, s0, $0xb8;
	[tilespmem:$0x1FC00] =	vst v63  }
0xb9: {  	_ =	swait.ge [sflag:s30], $0x3E80  }
0xba: {  	[sflag:s30] =	ssyncset.done $0x0  }
0xbb: {  	[sflag:s30] =	ssyncadd.s32 $0xFFFFC180  }
0xbc: {  	[spmem:s2] =	stream.indirect.scatter.add.f32 [tilespmem:s7], [sflag:$0x1], $0x80, s28, s0, $0xb8;
	[tilespmem:$0x1FC00] =	vst v63  }
0xbd: {  	s13 =	simm.s32 $0x80  }
0xbe: {  	[tilespmem:s8], [sflag:$0x3] =	stream.indirect.gather [hbm4b:s4+s0], $0x80, s13, s0, $0xb8;
	[tilespmem:$0x1FC00] =	vst v63  }
0xbf: {  	_ =	swait.ge [sflag:s30], $0x3E80  }
0xc0: {  	[sflag:s30] =	ssyncset.done $0x0  }
0xc1: {  	s14 =	simm.s32 $0x1480;
	[sflag:s30] =	ssyncadd.s32 $0xFFFFC180  }
0xc2: {  	[spmem:s2] =	stream.indirect.scatter.add.f32 [tilespmem:s8], [sflag:$0x2], $0x80, s14, s0, $0xb8;
	[tilespmem:$0x1FC00] =	vst v63  }
0xc3: {  	_ =	swait.ge [sflag:s31], $0x3E80  }
0xc4: {  	[sflag:s31] =	ssyncset.done $0x0  }
0xc5: {  	s15 =	simm.s32 $0x100;
	[sflag:s31] =	ssyncadd.s32 $0xFFFFC180  }
0xc6: {  	[tilespmem:s7], [sflag:$0x3] =	stream.indirect.gather [hbm4b:s4+s0], $0x80, s15, s0, $0xb8;
	[tilespmem:$0x1FC00] =	vst v63  }
0xc7: {  	_ =	swait.ge [sflag:s30], $0x3E80  }
0xc8: {  	[sflag:s30] =	ssyncset.done $0x0  }
0xc9: {  	s16 =	simm.s32 $0x1500;
	[sflag:s30] =	ssyncadd.s32 $0xFFFFC180  }
0xca: {  	[spmem:s2] =	stream.indirect.scatter.add.f32 [tilespmem:s7], [sflag:$0x1], $0x80, s16, s0, $0xb8;
	[tilespmem:$0x1FC00] =	vst v63  }
0xcb: {  	_ =	swait.ge [sflag:s1], $0x3E80  }
0xcc: {  	s12 =	simm.s32 $0xFFFFEE00;
	s13 =	simm.s32 $0xFFFFBC00;
	[sflag:s1] =	ssyncset.done $0x0  }
.LBB2_6:
0xcd: {  	s14 =	sadd.s32 $0x1380, s12  }
0xce: {  	[sflag:s1] =	ssyncadd.s32 $0xFFFFC180;
	s15 =	smov.u32 s13;
	s16 =	sadd.s32 $0x400, s13  }
0xcf: {  	[tilespmem:s8], [sflag:$0x3] =	stream.indirect.gather [hbm4b:s4+s0], $0x80, s14, s0, $0xb8;
	[tilespmem:$0x1FC00] =	vst v63  }
0xd0: {  	p0 =	sne.s32 s13, $0xFFFFFC00;
	_ =	swait.ge [sflag:s30], $0x3E80  }
0xd1: {  	[sflag:s30] =	ssyncset.done $0x0  }
0xd2: {  	s13 =	sadd.s32 $0x2780, s12;
	[sflag:s30] =	ssyncadd.s32 $0xFFFFC180  }
0xd3: {  	[spmem:s2] =	stream.indirect.scatter.add.f32 [tilespmem:s8], [sflag:$0x2], $0x80, s13, s0, $0xb8;
	[tilespmem:$0x1FC00] =	vst v63  }
0xd4: {  	_ =	swait.ge [sflag:s31], $0x3E80  }
0xd5: {  	[sflag:s31] =	ssyncset.done $0x0  }
0xd6: {  	s13 =	sadd.s32 $0x1400, s12;
	[sflag:s31] =	ssyncadd.s32 $0xFFFFC180  }
0xd7: {  	[tilespmem:s7], [sflag:$0x3] =	stream.indirect.gather [hbm4b:s4+s0], $0x80, s13, s0, $0xb8;
	[tilespmem:$0x1FC00] =	vst v63  }
0xd8: {  	_ =	swait.ge [sflag:s30], $0x3E80  }
.Ltmp2:
0xd9: {  	[sflag:s30] =	ssyncset.done $0x0;
	(pc) =	sbr.rel @p0 .LBB2_6-.Ltmp2, $4  }
0xda: {  	s12 =	sadd.s32 $0x2800, s12;
	[sflag:s30] =	ssyncadd.s32 $0xFFFFC180  }
0xdb: {  	[spmem:s2] =	stream.indirect.scatter.add.f32 [tilespmem:s7], [sflag:$0x1], $0x80, s12, s0, $0xb8;
	[tilespmem:$0x1FC00] =	vst v63  }
0xdc: {  	_ =	swait.ge [sflag:s1], $0x3E80  }
0xdd: {  	s13 =	smov.u32 s16;
	s12 =	sshra.s32 s15, $0x2;
	[sflag:s1] =	ssyncset.done $0x0  }
0xde: {  	s13 =	sadd.s32 $0x1380, s12;
	[sflag:s1] =	ssyncadd.s32 $0xFFFFC180  }
0xdf: {  	[tilespmem:s8], [sflag:$0x3] =	stream.indirect.gather [hbm4b:s4+s0], $0x80, s13, s0, $0xb8;
	[tilespmem:$0x1FC00] =	vst v63  }
0xe0: {  	_ =	swait.ge [sflag:s30], $0x3E80  }
0xe1: {  	[sflag:s30] =	ssyncset.done $0x0  }
0xe2: {  	s15 =	sadd.s32 $0x2780, s12;
	[sflag:s30] =	ssyncadd.s32 $0xFFFFC180  }
0xe3: {  	[spmem:s2] =	stream.indirect.scatter.add.f32 [tilespmem:s8], [sflag:$0x2], $0x80, s15, s0, $0xb8;
	[tilespmem:$0x1FC00] =	vst v63  }
0xe4: {  	_ =	swait.ge [sflag:s31], $0x3E80  }
0xe5: {  	[sflag:s31] =	ssyncset.done $0x0  }
0xe6: {  	s16 =	sadd.s32 $0x1400, s12;
	[sflag:s31] =	ssyncadd.s32 $0xFFFFC180  }
0xe7: {  	[tilespmem:s7], [sflag:$0x3] =	stream.indirect.gather [hbm4b:s4+s0], $0x80, s16, s0, $0xb8;
	[tilespmem:$0x1FC00] =	vst v63  }
0xe8: {  	_ =	swait.ge [sflag:s30], $0x3E80  }
0xe9: {  	[sflag:s30] =	ssyncset.done $0x0  }
0xea: {  	s14 =	sadd.s32 $0x2800, s12;
	[sflag:s30] =	ssyncadd.s32 $0xFFFFC180  }
0xeb: {  	[spmem:s2] =	stream.indirect.scatter.add.f32 [tilespmem:s7], [sflag:$0x1], $0x80, s14, s0, $0xb8;
	[tilespmem:$0x1FC00] =	vst v63  }
0xec: {  	_ =	swait.ge [sflag:s1], $0x3E80  }
0xed: {  	[sflag:s1] =	ssyncset.done $0x0  }
0xee: {  	[sflag:s1] =	ssyncadd.s32 $0xFFFFC180  }
0xef: {  	[tilespmem:s8], [sflag:$0x3] =	stream.indirect.gather [hbm4b:s4+s0], $0x80, s9, s0, $0xb8;
	[tilespmem:$0x1FC00] =	vst v63  }
0xf0: {  	_ =	swait.ge [sflag:s30], $0x3E80  }
0xf1: {  	[sflag:s30] =	ssyncset.done $0x0  }
0xf2: {  	[sflag:s30] =	ssyncadd.s32 $0xFFFFC180  }
0xf3: {  	[spmem:s2] =	stream.indirect.scatter.add.f32 [tilespmem:s8], [sflag:$0x2], $0x80, s10, s0, $0xb8;
	[tilespmem:$0x1FC00] =	vst v63  }
0xf4: {  	_ =	swait.ge [sflag:s31], $0x3E80  }
0xf5: {  	[sflag:s31] =	ssyncset.done $0x0  }
0xf6: {  	[sflag:s31] =	ssyncadd.s32 $0xFFFFC180  }
0xf7: {  	s15 =	stileid.u32;
	_ =	swait.ge [sflag:s1], $0x3E80  }
0xf8: {  	s11 =	sadd.s32 $0x1, s11;
	s12 =	sshll.u32 s15, $0x6;
	[sflag:s1] =	ssyncset.done $0x0  }
0xf9: {  	p0 =	sne.s32 s11, s25;
	s12 =	sor.u32 $0x1C03, s12;
	[sflag:s1] =	ssyncadd.s32 $0xFFFFC180  }
.Ltmp3:
0xfa: {  	s16 =	sshrl.u32 s6, $0x3;
	[bflag:$0x0] =	sbarrier.arrive $0xFFFF;
	(pc) =	sbr.rel @p0 .LBB2_1-.Ltmp3, $4  }
0xfb: {  	[hbm:s22], [sflag:s12] =	dma.local [spmem:s16], $0x2800  }
0xfc: {  	_ =	swait.ge [sflag:s30], $0x2800  }
0xfd: {  	[sflag:s30] =	ssyncset.done $0x0  }
0xfe: {  	[sflag:s30] =	ssyncadd.s32 $0xFFFFD800  }
0xff: {  	_ =	sfence.sel $0x180000  }
0x100: {  	[bflag:$0x0] =	sbarrier.arrive $0xFFFF  }
0x101: {  	_ =	strace $0x9000004D  }
0x102: {  	s0 =	stileid.u32;
	[bflag:$0x2] =	sbarrier.arrive $0xFFFF  }
0x103: {  	p0 =	sne.s32 s0, $0x0;
	s0 =	rddreg [dreg:$0x3]  }
0x104: {  	s0 =	sadd.s32 @!p0 $0x100000, s0  }
0x105: {  	[sflag:s0] =	ssyncadd.tile.s32 @!p0 $0x1;
	_ =	shalt  }
.Lfunc_end2:
_tile_overlayer_lowered:
.L_overlay_start_2:
0x106: {  	(tag) =	ssettag $0x2  }
0x107: {  	s0 =	rddreg [dreg:$0x0];
	s2 =	stileid.u32  }
0x108: {  	s1 =	rddreg [dreg:$0x1];
	p0 =	sne.s32 s2, $0x0  }
0x109: {  	s3 =	rddreg [dreg:$0x2];
	[bflag:$0x3] =	sbarrier.arrive $0xFFFF;
	s2 =	simm.s32 @!p0 $0x1C03  }
0x10a: {  	[timem:s3], [sflag:s2] =	dma.local @!p0 [hbm:s0], s1  }
0x10b: {  	s0 =	simm.s32 @!p0 $0x3  }
0x10c: {  	_ =	swait.ge @!p0 [sflag:s0], s1  }
0x10d: {  	s1 =	ssub.s32 @!p0 $0x0, s1;
	[sflag:s0] =	ssyncset.done @!p0 $0x0  }
0x10e: {  	[sflag:s0] =	ssyncadd.s32 @!p0 s1  }
0x10f: {  	[bflag:$0x3] =	sbarrier.arrive $0xFFFF  }
0x110: {  	_ =	shalt  }

// kernel: kernel.19.cloned.1.call-start
scs
__scs_entry_jumppad:
0x0: {  	(pc) =	sbr.rel $0x88, $3  }
0x1: {  	(tag) =	ssettag $0x0;
	lr =	simm.s32 $0x1  }
0x2: {  	[smem:$0x3F99] =	sst lr;
	_ =	strace $0xD0000000  }
0x3: {  	_ = 	snop  }
0x4: {  	_ = 	snop  }
0x5: {  	_ = 	snop  }
0x6: {  	_ = 	snop  }
0x7: {  	_ = 	snop  }
__scs_overlays_trampoline_lowered:
0x8: {  	[smem:$0x3FA8] =	sst s0  }
0x9: {  	[smem:$0x3FA9] =	sst s1  }
0xa: {  	[smem:$0x3FAA] =	sst s2  }
0xb: {  	[smem:$0x3FAB] =	sst s3  }
0xc: {  	[smem:$0x3FAC] =	sst s4  }
0xd: {  	[smem:$0x3FAD] =	sst s5  }
0xe: {  	[smem:$0x3FAE] =	sst s6  }
0xf: {  	[smem:$0x3FAF] =	sst s7  }
0x10: {  	[smem:$0x3FB0] =	sst s8  }
0x11: {  	[smem:$0x3FB1] =	sst s9;
	s0 =	simm.s32 @!p0 $0x0  }
0x12: {  	s1 =	sld [smem:$0x3F97];
	s0 =	simm.s32 @p0 $0x1  }
0x13: {  	[smem:$0x3FB2] =	sst s0;
	s0 =	simm.s32 @!p1 $0x0  }
0x14: {  	s2 =	sld [smem:$0x3F96];
	s0 =	simm.s32 @p1 $0x1  }
0x15: {  	[smem:$0x3FB3] =	sst s0;
	s0 =	simm.s32 @!p2 $0x0  }
0x16: {  	s3 =	sld [smem:$0x3FDB];
	s0 =	simm.s32 @p2 $0x1  }
0x17: {  	s4 =	simm.s32 $0x1BF5;
	[smem:$0x3FB5] =	sst s0  }
0x18: {  	s0 =	sld [smem:$0x3F98];
	_ =	swait.ge [sflag:s4], $0x0  }
0x19: {  	s7 =	sld [smem:$0x3F99]  }
0x1a: {  	s8 =	sadd.s32 $0xFFFFE003, lr  }
0x1b: {  	s9 =	sadd.s32 $0xFFFFFEF7, lr;
	s5 =	simm.s32 $0xFFFFFFFF;
	p2 =	slt.u32 s8, $0xFFFFF086  }
0x1c: {  	p1 =	slt.u32 s9, $0xF7A;
	s5 =	simm.s32 @!p2 $0x0  }
0x1d: {  	s5 =	simm.s32 @p1 $0x1;
	p0 =	seq.s32 s7, s2  }
0x1e: {  	s7 =	smul.u32 @!p0 $0xF7A, s2;
	p2 =	seq.s32 @!p0 s5, $0x0  }
0x1f: {  	s9 =	smul.u32 $0xF7A, s1;
	s8 =	simm.s32 @!p0 $0x1BF5;
	p2 =	por !p2, p0  }
0x20: {  	[sflag:s8] =	ssyncset.s32 @!p0 $0xFFFFF086;
	s6 =	sadd.s32 @!p0 s3, s7;
	s7 =	simm.s32 @!p0 $0x108  }
0x21: {  	s3 =	sadd.s32 s3, s9;
	s6 =	sadd.s32 @!p0 $0x88, s6;
	s7 =	simm.s32 @p2 $0x1082  }
0x22: {  	[simem:s7], [sflag:s8] =	dma.local @!p0 [hbm:s6], $0xF7A  }
0x23: {  	s9 =	sor.u32 $0xD0000000, s2;
	s6 =	simm.s32 $0x108;
	_ =	swait.ge @!p0 [sflag:s8], $0x0  }
0x24: {  	s3 =	sadd.s32 $0x88, s3;
	s6 =	simm.s32 @!p1 $0x1082;
	[sflag:s4] =	ssyncset.s32 $0xFFFFF086  }
0x25: {  	[simem:s6], [sflag:s4] =	dma.local [hbm:s3], $0xF7A  }
0x26: {  	[smem:$0x3F99] =	sst s1;
	(tag) =	ssettag s2;
	_ =	strace s9  }
0x27: {  	s1 =	sld [smem:$0x3FA9]  }
0x28: {  	s2 =	sld [smem:$0x3FAA]  }
0x29: {  	s4 =	sld [smem:$0x3FAC]  }
0x2a: {  	p0 =	seq.s32 s5, $0x0;
	s5 =	sld [smem:$0x3FAD]  }
0x2b: {  	s6 =	sld [smem:$0x3FAE]  }
0x2c: {  	s7 =	sld [smem:$0x3FAF]  }
0x2d: {  	s3 =	simm.s32 $0x108;
	s8 =	sld [smem:$0x3FB0]  }
0x2e: {  	s3 =	simm.s32 @!p0 $0x1082;
	s9 =	sld [smem:$0x3FB1]  }
0x2f: {  	lr =	sadd.s32 s0, s3;
	s0 =	sld [smem:$0x3FA8]  }
0x30: {  	s3 =	sld [smem:$0x3FAB]  }
0x31: {  	[smem:$0x3FB4] =	sst s10  }
0x32: {  	s10 =	sld [smem:$0x3FB2];
	_ =	sdelay $0x3  }
0x33: {  	p0 =	seq.s32 s10, $0x1;
	s10 =	sld [smem:$0x3FB4];
	_ =	sdelay $0x3  }
0x34: {  	[smem:$0x3FB4] =	sst s10  }
0x35: {  	s10 =	sld [smem:$0x3FB3];
	_ =	sdelay $0x3  }
0x36: {  	p1 =	seq.s32 s10, $0x1;
	s10 =	sld [smem:$0x3FB4];
	_ =	sdelay $0x3  }
0x37: {  	[smem:$0x3FB4] =	sst s10  }
0x38: {  	s10 =	sld [smem:$0x3FB5]  }
0x39: {  	_ = 	snop;
	(pc) =	sbr.ind lr, $3  }
0x3a: {  	_ = 	snop  }
0x3b: {  	_ = 	snop  }
0x3c: {  	p2 =	seq.s32 s10, $0x1;
	s10 =	sld [smem:$0x3FB4]  }
0x3d: {  	_ =	shalt  }
0x3e: {  	_ =	shalt  }
0x3f: {  	_ =	shalt  }
0x40: {  	_ =	shalt  }
0x41: {  	_ =	shalt  }
0x42: {  	_ =	shalt  }
0x43: {  	_ =	shalt  }
0x44: {  	_ =	shalt  }
0x45: {  	_ =	shalt  }
0x46: {  	_ =	shalt  }
0x47: {  	_ =	shalt  }
0x48: {  	_ =	shalt  }
0x49: {  	_ =	shalt  }
0x4a: {  	_ =	shalt  }
0x4b: {  	_ =	shalt  }
0x4c: {  	_ =	shalt  }
0x4d: {  	_ =	shalt  }
0x4e: {  	_ =	shalt  }
0x4f: {  	_ =	shalt  }
0x50: {  	_ =	shalt  }
0x51: {  	_ =	shalt  }
0x52: {  	_ =	shalt  }
0x53: {  	_ =	shalt  }
0x54: {  	_ =	shalt  }
0x55: {  	_ =	shalt  }
0x56: {  	_ =	shalt  }
0x57: {  	_ =	shalt  }
0x58: {  	_ =	shalt  }
0x59: {  	_ =	shalt  }
0x5a: {  	_ =	shalt  }
0x5b: {  	_ =	shalt  }
0x5c: {  	_ =	shalt  }
0x5d: {  	_ =	shalt  }
0x5e: {  	_ =	shalt  }
0x5f: {  	_ =	shalt  }
0x60: {  	_ =	shalt  }
0x61: {  	_ =	shalt  }
0x62: {  	_ =	shalt  }
0x63: {  	_ =	shalt  }
0x64: {  	_ =	shalt  }
0x65: {  	_ =	shalt  }
0x66: {  	_ =	shalt  }
0x67: {  	_ =	shalt  }
0x68: {  	_ =	shalt  }
0x69: {  	_ =	shalt  }
0x6a: {  	_ =	shalt  }
0x6b: {  	_ =	shalt  }
0x6c: {  	_ =	shalt  }
0x6d: {  	_ =	shalt  }
0x6e: {  	_ =	shalt  }
0x6f: {  	_ =	shalt  }
0x70: {  	_ =	shalt  }
0x71: {  	_ =	shalt  }
0x72: {  	_ =	shalt  }
0x73: {  	_ =	shalt  }
0x74: {  	_ =	shalt  }
0x75: {  	_ =	shalt  }
0x76: {  	_ =	shalt  }
0x77: {  	_ =	shalt  }
0x78: {  	_ =	shalt  }
0x79: {  	_ =	shalt  }
0x7a: {  	_ =	shalt  }
0x7b: {  	_ =	shalt  }
0x7c: {  	_ =	shalt  }
0x7d: {  	_ =	shalt  }
0x7e: {  	_ =	shalt  }
0x7f: {  	_ =	shalt  }
0x80: {  	_ =	shalt  }
0x81: {  	_ =	shalt  }
0x82: {  	_ =	shalt  }
0x83: {  	_ =	shalt  }
0x84: {  	_ =	shalt  }
0x85: {  	_ =	shalt  }
0x86: {  	_ =	shalt  }
0x87: {  	_ =	shalt  }
.Lfunc_end0:
.L_simem_size_0:
called_computation.3_lowered:
.L_overlay_start_0:
0x88: {  	s2 =	sld [smem:$0x3FD9]  }
0x89: {  	s3 =	sld [smem:$0x3FFE];
	_ =	sdelay $0x1  }
0x8a: {  	s1 =	srdreg.scid  }
0x8b: {  	s0 =	sand.u32 $0x1, s1  }
0x8c: {  	s17 =	sshll.u32 s0, $0xA;
	s2 =	sadd.s32 s3, s2  }
0x8d: {  	s2 =	sadd.s32 s2, s17  }
0x8e: {  	[smem:$0x3FC0] =	sst s2  }
0x8f: {  	_ = 	snop  }
0x90: {  	s2 =	sld [smem:$0x3FD0];
	(tm) =	ssettm $0x1  }
0x91: {  	s18 =	sld [smem:$0x3FFB];
	_ =	sdelay $0x3  }
0x92: {  	_ =	strace s18  }
0x93: {  	s3 =	sld [smem:$0x3FFC];
	_ =	sdelay $0x3  }
0x94: {  	_ =	strace s3  }
0x95: {  	s3 =	sld [smem:$0x3FFD];
	_ =	sdelay $0x3  }
0x96: {  	_ =	strace s3  }
0x97: {  	_ =	strace $0x8FFFFFFF  }
0x98: {  	s19 =	sld [smem:$0x3FDB];
	_ =	sdelay $0x1  }
0x99: {  	s4 =	simm.s32 $_scs_section_size  }
0x9a: {  	s5 =	simm.s32 $_size__tile_overlayer_lowered;
	s6 =	simm.s32 $_tile_overlayer_lowered  }
0x9b: {  	s22 =	simm.s32 $0x1BFF;
	s21 =	sshll.u32 s6, $0x1;
	s3 =	sadd.s32 s4, s19  }
0x9c: {  	s7 =	simm.s32 $0x0;
	s20 =	sshll.u32 s5, $0x1;
	s5 =	sadd.s32 s21, s3  }
0x9d: {  	[timem:s7], [sflag:s22] =	dma.local [hbm:s5], s20  }
0x9e: {  	_ =	swait.ge [sflag:s22], s20  }
0x9f: {  	s4 =	ssub.s32 $0x0, s20;
	[sflag:s22] =	ssyncset.done $0x0  }
0xa0: {  	[sflag:s22] =	ssyncadd.s32 s4;
	_ =	sdelay $0x1  }
0xa1: {  	s23 =	simm.s32 $0x1B8B  }
0xa2: {  	_ =	swait.ge [sflag:s23], $0x1  }
0xa3: {  	[sflag:s23] =	ssyncset.done $0x0  }
0xa4: {  	s25 =	simm.s32 $0x1B8E;
	s24 =	sld [smem:$0x3FFE];
	[sflag:s23] =	ssyncadd.s32 $0xFFFFFFFF  }
0xa5: {  	s26 =	simm.s32 $execute0_lowered;
	[smem:$0x3FD2] =	sst s25  }
0xa6: {  	s5 =	sshll.u32 s26, $0x1;
	_ =	strace $0x8000004F;
	[dreg:$0x1] =	wrdreg $0xFFFFFFFF  }
0xa7: {  	s28 =	simm.s32 $_size_execute0_lowered;
	s3 =	sadd.s32 s3, s5;
	[dreg:$0x0] =	wrdreg $0x0  }
0xa8: {  	s5 =	sshll.u32 s28, $0x1;
	[dreg:$0x2] =	wrdreg s3  }
0xa9: {  	[dreg:$0x3] =	wrdreg s5  }
0xaa: {  	[dreg:$0x4] =	wrdreg $0xC0  }
0xab: {  	_ =	task [dreg:s7], $0x5FFFF  }
0xac: {  	[dreg:$0x1] =	wrdreg $0xFFFFFFFF  }
0xad: {  	[dreg:$0x0] =	wrdreg $0x60  }
0xae: {  	[dreg:$0x2] =	wrdreg s24  }
0xaf: {  	[dreg:$0x3] =	wrdreg s2  }
0xb0: {  	[dreg:$0x4] =	wrdreg $0xBC000  }
0xb1: {  	[dreg:$0x5] =	wrdreg $0x9  }
0xb2: {  	_ =	task.clear_ibuf [dreg:s7], $0x6FFFF;
	_ =	strace $0x9000004F  }
0xb3: {  	s29 =	simm.s32 $0x9;
	_ =	strace $0x80000051  }
0xb4: {  	_ =	swait.ge [sflag:s29], $0x1  }
0xb5: {  	[sflag:s29] =	ssyncadd.s32 $0xFFFFFFFF  }
0xb6: {  	_ =	strace $0x90000051  }
0xb7: {  	_ =	sfence  }
0xb8: {  	s30 =	sld [smem:$0x0];
	_ =	sdelay $0x2  }
0xb9: {  	s31 =	sshll.u32 s1, $0xD;
	s1 =	sshrl.u32 s1, $0x2  }
0xba: {  	s3 =	sand.u32 $0x4000, s31;
	s1 =	sadd.s32 s1, s30  }
0xbb: {  	s0 =	sor.u32 s3, s0;
	s1 =	sshll.u32 s1, $0x11  }
0xbc: {  	s0 =	sor.u32 s1, s0  }
0xbd: {  	s0 =	sadd.s32 $0x8F2B, s0  }
0xbe: {  	[sflag:s0] =	ssyncadd.remote.s32 $0x1  }
0xbf: {  	_ =	sfence.sel $0xFFFF  }
0xc0: {  	[dreg:$0x0] =	wrdreg $0xFFFFFFFF;
	(pc) =	sbr.abs _section_cstart, $3  }
0xc1: {  	[dreg:$0x1] =	wrdreg $0xFFFFFFFF  }
0xc2: {  	_ =	task.clear_ibuf [dreg:s7], $0x2FFFF;
	_ =	strace $0x9FFFFFFF  }
0xc3: {  	(tm) =	ssettm $0x7FFFFFFF  }
tec
execute0_lowered:
.L_overlay_start_1:
0x0: {  	(tag) =	ssettag $0x1  }
0x1: {  	s0 =	srdreg.scid;
	s1 =	rddreg [dreg:$0x0]  }
0x2: {  	s5 =	rddreg [dreg:$0x1];
	s11 =	stileid.u32  }
0x3: {  	s2 =	rddreg [dreg:$0x2];
	s28 =	simm.s32 $0x1400;
	s0 =	sand.u32 $0x1, s0  }
0x4: {  	s29 =	simm.s32 $0xA800;
	s7 =	smul.u32 $0x50000, s11;
	s3 =	sshll.u32 s0, $0x4  }
0x5: {  	s30 =	simm.s32 $0x3;
	s26 =	smul.u32 $0x2800, s11;
	s4 =	sor.u32 s11, s3  }
0x6: {  	s31 =	simm.s32 $0x1;
	s8 =	ssub.s32 $0x2, s0;
	s6 =	smul.u32 $0x500, s4  }
0x7: {  	p0 =	seq.s32 s0, $0x0;
	s0 =	simm.s32 $0x6BA00;
	s3 =	simm.s32 $0x0  }
0x8: {  	s7 =	sshrl.u32 s7, $0x2;
	[smem:$0x7FF] =	sst s3;
	s9 =	sadd.s32 s6, s1  }
0x9: {  	s5 =	sadd.s32 s5, s6;
	s6 =	sadd.s32 s7, s2;
	s16 =	sadd.s32 $0x11A00, s9  }
0xa: {  	_ =	strace $0x80000050;
	s17 =	sadd.s32 $0x1400, s6;
	[dreg:$0x4] =	wrdreg s16  }
0xb: {  	s10 =	sshrl.u32 s8, $0x1;
	s18 =	sadd.s32 $0x2800, s6;
	[dreg:$0x5] =	wrdreg s17  }
0xc: {  	s0 =	simm.s32 @!p0 $0x93A00;
	s19 =	sadd.s32 $0x3C00, s6;
	[dreg:$0x6] =	wrdreg s18  }
0xd: {  	s11 =	simm.s32 $0x0;
	s20 =	sadd.s32 $0x5000, s6;
	[dreg:$0x7] =	wrdreg s19  }
0xe: {  	s4 =	sadd.s32 $0x1BA00, s1;
	s21 =	sadd.s32 $0x6400, s6;
	[dreg:$0x8] =	wrdreg s20  }
0xf: {  	s8 =	ssub.s32 s8, s10;
	s22 =	sadd.s32 $0x7800, s6;
	[dreg:$0x9] =	wrdreg s21  }
0x10: {  	s0 =	sadd.s32 s0, s1;
	s23 =	sadd.s32 $0x8C00, s6;
	[dreg:$0xa] =	wrdreg s22  }
0x11: {  	s10 =	simm.s32 $0x2780;
	s24 =	sadd.s32 $0xA000, s6;
	[dreg:$0xb] =	wrdreg s23  }
0x12: {  	s1 =	simm.s32 $0x2;
	s25 =	sadd.s32 $0xB400, s6;
	[dreg:$0xc] =	wrdreg s24  }
0x13: {  	s7 =	simm.s32 $0x2800;
	[dreg:$0xd] =	wrdreg s25;
	s17 =	sadd.s32 $0xC800, s6  }
0x14: {  	s18 =	sadd.s32 $0xDC00, s6;
	s19 =	sadd.s32 $0xF000, s6;
	s20 =	sadd.s32 $0x10400, s6  }
0x15: {  	s21 =	sadd.s32 $0x11800, s6;
	s22 =	sadd.s32 s0, s26;
	s23 =	sadd.s32 $0x12C00, s6  }
0x16: {  	s24 =	sadd.s32 $0x11C80, s9;
	s25 =	smax.u32 s8, $0x1;
	s26 =	sadd.s32 $0x280, s5  }
0x17: {  	v0 =	vimm.f32 $0.0e+00;
	s0 =	simm.s32 $0x7D;
	s8 =	simm.s32 $0x6800;
	s9 =	simm.s32 $0x1380  }
.LBB2_1:
0x18: {  	[tilespmem:s3], [sflag:$0x1] =	stream.linear.gather [hbm4b:s5+s3], $0x1400, $0x38;
	[tilespmem:$0x1FC00] =	vst v63  }
0x19: {  	s16 =	simm.s32 $0x0  }
0x1a: {  	s12 =	rddreg [dreg:$0x4];
	s13 =	sand.u32 $0xFFFFFF80, s16  }
0x1b: {  	[tilespmem:s28], [sflag:$0x2] =	stream.linear.gather [hbm4b:s12+s3], $0x1400, $0x38;
	[tilespmem:$0x1FC00] =	vst v63  }
0x1c: {  	s13 =	ssub.s32 $0x0, s13  }
0x1d: {  	s12 =	sand.u32 $0x3FFFFF80, s16;
	s13 =	sand.u32 $0xFFFFFF80, s13  }
0x1e: {  	s14 =	sand.u32 $0x70, s3;
	s13 =	sadd.s32 s13, s12  }
0x1f: {  	s12 =	simm.s32 $0x1;
	s14 =	sor.u32 s14, s13;
	s13 =	simm.s32 $0x0  }
.LBB2_2:
0x20: {  	s15 =	sshll.u32 s12, $0x4;
	p0 =	sne.s32 s12, $0x13F;
	s12 =	sadd.s32 $0x1, s12;
	[tilespmem:s14+$0xA800] =	vst v0  }
.Ltmp0:
0x21: {  	s13 =	sadd.s32 $0x10, s13;
	s14 =	sand.u32 $0xFFFFFF80, s15;
	(pc) =	sbr.rel @p0 .LBB2_2-.Ltmp0, $4  }
0x22: {  	s14 =	ssub.s32 s13, s14  }
0x23: {  	s15 =	sand.u32 $0x3FFFFF80, s15;
	s14 =	sand.u32 $0xFFFFFF80, s14  }
0x24: {  	s16 =	sand.u32 $0x70, s13;
	s14 =	sadd.s32 s14, s15  }
0x25: {  	s14 =	sor.u32 s16, s14  }
0x26: {  	[tilespmem:s14+$0xA800] =	vst v0  }
0x27: {  	[spmem:s6] =	stream.linear.scatter [tilespmem:s29], [sflag:$0x3], $0x1400, $0x38;
	[tilespmem:$0x1FC00] =	vst v63  }
0x28: {  	_ =	swait.ge [sflag:s30], $0x1400  }
0x29: {  	[sflag:s30] =	ssyncset.done $0x0  }
0x2a: {  	s12 =	rddreg [dreg:$0x5];
	[sflag:s30] =	ssyncadd.s32 $0xFFFFEC00  }
0x2b: {  	[spmem:s12] =	stream.linear.scatter [tilespmem:s29], [sflag:$0x3], $0x1400, $0x38;
	[tilespmem:$0x1FC00] =	vst v63  }
0x2c: {  	_ =	swait.ge [sflag:s30], $0x1400  }
0x2d: {  	[sflag:s30] =	ssyncset.done $0x0  }
0x2e: {  	s13 =	rddreg [dreg:$0x6];
	[sflag:s30] =	ssyncadd.s32 $0xFFFFEC00  }
0x2f: {  	[spmem:s13] =	stream.linear.scatter [tilespmem:s29], [sflag:$0x3], $0x1400, $0x38;
	[tilespmem:$0x1FC00] =	vst v63  }
0x30: {  	_ =	swait.ge [sflag:s30], $0x1400  }
0x31: {  	[sflag:s30] =	ssyncset.done $0x0  }
0x32: {  	s14 =	rddreg [dreg:$0x7];
	[sflag:s30] =	ssyncadd.s32 $0xFFFFEC00  }
0x33: {  	[spmem:s14] =	stream.linear.scatter [tilespmem:s29], [sflag:$0x3], $0x1400, $0x38;
	[tilespmem:$0x1FC00] =	vst v63  }
0x34: {  	_ =	swait.ge [sflag:s30], $0x1400  }
0x35: {  	[sflag:s30] =	ssyncset.done $0x0  }
0x36: {  	s15 =	rddreg [dreg:$0x8];
	[sflag:s30] =	ssyncadd.s32 $0xFFFFEC00  }
0x37: {  	[spmem:s15] =	stream.linear.scatter [tilespmem:s29], [sflag:$0x3], $0x1400, $0x38;
	[tilespmem:$0x1FC00] =	vst v63  }
0x38: {  	_ =	swait.ge [sflag:s30], $0x1400  }
0x39: {  	[sflag:s30] =	ssyncset.done $0x0  }
0x3a: {  	s16 =	rddreg [dreg:$0x9];
	[sflag:s30] =	ssyncadd.s32 $0xFFFFEC00  }
0x3b: {  	[spmem:s16] =	stream.linear.scatter [tilespmem:s29], [sflag:$0x3], $0x1400, $0x38;
	[tilespmem:$0x1FC00] =	vst v63  }
0x3c: {  	_ =	swait.ge [sflag:s30], $0x1400  }
0x3d: {  	[sflag:s30] =	ssyncset.done $0x0  }
0x3e: {  	s13 =	rddreg [dreg:$0xa];
	[sflag:s30] =	ssyncadd.s32 $0xFFFFEC00  }
0x3f: {  	[spmem:s13] =	stream.linear.scatter [tilespmem:s29], [sflag:$0x3], $0x1400, $0x38;
	[tilespmem:$0x1FC00] =	vst v63  }
0x40: {  	_ =	swait.ge [sflag:s30], $0x1400  }
0x41: {  	[sflag:s30] =	ssyncset.done $0x0  }
0x42: {  	s14 =	rddreg [dreg:$0xb];
	[sflag:s30] =	ssyncadd.s32 $0xFFFFEC00  }
0x43: {  	[spmem:s14] =	stream.linear.scatter [tilespmem:s29], [sflag:$0x3], $0x1400, $0x38;
	[tilespmem:$0x1FC00] =	vst v63  }
0x44: {  	_ =	swait.ge [sflag:s30], $0x1400  }
0x45: {  	[sflag:s30] =	ssyncset.done $0x0  }
0x46: {  	s15 =	rddreg [dreg:$0xc];
	[sflag:s30] =	ssyncadd.s32 $0xFFFFEC00  }
0x47: {  	[spmem:s15] =	stream.linear.scatter [tilespmem:s29], [sflag:$0x3], $0x1400, $0x38;
	[tilespmem:$0x1FC00] =	vst v63  }
0x48: {  	_ =	swait.ge [sflag:s30], $0x1400  }
0x49: {  	[sflag:s30] =	ssyncset.done $0x0  }
0x4a: {  	s16 =	rddreg [dreg:$0xd];
	[sflag:s30] =	ssyncadd.s32 $0xFFFFEC00  }
0x4b: {  	[spmem:s16] =	stream.linear.scatter [tilespmem:s29], [sflag:$0x3], $0x1400, $0x38;
	[tilespmem:$0x1FC00] =	vst v63  }
0x4c: {  	_ =	swait.ge [sflag:s30], $0x1400  }
0x4d: {  	[sflag:s30] =	ssyncset.done $0x0  }
0x4e: {  	[sflag:s30] =	ssyncadd.s32 $0xFFFFEC00  }
0x4f: {  	[spmem:s17] =	stream.linear.scatter [tilespmem:s29], [sflag:$0x3], $0x1400, $0x38;
	[tilespmem:$0x1FC00] =	vst v63  }
0x50: {  	_ =	swait.ge [sflag:s30], $0x1400  }
0x51: {  	[sflag:s30] =	ssyncset.done $0x0  }
0x52: {  	[sflag:s30] =	ssyncadd.s32 $0xFFFFEC00  }
0x53: {  	[spmem:s18] =	stream.linear.scatter [tilespmem:s29], [sflag:$0x3], $0x1400, $0x38;
	[tilespmem:$0x1FC00] =	vst v63  }
0x54: {  	_ =	swait.ge [sflag:s30], $0x1400  }
0x55: {  	[sflag:s30] =	ssyncset.done $0x0  }
0x56: {  	[sflag:s30] =	ssyncadd.s32 $0xFFFFEC00  }
0x57: {  	[spmem:s19] =	stream.linear.scatter [tilespmem:s29], [sflag:$0x3], $0x1400, $0x38;
	[tilespmem:$0x1FC00] =	vst v63  }
0x58: {  	_ =	swait.ge [sflag:s30], $0x1400  }
0x59: {  	[sflag:s30] =	ssyncset.done $0x0  }
0x5a: {  	[sflag:s30] =	ssyncadd.s32 $0xFFFFEC00  }
0x5b: {  	[spmem:s20] =	stream.linear.scatter [tilespmem:s29], [sflag:$0x3], $0x1400, $0x38;
	[tilespmem:$0x1FC00] =	vst v63  }
0x5c: {  	_ =	swait.ge [sflag:s30], $0x1400  }
0x5d: {  	[sflag:s30] =	ssyncset.done $0x0  }
0x5e: {  	[sflag:s30] =	ssyncadd.s32 $0xFFFFEC00  }
0x5f: {  	[spmem:s21] =	stream.linear.scatter [tilespmem:s29], [sflag:$0x3], $0x1400, $0x38;
	[tilespmem:$0x1FC00] =	vst v63  }
0x60: {  	_ =	swait.ge [sflag:s30], $0x1400  }
0x61: {  	[sflag:s30] =	ssyncset.done $0x0  }
0x62: {  	[sflag:s30] =	ssyncadd.s32 $0xFFFFEC00  }
0x63: {  	[spmem:s23] =	stream.linear.scatter [tilespmem:s29], [sflag:$0x3], $0x1400, $0x38;
	[tilespmem:$0x1FC00] =	vst v63  }
0x64: {  	_ =	swait.ge [sflag:s30], $0x1400  }
0x65: {  	[sflag:s30] =	ssyncset.done $0x0  }
0x66: {  	[sflag:s30] =	ssyncadd.s32 $0xFFFFEC00  }
0x67: {  	_ =	swait.ge [sflag:s31], $0x1400  }
0x68: {  	[sflag:s31] =	ssyncset.done $0x0  }
0x69: {  	[sflag:s31] =	ssyncadd.s32 $0xFFFFEC00  }
0x6a: {  	_ =	swait.ge [sflag:s1], $0x1400  }
0x6b: {  	[sflag:s1] =	ssyncset.done $0x0  }
0x6c: {  	[sflag:s1] =	ssyncadd.s32 $0xFFFFEC00  }
0x6d: {  	[bflag:$0x0] =	sbarrier.arrive $0xFFFF  }
0x6e: {  	[tilespmem:s7], [sflag:$0x3] =	stream.indirect.gather [hbm4b:s4+s0], $0x80, s3, s0, $0xb8;
	[tilespmem:$0x1FC00] =	vst v63  }
0x6f: {  	_ =	swait.ge [sflag:s30], $0x3E80  }
0x70: {  	[sflag:s30] =	ssyncset.done $0x0  }
0x71: {  	[sflag:s30] =	ssyncadd.s32 $0xFFFFC180  }
0x72: {  	[spmem:s2] =	stream.indirect.scatter.add.f32 [tilespmem:s7], [sflag:$0x1], $0x80, s28, s0, $0xb8;
	[tilespmem:$0x1FC00] =	vst v63  }
0x73: {  	s13 =	simm.s32 $0x80  }
0x74: {  	[tilespmem:s8], [sflag:$0x3] =	stream.indirect.gather [hbm4b:s4+s0], $0x80, s13, s0, $0xb8;
	[tilespmem:$0x1FC00] =	vst v63  }
0x75: {  	_ =	swait.ge [sflag:s30], $0x3E80  }
0x76: {  	[sflag:s30] =	ssyncset.done $0x0  }
0x77: {  	s14 =	simm.s32 $0x1480;
	[sflag:s30] =	ssyncadd.s32 $0xFFFFC180  }
0x78: {  	[spmem:s2] =	stream.indirect.scatter.add.f32 [tilespmem:s8], [sflag:$0x2], $0x80, s14, s0, $0xb8;
	[tilespmem:$0x1FC00] =	vst v63  }
0x79: {  	_ =	swait.ge [sflag:s31], $0x3E80  }
0x7a: {  	[sflag:s31] =	ssyncset.done $0x0  }
0x7b: {  	s15 =	simm.s32 $0x100;
	[sflag:s31] =	ssyncadd.s32 $0xFFFFC180  }
0x7c: {  	[tilespmem:s7], [sflag:$0x3] =	stream.indirect.gather [hbm4b:s4+s0], $0x80, s15, s0, $0xb8;
	[tilespmem:$0x1FC00] =	vst v63  }
0x7d: {  	_ =	swait.ge [sflag:s30], $0x3E80  }
0x7e: {  	[sflag:s30] =	ssyncset.done $0x0  }
0x7f: {  	s16 =	simm.s32 $0x1500;
	[sflag:s30] =	ssyncadd.s32 $0xFFFFC180  }
0x80: {  	[spmem:s2] =	stream.indirect.scatter.add.f32 [tilespmem:s7], [sflag:$0x1], $0x80, s16, s0, $0xb8;
	[tilespmem:$0x1FC00] =	vst v63  }
0x81: {  	_ =	swait.ge [sflag:s1], $0x3E80  }
0x82: {  	s12 =	simm.s32 $0xFFFFEE00;
	s13 =	simm.s32 $0xFFFFBC00;
	[sflag:s1] =	ssyncset.done $0x0  }
.LBB2_4:
0x83: {  	s14 =	sadd.s32 $0x1380, s12  }
0x84: {  	[sflag:s1] =	ssyncadd.s32 $0xFFFFC180;
	s15 =	smov.u32 s13;
	s16 =	sadd.s32 $0x400, s13  }
0x85: {  	[tilespmem:s8], [sflag:$0x3] =	stream.indirect.gather [hbm4b:s4+s0], $0x80, s14, s0, $0xb8;
	[tilespmem:$0x1FC00] =	vst v63  }
0x86: {  	p0 =	sne.s32 s13, $0xFFFFFC00;
	_ =	swait.ge [sflag:s30], $0x3E80  }
0x87: {  	[sflag:s30] =	ssyncset.done $0x0  }
0x88: {  	s13 =	sadd.s32 $0x2780, s12;
	[sflag:s30] =	ssyncadd.s32 $0xFFFFC180  }
0x89: {  	[spmem:s2] =	stream.indirect.scatter.add.f32 [tilespmem:s8], [sflag:$0x2], $0x80, s13, s0, $0xb8;
	[tilespmem:$0x1FC00] =	vst v63  }
0x8a: {  	_ =	swait.ge [sflag:s31], $0x3E80  }
0x8b: {  	[sflag:s31] =	ssyncset.done $0x0  }
0x8c: {  	s13 =	sadd.s32 $0x1400, s12;
	[sflag:s31] =	ssyncadd.s32 $0xFFFFC180  }
0x8d: {  	[tilespmem:s7], [sflag:$0x3] =	stream.indirect.gather [hbm4b:s4+s0], $0x80, s13, s0, $0xb8;
	[tilespmem:$0x1FC00] =	vst v63  }
0x8e: {  	_ =	swait.ge [sflag:s30], $0x3E80  }
.Ltmp1:
0x8f: {  	[sflag:s30] =	ssyncset.done $0x0;
	(pc) =	sbr.rel @p0 .LBB2_4-.Ltmp1, $4  }
0x90: {  	s12 =	sadd.s32 $0x2800, s12;
	[sflag:s30] =	ssyncadd.s32 $0xFFFFC180  }
0x91: {  	[spmem:s2] =	stream.indirect.scatter.add.f32 [tilespmem:s7], [sflag:$0x1], $0x80, s12, s0, $0xb8;
	[tilespmem:$0x1FC00] =	vst v63  }
0x92: {  	_ =	swait.ge [sflag:s1], $0x3E80  }
0x93: {  	s13 =	smov.u32 s16;
	s12 =	sshra.s32 s15, $0x2;
	[sflag:s1] =	ssyncset.done $0x0  }
0x94: {  	s13 =	sadd.s32 $0x1380, s12;
	[sflag:s1] =	ssyncadd.s32 $0xFFFFC180  }
0x95: {  	[tilespmem:s8], [sflag:$0x3] =	stream.indirect.gather [hbm4b:s4+s0], $0x80, s13, s0, $0xb8;
	[tilespmem:$0x1FC00] =	vst v63  }
0x96: {  	_ =	swait.ge [sflag:s30], $0x3E80  }
0x97: {  	[sflag:s30] =	ssyncset.done $0x0  }
0x98: {  	s14 =	sadd.s32 $0x2780, s12;
	[sflag:s30] =	ssyncadd.s32 $0xFFFFC180  }
0x99: {  	[spmem:s2] =	stream.indirect.scatter.add.f32 [tilespmem:s8], [sflag:$0x2], $0x80, s14, s0, $0xb8;
	[tilespmem:$0x1FC00] =	vst v63  }
0x9a: {  	_ =	swait.ge [sflag:s31], $0x3E80  }
0x9b: {  	[sflag:s31] =	ssyncset.done $0x0  }
0x9c: {  	s15 =	sadd.s32 $0x1400, s12;
	[sflag:s31] =	ssyncadd.s32 $0xFFFFC180  }
0x9d: {  	[tilespmem:s7], [sflag:$0x3] =	stream.indirect.gather [hbm4b:s4+s0], $0x80, s15, s0, $0xb8;
	[tilespmem:$0x1FC00] =	vst v63  }
0x9e: {  	_ =	swait.ge [sflag:s30], $0x3E80  }
0x9f: {  	[sflag:s30] =	ssyncset.done $0x0  }
0xa0: {  	s16 =	sadd.s32 $0x2800, s12;
	[sflag:s30] =	ssyncadd.s32 $0xFFFFC180  }
0xa1: {  	[spmem:s2] =	stream.indirect.scatter.add.f32 [tilespmem:s7], [sflag:$0x1], $0x80, s16, s0, $0xb8;
	[tilespmem:$0x1FC00] =	vst v63  }
0xa2: {  	_ =	swait.ge [sflag:s1], $0x3E80  }
0xa3: {  	[sflag:s1] =	ssyncset.done $0x0  }
0xa4: {  	[sflag:s1] =	ssyncadd.s32 $0xFFFFC180  }
0xa5: {  	[tilespmem:s8], [sflag:$0x3] =	stream.indirect.gather [hbm4b:s4+s0], $0x80, s9, s0, $0xb8;
	[tilespmem:$0x1FC00] =	vst v63  }
0xa6: {  	_ =	swait.ge [sflag:s30], $0x3E80  }
0xa7: {  	[sflag:s30] =	ssyncset.done $0x0  }
0xa8: {  	[sflag:s30] =	ssyncadd.s32 $0xFFFFC180  }
0xa9: {  	[spmem:s2] =	stream.indirect.scatter.add.f32 [tilespmem:s8], [sflag:$0x2], $0x80, s10, s0, $0xb8;
	[tilespmem:$0x1FC00] =	vst v63  }
0xaa: {  	_ =	swait.ge [sflag:s31], $0x3E80  }
0xab: {  	[sflag:s31] =	ssyncset.done $0x0  }
0xac: {  	[sflag:s31] =	ssyncadd.s32 $0xFFFFC180  }
0xad: {  	_ =	swait.ge [sflag:s1], $0x3E80  }
0xae: {  	[sflag:s1] =	ssyncset.done $0x0  }
0xaf: {  	[sflag:s1] =	ssyncadd.s32 $0xFFFFC180  }
0xb0: {  	[tilespmem:s3], [sflag:$0x3] =	stream.linear.gather [hbm4b:s26+s3], $0x1400, $0x38;
	[tilespmem:$0x1FC00] =	vst v63  }
0xb1: {  	_ =	swait.ge [sflag:s30], $0x1400  }
0xb2: {  	[sflag:s30] =	ssyncset.done $0x0  }
0xb3: {  	[sflag:s30] =	ssyncadd.s32 $0xFFFFEC00  }
0xb4: {  	[tilespmem:s28], [sflag:$0x3] =	stream.linear.gather [hbm4b:s24+s3], $0x1400, $0x38;
	[tilespmem:$0x1FC00] =	vst v63  }
0xb5: {  	_ =	swait.ge [sflag:s30], $0x1400  }
0xb6: {  	[sflag:s30] =	ssyncset.done $0x0  }
0xb7: {  	[sflag:s30] =	ssyncadd.s32 $0xFFFFEC00  }
0xb8: {  	[tilespmem:s7], [sflag:$0x3] =	stream.indirect.gather [hbm4b:s4+s0], $0x80, s3, s0, $0xb8;
	[tilespmem:$0x1FC00] =	vst v63  }
0xb9: {  	_ =	swait.ge [sflag:s30], $0x3E80  }
0xba: {  	[sflag:s30] =	ssyncset.done $0x0  }
0xbb: {  	[sflag:s30] =	ssyncadd.s32 $0xFFFFC180  }
0xbc: {  	[spmem:s2] =	stream.indirect.scatter.add.f32 [tilespmem:s7], [sflag:$0x1], $0x80, s28, s0, $0xb8;
	[tilespmem:$0x1FC00] =	vst v63  }
0xbd: {  	s13 =	simm.s32 $0x80  }
0xbe: {  	[tilespmem:s8], [sflag:$0x3] =	stream.indirect.gather [hbm4b:s4+s0], $0x80, s13, s0, $0xb8;
	[tilespmem:$0x1FC00] =	vst v63  }
0xbf: {  	_ =	swait.ge [sflag:s30], $0x3E80  }
0xc0: {  	[sflag:s30] =	ssyncset.done $0x0  }
0xc1: {  	s14 =	simm.s32 $0x1480;
	[sflag:s30] =	ssyncadd.s32 $0xFFFFC180  }
0xc2: {  	[spmem:s2] =	stream.indirect.scatter.add.f32 [tilespmem:s8], [sflag:$0x2], $0x80, s14, s0, $0xb8;
	[tilespmem:$0x1FC00] =	vst v63  }
0xc3: {  	_ =	swait.ge [sflag:s31], $0x3E80  }
0xc4: {  	[sflag:s31] =	ssyncset.done $0x0  }
0xc5: {  	s15 =	simm.s32 $0x100;
	[sflag:s31] =	ssyncadd.s32 $0xFFFFC180  }
0xc6: {  	[tilespmem:s7], [sflag:$0x3] =	stream.indirect.gather [hbm4b:s4+s0], $0x80, s15, s0, $0xb8;
	[tilespmem:$0x1FC00] =	vst v63  }
0xc7: {  	_ =	swait.ge [sflag:s30], $0x3E80  }
0xc8: {  	[sflag:s30] =	ssyncset.done $0x0  }
0xc9: {  	s16 =	simm.s32 $0x1500;
	[sflag:s30] =	ssyncadd.s32 $0xFFFFC180  }
0xca: {  	[spmem:s2] =	stream.indirect.scatter.add.f32 [tilespmem:s7], [sflag:$0x1], $0x80, s16, s0, $0xb8;
	[tilespmem:$0x1FC00] =	vst v63  }
0xcb: {  	_ =	swait.ge [sflag:s1], $0x3E80  }
0xcc: {  	s12 =	simm.s32 $0xFFFFEE00;
	s13 =	simm.s32 $0xFFFFBC00;
	[sflag:s1] =	ssyncset.done $0x0  }
.LBB2_6:
0xcd: {  	s14 =	sadd.s32 $0x1380, s12  }
0xce: {  	[sflag:s1] =	ssyncadd.s32 $0xFFFFC180;
	s15 =	smov.u32 s13;
	s16 =	sadd.s32 $0x400, s13  }
0xcf: {  	[tilespmem:s8], [sflag:$0x3] =	stream.indirect.gather [hbm4b:s4+s0], $0x80, s14, s0, $0xb8;
	[tilespmem:$0x1FC00] =	vst v63  }
0xd0: {  	p0 =	sne.s32 s13, $0xFFFFFC00;
	_ =	swait.ge [sflag:s30], $0x3E80  }
0xd1: {  	[sflag:s30] =	ssyncset.done $0x0  }
0xd2: {  	s13 =	sadd.s32 $0x2780, s12;
	[sflag:s30] =	ssyncadd.s32 $0xFFFFC180  }
0xd3: {  	[spmem:s2] =	stream.indirect.scatter.add.f32 [tilespmem:s8], [sflag:$0x2], $0x80, s13, s0, $0xb8;
	[tilespmem:$0x1FC00] =	vst v63  }
0xd4: {  	_ =	swait.ge [sflag:s31], $0x3E80  }
0xd5: {  	[sflag:s31] =	ssyncset.done $0x0  }
0xd6: {  	s13 =	sadd.s32 $0x1400, s12;
	[sflag:s31] =	ssyncadd.s32 $0xFFFFC180  }
0xd7: {  	[tilespmem:s7], [sflag:$0x3] =	stream.indirect.gather [hbm4b:s4+s0], $0x80, s13, s0, $0xb8;
	[tilespmem:$0x1FC00] =	vst v63  }
0xd8: {  	_ =	swait.ge [sflag:s30], $0x3E80  }
.Ltmp2:
0xd9: {  	[sflag:s30] =	ssyncset.done $0x0;
	(pc) =	sbr.rel @p0 .LBB2_6-.Ltmp2, $4  }
0xda: {  	s12 =	sadd.s32 $0x2800, s12;
	[sflag:s30] =	ssyncadd.s32 $0xFFFFC180  }
0xdb: {  	[spmem:s2] =	stream.indirect.scatter.add.f32 [tilespmem:s7], [sflag:$0x1], $0x80, s12, s0, $0xb8;
	[tilespmem:$0x1FC00] =	vst v63  }
0xdc: {  	_ =	swait.ge [sflag:s1], $0x3E80  }
0xdd: {  	s13 =	smov.u32 s16;
	s12 =	sshra.s32 s15, $0x2;
	[sflag:s1] =	ssyncset.done $0x0  }
0xde: {  	s13 =	sadd.s32 $0x1380, s12;
	[sflag:s1] =	ssyncadd.s32 $0xFFFFC180  }
0xdf: {  	[tilespmem:s8], [sflag:$0x3] =	stream.indirect.gather [hbm4b:s4+s0], $0x80, s13, s0, $0xb8;
	[tilespmem:$0x1FC00] =	vst v63  }
0xe0: {  	_ =	swait.ge [sflag:s30], $0x3E80  }
0xe1: {  	[sflag:s30] =	ssyncset.done $0x0  }
0xe2: {  	s15 =	sadd.s32 $0x2780, s12;
	[sflag:s30] =	ssyncadd.s32 $0xFFFFC180  }
0xe3: {  	[spmem:s2] =	stream.indirect.scatter.add.f32 [tilespmem:s8], [sflag:$0x2], $0x80, s15, s0, $0xb8;
	[tilespmem:$0x1FC00] =	vst v63  }
0xe4: {  	_ =	swait.ge [sflag:s31], $0x3E80  }
0xe5: {  	[sflag:s31] =	ssyncset.done $0x0  }
0xe6: {  	s16 =	sadd.s32 $0x1400, s12;
	[sflag:s31] =	ssyncadd.s32 $0xFFFFC180  }
0xe7: {  	[tilespmem:s7], [sflag:$0x3] =	stream.indirect.gather [hbm4b:s4+s0], $0x80, s16, s0, $0xb8;
	[tilespmem:$0x1FC00] =	vst v63  }
0xe8: {  	_ =	swait.ge [sflag:s30], $0x3E80  }
0xe9: {  	[sflag:s30] =	ssyncset.done $0x0  }
0xea: {  	s14 =	sadd.s32 $0x2800, s12;
	[sflag:s30] =	ssyncadd.s32 $0xFFFFC180  }
0xeb: {  	[spmem:s2] =	stream.indirect.scatter.add.f32 [tilespmem:s7], [sflag:$0x1], $0x80, s14, s0, $0xb8;
	[tilespmem:$0x1FC00] =	vst v63  }
0xec: {  	_ =	swait.ge [sflag:s1], $0x3E80  }
0xed: {  	[sflag:s1] =	ssyncset.done $0x0  }
0xee: {  	[sflag:s1] =	ssyncadd.s32 $0xFFFFC180  }
0xef: {  	[tilespmem:s8], [sflag:$0x3] =	stream.indirect.gather [hbm4b:s4+s0], $0x80, s9, s0, $0xb8;
	[tilespmem:$0x1FC00] =	vst v63  }
0xf0: {  	_ =	swait.ge [sflag:s30], $0x3E80  }
0xf1: {  	[sflag:s30] =	ssyncset.done $0x0  }
0xf2: {  	[sflag:s30] =	ssyncadd.s32 $0xFFFFC180  }
0xf3: {  	[spmem:s2] =	stream.indirect.scatter.add.f32 [tilespmem:s8], [sflag:$0x2], $0x80, s10, s0, $0xb8;
	[tilespmem:$0x1FC00] =	vst v63  }
0xf4: {  	_ =	swait.ge [sflag:s31], $0x3E80  }
0xf5: {  	[sflag:s31] =	ssyncset.done $0x0  }
0xf6: {  	[sflag:s31] =	ssyncadd.s32 $0xFFFFC180  }
0xf7: {  	s15 =	stileid.u32;
	_ =	swait.ge [sflag:s1], $0x3E80  }
0xf8: {  	s11 =	sadd.s32 $0x1, s11;
	s12 =	sshll.u32 s15, $0x6;
	[sflag:s1] =	ssyncset.done $0x0  }
0xf9: {  	p0 =	sne.s32 s11, s25;
	s12 =	sor.u32 $0x1C03, s12;
	[sflag:s1] =	ssyncadd.s32 $0xFFFFC180  }
.Ltmp3:
0xfa: {  	s16 =	sshrl.u32 s6, $0x3;
	[bflag:$0x0] =	sbarrier.arrive $0xFFFF;
	(pc) =	sbr.rel @p0 .LBB2_1-.Ltmp3, $4  }
0xfb: {  	[hbm:s22], [sflag:s12] =	dma.local [spmem:s16], $0x2800  }
0xfc: {  	_ =	swait.ge [sflag:s30], $0x2800  }
0xfd: {  	[sflag:s30] =	ssyncset.done $0x0  }
0xfe: {  	[sflag:s30] =	ssyncadd.s32 $0xFFFFD800  }
0xff: {  	_ =	sfence.sel $0x180000  }
0x100: {  	[bflag:$0x0] =	sbarrier.arrive $0xFFFF  }
0x101: {  	_ =	strace $0x90000050  }
0x102: {  	s0 =	stileid.u32;
	[bflag:$0x2] =	sbarrier.arrive $0xFFFF  }
0x103: {  	p0 =	sne.s32 s0, $0x0;
	s0 =	rddreg [dreg:$0x3]  }
0x104: {  	s0 =	sadd.s32 @!p0 $0x100000, s0  }
0x105: {  	[sflag:s0] =	ssyncadd.tile.s32 @!p0 $0x1;
	_ =	shalt  }
.Lfunc_end2:
_tile_overlayer_lowered:
.L_overlay_start_2:
0x106: {  	(tag) =	ssettag $0x2  }
0x107: {  	s0 =	rddreg [dreg:$0x0];
	s2 =	stileid.u32  }
0x108: {  	s1 =	rddreg [dreg:$0x1];
	p0 =	sne.s32 s2, $0x0  }
0x109: {  	s3 =	rddreg [dreg:$0x2];
	[bflag:$0x3] =	sbarrier.arrive $0xFFFF;
	s2 =	simm.s32 @!p0 $0x1C03  }
0x10a: {  	[timem:s3], [sflag:s2] =	dma.local @!p0 [hbm:s0], s1  }
0x10b: {  	s0 =	simm.s32 @!p0 $0x3  }
0x10c: {  	_ =	swait.ge @!p0 [sflag:s0], s1  }
0x10d: {  	s1 =	ssub.s32 @!p0 $0x0, s1;
	[sflag:s0] =	ssyncset.done @!p0 $0x0  }
0x10e: {  	[sflag:s0] =	ssyncadd.s32 @!p0 s1  }
0x10f: {  	[bflag:$0x3] =	sbarrier.arrive $0xFFFF  }
0x110: {  	_ =	shalt  }

</sc_bundles>
